<compile_context>
chip_gen: v7x
topology: tpu7x:2x2x1
jax: 0.10.2.dev20260603
libtpu: 0.0.44.dev20260713+nightly
codegen_flags: <defaults>
</compile_context>

<pallas_src>
import functools

import jax
import jax.numpy as jnp
from jax import lax
from jax.experimental import pallas as pl
from jax.experimental.pallas import tpu as pltpu
from jax.experimental.pallas import tpu_sc as plsc

N = 10000
N_PAD = 10240
E = 320000
G = 64
BLK = 512
NB = N_PAD // BLK
RPS = N_PAD // 16

EPW = E // 32
ES_CHUNK = 200
ES_NCHUNK = EPW // ES_CHUNK

EPS = E // 16
CS_CHUNK = 200
CS_NCHUNK = EPS // CS_CHUNK


def _sc_mesh():
    return plsc.VectorSubcoreMesh(core_axis_name="c", subcore_axis_name="s")


def _agg_es_body(use_ones, x_hbm, src_hbm, dst_hbm, zeros_hbm, ones_hbm,
                 out0, out1, src_v, dst_v, rows_v, acc, sem):
    c = lax.axis_index("c")
    s = lax.axis_index("s")
    rows0 = s * RPS
    pltpu.sync_copy(zeros_hbm.at[pl.ds(rows0, RPS)], acc.at[pl.ds(rows0, RPS)])
    if use_ones:
        pltpu.sync_copy(ones_hbm, rows_v)
    plsc.subcore_barrier()
    wid = s * 2 + c
    ebase = wid * EPW

    def chunk(k, carry):
        b = ebase + k * ES_CHUNK
        pltpu.sync_copy(dst_hbm.at[pl.ds(b, ES_CHUNK)], dst_v)
        if not use_ones:
            pltpu.sync_copy(src_hbm.at[pl.ds(b, ES_CHUNK)], src_v)
            pltpu.async_copy(x_hbm.at[src_v], rows_v, sem).wait()
        pltpu.sync_copy(rows_v, acc.at[dst_v], add=True)
        return carry

    lax.fori_loop(0, ES_NCHUNK, chunk, 0)
    plsc.subcore_barrier()

    @pl.when(c == 0)
    def _():
        pltpu.sync_copy(acc.at[pl.ds(rows0, RPS)], out0.at[pl.ds(rows0, RPS)])

    @pl.when(c == 1)
    def _():
        pltpu.sync_copy(acc.at[pl.ds(rows0, RPS)], out1.at[pl.ds(rows0, RPS)])


def _agg_es_call(x, src, dst, zeros, ones, use_ones=False):
    kern = pl.kernel(
        functools.partial(_agg_es_body, use_ones),
        out_type=[jax.ShapeDtypeStruct((N_PAD, 128), jnp.float32)] * 2,
        mesh=_sc_mesh(),
        scratch_types=[
            pltpu.VMEM((ES_CHUNK,), jnp.int32),
            pltpu.VMEM((ES_CHUNK,), jnp.int32),
            pltpu.VMEM((ES_CHUNK, 128), jnp.float32),
            pltpu.VMEM_SHARED((N_PAD, 128), jnp.float32),
            pltpu.SemaphoreType.DMA,
        ],
    )
    return tuple(kern(x, src, dst, zeros, ones))


def _agg_cs_body(x_lo, x_hi, src_hbm, dst_hbm, zeros_hbm,
                 out_lo, out_hi, src_v, dst_v, rows_v, acc, sem):
    c = lax.axis_index("c")
    s = lax.axis_index("s")
    rows0 = s * RPS
    pltpu.sync_copy(zeros_hbm.at[pl.ds(rows0, RPS)], acc.at[pl.ds(rows0, RPS)])
    plsc.subcore_barrier()
    ebase = s * EPS

    def chunk(k, carry):
        b = ebase + k * CS_CHUNK
        pltpu.sync_copy(src_hbm.at[pl.ds(b, CS_CHUNK)], src_v)
        pltpu.sync_copy(dst_hbm.at[pl.ds(b, CS_CHUNK)], dst_v)

        @pl.when(c == 0)
        def _():
            pltpu.async_copy(x_lo.at[src_v], rows_v, sem).wait()

        @pl.when(c == 1)
        def _():
            pltpu.async_copy(x_hi.at[src_v], rows_v, sem).wait()

        pltpu.sync_copy(rows_v, acc.at[dst_v], add=True)
        return carry

    lax.fori_loop(0, CS_NCHUNK, chunk, 0)
    plsc.subcore_barrier()

    @pl.when(c == 0)
    def _():
        pltpu.sync_copy(acc.at[pl.ds(rows0, RPS)], out_lo.at[pl.ds(rows0, RPS)])

    @pl.when(c == 1)
    def _():
        pltpu.sync_copy(acc.at[pl.ds(rows0, RPS)], out_hi.at[pl.ds(rows0, RPS)])


def _agg_cs_call(x_lo, x_hi, src, dst, zeros):
    kern = pl.kernel(
        _agg_cs_body,
        out_type=[jax.ShapeDtypeStruct((N_PAD, 128), jnp.float32)] * 2,
        mesh=_sc_mesh(),
        scratch_types=[
            pltpu.VMEM((CS_CHUNK,), jnp.int32),
            pltpu.VMEM((CS_CHUNK,), jnp.int32),
            pltpu.VMEM((CS_CHUNK, 128), jnp.float32),
            pltpu.VMEM_SHARED((N_PAD, 128), jnp.float32),
            pltpu.SemaphoreType.DMA,
        ],
    )
    return tuple(kern(x_lo, x_hi, src, dst, zeros))


def _mm_body(agg_mode, deg_mode, res_n, has_wres, split_out,
             *refs):
    refs = list(refs)
    a0 = refs.pop(0)
    a1 = refs.pop(0)
    if deg_mode == "pair128":
        dg0 = refs.pop(0)
        dg1 = refs.pop(0)
        d = dg0[:, 0:1] + dg1[:, 0:1]
    else:
        d = refs.pop(0)[:, 0:1]
    w = refs.pop(0)
    b = refs.pop(0)
    res_refs = [refs.pop(0) for _ in range(res_n)]
    wres = refs.pop(0) if has_wres else None
    outs = refs
    scale = 1.0 / jnp.maximum(d, 1.0)
    if agg_mode == "sum":
        a = (a0[...] + a1[...]) * scale
    else:
        a = jnp.concatenate([a0[...], a1[...]], axis=1) * scale
    h = jnp.dot(a, w[...], preferred_element_type=jnp.float32) + b[...]
    if res_n:
        r = (res_refs[0][...] if res_n == 1 else
             jnp.concatenate([res_refs[0][...], res_refs[1][...]], axis=1))
        if has_wres:
            h = h + jnp.dot(r, wres[...], preferred_element_type=jnp.float32)
        else:
            h = h + r
    h = jnp.maximum(h, 0.0)
    oi = 0
    if deg_mode == "pair128":
        outs[oi][...] = jnp.broadcast_to(d, (BLK, 16))
        oi += 1
    if split_out:
        outs[oi][...] = h[:, :128]
        outs[oi + 1][...] = h[:, 128:]
    else:
        outs[oi][...] = h


def _mm_call(agg_mode, agg, deg, w, b, res=None, wres=None):
    a0, a1 = agg
    cin = w.shape[0]
    cout = w.shape[1]
    split_out = cout == 256
    deg_mode = "pair128" if isinstance(deg, tuple) else "c16"
    res_n = 0 if res is None else len(res)
    has_wres = wres is not None

    in_specs = [
        pl.BlockSpec((BLK, 128), lambda i: (i, 0)),
        pl.BlockSpec((BLK, 128), lambda i: (i, 0)),
    ]
    args = [a0, a1]
    if deg_mode == "pair128":
        in_specs += [pl.BlockSpec((BLK, 128), lambda i: (i, 0))] * 2
        args += [deg[0], deg[1]]
    else:
        in_specs.append(pl.BlockSpec((BLK, 16), lambda i: (i, 0)))
        args.append(deg)
    in_specs += [
        pl.BlockSpec((cin, cout), lambda i: (0, 0)),
        pl.BlockSpec((1, cout), lambda i: (0, 0)),
    ]
    args += [w, b.reshape(1, cout)]
    if res_n:
        for r in res:
            in_specs.append(pl.BlockSpec((BLK, r.shape[1]), lambda i: (i, 0)))
            args.append(r)
    if has_wres:
        in_specs.append(pl.BlockSpec(wres.shape, lambda i: (0, 0)))
        args.append(wres)

    out_specs = []
    out_shape = []
    if deg_mode == "pair128":
        out_specs.append(pl.BlockSpec((BLK, 16), lambda i: (i, 0)))
        out_shape.append(jax.ShapeDtypeStruct((N_PAD, 16), jnp.float32))
    if split_out:
        out_specs += [pl.BlockSpec((BLK, 128), lambda i: (i, 0))] * 2
        out_shape += [jax.ShapeDtypeStruct((N_PAD, 128), jnp.float32)] * 2
    else:
        out_specs.append(pl.BlockSpec((BLK, 128), lambda i: (i, 0)))
        out_shape.append(jax.ShapeDtypeStruct((N_PAD, 128), jnp.float32))

    out = pl.pallas_call(
        functools.partial(_mm_body, agg_mode, deg_mode, res_n, has_wres,
                          split_out),
        grid=(NB,),
        in_specs=in_specs,
        out_specs=out_specs,
        out_shape=out_shape,
    )(*args)
    return out


def _final_body(x1, x2l, x2h, oh, a1, a2, a3, ab,
                hw1, hb1, hw2, hb2, out, pooled):
    i = pl.program_id(0)

    @pl.when(i == 0)
    def _():
        pooled[...] = jnp.full((G, 256), -jnp.inf, jnp.float32)

    o = (jnp.dot(x1[...], a1[...], preferred_element_type=jnp.float32)
         + jnp.dot(x2l[...], a2[...], preferred_element_type=jnp.float32)
         + jnp.dot(x2h[...], a3[...], preferred_element_type=jnp.float32))
    ohb = oh[...]
    rows = []
    for g in range(G):
        sel = jnp.where(ohb[:, g:g + 1] > 0.0, o, -jnp.inf)
        rows.append(jnp.max(sel, axis=0, keepdims=True))
    blockmax = jnp.concatenate(rows, axis=0)
    pooled[...] = jnp.maximum(pooled[...], blockmax)

    @pl.when(i == NB - 1)
    def _():
        p = pooled[...] + ab[...]
        h = jnp.maximum(
            jnp.dot(p, hw1[...], preferred_element_type=jnp.float32) + hb1[...],
            0.0)
        out[...] = jnp.dot(h, hw2[...], preferred_element_type=jnp.float32) + hb2[...]


def _final_call(x1, x2, onehot, aggr_w, aggr_b, head):
    x2l, x2h = x2
    a1 = aggr_w[0:128]
    a2 = aggr_w[128:256]
    a3 = aggr_w[256:384]
    hw1, hb1 = head[0]["W"], head[0]["b"].reshape(1, -1)
    hw2, hb2 = head[1]["W"], head[1]["b"].reshape(1, -1)
    in_specs = [
        pl.BlockSpec((BLK, 128), lambda i: (i, 0)),
        pl.BlockSpec((BLK, 128), lambda i: (i, 0)),
        pl.BlockSpec((BLK, 128), lambda i: (i, 0)),
        pl.BlockSpec((BLK, G), lambda i: (i, 0)),
        pl.BlockSpec((128, 256), lambda i: (0, 0)),
        pl.BlockSpec((128, 256), lambda i: (0, 0)),
        pl.BlockSpec((128, 256), lambda i: (0, 0)),
        pl.BlockSpec((1, 256), lambda i: (0, 0)),
        pl.BlockSpec((256, 128), lambda i: (0, 0)),
        pl.BlockSpec((1, 128), lambda i: (0, 0)),
        pl.BlockSpec((128, 16), lambda i: (0, 0)),
        pl.BlockSpec((1, 16), lambda i: (0, 0)),
    ]
    return pl.pallas_call(
        _final_body,
        grid=(NB,),
        in_specs=in_specs,
        out_specs=pl.BlockSpec((G, 16), lambda i: (0, 0)),
        out_shape=jax.ShapeDtypeStruct((G, 16), jnp.float32),
        scratch_shapes=[pltpu.VMEM((G, 256), jnp.float32)],
    )(x1, x2l, x2h, onehot, a1, a2, a3,
      aggr_b.reshape(1, 256), hw1, hb1, hw2, hb2)


def kernel(x, edge_index, batch, params):
    src = edge_index[0]
    dst = edge_index[1]
    xp = jnp.pad(x, ((0, N_PAD - N), (0, 0)))

    zeros128 = jnp.zeros((N_PAD, 128), jnp.float32)
    ones_rows = jnp.ones((ES_CHUNK, 128), jnp.float32)
    deg_pair = _agg_es_call(xp, src, dst, zeros128, ones_rows, use_ones=True)

    def agg128(xfull):
        return _agg_es_call(xfull, src, dst, zeros128, ones_rows)

    def agg256(pair):
        return _agg_cs_call(pair[0], pair[1], src, dst, zeros128)

    cur = xp
    deg = deg_pair
    for p in params["blocks"][0]:
        hout = _mm_call("sum", agg128(cur), deg, p["W1"], p["b1"])
        if isinstance(deg, tuple):
            deg_c, h = hout
            deg = deg_c
        else:
            (h,) = hout
        (cur,) = _mm_call("sum", agg128(h), deg, p["W2"], p["b2"], res=(cur,))
    x1 = cur

    pA, pB = params["blocks"][1]
    h = tuple(_mm_call("sum", agg128(cur), deg, pA["W1"], pA["b1"]))
    cur2 = tuple(_mm_call("cat", agg256(h), deg, pA["W2"], pA["b2"],
                          res=(cur,), wres=pA["Wres"]))
    h = tuple(_mm_call("cat", agg256(cur2), deg, pB["W1"], pB["b1"]))
    cur2 = tuple(_mm_call("cat", agg256(h), deg, pB["W2"], pB["b2"], res=cur2))
    x2 = cur2

    batch_pad = jnp.pad(batch, (0, N_PAD - N), constant_values=G)
    onehot = (batch_pad[:, None] == jnp.arange(G)[None, :]).astype(jnp.float32)
    return _final_call(x1, x2, onehot, params["aggr_W"], params["aggr_b"],
                       params["head"])

# --- scband reference (transcript-rebuilt; emitter-appended) ---
"""Pipeline reference for scband-gem-gcn-79336635892520 (READ-ONLY COPY).

The authoritative reference and input builder live on the scoring server;
editing this copy changes nothing except your own understanding.
"""

import jax, jax.numpy as jnp
import numpy as np

N = 10000
E = 320000
G = 64
BLOCK_CHANNELS = [[128, 128, 128], [128, 256, 256]]


def _init_params(key):
    params = {"blocks": []}
    k = key
    for channels in BLOCK_CHANNELS:
        block = []
        for ch_in, ch_out in zip(channels, channels[1:]):
            k, k1, k2, k3 = jax.random.split(k, 4)
            p = {
                "W1": jax.random.normal(k1, (ch_in, ch_out), jnp.float32) * (1.0 / np.sqrt(ch_in)),
                "b1": jnp.zeros((ch_out,), jnp.float32),
                "W2": jax.random.normal(k2, (ch_out, ch_out), jnp.float32) * (1.0 / np.sqrt(ch_out)),
                "b2": jnp.zeros((ch_out,), jnp.float32),
            }
            if ch_in != ch_out:
                p["Wres"] = jax.random.normal(k3, (ch_in, ch_out), jnp.float32) * (1.0 / np.sqrt(ch_in))
            block.append(p)
        params["blocks"].append(block)
    k, ka, kh1, kh2 = jax.random.split(k, 4)
    cat_dim = sum(ch[-1] for ch in BLOCK_CHANNELS)  # 384
    params["aggr_W"] = jax.random.normal(ka, (cat_dim, 256), jnp.float32) * (1.0 / np.sqrt(cat_dim))
    params["aggr_b"] = jnp.zeros((256,), jnp.float32)
    params["head"] = [
        {"W": jax.random.normal(kh1, (256, 128), jnp.float32) * (1.0 / np.sqrt(256)), "b": jnp.zeros((128,), jnp.float32)},
        {"W": jax.random.normal(kh2, (128, 16), jnp.float32) * (1.0 / np.sqrt(128)), "b": jnp.zeros((16,), jnp.float32)},
    ]
    return params


def setup_inputs(seed: int = 0):
    key = jax.random.key(seed)
    kx, ke, kb, kp = jax.random.split(key, 4)
    x = jax.random.normal(kx, (N, 128), dtype=jnp.float32)
    edge_index = jax.random.randint(ke, (2, E), 0, N, dtype=jnp.int32)
    batch = jnp.sort(jax.random.randint(kb, (N,), 0, G, dtype=jnp.int32))
    params = _init_params(kp)
    return {"x": x, "edge_index": edge_index, "batch": batch, "params": params}


def _gcn(x, edge_index, W, b):
    src, dst = edge_index[0], edge_index[1]
    msg = x[src]
    agg = jax.ops.segment_sum(msg, dst, num_segments=N)
    deg = jax.ops.segment_sum(jnp.ones((edge_index.shape[1],), x.dtype), dst, num_segments=N)
    agg = agg / jnp.clip(deg, 1.0)[:, None]
    return agg @ W + b


def _res_block(x, edge_index, p):
    h = jax.nn.relu(_gcn(x, edge_index, p["W1"], p["b1"]))
    h = _gcn(h, edge_index, p["W2"], p["b2"])
    res = x @ p["Wres"] if "Wres" in p else x
    return jax.nn.relu(h + res)


def _forward(x, edge_index, batch, params):
    xs = [x]
    for block in params["blocks"]:
        h = xs[-1]
        for p in block:
            h = _res_block(h, edge_index, p)
        xs.append(h)
    out = jnp.concatenate(xs[1:], axis=1) @ params["aggr_W"] + params["aggr_b"]
    pooled = jax.ops.segment_max(out, batch, num_segments=G)
    h = pooled
    n_layers = len(params["head"])
    for i, p in enumerate(params["head"]):
        h = h @ p["W"] + p["b"]
        if i < n_layers - 1:
            h = jax.nn.relu(h)
            # dropout(0.5) is identity in eval mode
    return h


def reference(x, edge_index, batch, params):
    return _forward(x, edge_index, batch, params)

if __name__ == "__main__":
    import jax
    _d = setup_inputs()
    print(jax.jit(kernel)(*tuple(_d.values())))

</pallas_src>

<mosaic_0001>
#map = affine_map<(d0, d1) -> (0, 0)>
#map1 = affine_map<(d0, d1) -> (0)>
module attributes {stable_mosaic.version = 14 : i64} {
  func.func @_agg_es_body(%arg0: i32, %arg1: i32, %arg2: memref<10240x128xf32, #tpu.memory_space<hbm>>, %arg3: memref<320000xi32, #tpu.memory_space<hbm>>, %arg4: memref<320000xi32, #tpu.memory_space<hbm>>, %arg5: memref<10240x128xf32, #tpu.memory_space<hbm>>, %arg6: memref<200x128xf32, #tpu.memory_space<hbm>>, %arg7: memref<10240x128xf32, #tpu.memory_space<hbm>>, %arg8: memref<10240x128xf32, #tpu.memory_space<hbm>>, %arg9: memref<200xi32, #tpu.memory_space<vmem>>, %arg10: memref<200xi32, #tpu.memory_space<vmem>>, %arg11: memref<200x128xf32, #tpu.memory_space<vmem>>, %arg12: memref<10240x128xf32, #tpu.memory_space<vmem_shared>>, %arg13: memref<!tpu.dma_semaphore, #tpu.memory_space<semaphore_mem>>) attributes {dimension_semantics = [#tpu.dimension_semantics<core_parallel>, #tpu.dimension_semantics<subcore_parallel>], iteration_bounds = array<i64: 2, 16>, scalar_prefetch = 0 : i64, scratch_operands = 5 : i64, tpu.core_type = #tpu.core_type<sc_vector_subcore>, window_params = [{transform_indices = #map}, {transform_indices = #map1}, {transform_indices = #map1}, {transform_indices = #map}, {transform_indices = #map}, {transform_indices = #map}, {transform_indices = #map}]} {
    %mul3A = arith.constant 640 : i32
    %mul3A_0 = arith.muli %arg1, %mul3A : i32
    "tpu.region"() ({
      %run_scoped3A = tpu.sem_alloc : memref<!tpu.dma_semaphore, #tpu.memory_space<semaphore_mem>>
      %dma_start3A = arith.constant 0 : i32
      %dma_start3A_18 = tpu.memref_slice %arg12[%mul3A_0, %dma_start3A] : memref<10240x128xf32, #tpu.memory_space<vmem_shared>> -> memref<640x128xf32, #tpu.memory_space<vmem_shared>>
      %dma_start3A_19 = arith.constant 0 : i32
      %dma_start3A_20 = tpu.memref_slice %arg5[%mul3A_0, %dma_start3A_19] : memref<10240x128xf32, #tpu.memory_space<hbm>> -> memref<640x128xf32, #tpu.memory_space<hbm>>
      tpu.enqueue_dma source(%dma_start3A_20 : memref<640x128xf32, #tpu.memory_space<hbm>>) target(%dma_start3A_18 : memref<640x128xf32, #tpu.memory_space<vmem_shared>>) target_semaphore(%run_scoped3A : memref<!tpu.dma_semaphore, #tpu.memory_space<semaphore_mem>>)
      %dma_wait3A = arith.constant 0 : i32
      %dma_wait3A_21 = tpu.memref_slice %arg12[%mul3A_0, %dma_wait3A] : memref<10240x128xf32, #tpu.memory_space<vmem_shared>> -> memref<640x128xf32, #tpu.memory_space<vmem_shared>>
      %dma_wait3A_22 = arith.constant 0 : i32
      %dma_wait3A_23 = tpu.memref_slice %arg5[%mul3A_0, %dma_wait3A_22] : memref<10240x128xf32, #tpu.memory_space<hbm>> -> memref<640x128xf32, #tpu.memory_space<hbm>>
      tpu.wait_dma2 semaphore(%run_scoped3A : memref<!tpu.dma_semaphore, #tpu.memory_space<semaphore_mem>>) src(%dma_wait3A_23 : memref<640x128xf32, #tpu.memory_space<hbm>>) dst(%dma_wait3A_21 : memref<640x128xf32, #tpu.memory_space<vmem_shared>>)
      tpu.yield
    }) : () -> ()
    %barrier3A = arith.constant 0 : index
    tpu.barrier barrier_id(%barrier3A)
    %mul3A_1 = arith.constant 2 : i32
    %mul3A_2 = arith.muli %arg1, %mul3A_1 : i32
    %add3A = arith.addi %mul3A_2, %arg0 : i32
    %mul3A_3 = arith.constant 10000 : i32
    %mul3A_4 = arith.muli %add3A, %mul3A_3 : i32
    %scan3A = arith.constant 0 : i32
    %scan3A_5 = arith.constant 0 : i32
    %scan3A_6 = arith.constant 50 : i32
    %scan3A_7 = arith.addi %scan3A_5, %scan3A_6 : i32
    %scan3A_8 = arith.constant 1 : i32
    scf.for %scan3A_18 = %scan3A_5 to %scan3A_7 step %scan3A_8  : i32 {
      %mul3A_19 = arith.constant 200 : i32
      %mul3A_20 = arith.muli %scan3A_18, %mul3A_19 : i32
      %add3A_21 = arith.addi %mul3A_4, %mul3A_20 : i32
      "tpu.region"() ({
        %run_scoped3A = tpu.sem_alloc : memref<!tpu.dma_semaphore, #tpu.memory_space<semaphore_mem>>
        %dma_start3A_26 = tpu.memref_slice %arg4[%add3A_21] : memref<320000xi32, #tpu.memory_space<hbm>> -> memref<200xi32, #tpu.memory_space<hbm>>
        %dma_start3A_27 = tpu.memref_slice %arg4[%add3A_21] : memref<320000xi32, #tpu.memory_space<hbm>> -> memref<200xi32, #tpu.memory_space<hbm>>
        tpu.enqueue_dma source(%dma_start3A_27 : memref<200xi32, #tpu.memory_space<hbm>>) target(%arg10 : memref<200xi32, #tpu.memory_space<vmem>>) target_semaphore(%run_scoped3A : memref<!tpu.dma_semaphore, #tpu.memory_space<semaphore_mem>>)
        %dma_wait3A_28 = tpu.memref_slice %arg4[%add3A_21] : memref<320000xi32, #tpu.memory_space<hbm>> -> memref<200xi32, #tpu.memory_space<hbm>>
        %dma_wait3A_29 = tpu.memref_slice %arg4[%add3A_21] : memref<320000xi32, #tpu.memory_space<hbm>> -> memref<200xi32, #tpu.memory_space<hbm>>
        tpu.wait_dma2 semaphore(%run_scoped3A : memref<!tpu.dma_semaphore, #tpu.memory_space<semaphore_mem>>) src(%dma_wait3A_29 : memref<200xi32, #tpu.memory_space<hbm>>) dst(%arg10 : memref<200xi32, #tpu.memory_space<vmem>>)
        tpu.yield
      }) : () -> ()
      "tpu.region"() ({
        %run_scoped3A = tpu.sem_alloc : memref<!tpu.dma_semaphore, #tpu.memory_space<semaphore_mem>>
        %dma_start3A_26 = tpu.memref_slice %arg3[%add3A_21] : memref<320000xi32, #tpu.memory_space<hbm>> -> memref<200xi32, #tpu.memory_space<hbm>>
        %dma_start3A_27 = tpu.memref_slice %arg3[%add3A_21] : memref<320000xi32, #tpu.memory_space<hbm>> -> memref<200xi32, #tpu.memory_space<hbm>>
        tpu.enqueue_dma source(%dma_start3A_27 : memref<200xi32, #tpu.memory_space<hbm>>) target(%arg9 : memref<200xi32, #tpu.memory_space<vmem>>) target_semaphore(%run_scoped3A : memref<!tpu.dma_semaphore, #tpu.memory_space<semaphore_mem>>)
        %dma_wait3A_28 = tpu.memref_slice %arg3[%add3A_21] : memref<320000xi32, #tpu.memory_space<hbm>> -> memref<200xi32, #tpu.memory_space<hbm>>
        %dma_wait3A_29 = tpu.memref_slice %arg3[%add3A_21] : memref<320000xi32, #tpu.memory_space<hbm>> -> memref<200xi32, #tpu.memory_space<hbm>>
        tpu.wait_dma2 semaphore(%run_scoped3A : memref<!tpu.dma_semaphore, #tpu.memory_space<semaphore_mem>>) src(%dma_wait3A_29 : memref<200xi32, #tpu.memory_space<hbm>>) dst(%arg9 : memref<200xi32, #tpu.memory_space<vmem>>)
        tpu.yield
      }) : () -> ()
      %dma_start3A = arith.constant 0 : i32
      %dma_start3A_22 = arith.constant 0 : i32
      %dma_start3A_23 = tpu.memref_slice %arg2[%dma_start3A, %dma_start3A_22] : memref<10240x128xf32, #tpu.memory_space<hbm>> -> memref<10240x128xf32, #tpu.memory_space<hbm>>
      tpu.enqueue_indirect_dma source(%dma_start3A_23 : memref<10240x128xf32, #tpu.memory_space<hbm>>) target(%arg11 : memref<200x128xf32, #tpu.memory_space<vmem>>) offsets(%arg9 : memref<200xi32, #tpu.memory_space<vmem>>) semaphore(%arg13 : memref<!tpu.dma_semaphore, #tpu.memory_space<semaphore_mem>>)
      %dma_wait3A = arith.constant 0 : i32
      %dma_wait3A_24 = arith.constant 0 : i32
      %dma_wait3A_25 = tpu.memref_slice %arg2[%dma_wait3A, %dma_wait3A_24] : memref<10240x128xf32, #tpu.memory_space<hbm>> -> memref<10240x128xf32, #tpu.memory_space<hbm>>
      tpu.wait_indirect_dma semaphore(%arg13 : memref<!tpu.dma_semaphore, #tpu.memory_space<semaphore_mem>>) src(%dma_wait3A_25 : memref<10240x128xf32, #tpu.memory_space<hbm>>) dst(%arg11 : memref<200x128xf32, #tpu.memory_space<vmem>>)
      "tpu.region"() ({
        %run_scoped3A = tpu.sem_alloc : memref<!tpu.dma_semaphore, #tpu.memory_space<semaphore_mem>>
        %dma_start3A_26 = arith.constant 0 : i32
        %dma_start3A_27 = arith.constant 0 : i32
        %dma_start3A_28 = tpu.memref_slice %arg12[%dma_start3A_26, %dma_start3A_27] : memref<10240x128xf32, #tpu.memory_space<vmem_shared>> -> memref<10240x128xf32, #tpu.memory_space<vmem_shared>>
        tpu.enqueue_indirect_dma source(%arg11 : memref<200x128xf32, #tpu.memory_space<vmem>>) target(%dma_start3A_28 : memref<10240x128xf32, #tpu.memory_space<vmem_shared>>) offsets(%arg10 : memref<200xi32, #tpu.memory_space<vmem>>) semaphore(%run_scoped3A : memref<!tpu.dma_semaphore, #tpu.memory_space<semaphore_mem>>) {add = true}
        %dma_wait3A_29 = arith.constant 0 : i32
        %dma_wait3A_30 = arith.constant 0 : i32
        %dma_wait3A_31 = tpu.memref_slice %arg12[%dma_wait3A_29, %dma_wait3A_30] : memref<10240x128xf32, #tpu.memory_space<vmem_shared>> -> memref<10240x128xf32, #tpu.memory_space<vmem_shared>>
        tpu.wait_indirect_dma semaphore(%run_scoped3A : memref<!tpu.dma_semaphore, #tpu.memory_space<semaphore_mem>>) src(%arg11 : memref<200x128xf32, #tpu.memory_space<vmem>>) dst(%dma_wait3A_31 : memref<10240x128xf32, #tpu.memory_space<vmem_shared>>)
        tpu.yield
      }) : () -> ()
    }
    %scan3A_9 = arith.constant 50 : i32
    %barrier3A_10 = arith.constant 0 : index
    tpu.barrier barrier_id(%barrier3A_10)
    %eq3A = arith.constant 0 : i32
    %eq3A_11 = arith.cmpi eq, %arg0, %eq3A : i32
    %convert_element_type3A = arith.extui %eq3A_11 : i1 to i32
    %cond3A = arith.constant 0 : i32
    %cond3A_12 = arith.cmpi ne, %convert_element_type3A, %cond3A : i32
    scf.if %cond3A_12 {
      "tpu.region"() ({
        %run_scoped3A = tpu.sem_alloc : memref<!tpu.dma_semaphore, #tpu.memory_space<semaphore_mem>>
        %dma_start3A = arith.constant 0 : i32
        %dma_start3A_18 = tpu.memref_slice %arg7[%mul3A_0, %dma_start3A] : memref<10240x128xf32, #tpu.memory_space<hbm>> -> memref<640x128xf32, #tpu.memory_space<hbm>>
        %dma_start3A_19 = arith.constant 0 : i32
        %dma_start3A_20 = tpu.memref_slice %arg12[%mul3A_0, %dma_start3A_19] : memref<10240x128xf32, #tpu.memory_space<vmem_shared>> -> memref<640x128xf32, #tpu.memory_space<vmem_shared>>
        tpu.enqueue_dma source(%dma_start3A_20 : memref<640x128xf32, #tpu.memory_space<vmem_shared>>) target(%dma_start3A_18 : memref<640x128xf32, #tpu.memory_space<hbm>>) target_semaphore(%run_scoped3A : memref<!tpu.dma_semaphore, #tpu.memory_space<semaphore_mem>>)
        %dma_wait3A = arith.constant 0 : i32
        %dma_wait3A_21 = tpu.memref_slice %arg7[%mul3A_0, %dma_wait3A] : memref<10240x128xf32, #tpu.memory_space<hbm>> -> memref<640x128xf32, #tpu.memory_space<hbm>>
        %dma_wait3A_22 = arith.constant 0 : i32
        %dma_wait3A_23 = tpu.memref_slice %arg12[%mul3A_0, %dma_wait3A_22] : memref<10240x128xf32, #tpu.memory_space<vmem_shared>> -> memref<640x128xf32, #tpu.memory_space<vmem_shared>>
        tpu.wait_dma2 semaphore(%run_scoped3A : memref<!tpu.dma_semaphore, #tpu.memory_space<semaphore_mem>>) src(%dma_wait3A_23 : memref<640x128xf32, #tpu.memory_space<vmem_shared>>) dst(%dma_wait3A_21 : memref<640x128xf32, #tpu.memory_space<hbm>>)
        tpu.yield
      }) : () -> ()
    } else {
    }
    %eq3A_13 = arith.constant 1 : i32
    %eq3A_14 = arith.cmpi eq, %arg0, %eq3A_13 : i32
    %convert_element_type3A_15 = arith.extui %eq3A_14 : i1 to i32
    %cond3A_16 = arith.constant 0 : i32
    %cond3A_17 = arith.cmpi ne, %convert_element_type3A_15, %cond3A_16 : i32
    scf.if %cond3A_17 {
      "tpu.region"() ({
        %run_scoped3A = tpu.sem_alloc : memref<!tpu.dma_semaphore, #tpu.memory_space<semaphore_mem>>
        %dma_start3A = arith.constant 0 : i32
        %dma_start3A_18 = tpu.memref_slice %arg8[%mul3A_0, %dma_start3A] : memref<10240x128xf32, #tpu.memory_space<hbm>> -> memref<640x128xf32, #tpu.memory_space<hbm>>
        %dma_start3A_19 = arith.constant 0 : i32
        %dma_start3A_20 = tpu.memref_slice %arg12[%mul3A_0, %dma_start3A_19] : memref<10240x128xf32, #tpu.memory_space<vmem_shared>> -> memref<640x128xf32, #tpu.memory_space<vmem_shared>>
        tpu.enqueue_dma source(%dma_start3A_20 : memref<640x128xf32, #tpu.memory_space<vmem_shared>>) target(%dma_start3A_18 : memref<640x128xf32, #tpu.memory_space<hbm>>) target_semaphore(%run_scoped3A : memref<!tpu.dma_semaphore, #tpu.memory_space<semaphore_mem>>)
        %dma_wait3A = arith.constant 0 : i32
        %dma_wait3A_21 = tpu.memref_slice %arg8[%mul3A_0, %dma_wait3A] : memref<10240x128xf32, #tpu.memory_space<hbm>> -> memref<640x128xf32, #tpu.memory_space<hbm>>
        %dma_wait3A_22 = arith.constant 0 : i32
        %dma_wait3A_23 = tpu.memref_slice %arg12[%mul3A_0, %dma_wait3A_22] : memref<10240x128xf32, #tpu.memory_space<vmem_shared>> -> memref<640x128xf32, #tpu.memory_space<vmem_shared>>
        tpu.wait_dma2 semaphore(%run_scoped3A : memref<!tpu.dma_semaphore, #tpu.memory_space<semaphore_mem>>) src(%dma_wait3A_23 : memref<640x128xf32, #tpu.memory_space<vmem_shared>>) dst(%dma_wait3A_21 : memref<640x128xf32, #tpu.memory_space<hbm>>)
        tpu.yield
      }) : () -> ()
    } else {
    }
    return
  }
}

#map = affine_map<(d0, d1) -> (0, 0)>
#map1 = affine_map<(d0, d1) -> (0)>
module attributes {stable_mosaic.version = 14 : i64} {
  func.func @_agg_es_body(%arg0: i32, %arg1: i32, %arg2: memref<10240x128xf32, #tpu.memory_space<hbm>>, %arg3: memref<320000xi32, #tpu.memory_space<hbm>>, %arg4: memref<320000xi32, #tpu.memory_space<hbm>>, %arg5: memref<10240x128xf32, #tpu.memory_space<hbm>>, %arg6: memref<200x128xf32, #tpu.memory_space<hbm>>, %arg7: memref<10240x128xf32, #tpu.memory_space<hbm>>, %arg8: memref<10240x128xf32, #tpu.memory_space<hbm>>, %arg9: memref<200xi32, #tpu.memory_space<vmem>>, %arg10: memref<200xi32, #tpu.memory_space<vmem>>, %arg11: memref<200x128xf32, #tpu.memory_space<vmem>>, %arg12: memref<10240x128xf32, #tpu.memory_space<vmem_shared>>, %arg13: memref<!tpu.dma_semaphore, #tpu.memory_space<semaphore_mem>>) attributes {dimension_semantics = [#tpu.dimension_semantics<core_parallel>, #tpu.dimension_semantics<subcore_parallel>], iteration_bounds = array<i64: 2, 16>, scalar_prefetch = 0 : i64, scratch_operands = 5 : i64, tpu.core_type = #tpu.core_type<sc_vector_subcore>, window_params = [{transform_indices = #map}, {transform_indices = #map1}, {transform_indices = #map1}, {transform_indices = #map}, {transform_indices = #map}, {transform_indices = #map}, {transform_indices = #map}]} {
    %mul3A = arith.constant 640 : i32
    %mul3A_0 = arith.muli %arg1, %mul3A : i32
    "tpu.region"() ({
      %run_scoped3A = tpu.sem_alloc : memref<!tpu.dma_semaphore, #tpu.memory_space<semaphore_mem>>
      %dma_start3A = arith.constant 0 : i32
      %dma_start3A_18 = tpu.memref_slice %arg12[%mul3A_0, %dma_start3A] : memref<10240x128xf32, #tpu.memory_space<vmem_shared>> -> memref<640x128xf32, #tpu.memory_space<vmem_shared>>
      %dma_start3A_19 = arith.constant 0 : i32
      %dma_start3A_20 = tpu.memref_slice %arg5[%mul3A_0, %dma_start3A_19] : memref<10240x128xf32, #tpu.memory_space<hbm>> -> memref<640x128xf32, #tpu.memory_space<hbm>>
      tpu.enqueue_dma source(%dma_start3A_20 : memref<640x128xf32, #tpu.memory_space<hbm>>) target(%dma_start3A_18 : memref<640x128xf32, #tpu.memory_space<vmem_shared>>) target_semaphore(%run_scoped3A : memref<!tpu.dma_semaphore, #tpu.memory_space<semaphore_mem>>)
      %dma_wait3A = arith.constant 0 : i32
      %dma_wait3A_21 = tpu.memref_slice %arg12[%mul3A_0, %dma_wait3A] : memref<10240x128xf32, #tpu.memory_space<vmem_shared>> -> memref<640x128xf32, #tpu.memory_space<vmem_shared>>
      %dma_wait3A_22 = arith.constant 0 : i32
      %dma_wait3A_23 = tpu.memref_slice %arg5[%mul3A_0, %dma_wait3A_22] : memref<10240x128xf32, #tpu.memory_space<hbm>> -> memref<640x128xf32, #tpu.memory_space<hbm>>
      tpu.wait_dma2 semaphore(%run_scoped3A : memref<!tpu.dma_semaphore, #tpu.memory_space<semaphore_mem>>) src(%dma_wait3A_23 : memref<640x128xf32, #tpu.memory_space<hbm>>) dst(%dma_wait3A_21 : memref<640x128xf32, #tpu.memory_space<vmem_shared>>)
      tpu.yield
    }) : () -> ()
    "tpu.region"() ({
      %run_scoped3A = tpu.sem_alloc : memref<!tpu.dma_semaphore, #tpu.memory_space<semaphore_mem>>
      tpu.enqueue_dma source(%arg6 : memref<200x128xf32, #tpu.memory_space<hbm>>) target(%arg11 : memref<200x128xf32, #tpu.memory_space<vmem>>) target_semaphore(%run_scoped3A : memref<!tpu.dma_semaphore, #tpu.memory_space<semaphore_mem>>)
      tpu.wait_dma2 semaphore(%run_scoped3A : memref<!tpu.dma_semaphore, #tpu.memory_space<semaphore_mem>>) src(%arg6 : memref<200x128xf32, #tpu.memory_space<hbm>>) dst(%arg11 : memref<200x128xf32, #tpu.memory_space<vmem>>)
      tpu.yield
    }) : () -> ()
    %barrier3A = arith.constant 0 : index
    tpu.barrier barrier_id(%barrier3A)
    %mul3A_1 = arith.constant 2 : i32
    %mul3A_2 = arith.muli %arg1, %mul3A_1 : i32
    %add3A = arith.addi %mul3A_2, %arg0 : i32
    %mul3A_3 = arith.constant 10000 : i32
    %mul3A_4 = arith.muli %add3A, %mul3A_3 : i32
    %scan3A = arith.constant 0 : i32
    %scan3A_5 = arith.constant 0 : i32
    %scan3A_6 = arith.constant 50 : i32
    %scan3A_7 = arith.addi %scan3A_5, %scan3A_6 : i32
    %scan3A_8 = arith.constant 1 : i32
    scf.for %scan3A_18 = %scan3A_5 to %scan3A_7 step %scan3A_8  : i32 {
      %mul3A_19 = arith.constant 200 : i32
      %mul3A_20 = arith.muli %scan3A_18, %mul3A_19 : i32
      %add3A_21 = arith.addi %mul3A_4, %mul3A_20 : i32
      "tpu.region"() ({
        %run_scoped3A = tpu.sem_alloc : memref<!tpu.dma_semaphore, #tpu.memory_space<semaphore_mem>>
        %dma_start3A = tpu.memref_slice %arg4[%add3A_21] : memref<320000xi32, #tpu.memory_space<hbm>> -> memref<200xi32, #tpu.memory_space<hbm>>
        %dma_start3A_22 = tpu.memref_slice %arg4[%add3A_21] : memref<320000xi32, #tpu.memory_space<hbm>> -> memref<200xi32, #tpu.memory_space<hbm>>
        tpu.enqueue_dma source(%dma_start3A_22 : memref<200xi32, #tpu.memory_space<hbm>>) target(%arg10 : memref<200xi32, #tpu.memory_space<vmem>>) target_semaphore(%run_scoped3A : memref<!tpu.dma_semaphore, #tpu.memory_space<semaphore_mem>>)
        %dma_wait3A = tpu.memref_slice %arg4[%add3A_21] : memref<320000xi32, #tpu.memory_space<hbm>> -> memref<200xi32, #tpu.memory_space<hbm>>
        %dma_wait3A_23 = tpu.memref_slice %arg4[%add3A_21] : memref<320000xi32, #tpu.memory_space<hbm>> -> memref<200xi32, #tpu.memory_space<hbm>>
        tpu.wait_dma2 semaphore(%run_scoped3A : memref<!tpu.dma_semaphore, #tpu.memory_space<semaphore_mem>>) src(%dma_wait3A_23 : memref<200xi32, #tpu.memory_space<hbm>>) dst(%arg10 : memref<200xi32, #tpu.memory_space<vmem>>)
        tpu.yield
      }) : () -> ()
      "tpu.region"() ({
        %run_scoped3A = tpu.sem_alloc : memref<!tpu.dma_semaphore, #tpu.memory_space<semaphore_mem>>
        %dma_start3A = arith.constant 0 : i32
        %dma_start3A_22 = arith.constant 0 : i32
        %dma_start3A_23 = tpu.memref_slice %arg12[%dma_start3A, %dma_start3A_22] : memref<10240x128xf32, #tpu.memory_space<vmem_shared>> -> memref<10240x128xf32, #tpu.memory_space<vmem_shared>>
        tpu.enqueue_indirect_dma source(%arg11 : memref<200x128xf32, #tpu.memory_space<vmem>>) target(%dma_start3A_23 : memref<10240x128xf32, #tpu.memory_space<vmem_shared>>) offsets(%arg10 : memref<200xi32, #tpu.memory_space<vmem>>) semaphore(%run_scoped3A : memref<!tpu.dma_semaphore, #tpu.memory_space<semaphore_mem>>) {add = true}
        %dma_wait3A = arith.constant 0 : i32
        %dma_wait3A_24 = arith.constant 0 : i32
        %dma_wait3A_25 = tpu.memref_slice %arg12[%dma_wait3A, %dma_wait3A_24] : memref<10240x128xf32, #tpu.memory_space<vmem_shared>> -> memref<10240x128xf32, #tpu.memory_space<vmem_shared>>
        tpu.wait_indirect_dma semaphore(%run_scoped3A : memref<!tpu.dma_semaphore, #tpu.memory_space<semaphore_mem>>) src(%arg11 : memref<200x128xf32, #tpu.memory_space<vmem>>) dst(%dma_wait3A_25 : memref<10240x128xf32, #tpu.memory_space<vmem_shared>>)
        tpu.yield
      }) : () -> ()
    }
    %scan3A_9 = arith.constant 50 : i32
    %barrier3A_10 = arith.constant 0 : index
    tpu.barrier barrier_id(%barrier3A_10)
    %eq3A = arith.constant 0 : i32
    %eq3A_11 = arith.cmpi eq, %arg0, %eq3A : i32
    %convert_element_type3A = arith.extui %eq3A_11 : i1 to i32
    %cond3A = arith.constant 0 : i32
    %cond3A_12 = arith.cmpi ne, %convert_element_type3A, %cond3A : i32
    scf.if %cond3A_12 {
      "tpu.region"() ({
        %run_scoped3A = tpu.sem_alloc : memref<!tpu.dma_semaphore, #tpu.memory_space<semaphore_mem>>
        %dma_start3A = arith.constant 0 : i32
        %dma_start3A_18 = tpu.memref_slice %arg7[%mul3A_0, %dma_start3A] : memref<10240x128xf32, #tpu.memory_space<hbm>> -> memref<640x128xf32, #tpu.memory_space<hbm>>
        %dma_start3A_19 = arith.constant 0 : i32
        %dma_start3A_20 = tpu.memref_slice %arg12[%mul3A_0, %dma_start3A_19] : memref<10240x128xf32, #tpu.memory_space<vmem_shared>> -> memref<640x128xf32, #tpu.memory_space<vmem_shared>>
        tpu.enqueue_dma source(%dma_start3A_20 : memref<640x128xf32, #tpu.memory_space<vmem_shared>>) target(%dma_start3A_18 : memref<640x128xf32, #tpu.memory_space<hbm>>) target_semaphore(%run_scoped3A : memref<!tpu.dma_semaphore, #tpu.memory_space<semaphore_mem>>)
        %dma_wait3A = arith.constant 0 : i32
        %dma_wait3A_21 = tpu.memref_slice %arg7[%mul3A_0, %dma_wait3A] : memref<10240x128xf32, #tpu.memory_space<hbm>> -> memref<640x128xf32, #tpu.memory_space<hbm>>
        %dma_wait3A_22 = arith.constant 0 : i32
        %dma_wait3A_23 = tpu.memref_slice %arg12[%mul3A_0, %dma_wait3A_22] : memref<10240x128xf32, #tpu.memory_space<vmem_shared>> -> memref<640x128xf32, #tpu.memory_space<vmem_shared>>
        tpu.wait_dma2 semaphore(%run_scoped3A : memref<!tpu.dma_semaphore, #tpu.memory_space<semaphore_mem>>) src(%dma_wait3A_23 : memref<640x128xf32, #tpu.memory_space<vmem_shared>>) dst(%dma_wait3A_21 : memref<640x128xf32, #tpu.memory_space<hbm>>)
        tpu.yield
      }) : () -> ()
    } else {
    }
    %eq3A_13 = arith.constant 1 : i32
    %eq3A_14 = arith.cmpi eq, %arg0, %eq3A_13 : i32
    %convert_element_type3A_15 = arith.extui %eq3A_14 : i1 to i32
    %cond3A_16 = arith.constant 0 : i32
    %cond3A_17 = arith.cmpi ne, %convert_element_type3A_15, %cond3A_16 : i32
    scf.if %cond3A_17 {
      "tpu.region"() ({
        %run_scoped3A = tpu.sem_alloc : memref<!tpu.dma_semaphore, #tpu.memory_space<semaphore_mem>>
        %dma_start3A = arith.constant 0 : i32
        %dma_start3A_18 = tpu.memref_slice %arg8[%mul3A_0, %dma_start3A] : memref<10240x128xf32, #tpu.memory_space<hbm>> -> memref<640x128xf32, #tpu.memory_space<hbm>>
        %dma_start3A_19 = arith.constant 0 : i32
        %dma_start3A_20 = tpu.memref_slice %arg12[%mul3A_0, %dma_start3A_19] : memref<10240x128xf32, #tpu.memory_space<vmem_shared>> -> memref<640x128xf32, #tpu.memory_space<vmem_shared>>
        tpu.enqueue_dma source(%dma_start3A_20 : memref<640x128xf32, #tpu.memory_space<vmem_shared>>) target(%dma_start3A_18 : memref<640x128xf32, #tpu.memory_space<hbm>>) target_semaphore(%run_scoped3A : memref<!tpu.dma_semaphore, #tpu.memory_space<semaphore_mem>>)
        %dma_wait3A = arith.constant 0 : i32
        %dma_wait3A_21 = tpu.memref_slice %arg8[%mul3A_0, %dma_wait3A] : memref<10240x128xf32, #tpu.memory_space<hbm>> -> memref<640x128xf32, #tpu.memory_space<hbm>>
        %dma_wait3A_22 = arith.constant 0 : i32
        %dma_wait3A_23 = tpu.memref_slice %arg12[%mul3A_0, %dma_wait3A_22] : memref<10240x128xf32, #tpu.memory_space<vmem_shared>> -> memref<640x128xf32, #tpu.memory_space<vmem_shared>>
        tpu.wait_dma2 semaphore(%run_scoped3A : memref<!tpu.dma_semaphore, #tpu.memory_space<semaphore_mem>>) src(%dma_wait3A_23 : memref<640x128xf32, #tpu.memory_space<vmem_shared>>) dst(%dma_wait3A_21 : memref<640x128xf32, #tpu.memory_space<hbm>>)
        tpu.yield
      }) : () -> ()
    } else {
    }
    return
  }
}

#map = affine_map<(d0, d1) -> (0, 0)>
#map1 = affine_map<(d0, d1) -> (0)>
module attributes {stable_mosaic.version = 14 : i64} {
  func.func @_agg_es_body(%arg0: i32, %arg1: i32, %arg2: memref<10240x128xf32, #tpu.memory_space<hbm>>, %arg3: memref<320000xi32, #tpu.memory_space<hbm>>, %arg4: memref<320000xi32, #tpu.memory_space<hbm>>, %arg5: memref<10240x128xf32, #tpu.memory_space<hbm>>, %arg6: memref<200x128xf32, #tpu.memory_space<hbm>>, %arg7: memref<10240x128xf32, #tpu.memory_space<hbm>>, %arg8: memref<10240x128xf32, #tpu.memory_space<hbm>>, %arg9: memref<200xi32, #tpu.memory_space<vmem>>, %arg10: memref<200xi32, #tpu.memory_space<vmem>>, %arg11: memref<200x128xf32, #tpu.memory_space<vmem>>, %arg12: memref<10240x128xf32, #tpu.memory_space<vmem_shared>>, %arg13: memref<!tpu.dma_semaphore, #tpu.memory_space<semaphore_mem>>) attributes {dimension_semantics = [#tpu.dimension_semantics<core_parallel>, #tpu.dimension_semantics<subcore_parallel>], iteration_bounds = array<i64: 2, 16>, scalar_prefetch = 0 : i64, scratch_operands = 5 : i64, tpu.core_type = #tpu.core_type<sc_vector_subcore>, window_params = [{transform_indices = #map}, {transform_indices = #map1}, {transform_indices = #map1}, {transform_indices = #map}, {transform_indices = #map}, {transform_indices = #map}, {transform_indices = #map}]} {
    %mul3A = arith.constant 640 : i32
    %mul3A_0 = arith.muli %arg1, %mul3A : i32
    "tpu.region"() ({
      %run_scoped3A = tpu.sem_alloc : memref<!tpu.dma_semaphore, #tpu.memory_space<semaphore_mem>>
      %dma_start3A = arith.constant 0 : i32
      %dma_start3A_18 = tpu.memref_slice %arg12[%mul3A_0, %dma_start3A] : memref<10240x128xf32, #tpu.memory_space<vmem_shared>> -> memref<640x128xf32, #tpu.memory_space<vmem_shared>>
      %dma_start3A_19 = arith.constant 0 : i32
      %dma_start3A_20 = tpu.memref_slice %arg5[%mul3A_0, %dma_start3A_19] : memref<10240x128xf32, #tpu.memory_space<hbm>> -> memref<640x128xf32, #tpu.memory_space<hbm>>
      tpu.enqueue_dma source(%dma_start3A_20 : memref<640x128xf32, #tpu.memory_space<hbm>>) target(%dma_start3A_18 : memref<640x128xf32, #tpu.memory_space<vmem_shared>>) target_semaphore(%run_scoped3A : memref<!tpu.dma_semaphore, #tpu.memory_space<semaphore_mem>>)
      %dma_wait3A = arith.constant 0 : i32
      %dma_wait3A_21 = tpu.memref_slice %arg12[%mul3A_0, %dma_wait3A] : memref<10240x128xf32, #tpu.memory_space<vmem_shared>> -> memref<640x128xf32, #tpu.memory_space<vmem_shared>>
      %dma_wait3A_22 = arith.constant 0 : i32
      %dma_wait3A_23 = tpu.memref_slice %arg5[%mul3A_0, %dma_wait3A_22] : memref<10240x128xf32, #tpu.memory_space<hbm>> -> memref<640x128xf32, #tpu.memory_space<hbm>>
      tpu.wait_dma2 semaphore(%run_scoped3A : memref<!tpu.dma_semaphore, #tpu.memory_space<semaphore_mem>>) src(%dma_wait3A_23 : memref<640x128xf32, #tpu.memory_space<hbm>>) dst(%dma_wait3A_21 : memref<640x128xf32, #tpu.memory_space<vmem_shared>>)
      tpu.yield
    }) : () -> ()
    %barrier3A = arith.constant 0 : index
    tpu.barrier barrier_id(%barrier3A)
    %mul3A_1 = arith.constant 2 : i32
    %mul3A_2 = arith.muli %arg1, %mul3A_1 : i32
    %add3A = arith.addi %mul3A_2, %arg0 : i32
    %mul3A_3 = arith.constant 10000 : i32
    %mul3A_4 = arith.muli %add3A, %mul3A_3 : i32
    %scan3A = arith.constant 0 : i32
    %scan3A_5 = arith.constant 0 : i32
    %scan3A_6 = arith.constant 50 : i32
    %scan3A_7 = arith.addi %scan3A_5, %scan3A_6 : i32
    %scan3A_8 = arith.constant 1 : i32
    scf.for %scan3A_18 = %scan3A_5 to %scan3A_7 step %scan3A_8  : i32 {
      %mul3A_19 = arith.constant 200 : i32
      %mul3A_20 = arith.muli %scan3A_18, %mul3A_19 : i32
      %add3A_21 = arith.addi %mul3A_4, %mul3A_20 : i32
      "tpu.region"() ({
        %run_scoped3A = tpu.sem_alloc : memref<!tpu.dma_semaphore, #tpu.memory_space<semaphore_mem>>
        %dma_start3A_26 = tpu.memref_slice %arg4[%add3A_21] : memref<320000xi32, #tpu.memory_space<hbm>> -> memref<200xi32, #tpu.memory_space<hbm>>
        %dma_start3A_27 = tpu.memref_slice %arg4[%add3A_21] : memref<320000xi32, #tpu.memory_space<hbm>> -> memref<200xi32, #tpu.memory_space<hbm>>
        tpu.enqueue_dma source(%dma_start3A_27 : memref<200xi32, #tpu.memory_space<hbm>>) target(%arg10 : memref<200xi32, #tpu.memory_space<vmem>>) target_semaphore(%run_scoped3A : memref<!tpu.dma_semaphore, #tpu.memory_space<semaphore_mem>>)
        %dma_wait3A_28 = tpu.memref_slice %arg4[%add3A_21] : memref<320000xi32, #tpu.memory_space<hbm>> -> memref<200xi32, #tpu.memory_space<hbm>>
        %dma_wait3A_29 = tpu.memref_slice %arg4[%add3A_21] : memref<320000xi32, #tpu.memory_space<hbm>> -> memref<200xi32, #tpu.memory_space<hbm>>
        tpu.wait_dma2 semaphore(%run_scoped3A : memref<!tpu.dma_semaphore, #tpu.memory_space<semaphore_mem>>) src(%dma_wait3A_29 : memref<200xi32, #tpu.memory_space<hbm>>) dst(%arg10 : memref<200xi32, #tpu.memory_space<vmem>>)
        tpu.yield
      }) : () -> ()
      "tpu.region"() ({
        %run_scoped3A = tpu.sem_alloc : memref<!tpu.dma_semaphore, #tpu.memory_space<semaphore_mem>>
        %dma_start3A_26 = tpu.memref_slice %arg3[%add3A_21] : memref<320000xi32, #tpu.memory_space<hbm>> -> memref<200xi32, #tpu.memory_space<hbm>>
        %dma_start3A_27 = tpu.memref_slice %arg3[%add3A_21] : memref<320000xi32, #tpu.memory_space<hbm>> -> memref<200xi32, #tpu.memory_space<hbm>>
        tpu.enqueue_dma source(%dma_start3A_27 : memref<200xi32, #tpu.memory_space<hbm>>) target(%arg9 : memref<200xi32, #tpu.memory_space<vmem>>) target_semaphore(%run_scoped3A : memref<!tpu.dma_semaphore, #tpu.memory_space<semaphore_mem>>)
        %dma_wait3A_28 = tpu.memref_slice %arg3[%add3A_21] : memref<320000xi32, #tpu.memory_space<hbm>> -> memref<200xi32, #tpu.memory_space<hbm>>
        %dma_wait3A_29 = tpu.memref_slice %arg3[%add3A_21] : memref<320000xi32, #tpu.memory_space<hbm>> -> memref<200xi32, #tpu.memory_space<hbm>>
        tpu.wait_dma2 semaphore(%run_scoped3A : memref<!tpu.dma_semaphore, #tpu.memory_space<semaphore_mem>>) src(%dma_wait3A_29 : memref<200xi32, #tpu.memory_space<hbm>>) dst(%arg9 : memref<200xi32, #tpu.memory_space<vmem>>)
        tpu.yield
      }) : () -> ()
      %dma_start3A = arith.constant 0 : i32
      %dma_start3A_22 = arith.constant 0 : i32
      %dma_start3A_23 = tpu.memref_slice %arg2[%dma_start3A, %dma_start3A_22] : memref<10240x128xf32, #tpu.memory_space<hbm>> -> memref<10240x128xf32, #tpu.memory_space<hbm>>
      tpu.enqueue_indirect_dma source(%dma_start3A_23 : memref<10240x128xf32, #tpu.memory_space<hbm>>) target(%arg11 : memref<200x128xf32, #tpu.memory_space<vmem>>) offsets(%arg9 : memref<200xi32, #tpu.memory_space<vmem>>) semaphore(%arg13 : memref<!tpu.dma_semaphore, #tpu.memory_space<semaphore_mem>>)
      %dma_wait3A = arith.constant 0 : i32
      %dma_wait3A_24 = arith.constant 0 : i32
      %dma_wait3A_25 = tpu.memref_slice %arg2[%dma_wait3A, %dma_wait3A_24] : memref<10240x128xf32, #tpu.memory_space<hbm>> -> memref<10240x128xf32, #tpu.memory_space<hbm>>
      tpu.wait_indirect_dma semaphore(%arg13 : memref<!tpu.dma_semaphore, #tpu.memory_space<semaphore_mem>>) src(%dma_wait3A_25 : memref<10240x128xf32, #tpu.memory_space<hbm>>) dst(%arg11 : memref<200x128xf32, #tpu.memory_space<vmem>>)
      "tpu.region"() ({
        %run_scoped3A = tpu.sem_alloc : memref<!tpu.dma_semaphore, #tpu.memory_space<semaphore_mem>>
        %dma_start3A_26 = arith.constant 0 : i32
        %dma_start3A_27 = arith.constant 0 : i32
        %dma_start3A_28 = tpu.memref_slice %arg12[%dma_start3A_26, %dma_start3A_27] : memref<10240x128xf32, #tpu.memory_space<vmem_shared>> -> memref<10240x128xf32, #tpu.memory_space<vmem_shared>>
        tpu.enqueue_indirect_dma source(%arg11 : memref<200x128xf32, #tpu.memory_space<vmem>>) target(%dma_start3A_28 : memref<10240x128xf32, #tpu.memory_space<vmem_shared>>) offsets(%arg10 : memref<200xi32, #tpu.memory_space<vmem>>) semaphore(%run_scoped3A : memref<!tpu.dma_semaphore, #tpu.memory_space<semaphore_mem>>) {add = true}
        %dma_wait3A_29 = arith.constant 0 : i32
        %dma_wait3A_30 = arith.constant 0 : i32
        %dma_wait3A_31 = tpu.memref_slice %arg12[%dma_wait3A_29, %dma_wait3A_30] : memref<10240x128xf32, #tpu.memory_space<vmem_shared>> -> memref<10240x128xf32, #tpu.memory_space<vmem_shared>>
        tpu.wait_indirect_dma semaphore(%run_scoped3A : memref<!tpu.dma_semaphore, #tpu.memory_space<semaphore_mem>>) src(%arg11 : memref<200x128xf32, #tpu.memory_space<vmem>>) dst(%dma_wait3A_31 : memref<10240x128xf32, #tpu.memory_space<vmem_shared>>)
        tpu.yield
      }) : () -> ()
    }
    %scan3A_9 = arith.constant 50 : i32
    %barrier3A_10 = arith.constant 0 : index
    tpu.barrier barrier_id(%barrier3A_10)
    %eq3A = arith.constant 0 : i32
    %eq3A_11 = arith.cmpi eq, %arg0, %eq3A : i32
    %convert_element_type3A = arith.extui %eq3A_11 : i1 to i32
    %cond3A = arith.constant 0 : i32
    %cond3A_12 = arith.cmpi ne, %convert_element_type3A, %cond3A : i32
    scf.if %cond3A_12 {
      "tpu.region"() ({
        %run_scoped3A = tpu.sem_alloc : memref<!tpu.dma_semaphore, #tpu.memory_space<semaphore_mem>>
        %dma_start3A = arith.constant 0 : i32
        %dma_start3A_18 = tpu.memref_slice %arg7[%mul3A_0, %dma_start3A] : memref<10240x128xf32, #tpu.memory_space<hbm>> -> memref<640x128xf32, #tpu.memory_space<hbm>>
        %dma_start3A_19 = arith.constant 0 : i32
        %dma_start3A_20 = tpu.memref_slice %arg12[%mul3A_0, %dma_start3A_19] : memref<10240x128xf32, #tpu.memory_space<vmem_shared>> -> memref<640x128xf32, #tpu.memory_space<vmem_shared>>
        tpu.enqueue_dma source(%dma_start3A_20 : memref<640x128xf32, #tpu.memory_space<vmem_shared>>) target(%dma_start3A_18 : memref<640x128xf32, #tpu.memory_space<hbm>>) target_semaphore(%run_scoped3A : memref<!tpu.dma_semaphore, #tpu.memory_space<semaphore_mem>>)
        %dma_wait3A = arith.constant 0 : i32
        %dma_wait3A_21 = tpu.memref_slice %arg7[%mul3A_0, %dma_wait3A] : memref<10240x128xf32, #tpu.memory_space<hbm>> -> memref<640x128xf32, #tpu.memory_space<hbm>>
        %dma_wait3A_22 = arith.constant 0 : i32
        %dma_wait3A_23 = tpu.memref_slice %arg12[%mul3A_0, %dma_wait3A_22] : memref<10240x128xf32, #tpu.memory_space<vmem_shared>> -> memref<640x128xf32, #tpu.memory_space<vmem_shared>>
        tpu.wait_dma2 semaphore(%run_scoped3A : memref<!tpu.dma_semaphore, #tpu.memory_space<semaphore_mem>>) src(%dma_wait3A_23 : memref<640x128xf32, #tpu.memory_space<vmem_shared>>) dst(%dma_wait3A_21 : memref<640x128xf32, #tpu.memory_space<hbm>>)
        tpu.yield
      }) : () -> ()
    } else {
    }
    %eq3A_13 = arith.constant 1 : i32
    %eq3A_14 = arith.cmpi eq, %arg0, %eq3A_13 : i32
    %convert_element_type3A_15 = arith.extui %eq3A_14 : i1 to i32
    %cond3A_16 = arith.constant 0 : i32
    %cond3A_17 = arith.cmpi ne, %convert_element_type3A_15, %cond3A_16 : i32
    scf.if %cond3A_17 {
      "tpu.region"() ({
        %run_scoped3A = tpu.sem_alloc : memref<!tpu.dma_semaphore, #tpu.memory_space<semaphore_mem>>
        %dma_start3A = arith.constant 0 : i32
        %dma_start3A_18 = tpu.memref_slice %arg8[%mul3A_0, %dma_start3A] : memref<10240x128xf32, #tpu.memory_space<hbm>> -> memref<640x128xf32, #tpu.memory_space<hbm>>
        %dma_start3A_19 = arith.constant 0 : i32
        %dma_start3A_20 = tpu.memref_slice %arg12[%mul3A_0, %dma_start3A_19] : memref<10240x128xf32, #tpu.memory_space<vmem_shared>> -> memref<640x128xf32, #tpu.memory_space<vmem_shared>>
        tpu.enqueue_dma source(%dma_start3A_20 : memref<640x128xf32, #tpu.memory_space<vmem_shared>>) target(%dma_start3A_18 : memref<640x128xf32, #tpu.memory_space<hbm>>) target_semaphore(%run_scoped3A : memref<!tpu.dma_semaphore, #tpu.memory_space<semaphore_mem>>)
        %dma_wait3A = arith.constant 0 : i32
        %dma_wait3A_21 = tpu.memref_slice %arg8[%mul3A_0, %dma_wait3A] : memref<10240x128xf32, #tpu.memory_space<hbm>> -> memref<640x128xf32, #tpu.memory_space<hbm>>
        %dma_wait3A_22 = arith.constant 0 : i32
        %dma_wait3A_23 = tpu.memref_slice %arg12[%mul3A_0, %dma_wait3A_22] : memref<10240x128xf32, #tpu.memory_space<vmem_shared>> -> memref<640x128xf32, #tpu.memory_space<vmem_shared>>
        tpu.wait_dma2 semaphore(%run_scoped3A : memref<!tpu.dma_semaphore, #tpu.memory_space<semaphore_mem>>) src(%dma_wait3A_23 : memref<640x128xf32, #tpu.memory_space<vmem_shared>>) dst(%dma_wait3A_21 : memref<640x128xf32, #tpu.memory_space<hbm>>)
        tpu.yield
      }) : () -> ()
    } else {
    }
    return
  }
}

#map = affine_map<(d0, d1) -> (0, 0)>
#map1 = affine_map<(d0, d1) -> (0)>
module attributes {stable_mosaic.version = 14 : i64} {
  func.func @_agg_es_body(%arg0: i32, %arg1: i32, %arg2: memref<10240x128xf32, #tpu.memory_space<hbm>>, %arg3: memref<320000xi32, #tpu.memory_space<hbm>>, %arg4: memref<320000xi32, #tpu.memory_space<hbm>>, %arg5: memref<10240x128xf32, #tpu.memory_space<hbm>>, %arg6: memref<200x128xf32, #tpu.memory_space<hbm>>, %arg7: memref<10240x128xf32, #tpu.memory_space<hbm>>, %arg8: memref<10240x128xf32, #tpu.memory_space<hbm>>, %arg9: memref<200xi32, #tpu.memory_space<vmem>>, %arg10: memref<200xi32, #tpu.memory_space<vmem>>, %arg11: memref<200x128xf32, #tpu.memory_space<vmem>>, %arg12: memref<10240x128xf32, #tpu.memory_space<vmem_shared>>, %arg13: memref<!tpu.dma_semaphore, #tpu.memory_space<semaphore_mem>>) attributes {dimension_semantics = [#tpu.dimension_semantics<core_parallel>, #tpu.dimension_semantics<subcore_parallel>], iteration_bounds = array<i64: 2, 16>, scalar_prefetch = 0 : i64, scratch_operands = 5 : i64, tpu.core_type = #tpu.core_type<sc_vector_subcore>, window_params = [{transform_indices = #map}, {transform_indices = #map1}, {transform_indices = #map1}, {transform_indices = #map}, {transform_indices = #map}, {transform_indices = #map}, {transform_indices = #map}]} {
    %mul3A = arith.constant 640 : i32
    %mul3A_0 = arith.muli %arg1, %mul3A : i32
    "tpu.region"() ({
      %run_scoped3A = tpu.sem_alloc : memref<!tpu.dma_semaphore, #tpu.memory_space<semaphore_mem>>
      %dma_start3A = arith.constant 0 : i32
      %dma_start3A_18 = tpu.memref_slice %arg12[%mul3A_0, %dma_start3A] : memref<10240x128xf32, #tpu.memory_space<vmem_shared>> -> memref<640x128xf32, #tpu.memory_space<vmem_shared>>
      %dma_start3A_19 = arith.constant 0 : i32
      %dma_start3A_20 = tpu.memref_slice %arg5[%mul3A_0, %dma_start3A_19] : memref<10240x128xf32, #tpu.memory_space<hbm>> -> memref<640x128xf32, #tpu.memory_space<hbm>>
      tpu.enqueue_dma source(%dma_start3A_20 : memref<640x128xf32, #tpu.memory_space<hbm>>) target(%dma_start3A_18 : memref<640x128xf32, #tpu.memory_space<vmem_shared>>) target_semaphore(%run_scoped3A : memref<!tpu.dma_semaphore, #tpu.memory_space<semaphore_mem>>)
      %dma_wait3A = arith.constant 0 : i32
      %dma_wait3A_21 = tpu.memref_slice %arg12[%mul3A_0, %dma_wait3A] : memref<10240x128xf32, #tpu.memory_space<vmem_shared>> -> memref<640x128xf32, #tpu.memory_space<vmem_shared>>
      %dma_wait3A_22 = arith.constant 0 : i32
      %dma_wait3A_23 = tpu.memref_slice %arg5[%mul3A_0, %dma_wait3A_22] : memref<10240x128xf32, #tpu.memory_space<hbm>> -> memref<640x128xf32, #tpu.memory_space<hbm>>
      tpu.wait_dma2 semaphore(%run_scoped3A : memref<!tpu.dma_semaphore, #tpu.memory_space<semaphore_mem>>) src(%dma_wait3A_23 : memref<640x128xf32, #tpu.memory_space<hbm>>) dst(%dma_wait3A_21 : memref<640x128xf32, #tpu.memory_space<vmem_shared>>)
      tpu.yield
    }) : () -> ()
    %barrier3A = arith.constant 0 : index
    tpu.barrier barrier_id(%barrier3A)
    %mul3A_1 = arith.constant 2 : i32
    %mul3A_2 = arith.muli %arg1, %mul3A_1 : i32
    %add3A = arith.addi %mul3A_2, %arg0 : i32
    %mul3A_3 = arith.constant 10000 : i32
    %mul3A_4 = arith.muli %add3A, %mul3A_3 : i32
    %scan3A = arith.constant 0 : i32
    %scan3A_5 = arith.constant 0 : i32
    %scan3A_6 = arith.constant 50 : i32
    %scan3A_7 = arith.addi %scan3A_5, %scan3A_6 : i32
    %scan3A_8 = arith.constant 1 : i32
    scf.for %scan3A_18 = %scan3A_5 to %scan3A_7 step %scan3A_8  : i32 {
      %mul3A_19 = arith.constant 200 : i32
      %mul3A_20 = arith.muli %scan3A_18, %mul3A_19 : i32
      %add3A_21 = arith.addi %mul3A_4, %mul3A_20 : i32
      "tpu.region"() ({
        %run_scoped3A = tpu.sem_alloc : memref<!tpu.dma_semaphore, #tpu.memory_space<semaphore_mem>>
        %dma_start3A_26 = tpu.memref_slice %arg4[%add3A_21] : memref<320000xi32, #tpu.memory_space<hbm>> -> memref<200xi32, #tpu.memory_space<hbm>>
        %dma_start3A_27 = tpu.memref_slice %arg4[%add3A_21] : memref<320000xi32, #tpu.memory_space<hbm>> -> memref<200xi32, #tpu.memory_space<hbm>>
        tpu.enqueue_dma source(%dma_start3A_27 : memref<200xi32, #tpu.memory_space<hbm>>) target(%arg10 : memref<200xi32, #tpu.memory_space<vmem>>) target_semaphore(%run_scoped3A : memref<!tpu.dma_semaphore, #tpu.memory_space<semaphore_mem>>)
        %dma_wait3A_28 = tpu.memref_slice %arg4[%add3A_21] : memref<320000xi32, #tpu.memory_space<hbm>> -> memref<200xi32, #tpu.memory_space<hbm>>
        %dma_wait3A_29 = tpu.memref_slice %arg4[%add3A_21] : memref<320000xi32, #tpu.memory_space<hbm>> -> memref<200xi32, #tpu.memory_space<hbm>>
        tpu.wait_dma2 semaphore(%run_scoped3A : memref<!tpu.dma_semaphore, #tpu.memory_space<semaphore_mem>>) src(%dma_wait3A_29 : memref<200xi32, #tpu.memory_space<hbm>>) dst(%arg10 : memref<200xi32, #tpu.memory_space<vmem>>)
        tpu.yield
      }) : () -> ()
      "tpu.region"() ({
        %run_scoped3A = tpu.sem_alloc : memref<!tpu.dma_semaphore, #tpu.memory_space<semaphore_mem>>
        %dma_start3A_26 = tpu.memref_slice %arg3[%add3A_21] : memref<320000xi32, #tpu.memory_space<hbm>> -> memref<200xi32, #tpu.memory_space<hbm>>
        %dma_start3A_27 = tpu.memref_slice %arg3[%add3A_21] : memref<320000xi32, #tpu.memory_space<hbm>> -> memref<200xi32, #tpu.memory_space<hbm>>
        tpu.enqueue_dma source(%dma_start3A_27 : memref<200xi32, #tpu.memory_space<hbm>>) target(%arg9 : memref<200xi32, #tpu.memory_space<vmem>>) target_semaphore(%run_scoped3A : memref<!tpu.dma_semaphore, #tpu.memory_space<semaphore_mem>>)
        %dma_wait3A_28 = tpu.memref_slice %arg3[%add3A_21] : memref<320000xi32, #tpu.memory_space<hbm>> -> memref<200xi32, #tpu.memory_space<hbm>>
        %dma_wait3A_29 = tpu.memref_slice %arg3[%add3A_21] : memref<320000xi32, #tpu.memory_space<hbm>> -> memref<200xi32, #tpu.memory_space<hbm>>
        tpu.wait_dma2 semaphore(%run_scoped3A : memref<!tpu.dma_semaphore, #tpu.memory_space<semaphore_mem>>) src(%dma_wait3A_29 : memref<200xi32, #tpu.memory_space<hbm>>) dst(%arg9 : memref<200xi32, #tpu.memory_space<vmem>>)
        tpu.yield
      }) : () -> ()
      %dma_start3A = arith.constant 0 : i32
      %dma_start3A_22 = arith.constant 0 : i32
      %dma_start3A_23 = tpu.memref_slice %arg2[%dma_start3A, %dma_start3A_22] : memref<10240x128xf32, #tpu.memory_space<hbm>> -> memref<10240x128xf32, #tpu.memory_space<hbm>>
      tpu.enqueue_indirect_dma source(%dma_start3A_23 : memref<10240x128xf32, #tpu.memory_space<hbm>>) target(%arg11 : memref<200x128xf32, #tpu.memory_space<vmem>>) offsets(%arg9 : memref<200xi32, #tpu.memory_space<vmem>>) semaphore(%arg13 : memref<!tpu.dma_semaphore, #tpu.memory_space<semaphore_mem>>)
      %dma_wait3A = arith.constant 0 : i32
      %dma_wait3A_24 = arith.constant 0 : i32
      %dma_wait3A_25 = tpu.memref_slice %arg2[%dma_wait3A, %dma_wait3A_24] : memref<10240x128xf32, #tpu.memory_space<hbm>> -> memref<10240x128xf32, #tpu.memory_space<hbm>>
      tpu.wait_indirect_dma semaphore(%arg13 : memref<!tpu.dma_semaphore, #tpu.memory_space<semaphore_mem>>) src(%dma_wait3A_25 : memref<10240x128xf32, #tpu.memory_space<hbm>>) dst(%arg11 : memref<200x128xf32, #tpu.memory_space<vmem>>)
      "tpu.region"() ({
        %run_scoped3A = tpu.sem_alloc : memref<!tpu.dma_semaphore, #tpu.memory_space<semaphore_mem>>
        %dma_start3A_26 = arith.constant 0 : i32
        %dma_start3A_27 = arith.constant 0 : i32
        %dma_start3A_28 = tpu.memref_slice %arg12[%dma_start3A_26, %dma_start3A_27] : memref<10240x128xf32, #tpu.memory_space<vmem_shared>> -> memref<10240x128xf32, #tpu.memory_space<vmem_shared>>
        tpu.enqueue_indirect_dma source(%arg11 : memref<200x128xf32, #tpu.memory_space<vmem>>) target(%dma_start3A_28 : memref<10240x128xf32, #tpu.memory_space<vmem_shared>>) offsets(%arg10 : memref<200xi32, #tpu.memory_space<vmem>>) semaphore(%run_scoped3A : memref<!tpu.dma_semaphore, #tpu.memory_space<semaphore_mem>>) {add = true}
        %dma_wait3A_29 = arith.constant 0 : i32
        %dma_wait3A_30 = arith.constant 0 : i32
        %dma_wait3A_31 = tpu.memref_slice %arg12[%dma_wait3A_29, %dma_wait3A_30] : memref<10240x128xf32, #tpu.memory_space<vmem_shared>> -> memref<10240x128xf32, #tpu.memory_space<vmem_shared>>
        tpu.wait_indirect_dma semaphore(%run_scoped3A : memref<!tpu.dma_semaphore, #tpu.memory_space<semaphore_mem>>) src(%arg11 : memref<200x128xf32, #tpu.memory_space<vmem>>) dst(%dma_wait3A_31 : memref<10240x128xf32, #tpu.memory_space<vmem_shared>>)
        tpu.yield
      }) : () -> ()
    }
    %scan3A_9 = arith.constant 50 : i32
    %barrier3A_10 = arith.constant 0 : index
    tpu.barrier barrier_id(%barrier3A_10)
    %eq3A = arith.constant 0 : i32
    %eq3A_11 = arith.cmpi eq, %arg0, %eq3A : i32
    %convert_element_type3A = arith.extui %eq3A_11 : i1 to i32
    %cond3A = arith.constant 0 : i32
    %cond3A_12 = arith.cmpi ne, %convert_element_type3A, %cond3A : i32
    scf.if %cond3A_12 {
      "tpu.region"() ({
        %run_scoped3A = tpu.sem_alloc : memref<!tpu.dma_semaphore, #tpu.memory_space<semaphore_mem>>
        %dma_start3A = arith.constant 0 : i32
        %dma_start3A_18 = tpu.memref_slice %arg7[%mul3A_0, %dma_start3A] : memref<10240x128xf32, #tpu.memory_space<hbm>> -> memref<640x128xf32, #tpu.memory_space<hbm>>
        %dma_start3A_19 = arith.constant 0 : i32
        %dma_start3A_20 = tpu.memref_slice %arg12[%mul3A_0, %dma_start3A_19] : memref<10240x128xf32, #tpu.memory_space<vmem_shared>> -> memref<640x128xf32, #tpu.memory_space<vmem_shared>>
        tpu.enqueue_dma source(%dma_start3A_20 : memref<640x128xf32, #tpu.memory_space<vmem_shared>>) target(%dma_start3A_18 : memref<640x128xf32, #tpu.memory_space<hbm>>) target_semaphore(%run_scoped3A : memref<!tpu.dma_semaphore, #tpu.memory_space<semaphore_mem>>)
        %dma_wait3A = arith.constant 0 : i32
        %dma_wait3A_21 = tpu.memref_slice %arg7[%mul3A_0, %dma_wait3A] : memref<10240x128xf32, #tpu.memory_space<hbm>> -> memref<640x128xf32, #tpu.memory_space<hbm>>
        %dma_wait3A_22 = arith.constant 0 : i32
        %dma_wait3A_23 = tpu.memref_slice %arg12[%mul3A_0, %dma_wait3A_22] : memref<10240x128xf32, #tpu.memory_space<vmem_shared>> -> memref<640x128xf32, #tpu.memory_space<vmem_shared>>
        tpu.wait_dma2 semaphore(%run_scoped3A : memref<!tpu.dma_semaphore, #tpu.memory_space<semaphore_mem>>) src(%dma_wait3A_23 : memref<640x128xf32, #tpu.memory_space<vmem_shared>>) dst(%dma_wait3A_21 : memref<640x128xf32, #tpu.memory_space<hbm>>)
        tpu.yield
      }) : () -> ()
    } else {
    }
    %eq3A_13 = arith.constant 1 : i32
    %eq3A_14 = arith.cmpi eq, %arg0, %eq3A_13 : i32
    %convert_element_type3A_15 = arith.extui %eq3A_14 : i1 to i32
    %cond3A_16 = arith.constant 0 : i32
    %cond3A_17 = arith.cmpi ne, %convert_element_type3A_15, %cond3A_16 : i32
    scf.if %cond3A_17 {
      "tpu.region"() ({
        %run_scoped3A = tpu.sem_alloc : memref<!tpu.dma_semaphore, #tpu.memory_space<semaphore_mem>>
        %dma_start3A = arith.constant 0 : i32
        %dma_start3A_18 = tpu.memref_slice %arg8[%mul3A_0, %dma_start3A] : memref<10240x128xf32, #tpu.memory_space<hbm>> -> memref<640x128xf32, #tpu.memory_space<hbm>>
        %dma_start3A_19 = arith.constant 0 : i32
        %dma_start3A_20 = tpu.memref_slice %arg12[%mul3A_0, %dma_start3A_19] : memref<10240x128xf32, #tpu.memory_space<vmem_shared>> -> memref<640x128xf32, #tpu.memory_space<vmem_shared>>
        tpu.enqueue_dma source(%dma_start3A_20 : memref<640x128xf32, #tpu.memory_space<vmem_shared>>) target(%dma_start3A_18 : memref<640x128xf32, #tpu.memory_space<hbm>>) target_semaphore(%run_scoped3A : memref<!tpu.dma_semaphore, #tpu.memory_space<semaphore_mem>>)
        %dma_wait3A = arith.constant 0 : i32
        %dma_wait3A_21 = tpu.memref_slice %arg8[%mul3A_0, %dma_wait3A] : memref<10240x128xf32, #tpu.memory_space<hbm>> -> memref<640x128xf32, #tpu.memory_space<hbm>>
        %dma_wait3A_22 = arith.constant 0 : i32
        %dma_wait3A_23 = tpu.memref_slice %arg12[%mul3A_0, %dma_wait3A_22] : memref<10240x128xf32, #tpu.memory_space<vmem_shared>> -> memref<640x128xf32, #tpu.memory_space<vmem_shared>>
        tpu.wait_dma2 semaphore(%run_scoped3A : memref<!tpu.dma_semaphore, #tpu.memory_space<semaphore_mem>>) src(%dma_wait3A_23 : memref<640x128xf32, #tpu.memory_space<vmem_shared>>) dst(%dma_wait3A_21 : memref<640x128xf32, #tpu.memory_space<hbm>>)
        tpu.yield
      }) : () -> ()
    } else {
    }
    return
  }
}

#map = affine_map<(d0, d1) -> (0, 0)>
#map1 = affine_map<(d0, d1) -> (0)>
module attributes {stable_mosaic.version = 14 : i64} {
  func.func @_agg_es_body(%arg0: i32, %arg1: i32, %arg2: memref<10240x128xf32, #tpu.memory_space<hbm>>, %arg3: memref<320000xi32, #tpu.memory_space<hbm>>, %arg4: memref<320000xi32, #tpu.memory_space<hbm>>, %arg5: memref<10240x128xf32, #tpu.memory_space<hbm>>, %arg6: memref<200x128xf32, #tpu.memory_space<hbm>>, %arg7: memref<10240x128xf32, #tpu.memory_space<hbm>>, %arg8: memref<10240x128xf32, #tpu.memory_space<hbm>>, %arg9: memref<200xi32, #tpu.memory_space<vmem>>, %arg10: memref<200xi32, #tpu.memory_space<vmem>>, %arg11: memref<200x128xf32, #tpu.memory_space<vmem>>, %arg12: memref<10240x128xf32, #tpu.memory_space<vmem_shared>>, %arg13: memref<!tpu.dma_semaphore, #tpu.memory_space<semaphore_mem>>) attributes {dimension_semantics = [#tpu.dimension_semantics<core_parallel>, #tpu.dimension_semantics<subcore_parallel>], iteration_bounds = array<i64: 2, 16>, scalar_prefetch = 0 : i64, scratch_operands = 5 : i64, tpu.core_type = #tpu.core_type<sc_vector_subcore>, window_params = [{transform_indices = #map}, {transform_indices = #map1}, {transform_indices = #map1}, {transform_indices = #map}, {transform_indices = #map}, {transform_indices = #map}, {transform_indices = #map}]} {
    %mul3A = arith.constant 640 : i32
    %mul3A_0 = arith.muli %arg1, %mul3A : i32
    "tpu.region"() ({
      %run_scoped3A = tpu.sem_alloc : memref<!tpu.dma_semaphore, #tpu.memory_space<semaphore_mem>>
      %dma_start3A = arith.constant 0 : i32
      %dma_start3A_18 = tpu.memref_slice %arg12[%mul3A_0, %dma_start3A] : memref<10240x128xf32, #tpu.memory_space<vmem_shared>> -> memref<640x128xf32, #tpu.memory_space<vmem_shared>>
      %dma_start3A_19 = arith.constant 0 : i32
      %dma_start3A_20 = tpu.memref_slice %arg5[%mul3A_0, %dma_start3A_19] : memref<10240x128xf32, #tpu.memory_space<hbm>> -> memref<640x128xf32, #tpu.memory_space<hbm>>
      tpu.enqueue_dma source(%dma_start3A_20 : memref<640x128xf32, #tpu.memory_space<hbm>>) target(%dma_start3A_18 : memref<640x128xf32, #tpu.memory_space<vmem_shared>>) target_semaphore(%run_scoped3A : memref<!tpu.dma_semaphore, #tpu.memory_space<semaphore_mem>>)
      %dma_wait3A = arith.constant 0 : i32
      %dma_wait3A_21 = tpu.memref_slice %arg12[%mul3A_0, %dma_wait3A] : memref<10240x128xf32, #tpu.memory_space<vmem_shared>> -> memref<640x128xf32, #tpu.memory_space<vmem_shared>>
      %dma_wait3A_22 = arith.constant 0 : i32
      %dma_wait3A_23 = tpu.memref_slice %arg5[%mul3A_0, %dma_wait3A_22] : memref<10240x128xf32, #tpu.memory_space<hbm>> -> memref<640x128xf32, #tpu.memory_space<hbm>>
      tpu.wait_dma2 semaphore(%run_scoped3A : memref<!tpu.dma_semaphore, #tpu.memory_space<semaphore_mem>>) src(%dma_wait3A_23 : memref<640x128xf32, #tpu.memory_space<hbm>>) dst(%dma_wait3A_21 : memref<640x128xf32, #tpu.memory_space<vmem_shared>>)
      tpu.yield
    }) : () -> ()
    %barrier3A = arith.constant 0 : index
    tpu.barrier barrier_id(%barrier3A)
    %mul3A_1 = arith.constant 2 : i32
    %mul3A_2 = arith.muli %arg1, %mul3A_1 : i32
    %add3A = arith.addi %mul3A_2, %arg0 : i32
    %mul3A_3 = arith.constant 10000 : i32
    %mul3A_4 = arith.muli %add3A, %mul3A_3 : i32
    %scan3A = arith.constant 0 : i32
    %scan3A_5 = arith.constant 0 : i32
    %scan3A_6 = arith.constant 50 : i32
    %scan3A_7 = arith.addi %scan3A_5, %scan3A_6 : i32
    %scan3A_8 = arith.constant 1 : i32
    scf.for %scan3A_18 = %scan3A_5 to %scan3A_7 step %scan3A_8  : i32 {
      %mul3A_19 = arith.constant 200 : i32
      %mul3A_20 = arith.muli %scan3A_18, %mul3A_19 : i32
      %add3A_21 = arith.addi %mul3A_4, %mul3A_20 : i32
      "tpu.region"() ({
        %run_scoped3A = tpu.sem_alloc : memref<!tpu.dma_semaphore, #tpu.memory_space<semaphore_mem>>
        %dma_start3A_26 = tpu.memref_slice %arg4[%add3A_21] : memref<320000xi32, #tpu.memory_space<hbm>> -> memref<200xi32, #tpu.memory_space<hbm>>
        %dma_start3A_27 = tpu.memref_slice %arg4[%add3A_21] : memref<320000xi32, #tpu.memory_space<hbm>> -> memref<200xi32, #tpu.memory_space<hbm>>
        tpu.enqueue_dma source(%dma_start3A_27 : memref<200xi32, #tpu.memory_space<hbm>>) target(%arg10 : memref<200xi32, #tpu.memory_space<vmem>>) target_semaphore(%run_scoped3A : memref<!tpu.dma_semaphore, #tpu.memory_space<semaphore_mem>>)
        %dma_wait3A_28 = tpu.memref_slice %arg4[%add3A_21] : memref<320000xi32, #tpu.memory_space<hbm>> -> memref<200xi32, #tpu.memory_space<hbm>>
        %dma_wait3A_29 = tpu.memref_slice %arg4[%add3A_21] : memref<320000xi32, #tpu.memory_space<hbm>> -> memref<200xi32, #tpu.memory_space<hbm>>
        tpu.wait_dma2 semaphore(%run_scoped3A : memref<!tpu.dma_semaphore, #tpu.memory_space<semaphore_mem>>) src(%dma_wait3A_29 : memref<200xi32, #tpu.memory_space<hbm>>) dst(%arg10 : memref<200xi32, #tpu.memory_space<vmem>>)
        tpu.yield
      }) : () -> ()
      "tpu.region"() ({
        %run_scoped3A = tpu.sem_alloc : memref<!tpu.dma_semaphore, #tpu.memory_space<semaphore_mem>>
        %dma_start3A_26 = tpu.memref_slice %arg3[%add3A_21] : memref<320000xi32, #tpu.memory_space<hbm>> -> memref<200xi32, #tpu.memory_space<hbm>>
        %dma_start3A_27 = tpu.memref_slice %arg3[%add3A_21] : memref<320000xi32, #tpu.memory_space<hbm>> -> memref<200xi32, #tpu.memory_space<hbm>>
        tpu.enqueue_dma source(%dma_start3A_27 : memref<200xi32, #tpu.memory_space<hbm>>) target(%arg9 : memref<200xi32, #tpu.memory_space<vmem>>) target_semaphore(%run_scoped3A : memref<!tpu.dma_semaphore, #tpu.memory_space<semaphore_mem>>)
        %dma_wait3A_28 = tpu.memref_slice %arg3[%add3A_21] : memref<320000xi32, #tpu.memory_space<hbm>> -> memref<200xi32, #tpu.memory_space<hbm>>
        %dma_wait3A_29 = tpu.memref_slice %arg3[%add3A_21] : memref<320000xi32, #tpu.memory_space<hbm>> -> memref<200xi32, #tpu.memory_space<hbm>>
        tpu.wait_dma2 semaphore(%run_scoped3A : memref<!tpu.dma_semaphore, #tpu.memory_space<semaphore_mem>>) src(%dma_wait3A_29 : memref<200xi32, #tpu.memory_space<hbm>>) dst(%arg9 : memref<200xi32, #tpu.memory_space<vmem>>)
        tpu.yield
      }) : () -> ()
      %dma_start3A = arith.constant 0 : i32
      %dma_start3A_22 = arith.constant 0 : i32
      %dma_start3A_23 = tpu.memref_slice %arg2[%dma_start3A, %dma_start3A_22] : memref<10240x128xf32, #tpu.memory_space<hbm>> -> memref<10240x128xf32, #tpu.memory_space<hbm>>
      tpu.enqueue_indirect_dma source(%dma_start3A_23 : memref<10240x128xf32, #tpu.memory_space<hbm>>) target(%arg11 : memref<200x128xf32, #tpu.memory_space<vmem>>) offsets(%arg9 : memref<200xi32, #tpu.memory_space<vmem>>) semaphore(%arg13 : memref<!tpu.dma_semaphore, #tpu.memory_space<semaphore_mem>>)
      %dma_wait3A = arith.constant 0 : i32
      %dma_wait3A_24 = arith.constant 0 : i32
      %dma_wait3A_25 = tpu.memref_slice %arg2[%dma_wait3A, %dma_wait3A_24] : memref<10240x128xf32, #tpu.memory_space<hbm>> -> memref<10240x128xf32, #tpu.memory_space<hbm>>
      tpu.wait_indirect_dma semaphore(%arg13 : memref<!tpu.dma_semaphore, #tpu.memory_space<semaphore_mem>>) src(%dma_wait3A_25 : memref<10240x128xf32, #tpu.memory_space<hbm>>) dst(%arg11 : memref<200x128xf32, #tpu.memory_space<vmem>>)
      "tpu.region"() ({
        %run_scoped3A = tpu.sem_alloc : memref<!tpu.dma_semaphore, #tpu.memory_space<semaphore_mem>>
        %dma_start3A_26 = arith.constant 0 : i32
        %dma_start3A_27 = arith.constant 0 : i32
        %dma_start3A_28 = tpu.memref_slice %arg12[%dma_start3A_26, %dma_start3A_27] : memref<10240x128xf32, #tpu.memory_space<vmem_shared>> -> memref<10240x128xf32, #tpu.memory_space<vmem_shared>>
        tpu.enqueue_indirect_dma source(%arg11 : memref<200x128xf32, #tpu.memory_space<vmem>>) target(%dma_start3A_28 : memref<10240x128xf32, #tpu.memory_space<vmem_shared>>) offsets(%arg10 : memref<200xi32, #tpu.memory_space<vmem>>) semaphore(%run_scoped3A : memref<!tpu.dma_semaphore, #tpu.memory_space<semaphore_mem>>) {add = true}
        %dma_wait3A_29 = arith.constant 0 : i32
        %dma_wait3A_30 = arith.constant 0 : i32
        %dma_wait3A_31 = tpu.memref_slice %arg12[%dma_wait3A_29, %dma_wait3A_30] : memref<10240x128xf32, #tpu.memory_space<vmem_shared>> -> memref<10240x128xf32, #tpu.memory_space<vmem_shared>>
        tpu.wait_indirect_dma semaphore(%run_scoped3A : memref<!tpu.dma_semaphore, #tpu.memory_space<semaphore_mem>>) src(%arg11 : memref<200x128xf32, #tpu.memory_space<vmem>>) dst(%dma_wait3A_31 : memref<10240x128xf32, #tpu.memory_space<vmem_shared>>)
        tpu.yield
      }) : () -> ()
    }
    %scan3A_9 = arith.constant 50 : i32
    %barrier3A_10 = arith.constant 0 : index
    tpu.barrier barrier_id(%barrier3A_10)
    %eq3A = arith.constant 0 : i32
    %eq3A_11 = arith.cmpi eq, %arg0, %eq3A : i32
    %convert_element_type3A = arith.extui %eq3A_11 : i1 to i32
    %cond3A = arith.constant 0 : i32
    %cond3A_12 = arith.cmpi ne, %convert_element_type3A, %cond3A : i32
    scf.if %cond3A_12 {
      "tpu.region"() ({
        %run_scoped3A = tpu.sem_alloc : memref<!tpu.dma_semaphore, #tpu.memory_space<semaphore_mem>>
        %dma_start3A = arith.constant 0 : i32
        %dma_start3A_18 = tpu.memref_slice %arg7[%mul3A_0, %dma_start3A] : memref<10240x128xf32, #tpu.memory_space<hbm>> -> memref<640x128xf32, #tpu.memory_space<hbm>>
        %dma_start3A_19 = arith.constant 0 : i32
        %dma_start3A_20 = tpu.memref_slice %arg12[%mul3A_0, %dma_start3A_19] : memref<10240x128xf32, #tpu.memory_space<vmem_shared>> -> memref<640x128xf32, #tpu.memory_space<vmem_shared>>
        tpu.enqueue_dma source(%dma_start3A_20 : memref<640x128xf32, #tpu.memory_space<vmem_shared>>) target(%dma_start3A_18 : memref<640x128xf32, #tpu.memory_space<hbm>>) target_semaphore(%run_scoped3A : memref<!tpu.dma_semaphore, #tpu.memory_space<semaphore_mem>>)
        %dma_wait3A = arith.constant 0 : i32
        %dma_wait3A_21 = tpu.memref_slice %arg7[%mul3A_0, %dma_wait3A] : memref<10240x128xf32, #tpu.memory_space<hbm>> -> memref<640x128xf32, #tpu.memory_space<hbm>>
        %dma_wait3A_22 = arith.constant 0 : i32
        %dma_wait3A_23 = tpu.memref_slice %arg12[%mul3A_0, %dma_wait3A_22] : memref<10240x128xf32, #tpu.memory_space<vmem_shared>> -> memref<640x128xf32, #tpu.memory_space<vmem_shared>>
        tpu.wait_dma2 semaphore(%run_scoped3A : memref<!tpu.dma_semaphore, #tpu.memory_space<semaphore_mem>>) src(%dma_wait3A_23 : memref<640x128xf32, #tpu.memory_space<vmem_shared>>) dst(%dma_wait3A_21 : memref<640x128xf32, #tpu.memory_space<hbm>>)
        tpu.yield
      }) : () -> ()
    } else {
    }
    %eq3A_13 = arith.constant 1 : i32
    %eq3A_14 = arith.cmpi eq, %arg0, %eq3A_13 : i32
    %convert_element_type3A_15 = arith.extui %eq3A_14 : i1 to i32
    %cond3A_16 = arith.constant 0 : i32
    %cond3A_17 = arith.cmpi ne, %convert_element_type3A_15, %cond3A_16 : i32
    scf.if %cond3A_17 {
      "tpu.region"() ({
        %run_scoped3A = tpu.sem_alloc : memref<!tpu.dma_semaphore, #tpu.memory_space<semaphore_mem>>
        %dma_start3A = arith.constant 0 : i32
        %dma_start3A_18 = tpu.memref_slice %arg8[%mul3A_0, %dma_start3A] : memref<10240x128xf32, #tpu.memory_space<hbm>> -> memref<640x128xf32, #tpu.memory_space<hbm>>
        %dma_start3A_19 = arith.constant 0 : i32
        %dma_start3A_20 = tpu.memref_slice %arg12[%mul3A_0, %dma_start3A_19] : memref<10240x128xf32, #tpu.memory_space<vmem_shared>> -> memref<640x128xf32, #tpu.memory_space<vmem_shared>>
        tpu.enqueue_dma source(%dma_start3A_20 : memref<640x128xf32, #tpu.memory_space<vmem_shared>>) target(%dma_start3A_18 : memref<640x128xf32, #tpu.memory_space<hbm>>) target_semaphore(%run_scoped3A : memref<!tpu.dma_semaphore, #tpu.memory_space<semaphore_mem>>)
        %dma_wait3A = arith.constant 0 : i32
        %dma_wait3A_21 = tpu.memref_slice %arg8[%mul3A_0, %dma_wait3A] : memref<10240x128xf32, #tpu.memory_space<hbm>> -> memref<640x128xf32, #tpu.memory_space<hbm>>
        %dma_wait3A_22 = arith.constant 0 : i32
        %dma_wait3A_23 = tpu.memref_slice %arg12[%mul3A_0, %dma_wait3A_22] : memref<10240x128xf32, #tpu.memory_space<vmem_shared>> -> memref<640x128xf32, #tpu.memory_space<vmem_shared>>
        tpu.wait_dma2 semaphore(%run_scoped3A : memref<!tpu.dma_semaphore, #tpu.memory_space<semaphore_mem>>) src(%dma_wait3A_23 : memref<640x128xf32, #tpu.memory_space<vmem_shared>>) dst(%dma_wait3A_21 : memref<640x128xf32, #tpu.memory_space<hbm>>)
        tpu.yield
      }) : () -> ()
    } else {
    }
    return
  }
}

#map = affine_map<(d0, d1) -> (0, 0)>
#map1 = affine_map<(d0, d1) -> (0)>
module attributes {stable_mosaic.version = 14 : i64} {
  func.func @_agg_es_body(%arg0: i32, %arg1: i32, %arg2: memref<10240x128xf32, #tpu.memory_space<hbm>>, %arg3: memref<320000xi32, #tpu.memory_space<hbm>>, %arg4: memref<320000xi32, #tpu.memory_space<hbm>>, %arg5: memref<10240x128xf32, #tpu.memory_space<hbm>>, %arg6: memref<200x128xf32, #tpu.memory_space<hbm>>, %arg7: memref<10240x128xf32, #tpu.memory_space<hbm>>, %arg8: memref<10240x128xf32, #tpu.memory_space<hbm>>, %arg9: memref<200xi32, #tpu.memory_space<vmem>>, %arg10: memref<200xi32, #tpu.memory_space<vmem>>, %arg11: memref<200x128xf32, #tpu.memory_space<vmem>>, %arg12: memref<10240x128xf32, #tpu.memory_space<vmem_shared>>, %arg13: memref<!tpu.dma_semaphore, #tpu.memory_space<semaphore_mem>>) attributes {dimension_semantics = [#tpu.dimension_semantics<core_parallel>, #tpu.dimension_semantics<subcore_parallel>], iteration_bounds = array<i64: 2, 16>, scalar_prefetch = 0 : i64, scratch_operands = 5 : i64, tpu.core_type = #tpu.core_type<sc_vector_subcore>, window_params = [{transform_indices = #map}, {transform_indices = #map1}, {transform_indices = #map1}, {transform_indices = #map}, {transform_indices = #map}, {transform_indices = #map}, {transform_indices = #map}]} {
    %mul3A = arith.constant 640 : i32
    %mul3A_0 = arith.muli %arg1, %mul3A : i32
    "tpu.region"() ({
      %run_scoped3A = tpu.sem_alloc : memref<!tpu.dma_semaphore, #tpu.memory_space<semaphore_mem>>
      %dma_start3A = arith.constant 0 : i32
      %dma_start3A_18 = tpu.memref_slice %arg12[%mul3A_0, %dma_start3A] : memref<10240x128xf32, #tpu.memory_space<vmem_shared>> -> memref<640x128xf32, #tpu.memory_space<vmem_shared>>
      %dma_start3A_19 = arith.constant 0 : i32
      %dma_start3A_20 = tpu.memref_slice %arg5[%mul3A_0, %dma_start3A_19] : memref<10240x128xf32, #tpu.memory_space<hbm>> -> memref<640x128xf32, #tpu.memory_space<hbm>>
      tpu.enqueue_dma source(%dma_start3A_20 : memref<640x128xf32, #tpu.memory_space<hbm>>) target(%dma_start3A_18 : memref<640x128xf32, #tpu.memory_space<vmem_shared>>) target_semaphore(%run_scoped3A : memref<!tpu.dma_semaphore, #tpu.memory_space<semaphore_mem>>)
      %dma_wait3A = arith.constant 0 : i32
      %dma_wait3A_21 = tpu.memref_slice %arg12[%mul3A_0, %dma_wait3A] : memref<10240x128xf32, #tpu.memory_space<vmem_shared>> -> memref<640x128xf32, #tpu.memory_space<vmem_shared>>
      %dma_wait3A_22 = arith.constant 0 : i32
      %dma_wait3A_23 = tpu.memref_slice %arg5[%mul3A_0, %dma_wait3A_22] : memref<10240x128xf32, #tpu.memory_space<hbm>> -> memref<640x128xf32, #tpu.memory_space<hbm>>
      tpu.wait_dma2 semaphore(%run_scoped3A : memref<!tpu.dma_semaphore, #tpu.memory_space<semaphore_mem>>) src(%dma_wait3A_23 : memref<640x128xf32, #tpu.memory_space<hbm>>) dst(%dma_wait3A_21 : memref<640x128xf32, #tpu.memory_space<vmem_shared>>)
      tpu.yield
    }) : () -> ()
    %barrier3A = arith.constant 0 : index
    tpu.barrier barrier_id(%barrier3A)
    %mul3A_1 = arith.constant 2 : i32
    %mul3A_2 = arith.muli %arg1, %mul3A_1 : i32
    %add3A = arith.addi %mul3A_2, %arg0 : i32
    %mul3A_3 = arith.constant 10000 : i32
    %mul3A_4 = arith.muli %add3A, %mul3A_3 : i32
    %scan3A = arith.constant 0 : i32
    %scan3A_5 = arith.constant 0 : i32
    %scan3A_6 = arith.constant 50 : i32
    %scan3A_7 = arith.addi %scan3A_5, %scan3A_6 : i32
    %scan3A_8 = arith.constant 1 : i32
    scf.for %scan3A_18 = %scan3A_5 to %scan3A_7 step %scan3A_8  : i32 {
      %mul3A_19 = arith.constant 200 : i32
      %mul3A_20 = arith.muli %scan3A_18, %mul3A_19 : i32
      %add3A_21 = arith.addi %mul3A_4, %mul3A_20 : i32
      "tpu.region"() ({
        %run_scoped3A = tpu.sem_alloc : memref<!tpu.dma_semaphore, #tpu.memory_space<semaphore_mem>>
        %dma_start3A_26 = tpu.memref_slice %arg4[%add3A_21] : memref<320000xi32, #tpu.memory_space<hbm>> -> memref<200xi32, #tpu.memory_space<hbm>>
        %dma_start3A_27 = tpu.memref_slice %arg4[%add3A_21] : memref<320000xi32, #tpu.memory_space<hbm>> -> memref<200xi32, #tpu.memory_space<hbm>>
        tpu.enqueue_dma source(%dma_start3A_27 : memref<200xi32, #tpu.memory_space<hbm>>) target(%arg10 : memref<200xi32, #tpu.memory_space<vmem>>) target_semaphore(%run_scoped3A : memref<!tpu.dma_semaphore, #tpu.memory_space<semaphore_mem>>)
        %dma_wait3A_28 = tpu.memref_slice %arg4[%add3A_21] : memref<320000xi32, #tpu.memory_space<hbm>> -> memref<200xi32, #tpu.memory_space<hbm>>
        %dma_wait3A_29 = tpu.memref_slice %arg4[%add3A_21] : memref<320000xi32, #tpu.memory_space<hbm>> -> memref<200xi32, #tpu.memory_space<hbm>>
        tpu.wait_dma2 semaphore(%run_scoped3A : memref<!tpu.dma_semaphore, #tpu.memory_space<semaphore_mem>>) src(%dma_wait3A_29 : memref<200xi32, #tpu.memory_space<hbm>>) dst(%arg10 : memref<200xi32, #tpu.memory_space<vmem>>)
        tpu.yield
      }) : () -> ()
      "tpu.region"() ({
        %run_scoped3A = tpu.sem_alloc : memref<!tpu.dma_semaphore, #tpu.memory_space<semaphore_mem>>
        %dma_start3A_26 = tpu.memref_slice %arg3[%add3A_21] : memref<320000xi32, #tpu.memory_space<hbm>> -> memref<200xi32, #tpu.memory_space<hbm>>
        %dma_start3A_27 = tpu.memref_slice %arg3[%add3A_21] : memref<320000xi32, #tpu.memory_space<hbm>> -> memref<200xi32, #tpu.memory_space<hbm>>
        tpu.enqueue_dma source(%dma_start3A_27 : memref<200xi32, #tpu.memory_space<hbm>>) target(%arg9 : memref<200xi32, #tpu.memory_space<vmem>>) target_semaphore(%run_scoped3A : memref<!tpu.dma_semaphore, #tpu.memory_space<semaphore_mem>>)
        %dma_wait3A_28 = tpu.memref_slice %arg3[%add3A_21] : memref<320000xi32, #tpu.memory_space<hbm>> -> memref<200xi32, #tpu.memory_space<hbm>>
        %dma_wait3A_29 = tpu.memref_slice %arg3[%add3A_21] : memref<320000xi32, #tpu.memory_space<hbm>> -> memref<200xi32, #tpu.memory_space<hbm>>
        tpu.wait_dma2 semaphore(%run_scoped3A : memref<!tpu.dma_semaphore, #tpu.memory_space<semaphore_mem>>) src(%dma_wait3A_29 : memref<200xi32, #tpu.memory_space<hbm>>) dst(%arg9 : memref<200xi32, #tpu.memory_space<vmem>>)
        tpu.yield
      }) : () -> ()
      %dma_start3A = arith.constant 0 : i32
      %dma_start3A_22 = arith.constant 0 : i32
      %dma_start3A_23 = tpu.memref_slice %arg2[%dma_start3A, %dma_start3A_22] : memref<10240x128xf32, #tpu.memory_space<hbm>> -> memref<10240x128xf32, #tpu.memory_space<hbm>>
      tpu.enqueue_indirect_dma source(%dma_start3A_23 : memref<10240x128xf32, #tpu.memory_space<hbm>>) target(%arg11 : memref<200x128xf32, #tpu.memory_space<vmem>>) offsets(%arg9 : memref<200xi32, #tpu.memory_space<vmem>>) semaphore(%arg13 : memref<!tpu.dma_semaphore, #tpu.memory_space<semaphore_mem>>)
      %dma_wait3A = arith.constant 0 : i32
      %dma_wait3A_24 = arith.constant 0 : i32
      %dma_wait3A_25 = tpu.memref_slice %arg2[%dma_wait3A, %dma_wait3A_24] : memref<10240x128xf32, #tpu.memory_space<hbm>> -> memref<10240x128xf32, #tpu.memory_space<hbm>>
      tpu.wait_indirect_dma semaphore(%arg13 : memref<!tpu.dma_semaphore, #tpu.memory_space<semaphore_mem>>) src(%dma_wait3A_25 : memref<10240x128xf32, #tpu.memory_space<hbm>>) dst(%arg11 : memref<200x128xf32, #tpu.memory_space<vmem>>)
      "tpu.region"() ({
        %run_scoped3A = tpu.sem_alloc : memref<!tpu.dma_semaphore, #tpu.memory_space<semaphore_mem>>
        %dma_start3A_26 = arith.constant 0 : i32
        %dma_start3A_27 = arith.constant 0 : i32
        %dma_start3A_28 = tpu.memref_slice %arg12[%dma_start3A_26, %dma_start3A_27] : memref<10240x128xf32, #tpu.memory_space<vmem_shared>> -> memref<10240x128xf32, #tpu.memory_space<vmem_shared>>
        tpu.enqueue_indirect_dma source(%arg11 : memref<200x128xf32, #tpu.memory_space<vmem>>) target(%dma_start3A_28 : memref<10240x128xf32, #tpu.memory_space<vmem_shared>>) offsets(%arg10 : memref<200xi32, #tpu.memory_space<vmem>>) semaphore(%run_scoped3A : memref<!tpu.dma_semaphore, #tpu.memory_space<semaphore_mem>>) {add = true}
        %dma_wait3A_29 = arith.constant 0 : i32
        %dma_wait3A_30 = arith.constant 0 : i32
        %dma_wait3A_31 = tpu.memref_slice %arg12[%dma_wait3A_29, %dma_wait3A_30] : memref<10240x128xf32, #tpu.memory_space<vmem_shared>> -> memref<10240x128xf32, #tpu.memory_space<vmem_shared>>
        tpu.wait_indirect_dma semaphore(%run_scoped3A : memref<!tpu.dma_semaphore, #tpu.memory_space<semaphore_mem>>) src(%arg11 : memref<200x128xf32, #tpu.memory_space<vmem>>) dst(%dma_wait3A_31 : memref<10240x128xf32, #tpu.memory_space<vmem_shared>>)
        tpu.yield
      }) : () -> ()
    }
    %scan3A_9 = arith.constant 50 : i32
    %barrier3A_10 = arith.constant 0 : index
    tpu.barrier barrier_id(%barrier3A_10)
    %eq3A = arith.constant 0 : i32
    %eq3A_11 = arith.cmpi eq, %arg0, %eq3A : i32
    %convert_element_type3A = arith.extui %eq3A_11 : i1 to i32
    %cond3A = arith.constant 0 : i32
    %cond3A_12 = arith.cmpi ne, %convert_element_type3A, %cond3A : i32
    scf.if %cond3A_12 {
      "tpu.region"() ({
        %run_scoped3A = tpu.sem_alloc : memref<!tpu.dma_semaphore, #tpu.memory_space<semaphore_mem>>
        %dma_start3A = arith.constant 0 : i32
        %dma_start3A_18 = tpu.memref_slice %arg7[%mul3A_0, %dma_start3A] : memref<10240x128xf32, #tpu.memory_space<hbm>> -> memref<640x128xf32, #tpu.memory_space<hbm>>
        %dma_start3A_19 = arith.constant 0 : i32
        %dma_start3A_20 = tpu.memref_slice %arg12[%mul3A_0, %dma_start3A_19] : memref<10240x128xf32, #tpu.memory_space<vmem_shared>> -> memref<640x128xf32, #tpu.memory_space<vmem_shared>>
        tpu.enqueue_dma source(%dma_start3A_20 : memref<640x128xf32, #tpu.memory_space<vmem_shared>>) target(%dma_start3A_18 : memref<640x128xf32, #tpu.memory_space<hbm>>) target_semaphore(%run_scoped3A : memref<!tpu.dma_semaphore, #tpu.memory_space<semaphore_mem>>)
        %dma_wait3A = arith.constant 0 : i32
        %dma_wait3A_21 = tpu.memref_slice %arg7[%mul3A_0, %dma_wait3A] : memref<10240x128xf32, #tpu.memory_space<hbm>> -> memref<640x128xf32, #tpu.memory_space<hbm>>
        %dma_wait3A_22 = arith.constant 0 : i32
        %dma_wait3A_23 = tpu.memref_slice %arg12[%mul3A_0, %dma_wait3A_22] : memref<10240x128xf32, #tpu.memory_space<vmem_shared>> -> memref<640x128xf32, #tpu.memory_space<vmem_shared>>
        tpu.wait_dma2 semaphore(%run_scoped3A : memref<!tpu.dma_semaphore, #tpu.memory_space<semaphore_mem>>) src(%dma_wait3A_23 : memref<640x128xf32, #tpu.memory_space<vmem_shared>>) dst(%dma_wait3A_21 : memref<640x128xf32, #tpu.memory_space<hbm>>)
        tpu.yield
      }) : () -> ()
    } else {
    }
    %eq3A_13 = arith.constant 1 : i32
    %eq3A_14 = arith.cmpi eq, %arg0, %eq3A_13 : i32
    %convert_element_type3A_15 = arith.extui %eq3A_14 : i1 to i32
    %cond3A_16 = arith.constant 0 : i32
    %cond3A_17 = arith.cmpi ne, %convert_element_type3A_15, %cond3A_16 : i32
    scf.if %cond3A_17 {
      "tpu.region"() ({
        %run_scoped3A = tpu.sem_alloc : memref<!tpu.dma_semaphore, #tpu.memory_space<semaphore_mem>>
        %dma_start3A = arith.constant 0 : i32
        %dma_start3A_18 = tpu.memref_slice %arg8[%mul3A_0, %dma_start3A] : memref<10240x128xf32, #tpu.memory_space<hbm>> -> memref<640x128xf32, #tpu.memory_space<hbm>>
        %dma_start3A_19 = arith.constant 0 : i32
        %dma_start3A_20 = tpu.memref_slice %arg12[%mul3A_0, %dma_start3A_19] : memref<10240x128xf32, #tpu.memory_space<vmem_shared>> -> memref<640x128xf32, #tpu.memory_space<vmem_shared>>
        tpu.enqueue_dma source(%dma_start3A_20 : memref<640x128xf32, #tpu.memory_space<vmem_shared>>) target(%dma_start3A_18 : memref<640x128xf32, #tpu.memory_space<hbm>>) target_semaphore(%run_scoped3A : memref<!tpu.dma_semaphore, #tpu.memory_space<semaphore_mem>>)
        %dma_wait3A = arith.constant 0 : i32
        %dma_wait3A_21 = tpu.memref_slice %arg8[%mul3A_0, %dma_wait3A] : memref<10240x128xf32, #tpu.memory_space<hbm>> -> memref<640x128xf32, #tpu.memory_space<hbm>>
        %dma_wait3A_22 = arith.constant 0 : i32
        %dma_wait3A_23 = tpu.memref_slice %arg12[%mul3A_0, %dma_wait3A_22] : memref<10240x128xf32, #tpu.memory_space<vmem_shared>> -> memref<640x128xf32, #tpu.memory_space<vmem_shared>>
        tpu.wait_dma2 semaphore(%run_scoped3A : memref<!tpu.dma_semaphore, #tpu.memory_space<semaphore_mem>>) src(%dma_wait3A_23 : memref<640x128xf32, #tpu.memory_space<vmem_shared>>) dst(%dma_wait3A_21 : memref<640x128xf32, #tpu.memory_space<hbm>>)
        tpu.yield
      }) : () -> ()
    } else {
    }
    return
  }
}

#map = affine_map<(d0, d1) -> (0, 0)>
#map1 = affine_map<(d0, d1) -> (0)>
module attributes {stable_mosaic.version = 14 : i64} {
  func.func @_agg_cs_body(%arg0: i32, %arg1: i32, %arg2: memref<10240x128xf32, #tpu.memory_space<hbm>>, %arg3: memref<10240x128xf32, #tpu.memory_space<hbm>>, %arg4: memref<320000xi32, #tpu.memory_space<hbm>>, %arg5: memref<320000xi32, #tpu.memory_space<hbm>>, %arg6: memref<10240x128xf32, #tpu.memory_space<hbm>>, %arg7: memref<10240x128xf32, #tpu.memory_space<hbm>>, %arg8: memref<10240x128xf32, #tpu.memory_space<hbm>>, %arg9: memref<200xi32, #tpu.memory_space<vmem>>, %arg10: memref<200xi32, #tpu.memory_space<vmem>>, %arg11: memref<200x128xf32, #tpu.memory_space<vmem>>, %arg12: memref<10240x128xf32, #tpu.memory_space<vmem_shared>>, %arg13: memref<!tpu.dma_semaphore, #tpu.memory_space<semaphore_mem>>) attributes {dimension_semantics = [#tpu.dimension_semantics<core_parallel>, #tpu.dimension_semantics<subcore_parallel>], iteration_bounds = array<i64: 2, 16>, scalar_prefetch = 0 : i64, scratch_operands = 5 : i64, tpu.core_type = #tpu.core_type<sc_vector_subcore>, window_params = [{transform_indices = #map}, {transform_indices = #map}, {transform_indices = #map1}, {transform_indices = #map1}, {transform_indices = #map}, {transform_indices = #map}, {transform_indices = #map}]} {
    %mul3A = arith.constant 640 : i32
    %mul3A_0 = arith.muli %arg1, %mul3A : i32
    "tpu.region"() ({
      %run_scoped3A = tpu.sem_alloc : memref<!tpu.dma_semaphore, #tpu.memory_space<semaphore_mem>>
      %dma_start3A = arith.constant 0 : i32
      %dma_start3A_16 = tpu.memref_slice %arg12[%mul3A_0, %dma_start3A] : memref<10240x128xf32, #tpu.memory_space<vmem_shared>> -> memref<640x128xf32, #tpu.memory_space<vmem_shared>>
      %dma_start3A_17 = arith.constant 0 : i32
      %dma_start3A_18 = tpu.memref_slice %arg6[%mul3A_0, %dma_start3A_17] : memref<10240x128xf32, #tpu.memory_space<hbm>> -> memref<640x128xf32, #tpu.memory_space<hbm>>
      tpu.enqueue_dma source(%dma_start3A_18 : memref<640x128xf32, #tpu.memory_space<hbm>>) target(%dma_start3A_16 : memref<640x128xf32, #tpu.memory_space<vmem_shared>>) target_semaphore(%run_scoped3A : memref<!tpu.dma_semaphore, #tpu.memory_space<semaphore_mem>>)
      %dma_wait3A = arith.constant 0 : i32
      %dma_wait3A_19 = tpu.memref_slice %arg12[%mul3A_0, %dma_wait3A] : memref<10240x128xf32, #tpu.memory_space<vmem_shared>> -> memref<640x128xf32, #tpu.memory_space<vmem_shared>>
      %dma_wait3A_20 = arith.constant 0 : i32
      %dma_wait3A_21 = tpu.memref_slice %arg6[%mul3A_0, %dma_wait3A_20] : memref<10240x128xf32, #tpu.memory_space<hbm>> -> memref<640x128xf32, #tpu.memory_space<hbm>>
      tpu.wait_dma2 semaphore(%run_scoped3A : memref<!tpu.dma_semaphore, #tpu.memory_space<semaphore_mem>>) src(%dma_wait3A_21 : memref<640x128xf32, #tpu.memory_space<hbm>>) dst(%dma_wait3A_19 : memref<640x128xf32, #tpu.memory_space<vmem_shared>>)
      tpu.yield
    }) : () -> ()
    %barrier3A = arith.constant 0 : index
    tpu.barrier barrier_id(%barrier3A)
    %mul3A_1 = arith.constant 20000 : i32
    %mul3A_2 = arith.muli %arg1, %mul3A_1 : i32
    %scan3A = arith.constant 0 : i32
    %scan3A_3 = arith.constant 0 : i32
    %scan3A_4 = arith.constant 100 : i32
    %scan3A_5 = arith.addi %scan3A_3, %scan3A_4 : i32
    %scan3A_6 = arith.constant 1 : i32
    scf.for %scan3A_16 = %scan3A_3 to %scan3A_5 step %scan3A_6  : i32 {
      %mul3A_17 = arith.constant 200 : i32
      %mul3A_18 = arith.muli %scan3A_16, %mul3A_17 : i32
      %add3A = arith.addi %mul3A_2, %mul3A_18 : i32
      "tpu.region"() ({
        %run_scoped3A = tpu.sem_alloc : memref<!tpu.dma_semaphore, #tpu.memory_space<semaphore_mem>>
        %dma_start3A = tpu.memref_slice %arg4[%add3A] : memref<320000xi32, #tpu.memory_space<hbm>> -> memref<200xi32, #tpu.memory_space<hbm>>
        %dma_start3A_29 = tpu.memref_slice %arg4[%add3A] : memref<320000xi32, #tpu.memory_space<hbm>> -> memref<200xi32, #tpu.memory_space<hbm>>
        tpu.enqueue_dma source(%dma_start3A_29 : memref<200xi32, #tpu.memory_space<hbm>>) target(%arg9 : memref<200xi32, #tpu.memory_space<vmem>>) target_semaphore(%run_scoped3A : memref<!tpu.dma_semaphore, #tpu.memory_space<semaphore_mem>>)
        %dma_wait3A = tpu.memref_slice %arg4[%add3A] : memref<320000xi32, #tpu.memory_space<hbm>> -> memref<200xi32, #tpu.memory_space<hbm>>
        %dma_wait3A_30 = tpu.memref_slice %arg4[%add3A] : memref<320000xi32, #tpu.memory_space<hbm>> -> memref<200xi32, #tpu.memory_space<hbm>>
        tpu.wait_dma2 semaphore(%run_scoped3A : memref<!tpu.dma_semaphore, #tpu.memory_space<semaphore_mem>>) src(%dma_wait3A_30 : memref<200xi32, #tpu.memory_space<hbm>>) dst(%arg9 : memref<200xi32, #tpu.memory_space<vmem>>)
        tpu.yield
      }) : () -> ()
      "tpu.region"() ({
        %run_scoped3A = tpu.sem_alloc : memref<!tpu.dma_semaphore, #tpu.memory_space<semaphore_mem>>
        %dma_start3A = tpu.memref_slice %arg5[%add3A] : memref<320000xi32, #tpu.memory_space<hbm>> -> memref<200xi32, #tpu.memory_space<hbm>>
        %dma_start3A_29 = tpu.memref_slice %arg5[%add3A] : memref<320000xi32, #tpu.memory_space<hbm>> -> memref<200xi32, #tpu.memory_space<hbm>>
        tpu.enqueue_dma source(%dma_start3A_29 : memref<200xi32, #tpu.memory_space<hbm>>) target(%arg10 : memref<200xi32, #tpu.memory_space<vmem>>) target_semaphore(%run_scoped3A : memref<!tpu.dma_semaphore, #tpu.memory_space<semaphore_mem>>)
        %dma_wait3A = tpu.memref_slice %arg5[%add3A] : memref<320000xi32, #tpu.memory_space<hbm>> -> memref<200xi32, #tpu.memory_space<hbm>>
        %dma_wait3A_30 = tpu.memref_slice %arg5[%add3A] : memref<320000xi32, #tpu.memory_space<hbm>> -> memref<200xi32, #tpu.memory_space<hbm>>
        tpu.wait_dma2 semaphore(%run_scoped3A : memref<!tpu.dma_semaphore, #tpu.memory_space<semaphore_mem>>) src(%dma_wait3A_30 : memref<200xi32, #tpu.memory_space<hbm>>) dst(%arg10 : memref<200xi32, #tpu.memory_space<vmem>>)
        tpu.yield
      }) : () -> ()
      %eq3A_19 = arith.constant 0 : i32
      %eq3A_20 = arith.cmpi eq, %arg0, %eq3A_19 : i32
      %convert_element_type3A_21 = arith.extui %eq3A_20 : i1 to i32
      %cond3A_22 = arith.constant 0 : i32
      %cond3A_23 = arith.cmpi ne, %convert_element_type3A_21, %cond3A_22 : i32
      scf.if %cond3A_23 {
        %dma_start3A = arith.constant 0 : i32
        %dma_start3A_29 = arith.constant 0 : i32
        %dma_start3A_30 = tpu.memref_slice %arg2[%dma_start3A, %dma_start3A_29] : memref<10240x128xf32, #tpu.memory_space<hbm>> -> memref<10240x128xf32, #tpu.memory_space<hbm>>
        tpu.enqueue_indirect_dma source(%dma_start3A_30 : memref<10240x128xf32, #tpu.memory_space<hbm>>) target(%arg11 : memref<200x128xf32, #tpu.memory_space<vmem>>) offsets(%arg9 : memref<200xi32, #tpu.memory_space<vmem>>) semaphore(%arg13 : memref<!tpu.dma_semaphore, #tpu.memory_space<semaphore_mem>>)
        %dma_wait3A = arith.constant 0 : i32
        %dma_wait3A_31 = arith.constant 0 : i32
        %dma_wait3A_32 = tpu.memref_slice %arg2[%dma_wait3A, %dma_wait3A_31] : memref<10240x128xf32, #tpu.memory_space<hbm>> -> memref<10240x128xf32, #tpu.memory_space<hbm>>
        tpu.wait_indirect_dma semaphore(%arg13 : memref<!tpu.dma_semaphore, #tpu.memory_space<semaphore_mem>>) src(%dma_wait3A_32 : memref<10240x128xf32, #tpu.memory_space<hbm>>) dst(%arg11 : memref<200x128xf32, #tpu.memory_space<vmem>>)
      } else {
      }
      %eq3A_24 = arith.constant 1 : i32
      %eq3A_25 = arith.cmpi eq, %arg0, %eq3A_24 : i32
      %convert_element_type3A_26 = arith.extui %eq3A_25 : i1 to i32
      %cond3A_27 = arith.constant 0 : i32
      %cond3A_28 = arith.cmpi ne, %convert_element_type3A_26, %cond3A_27 : i32
      scf.if %cond3A_28 {
        %dma_start3A = arith.constant 0 : i32
        %dma_start3A_29 = arith.constant 0 : i32
        %dma_start3A_30 = tpu.memref_slice %arg3[%dma_start3A, %dma_start3A_29] : memref<10240x128xf32, #tpu.memory_space<hbm>> -> memref<10240x128xf32, #tpu.memory_space<hbm>>
        tpu.enqueue_indirect_dma source(%dma_start3A_30 : memref<10240x128xf32, #tpu.memory_space<hbm>>) target(%arg11 : memref<200x128xf32, #tpu.memory_space<vmem>>) offsets(%arg9 : memref<200xi32, #tpu.memory_space<vmem>>) semaphore(%arg13 : memref<!tpu.dma_semaphore, #tpu.memory_space<semaphore_mem>>)
        %dma_wait3A = arith.constant 0 : i32
        %dma_wait3A_31 = arith.constant 0 : i32
        %dma_wait3A_32 = tpu.memref_slice %arg3[%dma_wait3A, %dma_wait3A_31] : memref<10240x128xf32, #tpu.memory_space<hbm>> -> memref<10240x128xf32, #tpu.memory_space<hbm>>
        tpu.wait_indirect_dma semaphore(%arg13 : memref<!tpu.dma_semaphore, #tpu.memory_space<semaphore_mem>>) src(%dma_wait3A_32 : memref<10240x128xf32, #tpu.memory_space<hbm>>) dst(%arg11 : memref<200x128xf32, #tpu.memory_space<vmem>>)
      } else {
      }
      "tpu.region"() ({
        %run_scoped3A = tpu.sem_alloc : memref<!tpu.dma_semaphore, #tpu.memory_space<semaphore_mem>>
        %dma_start3A = arith.constant 0 : i32
        %dma_start3A_29 = arith.constant 0 : i32
        %dma_start3A_30 = tpu.memref_slice %arg12[%dma_start3A, %dma_start3A_29] : memref<10240x128xf32, #tpu.memory_space<vmem_shared>> -> memref<10240x128xf32, #tpu.memory_space<vmem_shared>>
        tpu.enqueue_indirect_dma source(%arg11 : memref<200x128xf32, #tpu.memory_space<vmem>>) target(%dma_start3A_30 : memref<10240x128xf32, #tpu.memory_space<vmem_shared>>) offsets(%arg10 : memref<200xi32, #tpu.memory_space<vmem>>) semaphore(%run_scoped3A : memref<!tpu.dma_semaphore, #tpu.memory_space<semaphore_mem>>) {add = true}
        %dma_wait3A = arith.constant 0 : i32
        %dma_wait3A_31 = arith.constant 0 : i32
        %dma_wait3A_32 = tpu.memref_slice %arg12[%dma_wait3A, %dma_wait3A_31] : memref<10240x128xf32, #tpu.memory_space<vmem_shared>> -> memref<10240x128xf32, #tpu.memory_space<vmem_shared>>
        tpu.wait_indirect_dma semaphore(%run_scoped3A : memref<!tpu.dma_semaphore, #tpu.memory_space<semaphore_mem>>) src(%arg11 : memref<200x128xf32, #tpu.memory_space<vmem>>) dst(%dma_wait3A_32 : memref<10240x128xf32, #tpu.memory_space<vmem_shared>>)
        tpu.yield
      }) : () -> ()
    }
    %scan3A_7 = arith.constant 100 : i32
    %barrier3A_8 = arith.constant 0 : index
    tpu.barrier barrier_id(%barrier3A_8)
    %eq3A = arith.constant 0 : i32
    %eq3A_9 = arith.cmpi eq, %arg0, %eq3A : i32
    %convert_element_type3A = arith.extui %eq3A_9 : i1 to i32
    %cond3A = arith.constant 0 : i32
    %cond3A_10 = arith.cmpi ne, %convert_element_type3A, %cond3A : i32
    scf.if %cond3A_10 {
      "tpu.region"() ({
        %run_scoped3A = tpu.sem_alloc : memref<!tpu.dma_semaphore, #tpu.memory_space<semaphore_mem>>
        %dma_start3A = arith.constant 0 : i32
        %dma_start3A_16 = tpu.memref_slice %arg7[%mul3A_0, %dma_start3A] : memref<10240x128xf32, #tpu.memory_space<hbm>> -> memref<640x128xf32, #tpu.memory_space<hbm>>
        %dma_start3A_17 = arith.constant 0 : i32
        %dma_start3A_18 = tpu.memref_slice %arg12[%mul3A_0, %dma_start3A_17] : memref<10240x128xf32, #tpu.memory_space<vmem_shared>> -> memref<640x128xf32, #tpu.memory_space<vmem_shared>>
        tpu.enqueue_dma source(%dma_start3A_18 : memref<640x128xf32, #tpu.memory_space<vmem_shared>>) target(%dma_start3A_16 : memref<640x128xf32, #tpu.memory_space<hbm>>) target_semaphore(%run_scoped3A : memref<!tpu.dma_semaphore, #tpu.memory_space<semaphore_mem>>)
        %dma_wait3A = arith.constant 0 : i32
        %dma_wait3A_19 = tpu.memref_slice %arg7[%mul3A_0, %dma_wait3A] : memref<10240x128xf32, #tpu.memory_space<hbm>> -> memref<640x128xf32, #tpu.memory_space<hbm>>
        %dma_wait3A_20 = arith.constant 0 : i32
        %dma_wait3A_21 = tpu.memref_slice %arg12[%mul3A_0, %dma_wait3A_20] : memref<10240x128xf32, #tpu.memory_space<vmem_shared>> -> memref<640x128xf32, #tpu.memory_space<vmem_shared>>
        tpu.wait_dma2 semaphore(%run_scoped3A : memref<!tpu.dma_semaphore, #tpu.memory_space<semaphore_mem>>) src(%dma_wait3A_21 : memref<640x128xf32, #tpu.memory_space<vmem_shared>>) dst(%dma_wait3A_19 : memref<640x128xf32, #tpu.memory_space<hbm>>)
        tpu.yield
      }) : () -> ()
    } else {
    }
    %eq3A_11 = arith.constant 1 : i32
    %eq3A_12 = arith.cmpi eq, %arg0, %eq3A_11 : i32
    %convert_element_type3A_13 = arith.extui %eq3A_12 : i1 to i32
    %cond3A_14 = arith.constant 0 : i32
    %cond3A_15 = arith.cmpi ne, %convert_element_type3A_13, %cond3A_14 : i32
    scf.if %cond3A_15 {
      "tpu.region"() ({
        %run_scoped3A = tpu.sem_alloc : memref<!tpu.dma_semaphore, #tpu.memory_space<semaphore_mem>>
        %dma_start3A = arith.constant 0 : i32
        %dma_start3A_16 = tpu.memref_slice %arg8[%mul3A_0, %dma_start3A] : memref<10240x128xf32, #tpu.memory_space<hbm>> -> memref<640x128xf32, #tpu.memory_space<hbm>>
        %dma_start3A_17 = arith.constant 0 : i32
        %dma_start3A_18 = tpu.memref_slice %arg12[%mul3A_0, %dma_start3A_17] : memref<10240x128xf32, #tpu.memory_space<vmem_shared>> -> memref<640x128xf32, #tpu.memory_space<vmem_shared>>
        tpu.enqueue_dma source(%dma_start3A_18 : memref<640x128xf32, #tpu.memory_space<vmem_shared>>) target(%dma_start3A_16 : memref<640x128xf32, #tpu.memory_space<hbm>>) target_semaphore(%run_scoped3A : memref<!tpu.dma_semaphore, #tpu.memory_space<semaphore_mem>>)
        %dma_wait3A = arith.constant 0 : i32
        %dma_wait3A_19 = tpu.memref_slice %arg8[%mul3A_0, %dma_wait3A] : memref<10240x128xf32, #tpu.memory_space<hbm>> -> memref<640x128xf32, #tpu.memory_space<hbm>>
        %dma_wait3A_20 = arith.constant 0 : i32
        %dma_wait3A_21 = tpu.memref_slice %arg12[%mul3A_0, %dma_wait3A_20] : memref<10240x128xf32, #tpu.memory_space<vmem_shared>> -> memref<640x128xf32, #tpu.memory_space<vmem_shared>>
        tpu.wait_dma2 semaphore(%run_scoped3A : memref<!tpu.dma_semaphore, #tpu.memory_space<semaphore_mem>>) src(%dma_wait3A_21 : memref<640x128xf32, #tpu.memory_space<vmem_shared>>) dst(%dma_wait3A_19 : memref<640x128xf32, #tpu.memory_space<hbm>>)
        tpu.yield
      }) : () -> ()
    } else {
    }
    return
  }
}

#map = affine_map<(d0, d1) -> (0, 0)>
#map1 = affine_map<(d0, d1) -> (0)>
module attributes {stable_mosaic.version = 14 : i64} {
  func.func @_agg_cs_body(%arg0: i32, %arg1: i32, %arg2: memref<10240x128xf32, #tpu.memory_space<hbm>>, %arg3: memref<10240x128xf32, #tpu.memory_space<hbm>>, %arg4: memref<320000xi32, #tpu.memory_space<hbm>>, %arg5: memref<320000xi32, #tpu.memory_space<hbm>>, %arg6: memref<10240x128xf32, #tpu.memory_space<hbm>>, %arg7: memref<10240x128xf32, #tpu.memory_space<hbm>>, %arg8: memref<10240x128xf32, #tpu.memory_space<hbm>>, %arg9: memref<200xi32, #tpu.memory_space<vmem>>, %arg10: memref<200xi32, #tpu.memory_space<vmem>>, %arg11: memref<200x128xf32, #tpu.memory_space<vmem>>, %arg12: memref<10240x128xf32, #tpu.memory_space<vmem_shared>>, %arg13: memref<!tpu.dma_semaphore, #tpu.memory_space<semaphore_mem>>) attributes {dimension_semantics = [#tpu.dimension_semantics<core_parallel>, #tpu.dimension_semantics<subcore_parallel>], iteration_bounds = array<i64: 2, 16>, scalar_prefetch = 0 : i64, scratch_operands = 5 : i64, tpu.core_type = #tpu.core_type<sc_vector_subcore>, window_params = [{transform_indices = #map}, {transform_indices = #map}, {transform_indices = #map1}, {transform_indices = #map1}, {transform_indices = #map}, {transform_indices = #map}, {transform_indices = #map}]} {
    %mul3A = arith.constant 640 : i32
    %mul3A_0 = arith.muli %arg1, %mul3A : i32
    "tpu.region"() ({
      %run_scoped3A = tpu.sem_alloc : memref<!tpu.dma_semaphore, #tpu.memory_space<semaphore_mem>>
      %dma_start3A = arith.constant 0 : i32
      %dma_start3A_16 = tpu.memref_slice %arg12[%mul3A_0, %dma_start3A] : memref<10240x128xf32, #tpu.memory_space<vmem_shared>> -> memref<640x128xf32, #tpu.memory_space<vmem_shared>>
      %dma_start3A_17 = arith.constant 0 : i32
      %dma_start3A_18 = tpu.memref_slice %arg6[%mul3A_0, %dma_start3A_17] : memref<10240x128xf32, #tpu.memory_space<hbm>> -> memref<640x128xf32, #tpu.memory_space<hbm>>
      tpu.enqueue_dma source(%dma_start3A_18 : memref<640x128xf32, #tpu.memory_space<hbm>>) target(%dma_start3A_16 : memref<640x128xf32, #tpu.memory_space<vmem_shared>>) target_semaphore(%run_scoped3A : memref<!tpu.dma_semaphore, #tpu.memory_space<semaphore_mem>>)
      %dma_wait3A = arith.constant 0 : i32
      %dma_wait3A_19 = tpu.memref_slice %arg12[%mul3A_0, %dma_wait3A] : memref<10240x128xf32, #tpu.memory_space<vmem_shared>> -> memref<640x128xf32, #tpu.memory_space<vmem_shared>>
      %dma_wait3A_20 = arith.constant 0 : i32
      %dma_wait3A_21 = tpu.memref_slice %arg6[%mul3A_0, %dma_wait3A_20] : memref<10240x128xf32, #tpu.memory_space<hbm>> -> memref<640x128xf32, #tpu.memory_space<hbm>>
      tpu.wait_dma2 semaphore(%run_scoped3A : memref<!tpu.dma_semaphore, #tpu.memory_space<semaphore_mem>>) src(%dma_wait3A_21 : memref<640x128xf32, #tpu.memory_space<hbm>>) dst(%dma_wait3A_19 : memref<640x128xf32, #tpu.memory_space<vmem_shared>>)
      tpu.yield
    }) : () -> ()
    %barrier3A = arith.constant 0 : index
    tpu.barrier barrier_id(%barrier3A)
    %mul3A_1 = arith.constant 20000 : i32
    %mul3A_2 = arith.muli %arg1, %mul3A_1 : i32
    %scan3A = arith.constant 0 : i32
    %scan3A_3 = arith.constant 0 : i32
    %scan3A_4 = arith.constant 100 : i32
    %scan3A_5 = arith.addi %scan3A_3, %scan3A_4 : i32
    %scan3A_6 = arith.constant 1 : i32
    scf.for %scan3A_16 = %scan3A_3 to %scan3A_5 step %scan3A_6  : i32 {
      %mul3A_17 = arith.constant 200 : i32
      %mul3A_18 = arith.muli %scan3A_16, %mul3A_17 : i32
      %add3A = arith.addi %mul3A_2, %mul3A_18 : i32
      "tpu.region"() ({
        %run_scoped3A = tpu.sem_alloc : memref<!tpu.dma_semaphore, #tpu.memory_space<semaphore_mem>>
        %dma_start3A = tpu.memref_slice %arg4[%add3A] : memref<320000xi32, #tpu.memory_space<hbm>> -> memref<200xi32, #tpu.memory_space<hbm>>
        %dma_start3A_29 = tpu.memref_slice %arg4[%add3A] : memref<320000xi32, #tpu.memory_space<hbm>> -> memref<200xi32, #tpu.memory_space<hbm>>
        tpu.enqueue_dma source(%dma_start3A_29 : memref<200xi32, #tpu.memory_space<hbm>>) target(%arg9 : memref<200xi32, #tpu.memory_space<vmem>>) target_semaphore(%run_scoped3A : memref<!tpu.dma_semaphore, #tpu.memory_space<semaphore_mem>>)
        %dma_wait3A = tpu.memref_slice %arg4[%add3A] : memref<320000xi32, #tpu.memory_space<hbm>> -> memref<200xi32, #tpu.memory_space<hbm>>
        %dma_wait3A_30 = tpu.memref_slice %arg4[%add3A] : memref<320000xi32, #tpu.memory_space<hbm>> -> memref<200xi32, #tpu.memory_space<hbm>>
        tpu.wait_dma2 semaphore(%run_scoped3A : memref<!tpu.dma_semaphore, #tpu.memory_space<semaphore_mem>>) src(%dma_wait3A_30 : memref<200xi32, #tpu.memory_space<hbm>>) dst(%arg9 : memref<200xi32, #tpu.memory_space<vmem>>)
        tpu.yield
      }) : () -> ()
      "tpu.region"() ({
        %run_scoped3A = tpu.sem_alloc : memref<!tpu.dma_semaphore, #tpu.memory_space<semaphore_mem>>
        %dma_start3A = tpu.memref_slice %arg5[%add3A] : memref<320000xi32, #tpu.memory_space<hbm>> -> memref<200xi32, #tpu.memory_space<hbm>>
        %dma_start3A_29 = tpu.memref_slice %arg5[%add3A] : memref<320000xi32, #tpu.memory_space<hbm>> -> memref<200xi32, #tpu.memory_space<hbm>>
        tpu.enqueue_dma source(%dma_start3A_29 : memref<200xi32, #tpu.memory_space<hbm>>) target(%arg10 : memref<200xi32, #tpu.memory_space<vmem>>) target_semaphore(%run_scoped3A : memref<!tpu.dma_semaphore, #tpu.memory_space<semaphore_mem>>)
        %dma_wait3A = tpu.memref_slice %arg5[%add3A] : memref<320000xi32, #tpu.memory_space<hbm>> -> memref<200xi32, #tpu.memory_space<hbm>>
        %dma_wait3A_30 = tpu.memref_slice %arg5[%add3A] : memref<320000xi32, #tpu.memory_space<hbm>> -> memref<200xi32, #tpu.memory_space<hbm>>
        tpu.wait_dma2 semaphore(%run_scoped3A : memref<!tpu.dma_semaphore, #tpu.memory_space<semaphore_mem>>) src(%dma_wait3A_30 : memref<200xi32, #tpu.memory_space<hbm>>) dst(%arg10 : memref<200xi32, #tpu.memory_space<vmem>>)
        tpu.yield
      }) : () -> ()
      %eq3A_19 = arith.constant 0 : i32
      %eq3A_20 = arith.cmpi eq, %arg0, %eq3A_19 : i32
      %convert_element_type3A_21 = arith.extui %eq3A_20 : i1 to i32
      %cond3A_22 = arith.constant 0 : i32
      %cond3A_23 = arith.cmpi ne, %convert_element_type3A_21, %cond3A_22 : i32
      scf.if %cond3A_23 {
        %dma_start3A = arith.constant 0 : i32
        %dma_start3A_29 = arith.constant 0 : i32
        %dma_start3A_30 = tpu.memref_slice %arg2[%dma_start3A, %dma_start3A_29] : memref<10240x128xf32, #tpu.memory_space<hbm>> -> memref<10240x128xf32, #tpu.memory_space<hbm>>
        tpu.enqueue_indirect_dma source(%dma_start3A_30 : memref<10240x128xf32, #tpu.memory_space<hbm>>) target(%arg11 : memref<200x128xf32, #tpu.memory_space<vmem>>) offsets(%arg9 : memref<200xi32, #tpu.memory_space<vmem>>) semaphore(%arg13 : memref<!tpu.dma_semaphore, #tpu.memory_space<semaphore_mem>>)
        %dma_wait3A = arith.constant 0 : i32
        %dma_wait3A_31 = arith.constant 0 : i32
        %dma_wait3A_32 = tpu.memref_slice %arg2[%dma_wait3A, %dma_wait3A_31] : memref<10240x128xf32, #tpu.memory_space<hbm>> -> memref<10240x128xf32, #tpu.memory_space<hbm>>
        tpu.wait_indirect_dma semaphore(%arg13 : memref<!tpu.dma_semaphore, #tpu.memory_space<semaphore_mem>>) src(%dma_wait3A_32 : memref<10240x128xf32, #tpu.memory_space<hbm>>) dst(%arg11 : memref<200x128xf32, #tpu.memory_space<vmem>>)
      } else {
      }
      %eq3A_24 = arith.constant 1 : i32
      %eq3A_25 = arith.cmpi eq, %arg0, %eq3A_24 : i32
      %convert_element_type3A_26 = arith.extui %eq3A_25 : i1 to i32
      %cond3A_27 = arith.constant 0 : i32
      %cond3A_28 = arith.cmpi ne, %convert_element_type3A_26, %cond3A_27 : i32
      scf.if %cond3A_28 {
        %dma_start3A = arith.constant 0 : i32
        %dma_start3A_29 = arith.constant 0 : i32
        %dma_start3A_30 = tpu.memref_slice %arg3[%dma_start3A, %dma_start3A_29] : memref<10240x128xf32, #tpu.memory_space<hbm>> -> memref<10240x128xf32, #tpu.memory_space<hbm>>
        tpu.enqueue_indirect_dma source(%dma_start3A_30 : memref<10240x128xf32, #tpu.memory_space<hbm>>) target(%arg11 : memref<200x128xf32, #tpu.memory_space<vmem>>) offsets(%arg9 : memref<200xi32, #tpu.memory_space<vmem>>) semaphore(%arg13 : memref<!tpu.dma_semaphore, #tpu.memory_space<semaphore_mem>>)
        %dma_wait3A = arith.constant 0 : i32
        %dma_wait3A_31 = arith.constant 0 : i32
        %dma_wait3A_32 = tpu.memref_slice %arg3[%dma_wait3A, %dma_wait3A_31] : memref<10240x128xf32, #tpu.memory_space<hbm>> -> memref<10240x128xf32, #tpu.memory_space<hbm>>
        tpu.wait_indirect_dma semaphore(%arg13 : memref<!tpu.dma_semaphore, #tpu.memory_space<semaphore_mem>>) src(%dma_wait3A_32 : memref<10240x128xf32, #tpu.memory_space<hbm>>) dst(%arg11 : memref<200x128xf32, #tpu.memory_space<vmem>>)
      } else {
      }
      "tpu.region"() ({
        %run_scoped3A = tpu.sem_alloc : memref<!tpu.dma_semaphore, #tpu.memory_space<semaphore_mem>>
        %dma_start3A = arith.constant 0 : i32
        %dma_start3A_29 = arith.constant 0 : i32
        %dma_start3A_30 = tpu.memref_slice %arg12[%dma_start3A, %dma_start3A_29] : memref<10240x128xf32, #tpu.memory_space<vmem_shared>> -> memref<10240x128xf32, #tpu.memory_space<vmem_shared>>
        tpu.enqueue_indirect_dma source(%arg11 : memref<200x128xf32, #tpu.memory_space<vmem>>) target(%dma_start3A_30 : memref<10240x128xf32, #tpu.memory_space<vmem_shared>>) offsets(%arg10 : memref<200xi32, #tpu.memory_space<vmem>>) semaphore(%run_scoped3A : memref<!tpu.dma_semaphore, #tpu.memory_space<semaphore_mem>>) {add = true}
        %dma_wait3A = arith.constant 0 : i32
        %dma_wait3A_31 = arith.constant 0 : i32
        %dma_wait3A_32 = tpu.memref_slice %arg12[%dma_wait3A, %dma_wait3A_31] : memref<10240x128xf32, #tpu.memory_space<vmem_shared>> -> memref<10240x128xf32, #tpu.memory_space<vmem_shared>>
        tpu.wait_indirect_dma semaphore(%run_scoped3A : memref<!tpu.dma_semaphore, #tpu.memory_space<semaphore_mem>>) src(%arg11 : memref<200x128xf32, #tpu.memory_space<vmem>>) dst(%dma_wait3A_32 : memref<10240x128xf32, #tpu.memory_space<vmem_shared>>)
        tpu.yield
      }) : () -> ()
    }
    %scan3A_7 = arith.constant 100 : i32
    %barrier3A_8 = arith.constant 0 : index
    tpu.barrier barrier_id(%barrier3A_8)
    %eq3A = arith.constant 0 : i32
    %eq3A_9 = arith.cmpi eq, %arg0, %eq3A : i32
    %convert_element_type3A = arith.extui %eq3A_9 : i1 to i32
    %cond3A = arith.constant 0 : i32
    %cond3A_10 = arith.cmpi ne, %convert_element_type3A, %cond3A : i32
    scf.if %cond3A_10 {
      "tpu.region"() ({
        %run_scoped3A = tpu.sem_alloc : memref<!tpu.dma_semaphore, #tpu.memory_space<semaphore_mem>>
        %dma_start3A = arith.constant 0 : i32
        %dma_start3A_16 = tpu.memref_slice %arg7[%mul3A_0, %dma_start3A] : memref<10240x128xf32, #tpu.memory_space<hbm>> -> memref<640x128xf32, #tpu.memory_space<hbm>>
        %dma_start3A_17 = arith.constant 0 : i32
        %dma_start3A_18 = tpu.memref_slice %arg12[%mul3A_0, %dma_start3A_17] : memref<10240x128xf32, #tpu.memory_space<vmem_shared>> -> memref<640x128xf32, #tpu.memory_space<vmem_shared>>
        tpu.enqueue_dma source(%dma_start3A_18 : memref<640x128xf32, #tpu.memory_space<vmem_shared>>) target(%dma_start3A_16 : memref<640x128xf32, #tpu.memory_space<hbm>>) target_semaphore(%run_scoped3A : memref<!tpu.dma_semaphore, #tpu.memory_space<semaphore_mem>>)
        %dma_wait3A = arith.constant 0 : i32
        %dma_wait3A_19 = tpu.memref_slice %arg7[%mul3A_0, %dma_wait3A] : memref<10240x128xf32, #tpu.memory_space<hbm>> -> memref<640x128xf32, #tpu.memory_space<hbm>>
        %dma_wait3A_20 = arith.constant 0 : i32
        %dma_wait3A_21 = tpu.memref_slice %arg12[%mul3A_0, %dma_wait3A_20] : memref<10240x128xf32, #tpu.memory_space<vmem_shared>> -> memref<640x128xf32, #tpu.memory_space<vmem_shared>>
        tpu.wait_dma2 semaphore(%run_scoped3A : memref<!tpu.dma_semaphore, #tpu.memory_space<semaphore_mem>>) src(%dma_wait3A_21 : memref<640x128xf32, #tpu.memory_space<vmem_shared>>) dst(%dma_wait3A_19 : memref<640x128xf32, #tpu.memory_space<hbm>>)
        tpu.yield
      }) : () -> ()
    } else {
    }
    %eq3A_11 = arith.constant 1 : i32
    %eq3A_12 = arith.cmpi eq, %arg0, %eq3A_11 : i32
    %convert_element_type3A_13 = arith.extui %eq3A_12 : i1 to i32
    %cond3A_14 = arith.constant 0 : i32
    %cond3A_15 = arith.cmpi ne, %convert_element_type3A_13, %cond3A_14 : i32
    scf.if %cond3A_15 {
      "tpu.region"() ({
        %run_scoped3A = tpu.sem_alloc : memref<!tpu.dma_semaphore, #tpu.memory_space<semaphore_mem>>
        %dma_start3A = arith.constant 0 : i32
        %dma_start3A_16 = tpu.memref_slice %arg8[%mul3A_0, %dma_start3A] : memref<10240x128xf32, #tpu.memory_space<hbm>> -> memref<640x128xf32, #tpu.memory_space<hbm>>
        %dma_start3A_17 = arith.constant 0 : i32
        %dma_start3A_18 = tpu.memref_slice %arg12[%mul3A_0, %dma_start3A_17] : memref<10240x128xf32, #tpu.memory_space<vmem_shared>> -> memref<640x128xf32, #tpu.memory_space<vmem_shared>>
        tpu.enqueue_dma source(%dma_start3A_18 : memref<640x128xf32, #tpu.memory_space<vmem_shared>>) target(%dma_start3A_16 : memref<640x128xf32, #tpu.memory_space<hbm>>) target_semaphore(%run_scoped3A : memref<!tpu.dma_semaphore, #tpu.memory_space<semaphore_mem>>)
        %dma_wait3A = arith.constant 0 : i32
        %dma_wait3A_19 = tpu.memref_slice %arg8[%mul3A_0, %dma_wait3A] : memref<10240x128xf32, #tpu.memory_space<hbm>> -> memref<640x128xf32, #tpu.memory_space<hbm>>
        %dma_wait3A_20 = arith.constant 0 : i32
        %dma_wait3A_21 = tpu.memref_slice %arg12[%mul3A_0, %dma_wait3A_20] : memref<10240x128xf32, #tpu.memory_space<vmem_shared>> -> memref<640x128xf32, #tpu.memory_space<vmem_shared>>
        tpu.wait_dma2 semaphore(%run_scoped3A : memref<!tpu.dma_semaphore, #tpu.memory_space<semaphore_mem>>) src(%dma_wait3A_21 : memref<640x128xf32, #tpu.memory_space<vmem_shared>>) dst(%dma_wait3A_19 : memref<640x128xf32, #tpu.memory_space<hbm>>)
        tpu.yield
      }) : () -> ()
    } else {
    }
    return
  }
}

#map = affine_map<(d0, d1) -> (0, 0)>
#map1 = affine_map<(d0, d1) -> (0)>
module attributes {stable_mosaic.version = 14 : i64} {
  func.func @_agg_cs_body(%arg0: i32, %arg1: i32, %arg2: memref<10240x128xf32, #tpu.memory_space<hbm>>, %arg3: memref<10240x128xf32, #tpu.memory_space<hbm>>, %arg4: memref<320000xi32, #tpu.memory_space<hbm>>, %arg5: memref<320000xi32, #tpu.memory_space<hbm>>, %arg6: memref<10240x128xf32, #tpu.memory_space<hbm>>, %arg7: memref<10240x128xf32, #tpu.memory_space<hbm>>, %arg8: memref<10240x128xf32, #tpu.memory_space<hbm>>, %arg9: memref<200xi32, #tpu.memory_space<vmem>>, %arg10: memref<200xi32, #tpu.memory_space<vmem>>, %arg11: memref<200x128xf32, #tpu.memory_space<vmem>>, %arg12: memref<10240x128xf32, #tpu.memory_space<vmem_shared>>, %arg13: memref<!tpu.dma_semaphore, #tpu.memory_space<semaphore_mem>>) attributes {dimension_semantics = [#tpu.dimension_semantics<core_parallel>, #tpu.dimension_semantics<subcore_parallel>], iteration_bounds = array<i64: 2, 16>, scalar_prefetch = 0 : i64, scratch_operands = 5 : i64, tpu.core_type = #tpu.core_type<sc_vector_subcore>, window_params = [{transform_indices = #map}, {transform_indices = #map}, {transform_indices = #map1}, {transform_indices = #map1}, {transform_indices = #map}, {transform_indices = #map}, {transform_indices = #map}]} {
    %mul3A = arith.constant 640 : i32
    %mul3A_0 = arith.muli %arg1, %mul3A : i32
    "tpu.region"() ({
      %run_scoped3A = tpu.sem_alloc : memref<!tpu.dma_semaphore, #tpu.memory_space<semaphore_mem>>
      %dma_start3A = arith.constant 0 : i32
      %dma_start3A_16 = tpu.memref_slice %arg12[%mul3A_0, %dma_start3A] : memref<10240x128xf32, #tpu.memory_space<vmem_shared>> -> memref<640x128xf32, #tpu.memory_space<vmem_shared>>
      %dma_start3A_17 = arith.constant 0 : i32
      %dma_start3A_18 = tpu.memref_slice %arg6[%mul3A_0, %dma_start3A_17] : memref<10240x128xf32, #tpu.memory_space<hbm>> -> memref<640x128xf32, #tpu.memory_space<hbm>>
      tpu.enqueue_dma source(%dma_start3A_18 : memref<640x128xf32, #tpu.memory_space<hbm>>) target(%dma_start3A_16 : memref<640x128xf32, #tpu.memory_space<vmem_shared>>) target_semaphore(%run_scoped3A : memref<!tpu.dma_semaphore, #tpu.memory_space<semaphore_mem>>)
      %dma_wait3A = arith.constant 0 : i32
      %dma_wait3A_19 = tpu.memref_slice %arg12[%mul3A_0, %dma_wait3A] : memref<10240x128xf32, #tpu.memory_space<vmem_shared>> -> memref<640x128xf32, #tpu.memory_space<vmem_shared>>
      %dma_wait3A_20 = arith.constant 0 : i32
      %dma_wait3A_21 = tpu.memref_slice %arg6[%mul3A_0, %dma_wait3A_20] : memref<10240x128xf32, #tpu.memory_space<hbm>> -> memref<640x128xf32, #tpu.memory_space<hbm>>
      tpu.wait_dma2 semaphore(%run_scoped3A : memref<!tpu.dma_semaphore, #tpu.memory_space<semaphore_mem>>) src(%dma_wait3A_21 : memref<640x128xf32, #tpu.memory_space<hbm>>) dst(%dma_wait3A_19 : memref<640x128xf32, #tpu.memory_space<vmem_shared>>)
      tpu.yield
    }) : () -> ()
    %barrier3A = arith.constant 0 : index
    tpu.barrier barrier_id(%barrier3A)
    %mul3A_1 = arith.constant 20000 : i32
    %mul3A_2 = arith.muli %arg1, %mul3A_1 : i32
    %scan3A = arith.constant 0 : i32
    %scan3A_3 = arith.constant 0 : i32
    %scan3A_4 = arith.constant 100 : i32
    %scan3A_5 = arith.addi %scan3A_3, %scan3A_4 : i32
    %scan3A_6 = arith.constant 1 : i32
    scf.for %scan3A_16 = %scan3A_3 to %scan3A_5 step %scan3A_6  : i32 {
      %mul3A_17 = arith.constant 200 : i32
      %mul3A_18 = arith.muli %scan3A_16, %mul3A_17 : i32
      %add3A = arith.addi %mul3A_2, %mul3A_18 : i32
      "tpu.region"() ({
        %run_scoped3A = tpu.sem_alloc : memref<!tpu.dma_semaphore, #tpu.memory_space<semaphore_mem>>
        %dma_start3A = tpu.memref_slice %arg4[%add3A] : memref<320000xi32, #tpu.memory_space<hbm>> -> memref<200xi32, #tpu.memory_space<hbm>>
        %dma_start3A_29 = tpu.memref_slice %arg4[%add3A] : memref<320000xi32, #tpu.memory_space<hbm>> -> memref<200xi32, #tpu.memory_space<hbm>>
        tpu.enqueue_dma source(%dma_start3A_29 : memref<200xi32, #tpu.memory_space<hbm>>) target(%arg9 : memref<200xi32, #tpu.memory_space<vmem>>) target_semaphore(%run_scoped3A : memref<!tpu.dma_semaphore, #tpu.memory_space<semaphore_mem>>)
        %dma_wait3A = tpu.memref_slice %arg4[%add3A] : memref<320000xi32, #tpu.memory_space<hbm>> -> memref<200xi32, #tpu.memory_space<hbm>>
        %dma_wait3A_30 = tpu.memref_slice %arg4[%add3A] : memref<320000xi32, #tpu.memory_space<hbm>> -> memref<200xi32, #tpu.memory_space<hbm>>
        tpu.wait_dma2 semaphore(%run_scoped3A : memref<!tpu.dma_semaphore, #tpu.memory_space<semaphore_mem>>) src(%dma_wait3A_30 : memref<200xi32, #tpu.memory_space<hbm>>) dst(%arg9 : memref<200xi32, #tpu.memory_space<vmem>>)
        tpu.yield
      }) : () -> ()
      "tpu.region"() ({
        %run_scoped3A = tpu.sem_alloc : memref<!tpu.dma_semaphore, #tpu.memory_space<semaphore_mem>>
        %dma_start3A = tpu.memref_slice %arg5[%add3A] : memref<320000xi32, #tpu.memory_space<hbm>> -> memref<200xi32, #tpu.memory_space<hbm>>
        %dma_start3A_29 = tpu.memref_slice %arg5[%add3A] : memref<320000xi32, #tpu.memory_space<hbm>> -> memref<200xi32, #tpu.memory_space<hbm>>
        tpu.enqueue_dma source(%dma_start3A_29 : memref<200xi32, #tpu.memory_space<hbm>>) target(%arg10 : memref<200xi32, #tpu.memory_space<vmem>>) target_semaphore(%run_scoped3A : memref<!tpu.dma_semaphore, #tpu.memory_space<semaphore_mem>>)
        %dma_wait3A = tpu.memref_slice %arg5[%add3A] : memref<320000xi32, #tpu.memory_space<hbm>> -> memref<200xi32, #tpu.memory_space<hbm>>
        %dma_wait3A_30 = tpu.memref_slice %arg5[%add3A] : memref<320000xi32, #tpu.memory_space<hbm>> -> memref<200xi32, #tpu.memory_space<hbm>>
        tpu.wait_dma2 semaphore(%run_scoped3A : memref<!tpu.dma_semaphore, #tpu.memory_space<semaphore_mem>>) src(%dma_wait3A_30 : memref<200xi32, #tpu.memory_space<hbm>>) dst(%arg10 : memref<200xi32, #tpu.memory_space<vmem>>)
        tpu.yield
      }) : () -> ()
      %eq3A_19 = arith.constant 0 : i32
      %eq3A_20 = arith.cmpi eq, %arg0, %eq3A_19 : i32
      %convert_element_type3A_21 = arith.extui %eq3A_20 : i1 to i32
      %cond3A_22 = arith.constant 0 : i32
      %cond3A_23 = arith.cmpi ne, %convert_element_type3A_21, %cond3A_22 : i32
      scf.if %cond3A_23 {
        %dma_start3A = arith.constant 0 : i32
        %dma_start3A_29 = arith.constant 0 : i32
        %dma_start3A_30 = tpu.memref_slice %arg2[%dma_start3A, %dma_start3A_29] : memref<10240x128xf32, #tpu.memory_space<hbm>> -> memref<10240x128xf32, #tpu.memory_space<hbm>>
        tpu.enqueue_indirect_dma source(%dma_start3A_30 : memref<10240x128xf32, #tpu.memory_space<hbm>>) target(%arg11 : memref<200x128xf32, #tpu.memory_space<vmem>>) offsets(%arg9 : memref<200xi32, #tpu.memory_space<vmem>>) semaphore(%arg13 : memref<!tpu.dma_semaphore, #tpu.memory_space<semaphore_mem>>)
        %dma_wait3A = arith.constant 0 : i32
        %dma_wait3A_31 = arith.constant 0 : i32
        %dma_wait3A_32 = tpu.memref_slice %arg2[%dma_wait3A, %dma_wait3A_31] : memref<10240x128xf32, #tpu.memory_space<hbm>> -> memref<10240x128xf32, #tpu.memory_space<hbm>>
        tpu.wait_indirect_dma semaphore(%arg13 : memref<!tpu.dma_semaphore, #tpu.memory_space<semaphore_mem>>) src(%dma_wait3A_32 : memref<10240x128xf32, #tpu.memory_space<hbm>>) dst(%arg11 : memref<200x128xf32, #tpu.memory_space<vmem>>)
      } else {
      }
      %eq3A_24 = arith.constant 1 : i32
      %eq3A_25 = arith.cmpi eq, %arg0, %eq3A_24 : i32
      %convert_element_type3A_26 = arith.extui %eq3A_25 : i1 to i32
      %cond3A_27 = arith.constant 0 : i32
      %cond3A_28 = arith.cmpi ne, %convert_element_type3A_26, %cond3A_27 : i32
      scf.if %cond3A_28 {
        %dma_start3A = arith.constant 0 : i32
        %dma_start3A_29 = arith.constant 0 : i32
        %dma_start3A_30 = tpu.memref_slice %arg3[%dma_start3A, %dma_start3A_29] : memref<10240x128xf32, #tpu.memory_space<hbm>> -> memref<10240x128xf32, #tpu.memory_space<hbm>>
        tpu.enqueue_indirect_dma source(%dma_start3A_30 : memref<10240x128xf32, #tpu.memory_space<hbm>>) target(%arg11 : memref<200x128xf32, #tpu.memory_space<vmem>>) offsets(%arg9 : memref<200xi32, #tpu.memory_space<vmem>>) semaphore(%arg13 : memref<!tpu.dma_semaphore, #tpu.memory_space<semaphore_mem>>)
        %dma_wait3A = arith.constant 0 : i32
        %dma_wait3A_31 = arith.constant 0 : i32
        %dma_wait3A_32 = tpu.memref_slice %arg3[%dma_wait3A, %dma_wait3A_31] : memref<10240x128xf32, #tpu.memory_space<hbm>> -> memref<10240x128xf32, #tpu.memory_space<hbm>>
        tpu.wait_indirect_dma semaphore(%arg13 : memref<!tpu.dma_semaphore, #tpu.memory_space<semaphore_mem>>) src(%dma_wait3A_32 : memref<10240x128xf32, #tpu.memory_space<hbm>>) dst(%arg11 : memref<200x128xf32, #tpu.memory_space<vmem>>)
      } else {
      }
      "tpu.region"() ({
        %run_scoped3A = tpu.sem_alloc : memref<!tpu.dma_semaphore, #tpu.memory_space<semaphore_mem>>
        %dma_start3A = arith.constant 0 : i32
        %dma_start3A_29 = arith.constant 0 : i32
        %dma_start3A_30 = tpu.memref_slice %arg12[%dma_start3A, %dma_start3A_29] : memref<10240x128xf32, #tpu.memory_space<vmem_shared>> -> memref<10240x128xf32, #tpu.memory_space<vmem_shared>>
        tpu.enqueue_indirect_dma source(%arg11 : memref<200x128xf32, #tpu.memory_space<vmem>>) target(%dma_start3A_30 : memref<10240x128xf32, #tpu.memory_space<vmem_shared>>) offsets(%arg10 : memref<200xi32, #tpu.memory_space<vmem>>) semaphore(%run_scoped3A : memref<!tpu.dma_semaphore, #tpu.memory_space<semaphore_mem>>) {add = true}
        %dma_wait3A = arith.constant 0 : i32
        %dma_wait3A_31 = arith.constant 0 : i32
        %dma_wait3A_32 = tpu.memref_slice %arg12[%dma_wait3A, %dma_wait3A_31] : memref<10240x128xf32, #tpu.memory_space<vmem_shared>> -> memref<10240x128xf32, #tpu.memory_space<vmem_shared>>
        tpu.wait_indirect_dma semaphore(%run_scoped3A : memref<!tpu.dma_semaphore, #tpu.memory_space<semaphore_mem>>) src(%arg11 : memref<200x128xf32, #tpu.memory_space<vmem>>) dst(%dma_wait3A_32 : memref<10240x128xf32, #tpu.memory_space<vmem_shared>>)
        tpu.yield
      }) : () -> ()
    }
    %scan3A_7 = arith.constant 100 : i32
    %barrier3A_8 = arith.constant 0 : index
    tpu.barrier barrier_id(%barrier3A_8)
    %eq3A = arith.constant 0 : i32
    %eq3A_9 = arith.cmpi eq, %arg0, %eq3A : i32
    %convert_element_type3A = arith.extui %eq3A_9 : i1 to i32
    %cond3A = arith.constant 0 : i32
    %cond3A_10 = arith.cmpi ne, %convert_element_type3A, %cond3A : i32
    scf.if %cond3A_10 {
      "tpu.region"() ({
        %run_scoped3A = tpu.sem_alloc : memref<!tpu.dma_semaphore, #tpu.memory_space<semaphore_mem>>
        %dma_start3A = arith.constant 0 : i32
        %dma_start3A_16 = tpu.memref_slice %arg7[%mul3A_0, %dma_start3A] : memref<10240x128xf32, #tpu.memory_space<hbm>> -> memref<640x128xf32, #tpu.memory_space<hbm>>
        %dma_start3A_17 = arith.constant 0 : i32
        %dma_start3A_18 = tpu.memref_slice %arg12[%mul3A_0, %dma_start3A_17] : memref<10240x128xf32, #tpu.memory_space<vmem_shared>> -> memref<640x128xf32, #tpu.memory_space<vmem_shared>>
        tpu.enqueue_dma source(%dma_start3A_18 : memref<640x128xf32, #tpu.memory_space<vmem_shared>>) target(%dma_start3A_16 : memref<640x128xf32, #tpu.memory_space<hbm>>) target_semaphore(%run_scoped3A : memref<!tpu.dma_semaphore, #tpu.memory_space<semaphore_mem>>)
        %dma_wait3A = arith.constant 0 : i32
        %dma_wait3A_19 = tpu.memref_slice %arg7[%mul3A_0, %dma_wait3A] : memref<10240x128xf32, #tpu.memory_space<hbm>> -> memref<640x128xf32, #tpu.memory_space<hbm>>
        %dma_wait3A_20 = arith.constant 0 : i32
        %dma_wait3A_21 = tpu.memref_slice %arg12[%mul3A_0, %dma_wait3A_20] : memref<10240x128xf32, #tpu.memory_space<vmem_shared>> -> memref<640x128xf32, #tpu.memory_space<vmem_shared>>
        tpu.wait_dma2 semaphore(%run_scoped3A : memref<!tpu.dma_semaphore, #tpu.memory_space<semaphore_mem>>) src(%dma_wait3A_21 : memref<640x128xf32, #tpu.memory_space<vmem_shared>>) dst(%dma_wait3A_19 : memref<640x128xf32, #tpu.memory_space<hbm>>)
        tpu.yield
      }) : () -> ()
    } else {
    }
    %eq3A_11 = arith.constant 1 : i32
    %eq3A_12 = arith.cmpi eq, %arg0, %eq3A_11 : i32
    %convert_element_type3A_13 = arith.extui %eq3A_12 : i1 to i32
    %cond3A_14 = arith.constant 0 : i32
    %cond3A_15 = arith.cmpi ne, %convert_element_type3A_13, %cond3A_14 : i32
    scf.if %cond3A_15 {
      "tpu.region"() ({
        %run_scoped3A = tpu.sem_alloc : memref<!tpu.dma_semaphore, #tpu.memory_space<semaphore_mem>>
        %dma_start3A = arith.constant 0 : i32
        %dma_start3A_16 = tpu.memref_slice %arg8[%mul3A_0, %dma_start3A] : memref<10240x128xf32, #tpu.memory_space<hbm>> -> memref<640x128xf32, #tpu.memory_space<hbm>>
        %dma_start3A_17 = arith.constant 0 : i32
        %dma_start3A_18 = tpu.memref_slice %arg12[%mul3A_0, %dma_start3A_17] : memref<10240x128xf32, #tpu.memory_space<vmem_shared>> -> memref<640x128xf32, #tpu.memory_space<vmem_shared>>
        tpu.enqueue_dma source(%dma_start3A_18 : memref<640x128xf32, #tpu.memory_space<vmem_shared>>) target(%dma_start3A_16 : memref<640x128xf32, #tpu.memory_space<hbm>>) target_semaphore(%run_scoped3A : memref<!tpu.dma_semaphore, #tpu.memory_space<semaphore_mem>>)
        %dma_wait3A = arith.constant 0 : i32
        %dma_wait3A_19 = tpu.memref_slice %arg8[%mul3A_0, %dma_wait3A] : memref<10240x128xf32, #tpu.memory_space<hbm>> -> memref<640x128xf32, #tpu.memory_space<hbm>>
        %dma_wait3A_20 = arith.constant 0 : i32
        %dma_wait3A_21 = tpu.memref_slice %arg12[%mul3A_0, %dma_wait3A_20] : memref<10240x128xf32, #tpu.memory_space<vmem_shared>> -> memref<640x128xf32, #tpu.memory_space<vmem_shared>>
        tpu.wait_dma2 semaphore(%run_scoped3A : memref<!tpu.dma_semaphore, #tpu.memory_space<semaphore_mem>>) src(%dma_wait3A_21 : memref<640x128xf32, #tpu.memory_space<vmem_shared>>) dst(%dma_wait3A_19 : memref<640x128xf32, #tpu.memory_space<hbm>>)
        tpu.yield
      }) : () -> ()
    } else {
    }
    return
  }
}

module attributes {stable_mosaic.version = 14 : i64} {
  func.func @_mm_body(%arg0: i32, %arg1: memref<512x128xf32, #tpu.memory_space<vmem>>, %arg2: memref<512x128xf32, #tpu.memory_space<vmem>>, %arg3: memref<512x128xf32, #tpu.memory_space<vmem>>, %arg4: memref<512x128xf32, #tpu.memory_space<vmem>>, %arg5: memref<128x128xf32, #tpu.memory_space<vmem>>, %arg6: memref<1x128xf32, #tpu.memory_space<vmem>>, %arg7: memref<512x16xf32, #tpu.memory_space<vmem>>, %arg8: memref<512x128xf32, #tpu.memory_space<vmem>>) attributes {dimension_semantics = [#tpu.dimension_semantics<arbitrary>], iteration_bounds = array<i64: 20>, scalar_prefetch = 0 : i64, scratch_operands = 0 : i64, tpu.core_type = #tpu.core_type<tc>, window_params = [{transform_indices = @transform_0, window_bounds = array<i64: 512, 128>}, {transform_indices = @transform_1, window_bounds = array<i64: 512, 128>}, {transform_indices = @transform_2, window_bounds = array<i64: 512, 128>}, {transform_indices = @transform_3, window_bounds = array<i64: 512, 128>}, {pipeline_mode = #tpu.pipeline_mode<synchronous>, transform_indices = @transform_4, window_bounds = array<i64: 128, 128>}, {pipeline_mode = #tpu.pipeline_mode<synchronous>, transform_indices = @transform_5, window_bounds = array<i64: 1, 128>}, {transform_indices = @transform_6, window_bounds = array<i64: 512, 16>}, {transform_indices = @transform_7, window_bounds = array<i64: 512, 128>}]} {
    %get3A = arith.constant 0 : index
    %get3A_0 = arith.constant 0 : index
    %get3A_1 = vector.load %arg3[%get3A, %get3A_0] : memref<512x128xf32, #tpu.memory_space<vmem>>, vector<512x1xf32>
    %get3A_2 = arith.constant 0 : index
    %get3A_3 = arith.constant 0 : index
    %get3A_4 = vector.load %arg4[%get3A_2, %get3A_3] : memref<512x128xf32, #tpu.memory_space<vmem>>, vector<512x1xf32>
    %add3A = arith.addf %get3A_1, %get3A_4 : vector<512x1xf32>
    %max3A = arith.constant 1.000000e+00 : f32
    %max3A_5 = vector.broadcast %max3A : f32 to vector<512x1xf32>
    %max3A_6 = arith.maximumf %add3A, %max3A_5 : vector<512x1xf32>
    %div3A = arith.constant 1.000000e+00 : f32
    %div3A_7 = vector.broadcast %div3A : f32 to vector<512x1xf32>
    %div3A_8 = arith.divf %div3A_7, %max3A_6 : vector<512x1xf32>
    %get3A_9 = arith.constant 0 : index
    %get3A_10 = arith.constant 0 : index
    %get3A_11 = vector.load %arg1[%get3A_9, %get3A_10] : memref<512x128xf32, #tpu.memory_space<vmem>>, vector<512x128xf32>
    %get3A_12 = arith.constant 0 : index
    %get3A_13 = arith.constant 0 : index
    %get3A_14 = vector.load %arg2[%get3A_12, %get3A_13] : memref<512x128xf32, #tpu.memory_space<vmem>>, vector<512x128xf32>
    %add3A_15 = arith.addf %get3A_11, %get3A_14 : vector<512x128xf32>
    %mul3A = vector.broadcast %div3A_8 : vector<512x1xf32> to vector<512x128xf32>
    %mul3A_16 = arith.mulf %add3A_15, %mul3A : vector<512x128xf32>
    %get3A_17 = arith.constant 0 : index
    %get3A_18 = arith.constant 0 : index
    %get3A_19 = vector.load %arg5[%get3A_17, %get3A_18] : memref<128x128xf32, #tpu.memory_space<vmem>>, vector<128x128xf32>
    %dot_general3A = arith.constant dense<0.000000e+00> : vector<512x128xf32>
    %dot_general3A_20 = tpu.matmul %mul3A_16, %get3A_19, %dot_general3A {dimension_numbers = #tpu.dot_dimension_numbers<[1], [0], [0], [1], [0, 0, 1, 1], [], []>, transpose_lhs_hint = false} : vector<512x128xf32>, vector<128x128xf32>, vector<512x128xf32> -> vector<512x128xf32>
    %get3A_21 = arith.constant 0 : index
    %get3A_22 = arith.constant 0 : index
    %get3A_23 = vector.load %arg6[%get3A_21, %get3A_22] : memref<1x128xf32, #tpu.memory_space<vmem>>, vector<1x128xf32>
    %add3A_24 = vector.broadcast %get3A_23 : vector<1x128xf32> to vector<512x128xf32>
    %add3A_25 = arith.addf %dot_general3A_20, %add3A_24 : vector<512x128xf32>
    %max3A_26 = arith.constant 0.000000e+00 : f32
    %max3A_27 = vector.broadcast %max3A_26 : f32 to vector<512x128xf32>
    %max3A_28 = arith.maximumf %add3A_25, %max3A_27 : vector<512x128xf32>
    %broadcast_in_dim3A = vector.shape_cast %add3A : vector<512x1xf32> to vector<512x1xf32>
    %broadcast_in_dim3A_29 = vector.broadcast %broadcast_in_dim3A : vector<512x1xf32> to vector<512x16xf32>
    %swap3A = arith.constant 0 : index
    %swap3A_30 = arith.constant 0 : index
    %swap3A_31 = vector.load %arg7[%swap3A, %swap3A_30] : memref<512x16xf32, #tpu.memory_space<vmem>>, vector<512x16xf32>
    tpu.vector_store %arg7[%swap3A, %swap3A_30], %broadcast_in_dim3A_29 {strides = array<i32>} : memref<512x16xf32, #tpu.memory_space<vmem>>, vector<512x16xf32>,
    %swap3A_32 = arith.constant 0 : index
    %swap3A_33 = arith.constant 0 : index
    %swap3A_34 = vector.load %arg8[%swap3A_32, %swap3A_33] : memref<512x128xf32, #tpu.memory_space<vmem>>, vector<512x128xf32>
    tpu.vector_store %arg8[%swap3A_32, %swap3A_33], %max3A_28 {strides = array<i32>} : memref<512x128xf32, #tpu.memory_space<vmem>>, vector<512x128xf32>,
    return
  }
  func.func @transform_0(%arg0: i32) -> (i32, i32) {
    %c0_i32 = arith.constant 0 : i32
    %c0_i32_0 = arith.constant 0 : i32
    return %arg0, %c0_i32 : i32, i32
  }
  func.func @transform_1(%arg0: i32) -> (i32, i32) {
    %c0_i32 = arith.constant 0 : i32
    %c0_i32_0 = arith.constant 0 : i32
    return %arg0, %c0_i32 : i32, i32
  }
  func.func @transform_2(%arg0: i32) -> (i32, i32) {
    %c0_i32 = arith.constant 0 : i32
    %c0_i32_0 = arith.constant 0 : i32
    return %arg0, %c0_i32 : i32, i32
  }
  func.func @transform_3(%arg0: i32) -> (i32, i32) {
    %c0_i32 = arith.constant 0 : i32
    %c0_i32_0 = arith.constant 0 : i32
    return %arg0, %c0_i32 : i32, i32
  }
  func.func @transform_4(%arg0: i32) -> (i32, i32) {
    %c0_i32 = arith.constant 0 : i32
    %c0_i32_0 = arith.constant 0 : i32
    %c0_i32_1 = arith.constant 0 : i32
    return %c0_i32, %c0_i32_0 : i32, i32
  }
  func.func @transform_5(%arg0: i32) -> (i32, i32) {
    %c0_i32 = arith.constant 0 : i32
    %c0_i32_0 = arith.constant 0 : i32
    %c0_i32_1 = arith.constant 0 : i32
    return %c0_i32, %c0_i32_0 : i32, i32
  }
  func.func @transform_6(%arg0: i32) -> (i32, i32) {
    %c0_i32 = arith.constant 0 : i32
    %c0_i32_0 = arith.constant 0 : i32
    return %arg0, %c0_i32 : i32, i32
  }
  func.func @transform_7(%arg0: i32) -> (i32, i32) {
    %c0_i32 = arith.constant 0 : i32
    %c0_i32_0 = arith.constant 0 : i32
    return %arg0, %c0_i32 : i32, i32
  }
}

module attributes {stable_mosaic.version = 14 : i64} {
  func.func @_mm_body(%arg0: i32, %arg1: memref<512x128xf32, #tpu.memory_space<vmem>>, %arg2: memref<512x128xf32, #tpu.memory_space<vmem>>, %arg3: memref<512x16xf32, #tpu.memory_space<vmem>>, %arg4: memref<128x128xf32, #tpu.memory_space<vmem>>, %arg5: memref<1x128xf32, #tpu.memory_space<vmem>>, %arg6: memref<512x128xf32, #tpu.memory_space<vmem>>, %arg7: memref<512x128xf32, #tpu.memory_space<vmem>>) attributes {dimension_semantics = [#tpu.dimension_semantics<arbitrary>], iteration_bounds = array<i64: 20>, scalar_prefetch = 0 : i64, scratch_operands = 0 : i64, tpu.core_type = #tpu.core_type<tc>, window_params = [{transform_indices = @transform_0, window_bounds = array<i64: 512, 128>}, {transform_indices = @transform_1, window_bounds = array<i64: 512, 128>}, {transform_indices = @transform_2, window_bounds = array<i64: 512, 16>}, {pipeline_mode = #tpu.pipeline_mode<synchronous>, transform_indices = @transform_3, window_bounds = array<i64: 128, 128>}, {pipeline_mode = #tpu.pipeline_mode<synchronous>, transform_indices = @transform_4, window_bounds = array<i64: 1, 128>}, {transform_indices = @transform_5, window_bounds = array<i64: 512, 128>}, {transform_indices = @transform_6, window_bounds = array<i64: 512, 128>}]} {
    %get3A = arith.constant 0 : index
    %get3A_0 = arith.constant 0 : index
    %get3A_1 = vector.load %arg3[%get3A, %get3A_0] : memref<512x16xf32, #tpu.memory_space<vmem>>, vector<512x1xf32>
    %max3A = arith.constant 1.000000e+00 : f32
    %max3A_2 = vector.broadcast %max3A : f32 to vector<512x1xf32>
    %max3A_3 = arith.maximumf %get3A_1, %max3A_2 : vector<512x1xf32>
    %div3A = arith.constant 1.000000e+00 : f32
    %div3A_4 = vector.broadcast %div3A : f32 to vector<512x1xf32>
    %div3A_5 = arith.divf %div3A_4, %max3A_3 : vector<512x1xf32>
    %get3A_6 = arith.constant 0 : index
    %get3A_7 = arith.constant 0 : index
    %get3A_8 = vector.load %arg1[%get3A_6, %get3A_7] : memref<512x128xf32, #tpu.memory_space<vmem>>, vector<512x128xf32>
    %get3A_9 = arith.constant 0 : index
    %get3A_10 = arith.constant 0 : index
    %get3A_11 = vector.load %arg2[%get3A_9, %get3A_10] : memref<512x128xf32, #tpu.memory_space<vmem>>, vector<512x128xf32>
    %add3A = arith.addf %get3A_8, %get3A_11 : vector<512x128xf32>
    %mul3A = vector.broadcast %div3A_5 : vector<512x1xf32> to vector<512x128xf32>
    %mul3A_12 = arith.mulf %add3A, %mul3A : vector<512x128xf32>
    %get3A_13 = arith.constant 0 : index
    %get3A_14 = arith.constant 0 : index
    %get3A_15 = vector.load %arg4[%get3A_13, %get3A_14] : memref<128x128xf32, #tpu.memory_space<vmem>>, vector<128x128xf32>
    %dot_general3A = arith.constant dense<0.000000e+00> : vector<512x128xf32>
    %dot_general3A_16 = tpu.matmul %mul3A_12, %get3A_15, %dot_general3A {dimension_numbers = #tpu.dot_dimension_numbers<[1], [0], [0], [1], [0, 0, 1, 1], [], []>, transpose_lhs_hint = false} : vector<512x128xf32>, vector<128x128xf32>, vector<512x128xf32> -> vector<512x128xf32>
    %get3A_17 = arith.constant 0 : index
    %get3A_18 = arith.constant 0 : index
    %get3A_19 = vector.load %arg5[%get3A_17, %get3A_18] : memref<1x128xf32, #tpu.memory_space<vmem>>, vector<1x128xf32>
    %add3A_20 = vector.broadcast %get3A_19 : vector<1x128xf32> to vector<512x128xf32>
    %add3A_21 = arith.addf %dot_general3A_16, %add3A_20 : vector<512x128xf32>
    %get3A_22 = arith.constant 0 : index
    %get3A_23 = arith.constant 0 : index
    %get3A_24 = vector.load %arg6[%get3A_22, %get3A_23] : memref<512x128xf32, #tpu.memory_space<vmem>>, vector<512x128xf32>
    %add3A_25 = arith.addf %add3A_21, %get3A_24 : vector<512x128xf32>
    %max3A_26 = arith.constant 0.000000e+00 : f32
    %max3A_27 = vector.broadcast %max3A_26 : f32 to vector<512x128xf32>
    %max3A_28 = arith.maximumf %add3A_25, %max3A_27 : vector<512x128xf32>
    %swap3A = arith.constant 0 : index
    %swap3A_29 = arith.constant 0 : index
    %swap3A_30 = vector.load %arg7[%swap3A, %swap3A_29] : memref<512x128xf32, #tpu.memory_space<vmem>>, vector<512x128xf32>
    tpu.vector_store %arg7[%swap3A, %swap3A_29], %max3A_28 {strides = array<i32>} : memref<512x128xf32, #tpu.memory_space<vmem>>, vector<512x128xf32>,
    return
  }
  func.func @transform_0(%arg0: i32) -> (i32, i32) {
    %c0_i32 = arith.constant 0 : i32
    %c0_i32_0 = arith.constant 0 : i32
    return %arg0, %c0_i32 : i32, i32
  }
  func.func @transform_1(%arg0: i32) -> (i32, i32) {
    %c0_i32 = arith.constant 0 : i32
    %c0_i32_0 = arith.constant 0 : i32
    return %arg0, %c0_i32 : i32, i32
  }
  func.func @transform_2(%arg0: i32) -> (i32, i32) {
    %c0_i32 = arith.constant 0 : i32
    %c0_i32_0 = arith.constant 0 : i32
    return %arg0, %c0_i32 : i32, i32
  }
  func.func @transform_3(%arg0: i32) -> (i32, i32) {
    %c0_i32 = arith.constant 0 : i32
    %c0_i32_0 = arith.constant 0 : i32
    %c0_i32_1 = arith.constant 0 : i32
    return %c0_i32, %c0_i32_0 : i32, i32
  }
  func.func @transform_4(%arg0: i32) -> (i32, i32) {
    %c0_i32 = arith.constant 0 : i32
    %c0_i32_0 = arith.constant 0 : i32
    %c0_i32_1 = arith.constant 0 : i32
    return %c0_i32, %c0_i32_0 : i32, i32
  }
  func.func @transform_5(%arg0: i32) -> (i32, i32) {
    %c0_i32 = arith.constant 0 : i32
    %c0_i32_0 = arith.constant 0 : i32
    return %arg0, %c0_i32 : i32, i32
  }
  func.func @transform_6(%arg0: i32) -> (i32, i32) {
    %c0_i32 = arith.constant 0 : i32
    %c0_i32_0 = arith.constant 0 : i32
    return %arg0, %c0_i32 : i32, i32
  }
}

module attributes {stable_mosaic.version = 14 : i64} {
  func.func @_mm_body(%arg0: i32, %arg1: memref<512x128xf32, #tpu.memory_space<vmem>>, %arg2: memref<512x128xf32, #tpu.memory_space<vmem>>, %arg3: memref<512x16xf32, #tpu.memory_space<vmem>>, %arg4: memref<128x128xf32, #tpu.memory_space<vmem>>, %arg5: memref<1x128xf32, #tpu.memory_space<vmem>>, %arg6: memref<512x128xf32, #tpu.memory_space<vmem>>) attributes {dimension_semantics = [#tpu.dimension_semantics<arbitrary>], iteration_bounds = array<i64: 20>, scalar_prefetch = 0 : i64, scratch_operands = 0 : i64, tpu.core_type = #tpu.core_type<tc>, window_params = [{transform_indices = @transform_0, window_bounds = array<i64: 512, 128>}, {transform_indices = @transform_1, window_bounds = array<i64: 512, 128>}, {transform_indices = @transform_2, window_bounds = array<i64: 512, 16>}, {pipeline_mode = #tpu.pipeline_mode<synchronous>, transform_indices = @transform_3, window_bounds = array<i64: 128, 128>}, {pipeline_mode = #tpu.pipeline_mode<synchronous>, transform_indices = @transform_4, window_bounds = array<i64: 1, 128>}, {transform_indices = @transform_5, window_bounds = array<i64: 512, 128>}]} {
    %get3A = arith.constant 0 : index
    %get3A_0 = arith.constant 0 : index
    %get3A_1 = vector.load %arg3[%get3A, %get3A_0] : memref<512x16xf32, #tpu.memory_space<vmem>>, vector<512x1xf32>
    %max3A = arith.constant 1.000000e+00 : f32
    %max3A_2 = vector.broadcast %max3A : f32 to vector<512x1xf32>
    %max3A_3 = arith.maximumf %get3A_1, %max3A_2 : vector<512x1xf32>
    %div3A = arith.constant 1.000000e+00 : f32
    %div3A_4 = vector.broadcast %div3A : f32 to vector<512x1xf32>
    %div3A_5 = arith.divf %div3A_4, %max3A_3 : vector<512x1xf32>
    %get3A_6 = arith.constant 0 : index
    %get3A_7 = arith.constant 0 : index
    %get3A_8 = vector.load %arg1[%get3A_6, %get3A_7] : memref<512x128xf32, #tpu.memory_space<vmem>>, vector<512x128xf32>
    %get3A_9 = arith.constant 0 : index
    %get3A_10 = arith.constant 0 : index
    %get3A_11 = vector.load %arg2[%get3A_9, %get3A_10] : memref<512x128xf32, #tpu.memory_space<vmem>>, vector<512x128xf32>
    %add3A = arith.addf %get3A_8, %get3A_11 : vector<512x128xf32>
    %mul3A = vector.broadcast %div3A_5 : vector<512x1xf32> to vector<512x128xf32>
    %mul3A_12 = arith.mulf %add3A, %mul3A : vector<512x128xf32>
    %get3A_13 = arith.constant 0 : index
    %get3A_14 = arith.constant 0 : index
    %get3A_15 = vector.load %arg4[%get3A_13, %get3A_14] : memref<128x128xf32, #tpu.memory_space<vmem>>, vector<128x128xf32>
    %dot_general3A = arith.constant dense<0.000000e+00> : vector<512x128xf32>
    %dot_general3A_16 = tpu.matmul %mul3A_12, %get3A_15, %dot_general3A {dimension_numbers = #tpu.dot_dimension_numbers<[1], [0], [0], [1], [0, 0, 1, 1], [], []>, transpose_lhs_hint = false} : vector<512x128xf32>, vector<128x128xf32>, vector<512x128xf32> -> vector<512x128xf32>
    %get3A_17 = arith.constant 0 : index
    %get3A_18 = arith.constant 0 : index
    %get3A_19 = vector.load %arg5[%get3A_17, %get3A_18] : memref<1x128xf32, #tpu.memory_space<vmem>>, vector<1x128xf32>
    %add3A_20 = vector.broadcast %get3A_19 : vector<1x128xf32> to vector<512x128xf32>
    %add3A_21 = arith.addf %dot_general3A_16, %add3A_20 : vector<512x128xf32>
    %max3A_22 = arith.constant 0.000000e+00 : f32
    %max3A_23 = vector.broadcast %max3A_22 : f32 to vector<512x128xf32>
    %max3A_24 = arith.maximumf %add3A_21, %max3A_23 : vector<512x128xf32>
    %swap3A = arith.constant 0 : index
    %swap3A_25 = arith.constant 0 : index
    %swap3A_26 = vector.load %arg6[%swap3A, %swap3A_25] : memref<512x128xf32, #tpu.memory_space<vmem>>, vector<512x128xf32>
    tpu.vector_store %arg6[%swap3A, %swap3A_25], %max3A_24 {strides = array<i32>} : memref<512x128xf32, #tpu.memory_space<vmem>>, vector<512x128xf32>,
    return
  }
  func.func @transform_0(%arg0: i32) -> (i32, i32) {
    %c0_i32 = arith.constant 0 : i32
    %c0_i32_0 = arith.constant 0 : i32
    return %arg0, %c0_i32 : i32, i32
  }
  func.func @transform_1(%arg0: i32) -> (i32, i32) {
    %c0_i32 = arith.constant 0 : i32
    %c0_i32_0 = arith.constant 0 : i32
    return %arg0, %c0_i32 : i32, i32
  }
  func.func @transform_2(%arg0: i32) -> (i32, i32) {
    %c0_i32 = arith.constant 0 : i32
    %c0_i32_0 = arith.constant 0 : i32
    return %arg0, %c0_i32 : i32, i32
  }
  func.func @transform_3(%arg0: i32) -> (i32, i32) {
    %c0_i32 = arith.constant 0 : i32
    %c0_i32_0 = arith.constant 0 : i32
    %c0_i32_1 = arith.constant 0 : i32
    return %c0_i32, %c0_i32_0 : i32, i32
  }
  func.func @transform_4(%arg0: i32) -> (i32, i32) {
    %c0_i32 = arith.constant 0 : i32
    %c0_i32_0 = arith.constant 0 : i32
    %c0_i32_1 = arith.constant 0 : i32
    return %c0_i32, %c0_i32_0 : i32, i32
  }
  func.func @transform_5(%arg0: i32) -> (i32, i32) {
    %c0_i32 = arith.constant 0 : i32
    %c0_i32_0 = arith.constant 0 : i32
    return %arg0, %c0_i32 : i32, i32
  }
}

module attributes {stable_mosaic.version = 14 : i64} {
  func.func @_mm_body(%arg0: i32, %arg1: memref<512x128xf32, #tpu.memory_space<vmem>>, %arg2: memref<512x128xf32, #tpu.memory_space<vmem>>, %arg3: memref<512x16xf32, #tpu.memory_space<vmem>>, %arg4: memref<128x256xf32, #tpu.memory_space<vmem>>, %arg5: memref<1x256xf32, #tpu.memory_space<vmem>>, %arg6: memref<512x128xf32, #tpu.memory_space<vmem>>, %arg7: memref<512x128xf32, #tpu.memory_space<vmem>>) attributes {dimension_semantics = [#tpu.dimension_semantics<arbitrary>], iteration_bounds = array<i64: 20>, scalar_prefetch = 0 : i64, scratch_operands = 0 : i64, tpu.core_type = #tpu.core_type<tc>, window_params = [{transform_indices = @transform_0, window_bounds = array<i64: 512, 128>}, {transform_indices = @transform_1, window_bounds = array<i64: 512, 128>}, {transform_indices = @transform_2, window_bounds = array<i64: 512, 16>}, {pipeline_mode = #tpu.pipeline_mode<synchronous>, transform_indices = @transform_3, window_bounds = array<i64: 128, 256>}, {pipeline_mode = #tpu.pipeline_mode<synchronous>, transform_indices = @transform_4, window_bounds = array<i64: 1, 256>}, {transform_indices = @transform_5, window_bounds = array<i64: 512, 128>}, {transform_indices = @transform_6, window_bounds = array<i64: 512, 128>}]} {
    %get3A = arith.constant 0 : index
    %get3A_0 = arith.constant 0 : index
    %get3A_1 = vector.load %arg3[%get3A, %get3A_0] : memref<512x16xf32, #tpu.memory_space<vmem>>, vector<512x1xf32>
    %max3A = arith.constant 1.000000e+00 : f32
    %max3A_2 = vector.broadcast %max3A : f32 to vector<512x1xf32>
    %max3A_3 = arith.maximumf %get3A_1, %max3A_2 : vector<512x1xf32>
    %div3A = arith.constant 1.000000e+00 : f32
    %div3A_4 = vector.broadcast %div3A : f32 to vector<512x1xf32>
    %div3A_5 = arith.divf %div3A_4, %max3A_3 : vector<512x1xf32>
    %get3A_6 = arith.constant 0 : index
    %get3A_7 = arith.constant 0 : index
    %get3A_8 = vector.load %arg1[%get3A_6, %get3A_7] : memref<512x128xf32, #tpu.memory_space<vmem>>, vector<512x128xf32>
    %get3A_9 = arith.constant 0 : index
    %get3A_10 = arith.constant 0 : index
    %get3A_11 = vector.load %arg2[%get3A_9, %get3A_10] : memref<512x128xf32, #tpu.memory_space<vmem>>, vector<512x128xf32>
    %add3A = arith.addf %get3A_8, %get3A_11 : vector<512x128xf32>
    %mul3A = vector.broadcast %div3A_5 : vector<512x1xf32> to vector<512x128xf32>
    %mul3A_12 = arith.mulf %add3A, %mul3A : vector<512x128xf32>
    %get3A_13 = arith.constant 0 : index
    %get3A_14 = arith.constant 0 : index
    %get3A_15 = vector.load %arg4[%get3A_13, %get3A_14] : memref<128x256xf32, #tpu.memory_space<vmem>>, vector<128x256xf32>
    %dot_general3A = arith.constant dense<0.000000e+00> : vector<512x256xf32>
    %dot_general3A_16 = tpu.matmul %mul3A_12, %get3A_15, %dot_general3A {dimension_numbers = #tpu.dot_dimension_numbers<[1], [0], [0], [1], [0, 0, 1, 1], [], []>, transpose_lhs_hint = false} : vector<512x128xf32>, vector<128x256xf32>, vector<512x256xf32> -> vector<512x256xf32>
    %get3A_17 = arith.constant 0 : index
    %get3A_18 = arith.constant 0 : index
    %get3A_19 = vector.load %arg5[%get3A_17, %get3A_18] : memref<1x256xf32, #tpu.memory_space<vmem>>, vector<1x256xf32>
    %add3A_20 = vector.broadcast %get3A_19 : vector<1x256xf32> to vector<512x256xf32>
    %add3A_21 = arith.addf %dot_general3A_16, %add3A_20 : vector<512x256xf32>
    %max3A_22 = arith.constant 0.000000e+00 : f32
    %max3A_23 = vector.broadcast %max3A_22 : f32 to vector<512x256xf32>
    %max3A_24 = arith.maximumf %add3A_21, %max3A_23 : vector<512x256xf32>
    %slice3A = vector.extract_strided_slice %max3A_24 {offsets = [0, 0], sizes = [512, 128], strides = [1, 1]} : vector<512x256xf32> to vector<512x128xf32>
    %swap3A = arith.constant 0 : index
    %swap3A_25 = arith.constant 0 : index
    %swap3A_26 = vector.load %arg6[%swap3A, %swap3A_25] : memref<512x128xf32, #tpu.memory_space<vmem>>, vector<512x128xf32>
    tpu.vector_store %arg6[%swap3A, %swap3A_25], %slice3A {strides = array<i32>} : memref<512x128xf32, #tpu.memory_space<vmem>>, vector<512x128xf32>,
    %slice3A_27 = vector.extract_strided_slice %max3A_24 {offsets = [0, 128], sizes = [512, 128], strides = [1, 1]} : vector<512x256xf32> to vector<512x128xf32>
    %swap3A_28 = arith.constant 0 : index
    %swap3A_29 = arith.constant 0 : index
    %swap3A_30 = vector.load %arg7[%swap3A_28, %swap3A_29] : memref<512x128xf32, #tpu.memory_space<vmem>>, vector<512x128xf32>
    tpu.vector_store %arg7[%swap3A_28, %swap3A_29], %slice3A_27 {strides = array<i32>} : memref<512x128xf32, #tpu.memory_space<vmem>>, vector<512x128xf32>,
    return
  }
  func.func @transform_0(%arg0: i32) -> (i32, i32) {
    %c0_i32 = arith.constant 0 : i32
    %c0_i32_0 = arith.constant 0 : i32
    return %arg0, %c0_i32 : i32, i32
  }
  func.func @transform_1(%arg0: i32) -> (i32, i32) {
    %c0_i32 = arith.constant 0 : i32
    %c0_i32_0 = arith.constant 0 : i32
    return %arg0, %c0_i32 : i32, i32
  }
  func.func @transform_2(%arg0: i32) -> (i32, i32) {
    %c0_i32 = arith.constant 0 : i32
    %c0_i32_0 = arith.constant 0 : i32
    return %arg0, %c0_i32 : i32, i32
  }
  func.func @transform_3(%arg0: i32) -> (i32, i32) {
    %c0_i32 = arith.constant 0 : i32
    %c0_i32_0 = arith.constant 0 : i32
    %c0_i32_1 = arith.constant 0 : i32
    return %c0_i32, %c0_i32_0 : i32, i32
  }
  func.func @transform_4(%arg0: i32) -> (i32, i32) {
    %c0_i32 = arith.constant 0 : i32
    %c0_i32_0 = arith.constant 0 : i32
    %c0_i32_1 = arith.constant 0 : i32
    return %c0_i32, %c0_i32_0 : i32, i32
  }
  func.func @transform_5(%arg0: i32) -> (i32, i32) {
    %c0_i32 = arith.constant 0 : i32
    %c0_i32_0 = arith.constant 0 : i32
    return %arg0, %c0_i32 : i32, i32
  }
  func.func @transform_6(%arg0: i32) -> (i32, i32) {
    %c0_i32 = arith.constant 0 : i32
    %c0_i32_0 = arith.constant 0 : i32
    return %arg0, %c0_i32 : i32, i32
  }
}

module attributes {stable_mosaic.version = 14 : i64} {
  func.func @_mm_body(%arg0: i32, %arg1: memref<512x128xf32, #tpu.memory_space<vmem>>, %arg2: memref<512x128xf32, #tpu.memory_space<vmem>>, %arg3: memref<512x16xf32, #tpu.memory_space<vmem>>, %arg4: memref<256x256xf32, #tpu.memory_space<vmem>>, %arg5: memref<1x256xf32, #tpu.memory_space<vmem>>, %arg6: memref<512x128xf32, #tpu.memory_space<vmem>>, %arg7: memref<128x256xf32, #tpu.memory_space<vmem>>, %arg8: memref<512x128xf32, #tpu.memory_space<vmem>>, %arg9: memref<512x128xf32, #tpu.memory_space<vmem>>) attributes {dimension_semantics = [#tpu.dimension_semantics<arbitrary>], iteration_bounds = array<i64: 20>, scalar_prefetch = 0 : i64, scratch_operands = 0 : i64, tpu.core_type = #tpu.core_type<tc>, window_params = [{transform_indices = @transform_0, window_bounds = array<i64: 512, 128>}, {transform_indices = @transform_1, window_bounds = array<i64: 512, 128>}, {transform_indices = @transform_2, window_bounds = array<i64: 512, 16>}, {pipeline_mode = #tpu.pipeline_mode<synchronous>, transform_indices = @transform_3, window_bounds = array<i64: 256, 256>}, {pipeline_mode = #tpu.pipeline_mode<synchronous>, transform_indices = @transform_4, window_bounds = array<i64: 1, 256>}, {transform_indices = @transform_5, window_bounds = array<i64: 512, 128>}, {pipeline_mode = #tpu.pipeline_mode<synchronous>, transform_indices = @transform_6, window_bounds = array<i64: 128, 256>}, {transform_indices = @transform_7, window_bounds = array<i64: 512, 128>}, {transform_indices = @transform_8, window_bounds = array<i64: 512, 128>}]} {
    %get3A = arith.constant 0 : index
    %get3A_0 = arith.constant 0 : index
    %get3A_1 = vector.load %arg3[%get3A, %get3A_0] : memref<512x16xf32, #tpu.memory_space<vmem>>, vector<512x1xf32>
    %max3A = arith.constant 1.000000e+00 : f32
    %max3A_2 = vector.broadcast %max3A : f32 to vector<512x1xf32>
    %max3A_3 = arith.maximumf %get3A_1, %max3A_2 : vector<512x1xf32>
    %div3A = arith.constant 1.000000e+00 : f32
    %div3A_4 = vector.broadcast %div3A : f32 to vector<512x1xf32>
    %div3A_5 = arith.divf %div3A_4, %max3A_3 : vector<512x1xf32>
    %get3A_6 = arith.constant 0 : index
    %get3A_7 = arith.constant 0 : index
    %get3A_8 = vector.load %arg1[%get3A_6, %get3A_7] : memref<512x128xf32, #tpu.memory_space<vmem>>, vector<512x128xf32>
    %get3A_9 = arith.constant 0 : index
    %get3A_10 = arith.constant 0 : index
    %get3A_11 = vector.load %arg2[%get3A_9, %get3A_10] : memref<512x128xf32, #tpu.memory_space<vmem>>, vector<512x128xf32>
    %concatenate3A = tpu.concatenate %get3A_8, %get3A_11 in 1 : vector<512x128xf32>, vector<512x128xf32> -> vector<512x256xf32>
    %mul3A = vector.broadcast %div3A_5 : vector<512x1xf32> to vector<512x256xf32>
    %mul3A_12 = arith.mulf %concatenate3A, %mul3A : vector<512x256xf32>
    %get3A_13 = arith.constant 0 : index
    %get3A_14 = arith.constant 0 : index
    %get3A_15 = vector.load %arg4[%get3A_13, %get3A_14] : memref<256x256xf32, #tpu.memory_space<vmem>>, vector<256x256xf32>
    %dot_general3A = arith.constant dense<0.000000e+00> : vector<512x256xf32>
    %dot_general3A_16 = tpu.matmul %mul3A_12, %get3A_15, %dot_general3A {dimension_numbers = #tpu.dot_dimension_numbers<[1], [0], [0], [1], [0, 0, 1, 1], [], []>, transpose_lhs_hint = false} : vector<512x256xf32>, vector<256x256xf32>, vector<512x256xf32> -> vector<512x256xf32>
    %get3A_17 = arith.constant 0 : index
    %get3A_18 = arith.constant 0 : index
    %get3A_19 = vector.load %arg5[%get3A_17, %get3A_18] : memref<1x256xf32, #tpu.memory_space<vmem>>, vector<1x256xf32>
    %add3A = vector.broadcast %get3A_19 : vector<1x256xf32> to vector<512x256xf32>
    %add3A_20 = arith.addf %dot_general3A_16, %add3A : vector<512x256xf32>
    %get3A_21 = arith.constant 0 : index
    %get3A_22 = arith.constant 0 : index
    %get3A_23 = vector.load %arg6[%get3A_21, %get3A_22] : memref<512x128xf32, #tpu.memory_space<vmem>>, vector<512x128xf32>
    %get3A_24 = arith.constant 0 : index
    %get3A_25 = arith.constant 0 : index
    %get3A_26 = vector.load %arg7[%get3A_24, %get3A_25] : memref<128x256xf32, #tpu.memory_space<vmem>>, vector<128x256xf32>
    %dot_general3A_27 = arith.constant dense<0.000000e+00> : vector<512x256xf32>
    %dot_general3A_28 = tpu.matmul %get3A_23, %get3A_26, %dot_general3A_27 {dimension_numbers = #tpu.dot_dimension_numbers<[1], [0], [0], [1], [0, 0, 1, 1], [], []>, transpose_lhs_hint = false} : vector<512x128xf32>, vector<128x256xf32>, vector<512x256xf32> -> vector<512x256xf32>
    %add3A_29 = arith.addf %add3A_20, %dot_general3A_28 : vector<512x256xf32>
    %max3A_30 = arith.constant 0.000000e+00 : f32
    %max3A_31 = vector.broadcast %max3A_30 : f32 to vector<512x256xf32>
    %max3A_32 = arith.maximumf %add3A_29, %max3A_31 : vector<512x256xf32>
    %slice3A = vector.extract_strided_slice %max3A_32 {offsets = [0, 0], sizes = [512, 128], strides = [1, 1]} : vector<512x256xf32> to vector<512x128xf32>
    %swap3A = arith.constant 0 : index
    %swap3A_33 = arith.constant 0 : index
    %swap3A_34 = vector.load %arg8[%swap3A, %swap3A_33] : memref<512x128xf32, #tpu.memory_space<vmem>>, vector<512x128xf32>
    tpu.vector_store %arg8[%swap3A, %swap3A_33], %slice3A {strides = array<i32>} : memref<512x128xf32, #tpu.memory_space<vmem>>, vector<512x128xf32>,
    %slice3A_35 = vector.extract_strided_slice %max3A_32 {offsets = [0, 128], sizes = [512, 128], strides = [1, 1]} : vector<512x256xf32> to vector<512x128xf32>
    %swap3A_36 = arith.constant 0 : index
    %swap3A_37 = arith.constant 0 : index
    %swap3A_38 = vector.load %arg9[%swap3A_36, %swap3A_37] : memref<512x128xf32, #tpu.memory_space<vmem>>, vector<512x128xf32>
    tpu.vector_store %arg9[%swap3A_36, %swap3A_37], %slice3A_35 {strides = array<i32>} : memref<512x128xf32, #tpu.memory_space<vmem>>, vector<512x128xf32>,
    return
  }
  func.func @transform_0(%arg0: i32) -> (i32, i32) {
    %c0_i32 = arith.constant 0 : i32
    %c0_i32_0 = arith.constant 0 : i32
    return %arg0, %c0_i32 : i32, i32
  }
  func.func @transform_1(%arg0: i32) -> (i32, i32) {
    %c0_i32 = arith.constant 0 : i32
    %c0_i32_0 = arith.constant 0 : i32
    return %arg0, %c0_i32 : i32, i32
  }
  func.func @transform_2(%arg0: i32) -> (i32, i32) {
    %c0_i32 = arith.constant 0 : i32
    %c0_i32_0 = arith.constant 0 : i32
    return %arg0, %c0_i32 : i32, i32
  }
  func.func @transform_3(%arg0: i32) -> (i32, i32) {
    %c0_i32 = arith.constant 0 : i32
    %c0_i32_0 = arith.constant 0 : i32
    %c0_i32_1 = arith.constant 0 : i32
    return %c0_i32, %c0_i32_0 : i32, i32
  }
  func.func @transform_4(%arg0: i32) -> (i32, i32) {
    %c0_i32 = arith.constant 0 : i32
    %c0_i32_0 = arith.constant 0 : i32
    %c0_i32_1 = arith.constant 0 : i32
    return %c0_i32, %c0_i32_0 : i32, i32
  }
  func.func @transform_5(%arg0: i32) -> (i32, i32) {
    %c0_i32 = arith.constant 0 : i32
    %c0_i32_0 = arith.constant 0 : i32
    return %arg0, %c0_i32 : i32, i32
  }
  func.func @transform_6(%arg0: i32) -> (i32, i32) {
    %c0_i32 = arith.constant 0 : i32
    %c0_i32_0 = arith.constant 0 : i32
    %c0_i32_1 = arith.constant 0 : i32
    return %c0_i32, %c0_i32_0 : i32, i32
  }
  func.func @transform_7(%arg0: i32) -> (i32, i32) {
    %c0_i32 = arith.constant 0 : i32
    %c0_i32_0 = arith.constant 0 : i32
    return %arg0, %c0_i32 : i32, i32
  }
  func.func @transform_8(%arg0: i32) -> (i32, i32) {
    %c0_i32 = arith.constant 0 : i32
    %c0_i32_0 = arith.constant 0 : i32
    return %arg0, %c0_i32 : i32, i32
  }
}

module attributes {stable_mosaic.version = 14 : i64} {
  func.func @_mm_body(%arg0: i32, %arg1: memref<512x128xf32, #tpu.memory_space<vmem>>, %arg2: memref<512x128xf32, #tpu.memory_space<vmem>>, %arg3: memref<512x16xf32, #tpu.memory_space<vmem>>, %arg4: memref<256x256xf32, #tpu.memory_space<vmem>>, %arg5: memref<1x256xf32, #tpu.memory_space<vmem>>, %arg6: memref<512x128xf32, #tpu.memory_space<vmem>>, %arg7: memref<512x128xf32, #tpu.memory_space<vmem>>) attributes {dimension_semantics = [#tpu.dimension_semantics<arbitrary>], iteration_bounds = array<i64: 20>, scalar_prefetch = 0 : i64, scratch_operands = 0 : i64, tpu.core_type = #tpu.core_type<tc>, window_params = [{transform_indices = @transform_0, window_bounds = array<i64: 512, 128>}, {transform_indices = @transform_1, window_bounds = array<i64: 512, 128>}, {transform_indices = @transform_2, window_bounds = array<i64: 512, 16>}, {pipeline_mode = #tpu.pipeline_mode<synchronous>, transform_indices = @transform_3, window_bounds = array<i64: 256, 256>}, {pipeline_mode = #tpu.pipeline_mode<synchronous>, transform_indices = @transform_4, window_bounds = array<i64: 1, 256>}, {transform_indices = @transform_5, window_bounds = array<i64: 512, 128>}, {transform_indices = @transform_6, window_bounds = array<i64: 512, 128>}]} {
    %get3A = arith.constant 0 : index
    %get3A_0 = arith.constant 0 : index
    %get3A_1 = vector.load %arg3[%get3A, %get3A_0] : memref<512x16xf32, #tpu.memory_space<vmem>>, vector<512x1xf32>
    %max3A = arith.constant 1.000000e+00 : f32
    %max3A_2 = vector.broadcast %max3A : f32 to vector<512x1xf32>
    %max3A_3 = arith.maximumf %get3A_1, %max3A_2 : vector<512x1xf32>
    %div3A = arith.constant 1.000000e+00 : f32
    %div3A_4 = vector.broadcast %div3A : f32 to vector<512x1xf32>
    %div3A_5 = arith.divf %div3A_4, %max3A_3 : vector<512x1xf32>
    %get3A_6 = arith.constant 0 : index
    %get3A_7 = arith.constant 0 : index
    %get3A_8 = vector.load %arg1[%get3A_6, %get3A_7] : memref<512x128xf32, #tpu.memory_space<vmem>>, vector<512x128xf32>
    %get3A_9 = arith.constant 0 : index
    %get3A_10 = arith.constant 0 : index
    %get3A_11 = vector.load %arg2[%get3A_9, %get3A_10] : memref<512x128xf32, #tpu.memory_space<vmem>>, vector<512x128xf32>
    %concatenate3A = tpu.concatenate %get3A_8, %get3A_11 in 1 : vector<512x128xf32>, vector<512x128xf32> -> vector<512x256xf32>
    %mul3A = vector.broadcast %div3A_5 : vector<512x1xf32> to vector<512x256xf32>
    %mul3A_12 = arith.mulf %concatenate3A, %mul3A : vector<512x256xf32>
    %get3A_13 = arith.constant 0 : index
    %get3A_14 = arith.constant 0 : index
    %get3A_15 = vector.load %arg4[%get3A_13, %get3A_14] : memref<256x256xf32, #tpu.memory_space<vmem>>, vector<256x256xf32>
    %dot_general3A = arith.constant dense<0.000000e+00> : vector<512x256xf32>
    %dot_general3A_16 = tpu.matmul %mul3A_12, %get3A_15, %dot_general3A {dimension_numbers = #tpu.dot_dimension_numbers<[1], [0], [0], [1], [0, 0, 1, 1], [], []>, transpose_lhs_hint = false} : vector<512x256xf32>, vector<256x256xf32>, vector<512x256xf32> -> vector<512x256xf32>
    %get3A_17 = arith.constant 0 : index
    %get3A_18 = arith.constant 0 : index
    %get3A_19 = vector.load %arg5[%get3A_17, %get3A_18] : memref<1x256xf32, #tpu.memory_space<vmem>>, vector<1x256xf32>
    %add3A = vector.broadcast %get3A_19 : vector<1x256xf32> to vector<512x256xf32>
    %add3A_20 = arith.addf %dot_general3A_16, %add3A : vector<512x256xf32>
    %max3A_21 = arith.constant 0.000000e+00 : f32
    %max3A_22 = vector.broadcast %max3A_21 : f32 to vector<512x256xf32>
    %max3A_23 = arith.maximumf %add3A_20, %max3A_22 : vector<512x256xf32>
    %slice3A = vector.extract_strided_slice %max3A_23 {offsets = [0, 0], sizes = [512, 128], strides = [1, 1]} : vector<512x256xf32> to vector<512x128xf32>
    %swap3A = arith.constant 0 : index
    %swap3A_24 = arith.constant 0 : index
    %swap3A_25 = vector.load %arg6[%swap3A, %swap3A_24] : memref<512x128xf32, #tpu.memory_space<vmem>>, vector<512x128xf32>
    tpu.vector_store %arg6[%swap3A, %swap3A_24], %slice3A {strides = array<i32>} : memref<512x128xf32, #tpu.memory_space<vmem>>, vector<512x128xf32>,
    %slice3A_26 = vector.extract_strided_slice %max3A_23 {offsets = [0, 128], sizes = [512, 128], strides = [1, 1]} : vector<512x256xf32> to vector<512x128xf32>
    %swap3A_27 = arith.constant 0 : index
    %swap3A_28 = arith.constant 0 : index
    %swap3A_29 = vector.load %arg7[%swap3A_27, %swap3A_28] : memref<512x128xf32, #tpu.memory_space<vmem>>, vector<512x128xf32>
    tpu.vector_store %arg7[%swap3A_27, %swap3A_28], %slice3A_26 {strides = array<i32>} : memref<512x128xf32, #tpu.memory_space<vmem>>, vector<512x128xf32>,
    return
  }
  func.func @transform_0(%arg0: i32) -> (i32, i32) {
    %c0_i32 = arith.constant 0 : i32
    %c0_i32_0 = arith.constant 0 : i32
    return %arg0, %c0_i32 : i32, i32
  }
  func.func @transform_1(%arg0: i32) -> (i32, i32) {
    %c0_i32 = arith.constant 0 : i32
    %c0_i32_0 = arith.constant 0 : i32
    return %arg0, %c0_i32 : i32, i32
  }
  func.func @transform_2(%arg0: i32) -> (i32, i32) {
    %c0_i32 = arith.constant 0 : i32
    %c0_i32_0 = arith.constant 0 : i32
    return %arg0, %c0_i32 : i32, i32
  }
  func.func @transform_3(%arg0: i32) -> (i32, i32) {
    %c0_i32 = arith.constant 0 : i32
    %c0_i32_0 = arith.constant 0 : i32
    %c0_i32_1 = arith.constant 0 : i32
    return %c0_i32, %c0_i32_0 : i32, i32
  }
  func.func @transform_4(%arg0: i32) -> (i32, i32) {
    %c0_i32 = arith.constant 0 : i32
    %c0_i32_0 = arith.constant 0 : i32
    %c0_i32_1 = arith.constant 0 : i32
    return %c0_i32, %c0_i32_0 : i32, i32
  }
  func.func @transform_5(%arg0: i32) -> (i32, i32) {
    %c0_i32 = arith.constant 0 : i32
    %c0_i32_0 = arith.constant 0 : i32
    return %arg0, %c0_i32 : i32, i32
  }
  func.func @transform_6(%arg0: i32) -> (i32, i32) {
    %c0_i32 = arith.constant 0 : i32
    %c0_i32_0 = arith.constant 0 : i32
    return %arg0, %c0_i32 : i32, i32
  }
}

module attributes {stable_mosaic.version = 14 : i64} {
  func.func @_mm_body(%arg0: i32, %arg1: memref<512x128xf32, #tpu.memory_space<vmem>>, %arg2: memref<512x128xf32, #tpu.memory_space<vmem>>, %arg3: memref<512x16xf32, #tpu.memory_space<vmem>>, %arg4: memref<256x256xf32, #tpu.memory_space<vmem>>, %arg5: memref<1x256xf32, #tpu.memory_space<vmem>>, %arg6: memref<512x128xf32, #tpu.memory_space<vmem>>, %arg7: memref<512x128xf32, #tpu.memory_space<vmem>>, %arg8: memref<512x128xf32, #tpu.memory_space<vmem>>, %arg9: memref<512x128xf32, #tpu.memory_space<vmem>>) attributes {dimension_semantics = [#tpu.dimension_semantics<arbitrary>], iteration_bounds = array<i64: 20>, scalar_prefetch = 0 : i64, scratch_operands = 0 : i64, tpu.core_type = #tpu.core_type<tc>, window_params = [{transform_indices = @transform_0, window_bounds = array<i64: 512, 128>}, {transform_indices = @transform_1, window_bounds = array<i64: 512, 128>}, {transform_indices = @transform_2, window_bounds = array<i64: 512, 16>}, {pipeline_mode = #tpu.pipeline_mode<synchronous>, transform_indices = @transform_3, window_bounds = array<i64: 256, 256>}, {pipeline_mode = #tpu.pipeline_mode<synchronous>, transform_indices = @transform_4, window_bounds = array<i64: 1, 256>}, {transform_indices = @transform_5, window_bounds = array<i64: 512, 128>}, {transform_indices = @transform_6, window_bounds = array<i64: 512, 128>}, {transform_indices = @transform_7, window_bounds = array<i64: 512, 128>}, {transform_indices = @transform_8, window_bounds = array<i64: 512, 128>}]} {
    %get3A = arith.constant 0 : index
    %get3A_0 = arith.constant 0 : index
    %get3A_1 = vector.load %arg3[%get3A, %get3A_0] : memref<512x16xf32, #tpu.memory_space<vmem>>, vector<512x1xf32>
    %max3A = arith.constant 1.000000e+00 : f32
    %max3A_2 = vector.broadcast %max3A : f32 to vector<512x1xf32>
    %max3A_3 = arith.maximumf %get3A_1, %max3A_2 : vector<512x1xf32>
    %div3A = arith.constant 1.000000e+00 : f32
    %div3A_4 = vector.broadcast %div3A : f32 to vector<512x1xf32>
    %div3A_5 = arith.divf %div3A_4, %max3A_3 : vector<512x1xf32>
    %get3A_6 = arith.constant 0 : index
    %get3A_7 = arith.constant 0 : index
    %get3A_8 = vector.load %arg1[%get3A_6, %get3A_7] : memref<512x128xf32, #tpu.memory_space<vmem>>, vector<512x128xf32>
    %get3A_9 = arith.constant 0 : index
    %get3A_10 = arith.constant 0 : index
    %get3A_11 = vector.load %arg2[%get3A_9, %get3A_10] : memref<512x128xf32, #tpu.memory_space<vmem>>, vector<512x128xf32>
    %concatenate3A = tpu.concatenate %get3A_8, %get3A_11 in 1 : vector<512x128xf32>, vector<512x128xf32> -> vector<512x256xf32>
    %mul3A = vector.broadcast %div3A_5 : vector<512x1xf32> to vector<512x256xf32>
    %mul3A_12 = arith.mulf %concatenate3A, %mul3A : vector<512x256xf32>
    %get3A_13 = arith.constant 0 : index
    %get3A_14 = arith.constant 0 : index
    %get3A_15 = vector.load %arg4[%get3A_13, %get3A_14] : memref<256x256xf32, #tpu.memory_space<vmem>>, vector<256x256xf32>
    %dot_general3A = arith.constant dense<0.000000e+00> : vector<512x256xf32>
    %dot_general3A_16 = tpu.matmul %mul3A_12, %get3A_15, %dot_general3A {dimension_numbers = #tpu.dot_dimension_numbers<[1], [0], [0], [1], [0, 0, 1, 1], [], []>, transpose_lhs_hint = false} : vector<512x256xf32>, vector<256x256xf32>, vector<512x256xf32> -> vector<512x256xf32>
    %get3A_17 = arith.constant 0 : index
    %get3A_18 = arith.constant 0 : index
    %get3A_19 = vector.load %arg5[%get3A_17, %get3A_18] : memref<1x256xf32, #tpu.memory_space<vmem>>, vector<1x256xf32>
    %add3A = vector.broadcast %get3A_19 : vector<1x256xf32> to vector<512x256xf32>
    %add3A_20 = arith.addf %dot_general3A_16, %add3A : vector<512x256xf32>
    %get3A_21 = arith.constant 0 : index
    %get3A_22 = arith.constant 0 : index
    %get3A_23 = vector.load %arg6[%get3A_21, %get3A_22] : memref<512x128xf32, #tpu.memory_space<vmem>>, vector<512x128xf32>
    %get3A_24 = arith.constant 0 : index
    %get3A_25 = arith.constant 0 : index
    %get3A_26 = vector.load %arg7[%get3A_24, %get3A_25] : memref<512x128xf32, #tpu.memory_space<vmem>>, vector<512x128xf32>
    %concatenate3A_27 = tpu.concatenate %get3A_23, %get3A_26 in 1 : vector<512x128xf32>, vector<512x128xf32> -> vector<512x256xf32>
    %add3A_28 = arith.addf %add3A_20, %concatenate3A_27 : vector<512x256xf32>
    %max3A_29 = arith.constant 0.000000e+00 : f32
    %max3A_30 = vector.broadcast %max3A_29 : f32 to vector<512x256xf32>
    %max3A_31 = arith.maximumf %add3A_28, %max3A_30 : vector<512x256xf32>
    %slice3A = vector.extract_strided_slice %max3A_31 {offsets = [0, 0], sizes = [512, 128], strides = [1, 1]} : vector<512x256xf32> to vector<512x128xf32>
    %swap3A = arith.constant 0 : index
    %swap3A_32 = arith.constant 0 : index
    %swap3A_33 = vector.load %arg8[%swap3A, %swap3A_32] : memref<512x128xf32, #tpu.memory_space<vmem>>, vector<512x128xf32>
    tpu.vector_store %arg8[%swap3A, %swap3A_32], %slice3A {strides = array<i32>} : memref<512x128xf32, #tpu.memory_space<vmem>>, vector<512x128xf32>,
    %slice3A_34 = vector.extract_strided_slice %max3A_31 {offsets = [0, 128], sizes = [512, 128], strides = [1, 1]} : vector<512x256xf32> to vector<512x128xf32>
    %swap3A_35 = arith.constant 0 : index
    %swap3A_36 = arith.constant 0 : index
    %swap3A_37 = vector.load %arg9[%swap3A_35, %swap3A_36] : memref<512x128xf32, #tpu.memory_space<vmem>>, vector<512x128xf32>
    tpu.vector_store %arg9[%swap3A_35, %swap3A_36], %slice3A_34 {strides = array<i32>} : memref<512x128xf32, #tpu.memory_space<vmem>>, vector<512x128xf32>,
    return
  }
  func.func @transform_0(%arg0: i32) -> (i32, i32) {
    %c0_i32 = arith.constant 0 : i32
    %c0_i32_0 = arith.constant 0 : i32
    return %arg0, %c0_i32 : i32, i32
  }
  func.func @transform_1(%arg0: i32) -> (i32, i32) {
    %c0_i32 = arith.constant 0 : i32
    %c0_i32_0 = arith.constant 0 : i32
    return %arg0, %c0_i32 : i32, i32
  }
  func.func @transform_2(%arg0: i32) -> (i32, i32) {
    %c0_i32 = arith.constant 0 : i32
    %c0_i32_0 = arith.constant 0 : i32
    return %arg0, %c0_i32 : i32, i32
  }
  func.func @transform_3(%arg0: i32) -> (i32, i32) {
    %c0_i32 = arith.constant 0 : i32
    %c0_i32_0 = arith.constant 0 : i32
    %c0_i32_1 = arith.constant 0 : i32
    return %c0_i32, %c0_i32_0 : i32, i32
  }
  func.func @transform_4(%arg0: i32) -> (i32, i32) {
    %c0_i32 = arith.constant 0 : i32
    %c0_i32_0 = arith.constant 0 : i32
    %c0_i32_1 = arith.constant 0 : i32
    return %c0_i32, %c0_i32_0 : i32, i32
  }
  func.func @transform_5(%arg0: i32) -> (i32, i32) {
    %c0_i32 = arith.constant 0 : i32
    %c0_i32_0 = arith.constant 0 : i32
    return %arg0, %c0_i32 : i32, i32
  }
  func.func @transform_6(%arg0: i32) -> (i32, i32) {
    %c0_i32 = arith.constant 0 : i32
    %c0_i32_0 = arith.constant 0 : i32
    return %arg0, %c0_i32 : i32, i32
  }
  func.func @transform_7(%arg0: i32) -> (i32, i32) {
    %c0_i32 = arith.constant 0 : i32
    %c0_i32_0 = arith.constant 0 : i32
    return %arg0, %c0_i32 : i32, i32
  }
  func.func @transform_8(%arg0: i32) -> (i32, i32) {
    %c0_i32 = arith.constant 0 : i32
    %c0_i32_0 = arith.constant 0 : i32
    return %arg0, %c0_i32 : i32, i32
  }
}

module attributes {stable_mosaic.version = 14 : i64} {
  func.func @_final_body(%arg0: i32, %arg1: memref<512x128xf32, #tpu.memory_space<vmem>>, %arg2: memref<512x128xf32, #tpu.memory_space<vmem>>, %arg3: memref<512x128xf32, #tpu.memory_space<vmem>>, %arg4: memref<512x64xf32, #tpu.memory_space<vmem>>, %arg5: memref<128x256xf32, #tpu.memory_space<vmem>>, %arg6: memref<128x256xf32, #tpu.memory_space<vmem>>, %arg7: memref<128x256xf32, #tpu.memory_space<vmem>>, %arg8: memref<1x256xf32, #tpu.memory_space<vmem>>, %arg9: memref<256x128xf32, #tpu.memory_space<vmem>>, %arg10: memref<1x128xf32, #tpu.memory_space<vmem>>, %arg11: memref<128x16xf32, #tpu.memory_space<vmem>>, %arg12: memref<1x16xf32, #tpu.memory_space<vmem>>, %arg13: memref<64x16xf32, #tpu.memory_space<vmem>>, %arg14: memref<64x256xf32, #tpu.memory_space<vmem>>) attributes {dimension_semantics = [#tpu.dimension_semantics<arbitrary>], iteration_bounds = array<i64: 20>, scalar_prefetch = 0 : i64, scratch_operands = 1 : i64, tpu.core_type = #tpu.core_type<tc>, window_params = [{transform_indices = @transform_0, window_bounds = array<i64: 512, 128>}, {transform_indices = @transform_1, window_bounds = array<i64: 512, 128>}, {transform_indices = @transform_2, window_bounds = array<i64: 512, 128>}, {transform_indices = @transform_3, window_bounds = array<i64: 512, 64>}, {pipeline_mode = #tpu.pipeline_mode<synchronous>, transform_indices = @transform_4, window_bounds = array<i64: 128, 256>}, {pipeline_mode = #tpu.pipeline_mode<synchronous>, transform_indices = @transform_5, window_bounds = array<i64: 128, 256>}, {pipeline_mode = #tpu.pipeline_mode<synchronous>, transform_indices = @transform_6, window_bounds = array<i64: 128, 256>}, {pipeline_mode = #tpu.pipeline_mode<synchronous>, transform_indices = @transform_7, window_bounds = array<i64: 1, 256>}, {pipeline_mode = #tpu.pipeline_mode<synchronous>, transform_indices = @transform_8, window_bounds = array<i64: 256, 128>}, {pipeline_mode = #tpu.pipeline_mode<synchronous>, transform_indices = @transform_9, window_bounds = array<i64: 1, 128>}, {pipeline_mode = #tpu.pipeline_mode<synchronous>, transform_indices = @transform_10, window_bounds = array<i64: 128, 16>}, {pipeline_mode = #tpu.pipeline_mode<synchronous>, transform_indices = @transform_11, window_bounds = array<i64: 1, 16>}, {pipeline_mode = #tpu.pipeline_mode<synchronous>, transform_indices = @transform_12, window_bounds = array<i64: 64, 16>}]} {
    %eq3A = arith.constant 0 : i32
    %eq3A_0 = arith.cmpi eq, %arg0, %eq3A : i32
    %convert_element_type3A = arith.extui %eq3A_0 : i1 to i32
    %cond3A = arith.constant 0 : i32
    %cond3A_1 = arith.cmpi ne, %convert_element_type3A, %cond3A : i32
    scf.if %cond3A_1 {
      %broadcast_in_dim3A_800 = arith.constant 0xFF800000 : f32
      %broadcast_in_dim3A_801 = vector.broadcast %broadcast_in_dim3A_800 : f32 to vector<64x256xf32>
      %swap3A_802 = arith.constant 0 : index
      %swap3A_803 = arith.constant 0 : index
      %swap3A_804 = vector.load %arg14[%swap3A_802, %swap3A_803] : memref<64x256xf32, #tpu.memory_space<vmem>>, vector<64x256xf32>
      tpu.vector_store %arg14[%swap3A_802, %swap3A_803], %broadcast_in_dim3A_801 {strides = array<i32>} : memref<64x256xf32, #tpu.memory_space<vmem>>, vector<64x256xf32>,
    } else {
    }
    %get3A = arith.constant 0 : index
    %get3A_2 = arith.constant 0 : index
    %get3A_3 = vector.load %arg1[%get3A, %get3A_2] : memref<512x128xf32, #tpu.memory_space<vmem>>, vector<512x128xf32>
    %get3A_4 = arith.constant 0 : index
    %get3A_5 = arith.constant 0 : index
    %get3A_6 = vector.load %arg5[%get3A_4, %get3A_5] : memref<128x256xf32, #tpu.memory_space<vmem>>, vector<128x256xf32>
    %dot_general3A = arith.constant dense<0.000000e+00> : vector<512x256xf32>
    %dot_general3A_7 = tpu.matmul %get3A_3, %get3A_6, %dot_general3A {dimension_numbers = #tpu.dot_dimension_numbers<[1], [0], [0], [1], [0, 0, 1, 1], [], []>, transpose_lhs_hint = false} : vector<512x128xf32>, vector<128x256xf32>, vector<512x256xf32> -> vector<512x256xf32>
    %get3A_8 = arith.constant 0 : index
    %get3A_9 = arith.constant 0 : index
    %get3A_10 = vector.load %arg2[%get3A_8, %get3A_9] : memref<512x128xf32, #tpu.memory_space<vmem>>, vector<512x128xf32>
    %get3A_11 = arith.constant 0 : index
    %get3A_12 = arith.constant 0 : index
    %get3A_13 = vector.load %arg6[%get3A_11, %get3A_12] : memref<128x256xf32, #tpu.memory_space<vmem>>, vector<128x256xf32>
    %dot_general3A_14 = arith.constant dense<0.000000e+00> : vector<512x256xf32>
    %dot_general3A_15 = tpu.matmul %get3A_10, %get3A_13, %dot_general3A_14 {dimension_numbers = #tpu.dot_dimension_numbers<[1], [0], [0], [1], [0, 0, 1, 1], [], []>, transpose_lhs_hint = false} : vector<512x128xf32>, vector<128x256xf32>, vector<512x256xf32> -> vector<512x256xf32>
    %add3A = arith.addf %dot_general3A_7, %dot_general3A_15 : vector<512x256xf32>
    %get3A_16 = arith.constant 0 : index
    %get3A_17 = arith.constant 0 : index
    %get3A_18 = vector.load %arg3[%get3A_16, %get3A_17] : memref<512x128xf32, #tpu.memory_space<vmem>>, vector<512x128xf32>
    %get3A_19 = arith.constant 0 : index
    %get3A_20 = arith.constant 0 : index
    %get3A_21 = vector.load %arg7[%get3A_19, %get3A_20] : memref<128x256xf32, #tpu.memory_space<vmem>>, vector<128x256xf32>
    %dot_general3A_22 = arith.constant dense<0.000000e+00> : vector<512x256xf32>
    %dot_general3A_23 = tpu.matmul %get3A_18, %get3A_21, %dot_general3A_22 {dimension_numbers = #tpu.dot_dimension_numbers<[1], [0], [0], [1], [0, 0, 1, 1], [], []>, transpose_lhs_hint = false} : vector<512x128xf32>, vector<128x256xf32>, vector<512x256xf32> -> vector<512x256xf32>
    %add3A_24 = arith.addf %add3A, %dot_general3A_23 : vector<512x256xf32>
    %get3A_25 = arith.constant 0 : index
    %get3A_26 = arith.constant 0 : index
    %get3A_27 = vector.load %arg4[%get3A_25, %get3A_26] : memref<512x64xf32, #tpu.memory_space<vmem>>, vector<512x64xf32>
    %slice3A = vector.extract_strided_slice %get3A_27 {offsets = [0, 0], sizes = [512, 1], strides = [1, 1]} : vector<512x64xf32> to vector<512x1xf32>
    %gt3A = arith.constant 0.000000e+00 : f32
    %gt3A_28 = vector.broadcast %gt3A : f32 to vector<512x1xf32>
    %gt3A_29 = arith.cmpf ogt, %slice3A, %gt3A_28 : vector<512x1xf32>
    %jit3A = arith.constant 0xFF800000 : f32
    %broadcast_in_dim3A = vector.shape_cast %gt3A_29 : vector<512x1xi1> to vector<512x1xi1>
    %broadcast_in_dim3A_30 = vector.broadcast %broadcast_in_dim3A : vector<512x1xi1> to vector<512x256xi1>
    %broadcast_in_dim3A_31 = vector.broadcast %jit3A : f32 to vector<512x256xf32>
    %select_n3A = arith.select %broadcast_in_dim3A_30, %add3A_24, %broadcast_in_dim3A_31 : vector<512x256xi1>, vector<512x256xf32>
    %reduce_max3A = arith.constant dense<0xFF800000> : vector<256xf32>
    %reduce_max3A_32 = vector.multi_reduction <maximumf>, %select_n3A, %reduce_max3A [0] : vector<512x256xf32> to vector<256xf32>
    %broadcast_in_dim3A_33 = vector.shape_cast %reduce_max3A_32 : vector<256xf32> to vector<1x256xf32>
    %slice3A_34 = vector.extract_strided_slice %get3A_27 {offsets = [0, 1], sizes = [512, 1], strides = [1, 1]} : vector<512x64xf32> to vector<512x1xf32>
    %gt3A_35 = arith.constant 0.000000e+00 : f32
    %gt3A_36 = vector.broadcast %gt3A_35 : f32 to vector<512x1xf32>
    %gt3A_37 = arith.cmpf ogt, %slice3A_34, %gt3A_36 : vector<512x1xf32>
    %jit3A_38 = arith.constant 0xFF800000 : f32
    %broadcast_in_dim3A_39 = vector.shape_cast %gt3A_37 : vector<512x1xi1> to vector<512x1xi1>
    %broadcast_in_dim3A_40 = vector.broadcast %broadcast_in_dim3A_39 : vector<512x1xi1> to vector<512x256xi1>
    %broadcast_in_dim3A_41 = vector.broadcast %jit3A_38 : f32 to vector<512x256xf32>
    %select_n3A_42 = arith.select %broadcast_in_dim3A_40, %add3A_24, %broadcast_in_dim3A_41 : vector<512x256xi1>, vector<512x256xf32>
    %reduce_max3A_43 = arith.constant dense<0xFF800000> : vector<256xf32>
    %reduce_max3A_44 = vector.multi_reduction <maximumf>, %select_n3A_42, %reduce_max3A_43 [0] : vector<512x256xf32> to vector<256xf32>
    %broadcast_in_dim3A_45 = vector.shape_cast %reduce_max3A_44 : vector<256xf32> to vector<1x256xf32>
    %slice3A_46 = vector.extract_strided_slice %get3A_27 {offsets = [0, 2], sizes = [512, 1], strides = [1, 1]} : vector<512x64xf32> to vector<512x1xf32>
    %gt3A_47 = arith.constant 0.000000e+00 : f32
    %gt3A_48 = vector.broadcast %gt3A_47 : f32 to vector<512x1xf32>
    %gt3A_49 = arith.cmpf ogt, %slice3A_46, %gt3A_48 : vector<512x1xf32>
    %jit3A_50 = arith.constant 0xFF800000 : f32
    %broadcast_in_dim3A_51 = vector.shape_cast %gt3A_49 : vector<512x1xi1> to vector<512x1xi1>
    %broadcast_in_dim3A_52 = vector.broadcast %broadcast_in_dim3A_51 : vector<512x1xi1> to vector<512x256xi1>
    %broadcast_in_dim3A_53 = vector.broadcast %jit3A_50 : f32 to vector<512x256xf32>
    %select_n3A_54 = arith.select %broadcast_in_dim3A_52, %add3A_24, %broadcast_in_dim3A_53 : vector<512x256xi1>, vector<512x256xf32>
    %reduce_max3A_55 = arith.constant dense<0xFF800000> : vector<256xf32>
    %reduce_max3A_56 = vector.multi_reduction <maximumf>, %select_n3A_54, %reduce_max3A_55 [0] : vector<512x256xf32> to vector<256xf32>
    %broadcast_in_dim3A_57 = vector.shape_cast %reduce_max3A_56 : vector<256xf32> to vector<1x256xf32>
    %slice3A_58 = vector.extract_strided_slice %get3A_27 {offsets = [0, 3], sizes = [512, 1], strides = [1, 1]} : vector<512x64xf32> to vector<512x1xf32>
    %gt3A_59 = arith.constant 0.000000e+00 : f32
    %gt3A_60 = vector.broadcast %gt3A_59 : f32 to vector<512x1xf32>
    %gt3A_61 = arith.cmpf ogt, %slice3A_58, %gt3A_60 : vector<512x1xf32>
    %jit3A_62 = arith.constant 0xFF800000 : f32
    %broadcast_in_dim3A_63 = vector.shape_cast %gt3A_61 : vector<512x1xi1> to vector<512x1xi1>
    %broadcast_in_dim3A_64 = vector.broadcast %broadcast_in_dim3A_63 : vector<512x1xi1> to vector<512x256xi1>
    %broadcast_in_dim3A_65 = vector.broadcast %jit3A_62 : f32 to vector<512x256xf32>
    %select_n3A_66 = arith.select %broadcast_in_dim3A_64, %add3A_24, %broadcast_in_dim3A_65 : vector<512x256xi1>, vector<512x256xf32>
    %reduce_max3A_67 = arith.constant dense<0xFF800000> : vector<256xf32>
    %reduce_max3A_68 = vector.multi_reduction <maximumf>, %select_n3A_66, %reduce_max3A_67 [0] : vector<512x256xf32> to vector<256xf32>
    %broadcast_in_dim3A_69 = vector.shape_cast %reduce_max3A_68 : vector<256xf32> to vector<1x256xf32>
    %slice3A_70 = vector.extract_strided_slice %get3A_27 {offsets = [0, 4], sizes = [512, 1], strides = [1, 1]} : vector<512x64xf32> to vector<512x1xf32>
    %gt3A_71 = arith.constant 0.000000e+00 : f32
    %gt3A_72 = vector.broadcast %gt3A_71 : f32 to vector<512x1xf32>
    %gt3A_73 = arith.cmpf ogt, %slice3A_70, %gt3A_72 : vector<512x1xf32>
    %jit3A_74 = arith.constant 0xFF800000 : f32
    %broadcast_in_dim3A_75 = vector.shape_cast %gt3A_73 : vector<512x1xi1> to vector<512x1xi1>
    %broadcast_in_dim3A_76 = vector.broadcast %broadcast_in_dim3A_75 : vector<512x1xi1> to vector<512x256xi1>
    %broadcast_in_dim3A_77 = vector.broadcast %jit3A_74 : f32 to vector<512x256xf32>
    %select_n3A_78 = arith.select %broadcast_in_dim3A_76, %add3A_24, %broadcast_in_dim3A_77 : vector<512x256xi1>, vector<512x256xf32>
    %reduce_max3A_79 = arith.constant dense<0xFF800000> : vector<256xf32>
    %reduce_max3A_80 = vector.multi_reduction <maximumf>, %select_n3A_78, %reduce_max3A_79 [0] : vector<512x256xf32> to vector<256xf32>
    %broadcast_in_dim3A_81 = vector.shape_cast %reduce_max3A_80 : vector<256xf32> to vector<1x256xf32>
    %slice3A_82 = vector.extract_strided_slice %get3A_27 {offsets = [0, 5], sizes = [512, 1], strides = [1, 1]} : vector<512x64xf32> to vector<512x1xf32>
    %gt3A_83 = arith.constant 0.000000e+00 : f32
    %gt3A_84 = vector.broadcast %gt3A_83 : f32 to vector<512x1xf32>
    %gt3A_85 = arith.cmpf ogt, %slice3A_82, %gt3A_84 : vector<512x1xf32>
    %jit3A_86 = arith.constant 0xFF800000 : f32
    %broadcast_in_dim3A_87 = vector.shape_cast %gt3A_85 : vector<512x1xi1> to vector<512x1xi1>
    %broadcast_in_dim3A_88 = vector.broadcast %broadcast_in_dim3A_87 : vector<512x1xi1> to vector<512x256xi1>
    %broadcast_in_dim3A_89 = vector.broadcast %jit3A_86 : f32 to vector<512x256xf32>
    %select_n3A_90 = arith.select %broadcast_in_dim3A_88, %add3A_24, %broadcast_in_dim3A_89 : vector<512x256xi1>, vector<512x256xf32>
    %reduce_max3A_91 = arith.constant dense<0xFF800000> : vector<256xf32>
    %reduce_max3A_92 = vector.multi_reduction <maximumf>, %select_n3A_90, %reduce_max3A_91 [0] : vector<512x256xf32> to vector<256xf32>
    %broadcast_in_dim3A_93 = vector.shape_cast %reduce_max3A_92 : vector<256xf32> to vector<1x256xf32>
    %slice3A_94 = vector.extract_strided_slice %get3A_27 {offsets = [0, 6], sizes = [512, 1], strides = [1, 1]} : vector<512x64xf32> to vector<512x1xf32>
    %gt3A_95 = arith.constant 0.000000e+00 : f32
    %gt3A_96 = vector.broadcast %gt3A_95 : f32 to vector<512x1xf32>
    %gt3A_97 = arith.cmpf ogt, %slice3A_94, %gt3A_96 : vector<512x1xf32>
    %jit3A_98 = arith.constant 0xFF800000 : f32
    %broadcast_in_dim3A_99 = vector.shape_cast %gt3A_97 : vector<512x1xi1> to vector<512x1xi1>
    %broadcast_in_dim3A_100 = vector.broadcast %broadcast_in_dim3A_99 : vector<512x1xi1> to vector<512x256xi1>
    %broadcast_in_dim3A_101 = vector.broadcast %jit3A_98 : f32 to vector<512x256xf32>
    %select_n3A_102 = arith.select %broadcast_in_dim3A_100, %add3A_24, %broadcast_in_dim3A_101 : vector<512x256xi1>, vector<512x256xf32>
    %reduce_max3A_103 = arith.constant dense<0xFF800000> : vector<256xf32>
    %reduce_max3A_104 = vector.multi_reduction <maximumf>, %select_n3A_102, %reduce_max3A_103 [0] : vector<512x256xf32> to vector<256xf32>
    %broadcast_in_dim3A_105 = vector.shape_cast %reduce_max3A_104 : vector<256xf32> to vector<1x256xf32>
    %slice3A_106 = vector.extract_strided_slice %get3A_27 {offsets = [0, 7], sizes = [512, 1], strides = [1, 1]} : vector<512x64xf32> to vector<512x1xf32>
    %gt3A_107 = arith.constant 0.000000e+00 : f32
    %gt3A_108 = vector.broadcast %gt3A_107 : f32 to vector<512x1xf32>
    %gt3A_109 = arith.cmpf ogt, %slice3A_106, %gt3A_108 : vector<512x1xf32>
    %jit3A_110 = arith.constant 0xFF800000 : f32
    %broadcast_in_dim3A_111 = vector.shape_cast %gt3A_109 : vector<512x1xi1> to vector<512x1xi1>
    %broadcast_in_dim3A_112 = vector.broadcast %broadcast_in_dim3A_111 : vector<512x1xi1> to vector<512x256xi1>
    %broadcast_in_dim3A_113 = vector.broadcast %jit3A_110 : f32 to vector<512x256xf32>
    %select_n3A_114 = arith.select %broadcast_in_dim3A_112, %add3A_24, %broadcast_in_dim3A_113 : vector<512x256xi1>, vector<512x256xf32>
    %reduce_max3A_115 = arith.constant dense<0xFF800000> : vector<256xf32>
    %reduce_max3A_116 = vector.multi_reduction <maximumf>, %select_n3A_114, %reduce_max3A_115 [0] : vector<512x256xf32> to vector<256xf32>
    %broadcast_in_dim3A_117 = vector.shape_cast %reduce_max3A_116 : vector<256xf32> to vector<1x256xf32>
    %slice3A_118 = vector.extract_strided_slice %get3A_27 {offsets = [0, 8], sizes = [512, 1], strides = [1, 1]} : vector<512x64xf32> to vector<512x1xf32>
    %gt3A_119 = arith.constant 0.000000e+00 : f32
    %gt3A_120 = vector.broadcast %gt3A_119 : f32 to vector<512x1xf32>
    %gt3A_121 = arith.cmpf ogt, %slice3A_118, %gt3A_120 : vector<512x1xf32>
    %jit3A_122 = arith.constant 0xFF800000 : f32
    %broadcast_in_dim3A_123 = vector.shape_cast %gt3A_121 : vector<512x1xi1> to vector<512x1xi1>
    %broadcast_in_dim3A_124 = vector.broadcast %broadcast_in_dim3A_123 : vector<512x1xi1> to vector<512x256xi1>
    %broadcast_in_dim3A_125 = vector.broadcast %jit3A_122 : f32 to vector<512x256xf32>
    %select_n3A_126 = arith.select %broadcast_in_dim3A_124, %add3A_24, %broadcast_in_dim3A_125 : vector<512x256xi1>, vector<512x256xf32>
    %reduce_max3A_127 = arith.constant dense<0xFF800000> : vector<256xf32>
    %reduce_max3A_128 = vector.multi_reduction <maximumf>, %select_n3A_126, %reduce_max3A_127 [0] : vector<512x256xf32> to vector<256xf32>
    %broadcast_in_dim3A_129 = vector.shape_cast %reduce_max3A_128 : vector<256xf32> to vector<1x256xf32>
    %slice3A_130 = vector.extract_strided_slice %get3A_27 {offsets = [0, 9], sizes = [512, 1], strides = [1, 1]} : vector<512x64xf32> to vector<512x1xf32>
    %gt3A_131 = arith.constant 0.000000e+00 : f32
    %gt3A_132 = vector.broadcast %gt3A_131 : f32 to vector<512x1xf32>
    %gt3A_133 = arith.cmpf ogt, %slice3A_130, %gt3A_132 : vector<512x1xf32>
    %jit3A_134 = arith.constant 0xFF800000 : f32
    %broadcast_in_dim3A_135 = vector.shape_cast %gt3A_133 : vector<512x1xi1> to vector<512x1xi1>
    %broadcast_in_dim3A_136 = vector.broadcast %broadcast_in_dim3A_135 : vector<512x1xi1> to vector<512x256xi1>
    %broadcast_in_dim3A_137 = vector.broadcast %jit3A_134 : f32 to vector<512x256xf32>
    %select_n3A_138 = arith.select %broadcast_in_dim3A_136, %add3A_24, %broadcast_in_dim3A_137 : vector<512x256xi1>, vector<512x256xf32>
    %reduce_max3A_139 = arith.constant dense<0xFF800000> : vector<256xf32>
    %reduce_max3A_140 = vector.multi_reduction <maximumf>, %select_n3A_138, %reduce_max3A_139 [0] : vector<512x256xf32> to vector<256xf32>
    %broadcast_in_dim3A_141 = vector.shape_cast %reduce_max3A_140 : vector<256xf32> to vector<1x256xf32>
    %slice3A_142 = vector.extract_strided_slice %get3A_27 {offsets = [0, 10], sizes = [512, 1], strides = [1, 1]} : vector<512x64xf32> to vector<512x1xf32>
    %gt3A_143 = arith.constant 0.000000e+00 : f32
    %gt3A_144 = vector.broadcast %gt3A_143 : f32 to vector<512x1xf32>
    %gt3A_145 = arith.cmpf ogt, %slice3A_142, %gt3A_144 : vector<512x1xf32>
    %jit3A_146 = arith.constant 0xFF800000 : f32
    %broadcast_in_dim3A_147 = vector.shape_cast %gt3A_145 : vector<512x1xi1> to vector<512x1xi1>
    %broadcast_in_dim3A_148 = vector.broadcast %broadcast_in_dim3A_147 : vector<512x1xi1> to vector<512x256xi1>
    %broadcast_in_dim3A_149 = vector.broadcast %jit3A_146 : f32 to vector<512x256xf32>
    %select_n3A_150 = arith.select %broadcast_in_dim3A_148, %add3A_24, %broadcast_in_dim3A_149 : vector<512x256xi1>, vector<512x256xf32>
    %reduce_max3A_151 = arith.constant dense<0xFF800000> : vector<256xf32>
    %reduce_max3A_152 = vector.multi_reduction <maximumf>, %select_n3A_150, %reduce_max3A_151 [0] : vector<512x256xf32> to vector<256xf32>
    %broadcast_in_dim3A_153 = vector.shape_cast %reduce_max3A_152 : vector<256xf32> to vector<1x256xf32>
    %slice3A_154 = vector.extract_strided_slice %get3A_27 {offsets = [0, 11], sizes = [512, 1], strides = [1, 1]} : vector<512x64xf32> to vector<512x1xf32>
    %gt3A_155 = arith.constant 0.000000e+00 : f32
    %gt3A_156 = vector.broadcast %gt3A_155 : f32 to vector<512x1xf32>
    %gt3A_157 = arith.cmpf ogt, %slice3A_154, %gt3A_156 : vector<512x1xf32>
    %jit3A_158 = arith.constant 0xFF800000 : f32
    %broadcast_in_dim3A_159 = vector.shape_cast %gt3A_157 : vector<512x1xi1> to vector<512x1xi1>
    %broadcast_in_dim3A_160 = vector.broadcast %broadcast_in_dim3A_159 : vector<512x1xi1> to vector<512x256xi1>
    %broadcast_in_dim3A_161 = vector.broadcast %jit3A_158 : f32 to vector<512x256xf32>
    %select_n3A_162 = arith.select %broadcast_in_dim3A_160, %add3A_24, %broadcast_in_dim3A_161 : vector<512x256xi1>, vector<512x256xf32>
    %reduce_max3A_163 = arith.constant dense<0xFF800000> : vector<256xf32>
    %reduce_max3A_164 = vector.multi_reduction <maximumf>, %select_n3A_162, %reduce_max3A_163 [0] : vector<512x256xf32> to vector<256xf32>
    %broadcast_in_dim3A_165 = vector.shape_cast %reduce_max3A_164 : vector<256xf32> to vector<1x256xf32>
    %slice3A_166 = vector.extract_strided_slice %get3A_27 {offsets = [0, 12], sizes = [512, 1], strides = [1, 1]} : vector<512x64xf32> to vector<512x1xf32>
    %gt3A_167 = arith.constant 0.000000e+00 : f32
    %gt3A_168 = vector.broadcast %gt3A_167 : f32 to vector<512x1xf32>
    %gt3A_169 = arith.cmpf ogt, %slice3A_166, %gt3A_168 : vector<512x1xf32>
    %jit3A_170 = arith.constant 0xFF800000 : f32
    %broadcast_in_dim3A_171 = vector.shape_cast %gt3A_169 : vector<512x1xi1> to vector<512x1xi1>
    %broadcast_in_dim3A_172 = vector.broadcast %broadcast_in_dim3A_171 : vector<512x1xi1> to vector<512x256xi1>
    %broadcast_in_dim3A_173 = vector.broadcast %jit3A_170 : f32 to vector<512x256xf32>
    %select_n3A_174 = arith.select %broadcast_in_dim3A_172, %add3A_24, %broadcast_in_dim3A_173 : vector<512x256xi1>, vector<512x256xf32>
    %reduce_max3A_175 = arith.constant dense<0xFF800000> : vector<256xf32>
    %reduce_max3A_176 = vector.multi_reduction <maximumf>, %select_n3A_174, %reduce_max3A_175 [0] : vector<512x256xf32> to vector<256xf32>
    %broadcast_in_dim3A_177 = vector.shape_cast %reduce_max3A_176 : vector<256xf32> to vector<1x256xf32>
    %slice3A_178 = vector.extract_strided_slice %get3A_27 {offsets = [0, 13], sizes = [512, 1], strides = [1, 1]} : vector<512x64xf32> to vector<512x1xf32>
    %gt3A_179 = arith.constant 0.000000e+00 : f32
    %gt3A_180 = vector.broadcast %gt3A_179 : f32 to vector<512x1xf32>
    %gt3A_181 = arith.cmpf ogt, %slice3A_178, %gt3A_180 : vector<512x1xf32>
    %jit3A_182 = arith.constant 0xFF800000 : f32
    %broadcast_in_dim3A_183 = vector.shape_cast %gt3A_181 : vector<512x1xi1> to vector<512x1xi1>
    %broadcast_in_dim3A_184 = vector.broadcast %broadcast_in_dim3A_183 : vector<512x1xi1> to vector<512x256xi1>
    %broadcast_in_dim3A_185 = vector.broadcast %jit3A_182 : f32 to vector<512x256xf32>
    %select_n3A_186 = arith.select %broadcast_in_dim3A_184, %add3A_24, %broadcast_in_dim3A_185 : vector<512x256xi1>, vector<512x256xf32>
    %reduce_max3A_187 = arith.constant dense<0xFF800000> : vector<256xf32>
    %reduce_max3A_188 = vector.multi_reduction <maximumf>, %select_n3A_186, %reduce_max3A_187 [0] : vector<512x256xf32> to vector<256xf32>
    %broadcast_in_dim3A_189 = vector.shape_cast %reduce_max3A_188 : vector<256xf32> to vector<1x256xf32>
    %slice3A_190 = vector.extract_strided_slice %get3A_27 {offsets = [0, 14], sizes = [512, 1], strides = [1, 1]} : vector<512x64xf32> to vector<512x1xf32>
    %gt3A_191 = arith.constant 0.000000e+00 : f32
    %gt3A_192 = vector.broadcast %gt3A_191 : f32 to vector<512x1xf32>
    %gt3A_193 = arith.cmpf ogt, %slice3A_190, %gt3A_192 : vector<512x1xf32>
    %jit3A_194 = arith.constant 0xFF800000 : f32
    %broadcast_in_dim3A_195 = vector.shape_cast %gt3A_193 : vector<512x1xi1> to vector<512x1xi1>
    %broadcast_in_dim3A_196 = vector.broadcast %broadcast_in_dim3A_195 : vector<512x1xi1> to vector<512x256xi1>
    %broadcast_in_dim3A_197 = vector.broadcast %jit3A_194 : f32 to vector<512x256xf32>
    %select_n3A_198 = arith.select %broadcast_in_dim3A_196, %add3A_24, %broadcast_in_dim3A_197 : vector<512x256xi1>, vector<512x256xf32>
    %reduce_max3A_199 = arith.constant dense<0xFF800000> : vector<256xf32>
    %reduce_max3A_200 = vector.multi_reduction <maximumf>, %select_n3A_198, %reduce_max3A_199 [0] : vector<512x256xf32> to vector<256xf32>
    %broadcast_in_dim3A_201 = vector.shape_cast %reduce_max3A_200 : vector<256xf32> to vector<1x256xf32>
    %slice3A_202 = vector.extract_strided_slice %get3A_27 {offsets = [0, 15], sizes = [512, 1], strides = [1, 1]} : vector<512x64xf32> to vector<512x1xf32>
    %gt3A_203 = arith.constant 0.000000e+00 : f32
    %gt3A_204 = vector.broadcast %gt3A_203 : f32 to vector<512x1xf32>
    %gt3A_205 = arith.cmpf ogt, %slice3A_202, %gt3A_204 : vector<512x1xf32>
    %jit3A_206 = arith.constant 0xFF800000 : f32
    %broadcast_in_dim3A_207 = vector.shape_cast %gt3A_205 : vector<512x1xi1> to vector<512x1xi1>
    %broadcast_in_dim3A_208 = vector.broadcast %broadcast_in_dim3A_207 : vector<512x1xi1> to vector<512x256xi1>
    %broadcast_in_dim3A_209 = vector.broadcast %jit3A_206 : f32 to vector<512x256xf32>
    %select_n3A_210 = arith.select %broadcast_in_dim3A_208, %add3A_24, %broadcast_in_dim3A_209 : vector<512x256xi1>, vector<512x256xf32>
    %reduce_max3A_211 = arith.constant dense<0xFF800000> : vector<256xf32>
    %reduce_max3A_212 = vector.multi_reduction <maximumf>, %select_n3A_210, %reduce_max3A_211 [0] : vector<512x256xf32> to vector<256xf32>
    %broadcast_in_dim3A_213 = vector.shape_cast %reduce_max3A_212 : vector<256xf32> to vector<1x256xf32>
    %slice3A_214 = vector.extract_strided_slice %get3A_27 {offsets = [0, 16], sizes = [512, 1], strides = [1, 1]} : vector<512x64xf32> to vector<512x1xf32>
    %gt3A_215 = arith.constant 0.000000e+00 : f32
    %gt3A_216 = vector.broadcast %gt3A_215 : f32 to vector<512x1xf32>
    %gt3A_217 = arith.cmpf ogt, %slice3A_214, %gt3A_216 : vector<512x1xf32>
    %jit3A_218 = arith.constant 0xFF800000 : f32
    %broadcast_in_dim3A_219 = vector.shape_cast %gt3A_217 : vector<512x1xi1> to vector<512x1xi1>
    %broadcast_in_dim3A_220 = vector.broadcast %broadcast_in_dim3A_219 : vector<512x1xi1> to vector<512x256xi1>
    %broadcast_in_dim3A_221 = vector.broadcast %jit3A_218 : f32 to vector<512x256xf32>
    %select_n3A_222 = arith.select %broadcast_in_dim3A_220, %add3A_24, %broadcast_in_dim3A_221 : vector<512x256xi1>, vector<512x256xf32>
    %reduce_max3A_223 = arith.constant dense<0xFF800000> : vector<256xf32>
    %reduce_max3A_224 = vector.multi_reduction <maximumf>, %select_n3A_222, %reduce_max3A_223 [0] : vector<512x256xf32> to vector<256xf32>
    %broadcast_in_dim3A_225 = vector.shape_cast %reduce_max3A_224 : vector<256xf32> to vector<1x256xf32>
    %slice3A_226 = vector.extract_strided_slice %get3A_27 {offsets = [0, 17], sizes = [512, 1], strides = [1, 1]} : vector<512x64xf32> to vector<512x1xf32>
    %gt3A_227 = arith.constant 0.000000e+00 : f32
    %gt3A_228 = vector.broadcast %gt3A_227 : f32 to vector<512x1xf32>
    %gt3A_229 = arith.cmpf ogt, %slice3A_226, %gt3A_228 : vector<512x1xf32>
    %jit3A_230 = arith.constant 0xFF800000 : f32
    %broadcast_in_dim3A_231 = vector.shape_cast %gt3A_229 : vector<512x1xi1> to vector<512x1xi1>
    %broadcast_in_dim3A_232 = vector.broadcast %broadcast_in_dim3A_231 : vector<512x1xi1> to vector<512x256xi1>
    %broadcast_in_dim3A_233 = vector.broadcast %jit3A_230 : f32 to vector<512x256xf32>
    %select_n3A_234 = arith.select %broadcast_in_dim3A_232, %add3A_24, %broadcast_in_dim3A_233 : vector<512x256xi1>, vector<512x256xf32>
    %reduce_max3A_235 = arith.constant dense<0xFF800000> : vector<256xf32>
    %reduce_max3A_236 = vector.multi_reduction <maximumf>, %select_n3A_234, %reduce_max3A_235 [0] : vector<512x256xf32> to vector<256xf32>
    %broadcast_in_dim3A_237 = vector.shape_cast %reduce_max3A_236 : vector<256xf32> to vector<1x256xf32>
    %slice3A_238 = vector.extract_strided_slice %get3A_27 {offsets = [0, 18], sizes = [512, 1], strides = [1, 1]} : vector<512x64xf32> to vector<512x1xf32>
    %gt3A_239 = arith.constant 0.000000e+00 : f32
    %gt3A_240 = vector.broadcast %gt3A_239 : f32 to vector<512x1xf32>
    %gt3A_241 = arith.cmpf ogt, %slice3A_238, %gt3A_240 : vector<512x1xf32>
    %jit3A_242 = arith.constant 0xFF800000 : f32
    %broadcast_in_dim3A_243 = vector.shape_cast %gt3A_241 : vector<512x1xi1> to vector<512x1xi1>
    %broadcast_in_dim3A_244 = vector.broadcast %broadcast_in_dim3A_243 : vector<512x1xi1> to vector<512x256xi1>
    %broadcast_in_dim3A_245 = vector.broadcast %jit3A_242 : f32 to vector<512x256xf32>
    %select_n3A_246 = arith.select %broadcast_in_dim3A_244, %add3A_24, %broadcast_in_dim3A_245 : vector<512x256xi1>, vector<512x256xf32>
    %reduce_max3A_247 = arith.constant dense<0xFF800000> : vector<256xf32>
    %reduce_max3A_248 = vector.multi_reduction <maximumf>, %select_n3A_246, %reduce_max3A_247 [0] : vector<512x256xf32> to vector<256xf32>
    %broadcast_in_dim3A_249 = vector.shape_cast %reduce_max3A_248 : vector<256xf32> to vector<1x256xf32>
    %slice3A_250 = vector.extract_strided_slice %get3A_27 {offsets = [0, 19], sizes = [512, 1], strides = [1, 1]} : vector<512x64xf32> to vector<512x1xf32>
    %gt3A_251 = arith.constant 0.000000e+00 : f32
    %gt3A_252 = vector.broadcast %gt3A_251 : f32 to vector<512x1xf32>
    %gt3A_253 = arith.cmpf ogt, %slice3A_250, %gt3A_252 : vector<512x1xf32>
    %jit3A_254 = arith.constant 0xFF800000 : f32
    %broadcast_in_dim3A_255 = vector.shape_cast %gt3A_253 : vector<512x1xi1> to vector<512x1xi1>
    %broadcast_in_dim3A_256 = vector.broadcast %broadcast_in_dim3A_255 : vector<512x1xi1> to vector<512x256xi1>
    %broadcast_in_dim3A_257 = vector.broadcast %jit3A_254 : f32 to vector<512x256xf32>
    %select_n3A_258 = arith.select %broadcast_in_dim3A_256, %add3A_24, %broadcast_in_dim3A_257 : vector<512x256xi1>, vector<512x256xf32>
    %reduce_max3A_259 = arith.constant dense<0xFF800000> : vector<256xf32>
    %reduce_max3A_260 = vector.multi_reduction <maximumf>, %select_n3A_258, %reduce_max3A_259 [0] : vector<512x256xf32> to vector<256xf32>
    %broadcast_in_dim3A_261 = vector.shape_cast %reduce_max3A_260 : vector<256xf32> to vector<1x256xf32>
    %slice3A_262 = vector.extract_strided_slice %get3A_27 {offsets = [0, 20], sizes = [512, 1], strides = [1, 1]} : vector<512x64xf32> to vector<512x1xf32>
    %gt3A_263 = arith.constant 0.000000e+00 : f32
    %gt3A_264 = vector.broadcast %gt3A_263 : f32 to vector<512x1xf32>
    %gt3A_265 = arith.cmpf ogt, %slice3A_262, %gt3A_264 : vector<512x1xf32>
    %jit3A_266 = arith.constant 0xFF800000 : f32
    %broadcast_in_dim3A_267 = vector.shape_cast %gt3A_265 : vector<512x1xi1> to vector<512x1xi1>
    %broadcast_in_dim3A_268 = vector.broadcast %broadcast_in_dim3A_267 : vector<512x1xi1> to vector<512x256xi1>
    %broadcast_in_dim3A_269 = vector.broadcast %jit3A_266 : f32 to vector<512x256xf32>
    %select_n3A_270 = arith.select %broadcast_in_dim3A_268, %add3A_24, %broadcast_in_dim3A_269 : vector<512x256xi1>, vector<512x256xf32>
    %reduce_max3A_271 = arith.constant dense<0xFF800000> : vector<256xf32>
    %reduce_max3A_272 = vector.multi_reduction <maximumf>, %select_n3A_270, %reduce_max3A_271 [0] : vector<512x256xf32> to vector<256xf32>
    %broadcast_in_dim3A_273 = vector.shape_cast %reduce_max3A_272 : vector<256xf32> to vector<1x256xf32>
    %slice3A_274 = vector.extract_strided_slice %get3A_27 {offsets = [0, 21], sizes = [512, 1], strides = [1, 1]} : vector<512x64xf32> to vector<512x1xf32>
    %gt3A_275 = arith.constant 0.000000e+00 : f32
    %gt3A_276 = vector.broadcast %gt3A_275 : f32 to vector<512x1xf32>
    %gt3A_277 = arith.cmpf ogt, %slice3A_274, %gt3A_276 : vector<512x1xf32>
    %jit3A_278 = arith.constant 0xFF800000 : f32
    %broadcast_in_dim3A_279 = vector.shape_cast %gt3A_277 : vector<512x1xi1> to vector<512x1xi1>
    %broadcast_in_dim3A_280 = vector.broadcast %broadcast_in_dim3A_279 : vector<512x1xi1> to vector<512x256xi1>
    %broadcast_in_dim3A_281 = vector.broadcast %jit3A_278 : f32 to vector<512x256xf32>
    %select_n3A_282 = arith.select %broadcast_in_dim3A_280, %add3A_24, %broadcast_in_dim3A_281 : vector<512x256xi1>, vector<512x256xf32>
    %reduce_max3A_283 = arith.constant dense<0xFF800000> : vector<256xf32>
    %reduce_max3A_284 = vector.multi_reduction <maximumf>, %select_n3A_282, %reduce_max3A_283 [0] : vector<512x256xf32> to vector<256xf32>
    %broadcast_in_dim3A_285 = vector.shape_cast %reduce_max3A_284 : vector<256xf32> to vector<1x256xf32>
    %slice3A_286 = vector.extract_strided_slice %get3A_27 {offsets = [0, 22], sizes = [512, 1], strides = [1, 1]} : vector<512x64xf32> to vector<512x1xf32>
    %gt3A_287 = arith.constant 0.000000e+00 : f32
    %gt3A_288 = vector.broadcast %gt3A_287 : f32 to vector<512x1xf32>
    %gt3A_289 = arith.cmpf ogt, %slice3A_286, %gt3A_288 : vector<512x1xf32>
    %jit3A_290 = arith.constant 0xFF800000 : f32
    %broadcast_in_dim3A_291 = vector.shape_cast %gt3A_289 : vector<512x1xi1> to vector<512x1xi1>
    %broadcast_in_dim3A_292 = vector.broadcast %broadcast_in_dim3A_291 : vector<512x1xi1> to vector<512x256xi1>
    %broadcast_in_dim3A_293 = vector.broadcast %jit3A_290 : f32 to vector<512x256xf32>
    %select_n3A_294 = arith.select %broadcast_in_dim3A_292, %add3A_24, %broadcast_in_dim3A_293 : vector<512x256xi1>, vector<512x256xf32>
    %reduce_max3A_295 = arith.constant dense<0xFF800000> : vector<256xf32>
    %reduce_max3A_296 = vector.multi_reduction <maximumf>, %select_n3A_294, %reduce_max3A_295 [0] : vector<512x256xf32> to vector<256xf32>
    %broadcast_in_dim3A_297 = vector.shape_cast %reduce_max3A_296 : vector<256xf32> to vector<1x256xf32>
    %slice3A_298 = vector.extract_strided_slice %get3A_27 {offsets = [0, 23], sizes = [512, 1], strides = [1, 1]} : vector<512x64xf32> to vector<512x1xf32>
    %gt3A_299 = arith.constant 0.000000e+00 : f32
    %gt3A_300 = vector.broadcast %gt3A_299 : f32 to vector<512x1xf32>
    %gt3A_301 = arith.cmpf ogt, %slice3A_298, %gt3A_300 : vector<512x1xf32>
    %jit3A_302 = arith.constant 0xFF800000 : f32
    %broadcast_in_dim3A_303 = vector.shape_cast %gt3A_301 : vector<512x1xi1> to vector<512x1xi1>
    %broadcast_in_dim3A_304 = vector.broadcast %broadcast_in_dim3A_303 : vector<512x1xi1> to vector<512x256xi1>
    %broadcast_in_dim3A_305 = vector.broadcast %jit3A_302 : f32 to vector<512x256xf32>
    %select_n3A_306 = arith.select %broadcast_in_dim3A_304, %add3A_24, %broadcast_in_dim3A_305 : vector<512x256xi1>, vector<512x256xf32>
    %reduce_max3A_307 = arith.constant dense<0xFF800000> : vector<256xf32>
    %reduce_max3A_308 = vector.multi_reduction <maximumf>, %select_n3A_306, %reduce_max3A_307 [0] : vector<512x256xf32> to vector<256xf32>
    %broadcast_in_dim3A_309 = vector.shape_cast %reduce_max3A_308 : vector<256xf32> to vector<1x256xf32>
    %slice3A_310 = vector.extract_strided_slice %get3A_27 {offsets = [0, 24], sizes = [512, 1], strides = [1, 1]} : vector<512x64xf32> to vector<512x1xf32>
    %gt3A_311 = arith.constant 0.000000e+00 : f32
    %gt3A_312 = vector.broadcast %gt3A_311 : f32 to vector<512x1xf32>
    %gt3A_313 = arith.cmpf ogt, %slice3A_310, %gt3A_312 : vector<512x1xf32>
    %jit3A_314 = arith.constant 0xFF800000 : f32
    %broadcast_in_dim3A_315 = vector.shape_cast %gt3A_313 : vector<512x1xi1> to vector<512x1xi1>
    %broadcast_in_dim3A_316 = vector.broadcast %broadcast_in_dim3A_315 : vector<512x1xi1> to vector<512x256xi1>
    %broadcast_in_dim3A_317 = vector.broadcast %jit3A_314 : f32 to vector<512x256xf32>
    %select_n3A_318 = arith.select %broadcast_in_dim3A_316, %add3A_24, %broadcast_in_dim3A_317 : vector<512x256xi1>, vector<512x256xf32>
    %reduce_max3A_319 = arith.constant dense<0xFF800000> : vector<256xf32>
    %reduce_max3A_320 = vector.multi_reduction <maximumf>, %select_n3A_318, %reduce_max3A_319 [0] : vector<512x256xf32> to vector<256xf32>
    %broadcast_in_dim3A_321 = vector.shape_cast %reduce_max3A_320 : vector<256xf32> to vector<1x256xf32>
    %slice3A_322 = vector.extract_strided_slice %get3A_27 {offsets = [0, 25], sizes = [512, 1], strides = [1, 1]} : vector<512x64xf32> to vector<512x1xf32>
    %gt3A_323 = arith.constant 0.000000e+00 : f32
    %gt3A_324 = vector.broadcast %gt3A_323 : f32 to vector<512x1xf32>
    %gt3A_325 = arith.cmpf ogt, %slice3A_322, %gt3A_324 : vector<512x1xf32>
    %jit3A_326 = arith.constant 0xFF800000 : f32
    %broadcast_in_dim3A_327 = vector.shape_cast %gt3A_325 : vector<512x1xi1> to vector<512x1xi1>
    %broadcast_in_dim3A_328 = vector.broadcast %broadcast_in_dim3A_327 : vector<512x1xi1> to vector<512x256xi1>
    %broadcast_in_dim3A_329 = vector.broadcast %jit3A_326 : f32 to vector<512x256xf32>
    %select_n3A_330 = arith.select %broadcast_in_dim3A_328, %add3A_24, %broadcast_in_dim3A_329 : vector<512x256xi1>, vector<512x256xf32>
    %reduce_max3A_331 = arith.constant dense<0xFF800000> : vector<256xf32>
    %reduce_max3A_332 = vector.multi_reduction <maximumf>, %select_n3A_330, %reduce_max3A_331 [0] : vector<512x256xf32> to vector<256xf32>
    %broadcast_in_dim3A_333 = vector.shape_cast %reduce_max3A_332 : vector<256xf32> to vector<1x256xf32>
    %slice3A_334 = vector.extract_strided_slice %get3A_27 {offsets = [0, 26], sizes = [512, 1], strides = [1, 1]} : vector<512x64xf32> to vector<512x1xf32>
    %gt3A_335 = arith.constant 0.000000e+00 : f32
    %gt3A_336 = vector.broadcast %gt3A_335 : f32 to vector<512x1xf32>
    %gt3A_337 = arith.cmpf ogt, %slice3A_334, %gt3A_336 : vector<512x1xf32>
    %jit3A_338 = arith.constant 0xFF800000 : f32
    %broadcast_in_dim3A_339 = vector.shape_cast %gt3A_337 : vector<512x1xi1> to vector<512x1xi1>
    %broadcast_in_dim3A_340 = vector.broadcast %broadcast_in_dim3A_339 : vector<512x1xi1> to vector<512x256xi1>
    %broadcast_in_dim3A_341 = vector.broadcast %jit3A_338 : f32 to vector<512x256xf32>
    %select_n3A_342 = arith.select %broadcast_in_dim3A_340, %add3A_24, %broadcast_in_dim3A_341 : vector<512x256xi1>, vector<512x256xf32>
    %reduce_max3A_343 = arith.constant dense<0xFF800000> : vector<256xf32>
    %reduce_max3A_344 = vector.multi_reduction <maximumf>, %select_n3A_342, %reduce_max3A_343 [0] : vector<512x256xf32> to vector<256xf32>
    %broadcast_in_dim3A_345 = vector.shape_cast %reduce_max3A_344 : vector<256xf32> to vector<1x256xf32>
    %slice3A_346 = vector.extract_strided_slice %get3A_27 {offsets = [0, 27], sizes = [512, 1], strides = [1, 1]} : vector<512x64xf32> to vector<512x1xf32>
    %gt3A_347 = arith.constant 0.000000e+00 : f32
    %gt3A_348 = vector.broadcast %gt3A_347 : f32 to vector<512x1xf32>
    %gt3A_349 = arith.cmpf ogt, %slice3A_346, %gt3A_348 : vector<512x1xf32>
    %jit3A_350 = arith.constant 0xFF800000 : f32
    %broadcast_in_dim3A_351 = vector.shape_cast %gt3A_349 : vector<512x1xi1> to vector<512x1xi1>
    %broadcast_in_dim3A_352 = vector.broadcast %broadcast_in_dim3A_351 : vector<512x1xi1> to vector<512x256xi1>
    %broadcast_in_dim3A_353 = vector.broadcast %jit3A_350 : f32 to vector<512x256xf32>
    %select_n3A_354 = arith.select %broadcast_in_dim3A_352, %add3A_24, %broadcast_in_dim3A_353 : vector<512x256xi1>, vector<512x256xf32>
    %reduce_max3A_355 = arith.constant dense<0xFF800000> : vector<256xf32>
    %reduce_max3A_356 = vector.multi_reduction <maximumf>, %select_n3A_354, %reduce_max3A_355 [0] : vector<512x256xf32> to vector<256xf32>
    %broadcast_in_dim3A_357 = vector.shape_cast %reduce_max3A_356 : vector<256xf32> to vector<1x256xf32>
    %slice3A_358 = vector.extract_strided_slice %get3A_27 {offsets = [0, 28], sizes = [512, 1], strides = [1, 1]} : vector<512x64xf32> to vector<512x1xf32>
    %gt3A_359 = arith.constant 0.000000e+00 : f32
    %gt3A_360 = vector.broadcast %gt3A_359 : f32 to vector<512x1xf32>
    %gt3A_361 = arith.cmpf ogt, %slice3A_358, %gt3A_360 : vector<512x1xf32>
    %jit3A_362 = arith.constant 0xFF800000 : f32
    %broadcast_in_dim3A_363 = vector.shape_cast %gt3A_361 : vector<512x1xi1> to vector<512x1xi1>
    %broadcast_in_dim3A_364 = vector.broadcast %broadcast_in_dim3A_363 : vector<512x1xi1> to vector<512x256xi1>
    %broadcast_in_dim3A_365 = vector.broadcast %jit3A_362 : f32 to vector<512x256xf32>
    %select_n3A_366 = arith.select %broadcast_in_dim3A_364, %add3A_24, %broadcast_in_dim3A_365 : vector<512x256xi1>, vector<512x256xf32>
    %reduce_max3A_367 = arith.constant dense<0xFF800000> : vector<256xf32>
    %reduce_max3A_368 = vector.multi_reduction <maximumf>, %select_n3A_366, %reduce_max3A_367 [0] : vector<512x256xf32> to vector<256xf32>
    %broadcast_in_dim3A_369 = vector.shape_cast %reduce_max3A_368 : vector<256xf32> to vector<1x256xf32>
    %slice3A_370 = vector.extract_strided_slice %get3A_27 {offsets = [0, 29], sizes = [512, 1], strides = [1, 1]} : vector<512x64xf32> to vector<512x1xf32>
    %gt3A_371 = arith.constant 0.000000e+00 : f32
    %gt3A_372 = vector.broadcast %gt3A_371 : f32 to vector<512x1xf32>
    %gt3A_373 = arith.cmpf ogt, %slice3A_370, %gt3A_372 : vector<512x1xf32>
    %jit3A_374 = arith.constant 0xFF800000 : f32
    %broadcast_in_dim3A_375 = vector.shape_cast %gt3A_373 : vector<512x1xi1> to vector<512x1xi1>
    %broadcast_in_dim3A_376 = vector.broadcast %broadcast_in_dim3A_375 : vector<512x1xi1> to vector<512x256xi1>
    %broadcast_in_dim3A_377 = vector.broadcast %jit3A_374 : f32 to vector<512x256xf32>
    %select_n3A_378 = arith.select %broadcast_in_dim3A_376, %add3A_24, %broadcast_in_dim3A_377 : vector<512x256xi1>, vector<512x256xf32>
    %reduce_max3A_379 = arith.constant dense<0xFF800000> : vector<256xf32>
    %reduce_max3A_380 = vector.multi_reduction <maximumf>, %select_n3A_378, %reduce_max3A_379 [0] : vector<512x256xf32> to vector<256xf32>
    %broadcast_in_dim3A_381 = vector.shape_cast %reduce_max3A_380 : vector<256xf32> to vector<1x256xf32>
    %slice3A_382 = vector.extract_strided_slice %get3A_27 {offsets = [0, 30], sizes = [512, 1], strides = [1, 1]} : vector<512x64xf32> to vector<512x1xf32>
    %gt3A_383 = arith.constant 0.000000e+00 : f32
    %gt3A_384 = vector.broadcast %gt3A_383 : f32 to vector<512x1xf32>
    %gt3A_385 = arith.cmpf ogt, %slice3A_382, %gt3A_384 : vector<512x1xf32>
    %jit3A_386 = arith.constant 0xFF800000 : f32
    %broadcast_in_dim3A_387 = vector.shape_cast %gt3A_385 : vector<512x1xi1> to vector<512x1xi1>
    %broadcast_in_dim3A_388 = vector.broadcast %broadcast_in_dim3A_387 : vector<512x1xi1> to vector<512x256xi1>
    %broadcast_in_dim3A_389 = vector.broadcast %jit3A_386 : f32 to vector<512x256xf32>
    %select_n3A_390 = arith.select %broadcast_in_dim3A_388, %add3A_24, %broadcast_in_dim3A_389 : vector<512x256xi1>, vector<512x256xf32>
    %reduce_max3A_391 = arith.constant dense<0xFF800000> : vector<256xf32>
    %reduce_max3A_392 = vector.multi_reduction <maximumf>, %select_n3A_390, %reduce_max3A_391 [0] : vector<512x256xf32> to vector<256xf32>
    %broadcast_in_dim3A_393 = vector.shape_cast %reduce_max3A_392 : vector<256xf32> to vector<1x256xf32>
    %slice3A_394 = vector.extract_strided_slice %get3A_27 {offsets = [0, 31], sizes = [512, 1], strides = [1, 1]} : vector<512x64xf32> to vector<512x1xf32>
    %gt3A_395 = arith.constant 0.000000e+00 : f32
    %gt3A_396 = vector.broadcast %gt3A_395 : f32 to vector<512x1xf32>
    %gt3A_397 = arith.cmpf ogt, %slice3A_394, %gt3A_396 : vector<512x1xf32>
    %jit3A_398 = arith.constant 0xFF800000 : f32
    %broadcast_in_dim3A_399 = vector.shape_cast %gt3A_397 : vector<512x1xi1> to vector<512x1xi1>
    %broadcast_in_dim3A_400 = vector.broadcast %broadcast_in_dim3A_399 : vector<512x1xi1> to vector<512x256xi1>
    %broadcast_in_dim3A_401 = vector.broadcast %jit3A_398 : f32 to vector<512x256xf32>
    %select_n3A_402 = arith.select %broadcast_in_dim3A_400, %add3A_24, %broadcast_in_dim3A_401 : vector<512x256xi1>, vector<512x256xf32>
    %reduce_max3A_403 = arith.constant dense<0xFF800000> : vector<256xf32>
    %reduce_max3A_404 = vector.multi_reduction <maximumf>, %select_n3A_402, %reduce_max3A_403 [0] : vector<512x256xf32> to vector<256xf32>
    %broadcast_in_dim3A_405 = vector.shape_cast %reduce_max3A_404 : vector<256xf32> to vector<1x256xf32>
    %slice3A_406 = vector.extract_strided_slice %get3A_27 {offsets = [0, 32], sizes = [512, 1], strides = [1, 1]} : vector<512x64xf32> to vector<512x1xf32>
    %gt3A_407 = arith.constant 0.000000e+00 : f32
    %gt3A_408 = vector.broadcast %gt3A_407 : f32 to vector<512x1xf32>
    %gt3A_409 = arith.cmpf ogt, %slice3A_406, %gt3A_408 : vector<512x1xf32>
    %jit3A_410 = arith.constant 0xFF800000 : f32
    %broadcast_in_dim3A_411 = vector.shape_cast %gt3A_409 : vector<512x1xi1> to vector<512x1xi1>
    %broadcast_in_dim3A_412 = vector.broadcast %broadcast_in_dim3A_411 : vector<512x1xi1> to vector<512x256xi1>
    %broadcast_in_dim3A_413 = vector.broadcast %jit3A_410 : f32 to vector<512x256xf32>
    %select_n3A_414 = arith.select %broadcast_in_dim3A_412, %add3A_24, %broadcast_in_dim3A_413 : vector<512x256xi1>, vector<512x256xf32>
    %reduce_max3A_415 = arith.constant dense<0xFF800000> : vector<256xf32>
    %reduce_max3A_416 = vector.multi_reduction <maximumf>, %select_n3A_414, %reduce_max3A_415 [0] : vector<512x256xf32> to vector<256xf32>
    %broadcast_in_dim3A_417 = vector.shape_cast %reduce_max3A_416 : vector<256xf32> to vector<1x256xf32>
    %slice3A_418 = vector.extract_strided_slice %get3A_27 {offsets = [0, 33], sizes = [512, 1], strides = [1, 1]} : vector<512x64xf32> to vector<512x1xf32>
    %gt3A_419 = arith.constant 0.000000e+00 : f32
    %gt3A_420 = vector.broadcast %gt3A_419 : f32 to vector<512x1xf32>
    %gt3A_421 = arith.cmpf ogt, %slice3A_418, %gt3A_420 : vector<512x1xf32>
    %jit3A_422 = arith.constant 0xFF800000 : f32
    %broadcast_in_dim3A_423 = vector.shape_cast %gt3A_421 : vector<512x1xi1> to vector<512x1xi1>
    %broadcast_in_dim3A_424 = vector.broadcast %broadcast_in_dim3A_423 : vector<512x1xi1> to vector<512x256xi1>
    %broadcast_in_dim3A_425 = vector.broadcast %jit3A_422 : f32 to vector<512x256xf32>
    %select_n3A_426 = arith.select %broadcast_in_dim3A_424, %add3A_24, %broadcast_in_dim3A_425 : vector<512x256xi1>, vector<512x256xf32>
    %reduce_max3A_427 = arith.constant dense<0xFF800000> : vector<256xf32>
    %reduce_max3A_428 = vector.multi_reduction <maximumf>, %select_n3A_426, %reduce_max3A_427 [0] : vector<512x256xf32> to vector<256xf32>
    %broadcast_in_dim3A_429 = vector.shape_cast %reduce_max3A_428 : vector<256xf32> to vector<1x256xf32>
    %slice3A_430 = vector.extract_strided_slice %get3A_27 {offsets = [0, 34], sizes = [512, 1], strides = [1, 1]} : vector<512x64xf32> to vector<512x1xf32>
    %gt3A_431 = arith.constant 0.000000e+00 : f32
    %gt3A_432 = vector.broadcast %gt3A_431 : f32 to vector<512x1xf32>
    %gt3A_433 = arith.cmpf ogt, %slice3A_430, %gt3A_432 : vector<512x1xf32>
    %jit3A_434 = arith.constant 0xFF800000 : f32
    %broadcast_in_dim3A_435 = vector.shape_cast %gt3A_433 : vector<512x1xi1> to vector<512x1xi1>
    %broadcast_in_dim3A_436 = vector.broadcast %broadcast_in_dim3A_435 : vector<512x1xi1> to vector<512x256xi1>
    %broadcast_in_dim3A_437 = vector.broadcast %jit3A_434 : f32 to vector<512x256xf32>
    %select_n3A_438 = arith.select %broadcast_in_dim3A_436, %add3A_24, %broadcast_in_dim3A_437 : vector<512x256xi1>, vector<512x256xf32>
    %reduce_max3A_439 = arith.constant dense<0xFF800000> : vector<256xf32>
    %reduce_max3A_440 = vector.multi_reduction <maximumf>, %select_n3A_438, %reduce_max3A_439 [0] : vector<512x256xf32> to vector<256xf32>
    %broadcast_in_dim3A_441 = vector.shape_cast %reduce_max3A_440 : vector<256xf32> to vector<1x256xf32>
    %slice3A_442 = vector.extract_strided_slice %get3A_27 {offsets = [0, 35], sizes = [512, 1], strides = [1, 1]} : vector<512x64xf32> to vector<512x1xf32>
    %gt3A_443 = arith.constant 0.000000e+00 : f32
    %gt3A_444 = vector.broadcast %gt3A_443 : f32 to vector<512x1xf32>
    %gt3A_445 = arith.cmpf ogt, %slice3A_442, %gt3A_444 : vector<512x1xf32>
    %jit3A_446 = arith.constant 0xFF800000 : f32
    %broadcast_in_dim3A_447 = vector.shape_cast %gt3A_445 : vector<512x1xi1> to vector<512x1xi1>
    %broadcast_in_dim3A_448 = vector.broadcast %broadcast_in_dim3A_447 : vector<512x1xi1> to vector<512x256xi1>
    %broadcast_in_dim3A_449 = vector.broadcast %jit3A_446 : f32 to vector<512x256xf32>
    %select_n3A_450 = arith.select %broadcast_in_dim3A_448, %add3A_24, %broadcast_in_dim3A_449 : vector<512x256xi1>, vector<512x256xf32>
    %reduce_max3A_451 = arith.constant dense<0xFF800000> : vector<256xf32>
    %reduce_max3A_452 = vector.multi_reduction <maximumf>, %select_n3A_450, %reduce_max3A_451 [0] : vector<512x256xf32> to vector<256xf32>
    %broadcast_in_dim3A_453 = vector.shape_cast %reduce_max3A_452 : vector<256xf32> to vector<1x256xf32>
    %slice3A_454 = vector.extract_strided_slice %get3A_27 {offsets = [0, 36], sizes = [512, 1], strides = [1, 1]} : vector<512x64xf32> to vector<512x1xf32>
    %gt3A_455 = arith.constant 0.000000e+00 : f32
    %gt3A_456 = vector.broadcast %gt3A_455 : f32 to vector<512x1xf32>
    %gt3A_457 = arith.cmpf ogt, %slice3A_454, %gt3A_456 : vector<512x1xf32>
    %jit3A_458 = arith.constant 0xFF800000 : f32
    %broadcast_in_dim3A_459 = vector.shape_cast %gt3A_457 : vector<512x1xi1> to vector<512x1xi1>
    %broadcast_in_dim3A_460 = vector.broadcast %broadcast_in_dim3A_459 : vector<512x1xi1> to vector<512x256xi1>
    %broadcast_in_dim3A_461 = vector.broadcast %jit3A_458 : f32 to vector<512x256xf32>
    %select_n3A_462 = arith.select %broadcast_in_dim3A_460, %add3A_24, %broadcast_in_dim3A_461 : vector<512x256xi1>, vector<512x256xf32>
    %reduce_max3A_463 = arith.constant dense<0xFF800000> : vector<256xf32>
    %reduce_max3A_464 = vector.multi_reduction <maximumf>, %select_n3A_462, %reduce_max3A_463 [0] : vector<512x256xf32> to vector<256xf32>
    %broadcast_in_dim3A_465 = vector.shape_cast %reduce_max3A_464 : vector<256xf32> to vector<1x256xf32>
    %slice3A_466 = vector.extract_strided_slice %get3A_27 {offsets = [0, 37], sizes = [512, 1], strides = [1, 1]} : vector<512x64xf32> to vector<512x1xf32>
    %gt3A_467 = arith.constant 0.000000e+00 : f32
    %gt3A_468 = vector.broadcast %gt3A_467 : f32 to vector<512x1xf32>
    %gt3A_469 = arith.cmpf ogt, %slice3A_466, %gt3A_468 : vector<512x1xf32>
    %jit3A_470 = arith.constant 0xFF800000 : f32
    %broadcast_in_dim3A_471 = vector.shape_cast %gt3A_469 : vector<512x1xi1> to vector<512x1xi1>
    %broadcast_in_dim3A_472 = vector.broadcast %broadcast_in_dim3A_471 : vector<512x1xi1> to vector<512x256xi1>
    %broadcast_in_dim3A_473 = vector.broadcast %jit3A_470 : f32 to vector<512x256xf32>
    %select_n3A_474 = arith.select %broadcast_in_dim3A_472, %add3A_24, %broadcast_in_dim3A_473 : vector<512x256xi1>, vector<512x256xf32>
    %reduce_max3A_475 = arith.constant dense<0xFF800000> : vector<256xf32>
    %reduce_max3A_476 = vector.multi_reduction <maximumf>, %select_n3A_474, %reduce_max3A_475 [0] : vector<512x256xf32> to vector<256xf32>
    %broadcast_in_dim3A_477 = vector.shape_cast %reduce_max3A_476 : vector<256xf32> to vector<1x256xf32>
    %slice3A_478 = vector.extract_strided_slice %get3A_27 {offsets = [0, 38], sizes = [512, 1], strides = [1, 1]} : vector<512x64xf32> to vector<512x1xf32>
    %gt3A_479 = arith.constant 0.000000e+00 : f32
    %gt3A_480 = vector.broadcast %gt3A_479 : f32 to vector<512x1xf32>
    %gt3A_481 = arith.cmpf ogt, %slice3A_478, %gt3A_480 : vector<512x1xf32>
    %jit3A_482 = arith.constant 0xFF800000 : f32
    %broadcast_in_dim3A_483 = vector.shape_cast %gt3A_481 : vector<512x1xi1> to vector<512x1xi1>
    %broadcast_in_dim3A_484 = vector.broadcast %broadcast_in_dim3A_483 : vector<512x1xi1> to vector<512x256xi1>
    %broadcast_in_dim3A_485 = vector.broadcast %jit3A_482 : f32 to vector<512x256xf32>
    %select_n3A_486 = arith.select %broadcast_in_dim3A_484, %add3A_24, %broadcast_in_dim3A_485 : vector<512x256xi1>, vector<512x256xf32>
    %reduce_max3A_487 = arith.constant dense<0xFF800000> : vector<256xf32>
    %reduce_max3A_488 = vector.multi_reduction <maximumf>, %select_n3A_486, %reduce_max3A_487 [0] : vector<512x256xf32> to vector<256xf32>
    %broadcast_in_dim3A_489 = vector.shape_cast %reduce_max3A_488 : vector<256xf32> to vector<1x256xf32>
    %slice3A_490 = vector.extract_strided_slice %get3A_27 {offsets = [0, 39], sizes = [512, 1], strides = [1, 1]} : vector<512x64xf32> to vector<512x1xf32>
    %gt3A_491 = arith.constant 0.000000e+00 : f32
    %gt3A_492 = vector.broadcast %gt3A_491 : f32 to vector<512x1xf32>
    %gt3A_493 = arith.cmpf ogt, %slice3A_490, %gt3A_492 : vector<512x1xf32>
    %jit3A_494 = arith.constant 0xFF800000 : f32
    %broadcast_in_dim3A_495 = vector.shape_cast %gt3A_493 : vector<512x1xi1> to vector<512x1xi1>
    %broadcast_in_dim3A_496 = vector.broadcast %broadcast_in_dim3A_495 : vector<512x1xi1> to vector<512x256xi1>
    %broadcast_in_dim3A_497 = vector.broadcast %jit3A_494 : f32 to vector<512x256xf32>
    %select_n3A_498 = arith.select %broadcast_in_dim3A_496, %add3A_24, %broadcast_in_dim3A_497 : vector<512x256xi1>, vector<512x256xf32>
    %reduce_max3A_499 = arith.constant dense<0xFF800000> : vector<256xf32>
    %reduce_max3A_500 = vector.multi_reduction <maximumf>, %select_n3A_498, %reduce_max3A_499 [0] : vector<512x256xf32> to vector<256xf32>
    %broadcast_in_dim3A_501 = vector.shape_cast %reduce_max3A_500 : vector<256xf32> to vector<1x256xf32>
    %slice3A_502 = vector.extract_strided_slice %get3A_27 {offsets = [0, 40], sizes = [512, 1], strides = [1, 1]} : vector<512x64xf32> to vector<512x1xf32>
    %gt3A_503 = arith.constant 0.000000e+00 : f32
    %gt3A_504 = vector.broadcast %gt3A_503 : f32 to vector<512x1xf32>
    %gt3A_505 = arith.cmpf ogt, %slice3A_502, %gt3A_504 : vector<512x1xf32>
    %jit3A_506 = arith.constant 0xFF800000 : f32
    %broadcast_in_dim3A_507 = vector.shape_cast %gt3A_505 : vector<512x1xi1> to vector<512x1xi1>
    %broadcast_in_dim3A_508 = vector.broadcast %broadcast_in_dim3A_507 : vector<512x1xi1> to vector<512x256xi1>
    %broadcast_in_dim3A_509 = vector.broadcast %jit3A_506 : f32 to vector<512x256xf32>
    %select_n3A_510 = arith.select %broadcast_in_dim3A_508, %add3A_24, %broadcast_in_dim3A_509 : vector<512x256xi1>, vector<512x256xf32>
    %reduce_max3A_511 = arith.constant dense<0xFF800000> : vector<256xf32>
    %reduce_max3A_512 = vector.multi_reduction <maximumf>, %select_n3A_510, %reduce_max3A_511 [0] : vector<512x256xf32> to vector<256xf32>
    %broadcast_in_dim3A_513 = vector.shape_cast %reduce_max3A_512 : vector<256xf32> to vector<1x256xf32>
    %slice3A_514 = vector.extract_strided_slice %get3A_27 {offsets = [0, 41], sizes = [512, 1], strides = [1, 1]} : vector<512x64xf32> to vector<512x1xf32>
    %gt3A_515 = arith.constant 0.000000e+00 : f32
    %gt3A_516 = vector.broadcast %gt3A_515 : f32 to vector<512x1xf32>
    %gt3A_517 = arith.cmpf ogt, %slice3A_514, %gt3A_516 : vector<512x1xf32>
    %jit3A_518 = arith.constant 0xFF800000 : f32
    %broadcast_in_dim3A_519 = vector.shape_cast %gt3A_517 : vector<512x1xi1> to vector<512x1xi1>
    %broadcast_in_dim3A_520 = vector.broadcast %broadcast_in_dim3A_519 : vector<512x1xi1> to vector<512x256xi1>
    %broadcast_in_dim3A_521 = vector.broadcast %jit3A_518 : f32 to vector<512x256xf32>
    %select_n3A_522 = arith.select %broadcast_in_dim3A_520, %add3A_24, %broadcast_in_dim3A_521 : vector<512x256xi1>, vector<512x256xf32>
    %reduce_max3A_523 = arith.constant dense<0xFF800000> : vector<256xf32>
    %reduce_max3A_524 = vector.multi_reduction <maximumf>, %select_n3A_522, %reduce_max3A_523 [0] : vector<512x256xf32> to vector<256xf32>
    %broadcast_in_dim3A_525 = vector.shape_cast %reduce_max3A_524 : vector<256xf32> to vector<1x256xf32>
    %slice3A_526 = vector.extract_strided_slice %get3A_27 {offsets = [0, 42], sizes = [512, 1], strides = [1, 1]} : vector<512x64xf32> to vector<512x1xf32>
    %gt3A_527 = arith.constant 0.000000e+00 : f32
    %gt3A_528 = vector.broadcast %gt3A_527 : f32 to vector<512x1xf32>
    %gt3A_529 = arith.cmpf ogt, %slice3A_526, %gt3A_528 : vector<512x1xf32>
    %jit3A_530 = arith.constant 0xFF800000 : f32
    %broadcast_in_dim3A_531 = vector.shape_cast %gt3A_529 : vector<512x1xi1> to vector<512x1xi1>
    %broadcast_in_dim3A_532 = vector.broadcast %broadcast_in_dim3A_531 : vector<512x1xi1> to vector<512x256xi1>
    %broadcast_in_dim3A_533 = vector.broadcast %jit3A_530 : f32 to vector<512x256xf32>
    %select_n3A_534 = arith.select %broadcast_in_dim3A_532, %add3A_24, %broadcast_in_dim3A_533 : vector<512x256xi1>, vector<512x256xf32>
    %reduce_max3A_535 = arith.constant dense<0xFF800000> : vector<256xf32>
    %reduce_max3A_536 = vector.multi_reduction <maximumf>, %select_n3A_534, %reduce_max3A_535 [0] : vector<512x256xf32> to vector<256xf32>
    %broadcast_in_dim3A_537 = vector.shape_cast %reduce_max3A_536 : vector<256xf32> to vector<1x256xf32>
    %slice3A_538 = vector.extract_strided_slice %get3A_27 {offsets = [0, 43], sizes = [512, 1], strides = [1, 1]} : vector<512x64xf32> to vector<512x1xf32>
    %gt3A_539 = arith.constant 0.000000e+00 : f32
    %gt3A_540 = vector.broadcast %gt3A_539 : f32 to vector<512x1xf32>
    %gt3A_541 = arith.cmpf ogt, %slice3A_538, %gt3A_540 : vector<512x1xf32>
    %jit3A_542 = arith.constant 0xFF800000 : f32
    %broadcast_in_dim3A_543 = vector.shape_cast %gt3A_541 : vector<512x1xi1> to vector<512x1xi1>
    %broadcast_in_dim3A_544 = vector.broadcast %broadcast_in_dim3A_543 : vector<512x1xi1> to vector<512x256xi1>
    %broadcast_in_dim3A_545 = vector.broadcast %jit3A_542 : f32 to vector<512x256xf32>
    %select_n3A_546 = arith.select %broadcast_in_dim3A_544, %add3A_24, %broadcast_in_dim3A_545 : vector<512x256xi1>, vector<512x256xf32>
    %reduce_max3A_547 = arith.constant dense<0xFF800000> : vector<256xf32>
    %reduce_max3A_548 = vector.multi_reduction <maximumf>, %select_n3A_546, %reduce_max3A_547 [0] : vector<512x256xf32> to vector<256xf32>
    %broadcast_in_dim3A_549 = vector.shape_cast %reduce_max3A_548 : vector<256xf32> to vector<1x256xf32>
    %slice3A_550 = vector.extract_strided_slice %get3A_27 {offsets = [0, 44], sizes = [512, 1], strides = [1, 1]} : vector<512x64xf32> to vector<512x1xf32>
    %gt3A_551 = arith.constant 0.000000e+00 : f32
    %gt3A_552 = vector.broadcast %gt3A_551 : f32 to vector<512x1xf32>
    %gt3A_553 = arith.cmpf ogt, %slice3A_550, %gt3A_552 : vector<512x1xf32>
    %jit3A_554 = arith.constant 0xFF800000 : f32
    %broadcast_in_dim3A_555 = vector.shape_cast %gt3A_553 : vector<512x1xi1> to vector<512x1xi1>
    %broadcast_in_dim3A_556 = vector.broadcast %broadcast_in_dim3A_555 : vector<512x1xi1> to vector<512x256xi1>
    %broadcast_in_dim3A_557 = vector.broadcast %jit3A_554 : f32 to vector<512x256xf32>
    %select_n3A_558 = arith.select %broadcast_in_dim3A_556, %add3A_24, %broadcast_in_dim3A_557 : vector<512x256xi1>, vector<512x256xf32>
    %reduce_max3A_559 = arith.constant dense<0xFF800000> : vector<256xf32>
    %reduce_max3A_560 = vector.multi_reduction <maximumf>, %select_n3A_558, %reduce_max3A_559 [0] : vector<512x256xf32> to vector<256xf32>
    %broadcast_in_dim3A_561 = vector.shape_cast %reduce_max3A_560 : vector<256xf32> to vector<1x256xf32>
    %slice3A_562 = vector.extract_strided_slice %get3A_27 {offsets = [0, 45], sizes = [512, 1], strides = [1, 1]} : vector<512x64xf32> to vector<512x1xf32>
    %gt3A_563 = arith.constant 0.000000e+00 : f32
    %gt3A_564 = vector.broadcast %gt3A_563 : f32 to vector<512x1xf32>
    %gt3A_565 = arith.cmpf ogt, %slice3A_562, %gt3A_564 : vector<512x1xf32>
    %jit3A_566 = arith.constant 0xFF800000 : f32
    %broadcast_in_dim3A_567 = vector.shape_cast %gt3A_565 : vector<512x1xi1> to vector<512x1xi1>
    %broadcast_in_dim3A_568 = vector.broadcast %broadcast_in_dim3A_567 : vector<512x1xi1> to vector<512x256xi1>
    %broadcast_in_dim3A_569 = vector.broadcast %jit3A_566 : f32 to vector<512x256xf32>
    %select_n3A_570 = arith.select %broadcast_in_dim3A_568, %add3A_24, %broadcast_in_dim3A_569 : vector<512x256xi1>, vector<512x256xf32>
    %reduce_max3A_571 = arith.constant dense<0xFF800000> : vector<256xf32>
    %reduce_max3A_572 = vector.multi_reduction <maximumf>, %select_n3A_570, %reduce_max3A_571 [0] : vector<512x256xf32> to vector<256xf32>
    %broadcast_in_dim3A_573 = vector.shape_cast %reduce_max3A_572 : vector<256xf32> to vector<1x256xf32>
    %slice3A_574 = vector.extract_strided_slice %get3A_27 {offsets = [0, 46], sizes = [512, 1], strides = [1, 1]} : vector<512x64xf32> to vector<512x1xf32>
    %gt3A_575 = arith.constant 0.000000e+00 : f32
    %gt3A_576 = vector.broadcast %gt3A_575 : f32 to vector<512x1xf32>
    %gt3A_577 = arith.cmpf ogt, %slice3A_574, %gt3A_576 : vector<512x1xf32>
    %jit3A_578 = arith.constant 0xFF800000 : f32
    %broadcast_in_dim3A_579 = vector.shape_cast %gt3A_577 : vector<512x1xi1> to vector<512x1xi1>
    %broadcast_in_dim3A_580 = vector.broadcast %broadcast_in_dim3A_579 : vector<512x1xi1> to vector<512x256xi1>
    %broadcast_in_dim3A_581 = vector.broadcast %jit3A_578 : f32 to vector<512x256xf32>
    %select_n3A_582 = arith.select %broadcast_in_dim3A_580, %add3A_24, %broadcast_in_dim3A_581 : vector<512x256xi1>, vector<512x256xf32>
    %reduce_max3A_583 = arith.constant dense<0xFF800000> : vector<256xf32>
    %reduce_max3A_584 = vector.multi_reduction <maximumf>, %select_n3A_582, %reduce_max3A_583 [0] : vector<512x256xf32> to vector<256xf32>
    %broadcast_in_dim3A_585 = vector.shape_cast %reduce_max3A_584 : vector<256xf32> to vector<1x256xf32>
    %slice3A_586 = vector.extract_strided_slice %get3A_27 {offsets = [0, 47], sizes = [512, 1], strides = [1, 1]} : vector<512x64xf32> to vector<512x1xf32>
    %gt3A_587 = arith.constant 0.000000e+00 : f32
    %gt3A_588 = vector.broadcast %gt3A_587 : f32 to vector<512x1xf32>
    %gt3A_589 = arith.cmpf ogt, %slice3A_586, %gt3A_588 : vector<512x1xf32>
    %jit3A_590 = arith.constant 0xFF800000 : f32
    %broadcast_in_dim3A_591 = vector.shape_cast %gt3A_589 : vector<512x1xi1> to vector<512x1xi1>
    %broadcast_in_dim3A_592 = vector.broadcast %broadcast_in_dim3A_591 : vector<512x1xi1> to vector<512x256xi1>
    %broadcast_in_dim3A_593 = vector.broadcast %jit3A_590 : f32 to vector<512x256xf32>
    %select_n3A_594 = arith.select %broadcast_in_dim3A_592, %add3A_24, %broadcast_in_dim3A_593 : vector<512x256xi1>, vector<512x256xf32>
    %reduce_max3A_595 = arith.constant dense<0xFF800000> : vector<256xf32>
    %reduce_max3A_596 = vector.multi_reduction <maximumf>, %select_n3A_594, %reduce_max3A_595 [0] : vector<512x256xf32> to vector<256xf32>
    %broadcast_in_dim3A_597 = vector.shape_cast %reduce_max3A_596 : vector<256xf32> to vector<1x256xf32>
    %slice3A_598 = vector.extract_strided_slice %get3A_27 {offsets = [0, 48], sizes = [512, 1], strides = [1, 1]} : vector<512x64xf32> to vector<512x1xf32>
    %gt3A_599 = arith.constant 0.000000e+00 : f32
    %gt3A_600 = vector.broadcast %gt3A_599 : f32 to vector<512x1xf32>
    %gt3A_601 = arith.cmpf ogt, %slice3A_598, %gt3A_600 : vector<512x1xf32>
    %jit3A_602 = arith.constant 0xFF800000 : f32
    %broadcast_in_dim3A_603 = vector.shape_cast %gt3A_601 : vector<512x1xi1> to vector<512x1xi1>
    %broadcast_in_dim3A_604 = vector.broadcast %broadcast_in_dim3A_603 : vector<512x1xi1> to vector<512x256xi1>
    %broadcast_in_dim3A_605 = vector.broadcast %jit3A_602 : f32 to vector<512x256xf32>
    %select_n3A_606 = arith.select %broadcast_in_dim3A_604, %add3A_24, %broadcast_in_dim3A_605 : vector<512x256xi1>, vector<512x256xf32>
    %reduce_max3A_607 = arith.constant dense<0xFF800000> : vector<256xf32>
    %reduce_max3A_608 = vector.multi_reduction <maximumf>, %select_n3A_606, %reduce_max3A_607 [0] : vector<512x256xf32> to vector<256xf32>
    %broadcast_in_dim3A_609 = vector.shape_cast %reduce_max3A_608 : vector<256xf32> to vector<1x256xf32>
    %slice3A_610 = vector.extract_strided_slice %get3A_27 {offsets = [0, 49], sizes = [512, 1], strides = [1, 1]} : vector<512x64xf32> to vector<512x1xf32>
    %gt3A_611 = arith.constant 0.000000e+00 : f32
    %gt3A_612 = vector.broadcast %gt3A_611 : f32 to vector<512x1xf32>
    %gt3A_613 = arith.cmpf ogt, %slice3A_610, %gt3A_612 : vector<512x1xf32>
    %jit3A_614 = arith.constant 0xFF800000 : f32
    %broadcast_in_dim3A_615 = vector.shape_cast %gt3A_613 : vector<512x1xi1> to vector<512x1xi1>
    %broadcast_in_dim3A_616 = vector.broadcast %broadcast_in_dim3A_615 : vector<512x1xi1> to vector<512x256xi1>
    %broadcast_in_dim3A_617 = vector.broadcast %jit3A_614 : f32 to vector<512x256xf32>
    %select_n3A_618 = arith.select %broadcast_in_dim3A_616, %add3A_24, %broadcast_in_dim3A_617 : vector<512x256xi1>, vector<512x256xf32>
    %reduce_max3A_619 = arith.constant dense<0xFF800000> : vector<256xf32>
    %reduce_max3A_620 = vector.multi_reduction <maximumf>, %select_n3A_618, %reduce_max3A_619 [0] : vector<512x256xf32> to vector<256xf32>
    %broadcast_in_dim3A_621 = vector.shape_cast %reduce_max3A_620 : vector<256xf32> to vector<1x256xf32>
    %slice3A_622 = vector.extract_strided_slice %get3A_27 {offsets = [0, 50], sizes = [512, 1], strides = [1, 1]} : vector<512x64xf32> to vector<512x1xf32>
    %gt3A_623 = arith.constant 0.000000e+00 : f32
    %gt3A_624 = vector.broadcast %gt3A_623 : f32 to vector<512x1xf32>
    %gt3A_625 = arith.cmpf ogt, %slice3A_622, %gt3A_624 : vector<512x1xf32>
    %jit3A_626 = arith.constant 0xFF800000 : f32
    %broadcast_in_dim3A_627 = vector.shape_cast %gt3A_625 : vector<512x1xi1> to vector<512x1xi1>
    %broadcast_in_dim3A_628 = vector.broadcast %broadcast_in_dim3A_627 : vector<512x1xi1> to vector<512x256xi1>
    %broadcast_in_dim3A_629 = vector.broadcast %jit3A_626 : f32 to vector<512x256xf32>
    %select_n3A_630 = arith.select %broadcast_in_dim3A_628, %add3A_24, %broadcast_in_dim3A_629 : vector<512x256xi1>, vector<512x256xf32>
    %reduce_max3A_631 = arith.constant dense<0xFF800000> : vector<256xf32>
    %reduce_max3A_632 = vector.multi_reduction <maximumf>, %select_n3A_630, %reduce_max3A_631 [0] : vector<512x256xf32> to vector<256xf32>
    %broadcast_in_dim3A_633 = vector.shape_cast %reduce_max3A_632 : vector<256xf32> to vector<1x256xf32>
    %slice3A_634 = vector.extract_strided_slice %get3A_27 {offsets = [0, 51], sizes = [512, 1], strides = [1, 1]} : vector<512x64xf32> to vector<512x1xf32>
    %gt3A_635 = arith.constant 0.000000e+00 : f32
    %gt3A_636 = vector.broadcast %gt3A_635 : f32 to vector<512x1xf32>
    %gt3A_637 = arith.cmpf ogt, %slice3A_634, %gt3A_636 : vector<512x1xf32>
    %jit3A_638 = arith.constant 0xFF800000 : f32
    %broadcast_in_dim3A_639 = vector.shape_cast %gt3A_637 : vector<512x1xi1> to vector<512x1xi1>
    %broadcast_in_dim3A_640 = vector.broadcast %broadcast_in_dim3A_639 : vector<512x1xi1> to vector<512x256xi1>
    %broadcast_in_dim3A_641 = vector.broadcast %jit3A_638 : f32 to vector<512x256xf32>
    %select_n3A_642 = arith.select %broadcast_in_dim3A_640, %add3A_24, %broadcast_in_dim3A_641 : vector<512x256xi1>, vector<512x256xf32>
    %reduce_max3A_643 = arith.constant dense<0xFF800000> : vector<256xf32>
    %reduce_max3A_644 = vector.multi_reduction <maximumf>, %select_n3A_642, %reduce_max3A_643 [0] : vector<512x256xf32> to vector<256xf32>
    %broadcast_in_dim3A_645 = vector.shape_cast %reduce_max3A_644 : vector<256xf32> to vector<1x256xf32>
    %slice3A_646 = vector.extract_strided_slice %get3A_27 {offsets = [0, 52], sizes = [512, 1], strides = [1, 1]} : vector<512x64xf32> to vector<512x1xf32>
    %gt3A_647 = arith.constant 0.000000e+00 : f32
    %gt3A_648 = vector.broadcast %gt3A_647 : f32 to vector<512x1xf32>
    %gt3A_649 = arith.cmpf ogt, %slice3A_646, %gt3A_648 : vector<512x1xf32>
    %jit3A_650 = arith.constant 0xFF800000 : f32
    %broadcast_in_dim3A_651 = vector.shape_cast %gt3A_649 : vector<512x1xi1> to vector<512x1xi1>
    %broadcast_in_dim3A_652 = vector.broadcast %broadcast_in_dim3A_651 : vector<512x1xi1> to vector<512x256xi1>
    %broadcast_in_dim3A_653 = vector.broadcast %jit3A_650 : f32 to vector<512x256xf32>
    %select_n3A_654 = arith.select %broadcast_in_dim3A_652, %add3A_24, %broadcast_in_dim3A_653 : vector<512x256xi1>, vector<512x256xf32>
    %reduce_max3A_655 = arith.constant dense<0xFF800000> : vector<256xf32>
    %reduce_max3A_656 = vector.multi_reduction <maximumf>, %select_n3A_654, %reduce_max3A_655 [0] : vector<512x256xf32> to vector<256xf32>
    %broadcast_in_dim3A_657 = vector.shape_cast %reduce_max3A_656 : vector<256xf32> to vector<1x256xf32>
    %slice3A_658 = vector.extract_strided_slice %get3A_27 {offsets = [0, 53], sizes = [512, 1], strides = [1, 1]} : vector<512x64xf32> to vector<512x1xf32>
    %gt3A_659 = arith.constant 0.000000e+00 : f32
    %gt3A_660 = vector.broadcast %gt3A_659 : f32 to vector<512x1xf32>
    %gt3A_661 = arith.cmpf ogt, %slice3A_658, %gt3A_660 : vector<512x1xf32>
    %jit3A_662 = arith.constant 0xFF800000 : f32
    %broadcast_in_dim3A_663 = vector.shape_cast %gt3A_661 : vector<512x1xi1> to vector<512x1xi1>
    %broadcast_in_dim3A_664 = vector.broadcast %broadcast_in_dim3A_663 : vector<512x1xi1> to vector<512x256xi1>
    %broadcast_in_dim3A_665 = vector.broadcast %jit3A_662 : f32 to vector<512x256xf32>
    %select_n3A_666 = arith.select %broadcast_in_dim3A_664, %add3A_24, %broadcast_in_dim3A_665 : vector<512x256xi1>, vector<512x256xf32>
    %reduce_max3A_667 = arith.constant dense<0xFF800000> : vector<256xf32>
    %reduce_max3A_668 = vector.multi_reduction <maximumf>, %select_n3A_666, %reduce_max3A_667 [0] : vector<512x256xf32> to vector<256xf32>
    %broadcast_in_dim3A_669 = vector.shape_cast %reduce_max3A_668 : vector<256xf32> to vector<1x256xf32>
    %slice3A_670 = vector.extract_strided_slice %get3A_27 {offsets = [0, 54], sizes = [512, 1], strides = [1, 1]} : vector<512x64xf32> to vector<512x1xf32>
    %gt3A_671 = arith.constant 0.000000e+00 : f32
    %gt3A_672 = vector.broadcast %gt3A_671 : f32 to vector<512x1xf32>
    %gt3A_673 = arith.cmpf ogt, %slice3A_670, %gt3A_672 : vector<512x1xf32>
    %jit3A_674 = arith.constant 0xFF800000 : f32
    %broadcast_in_dim3A_675 = vector.shape_cast %gt3A_673 : vector<512x1xi1> to vector<512x1xi1>
    %broadcast_in_dim3A_676 = vector.broadcast %broadcast_in_dim3A_675 : vector<512x1xi1> to vector<512x256xi1>
    %broadcast_in_dim3A_677 = vector.broadcast %jit3A_674 : f32 to vector<512x256xf32>
    %select_n3A_678 = arith.select %broadcast_in_dim3A_676, %add3A_24, %broadcast_in_dim3A_677 : vector<512x256xi1>, vector<512x256xf32>
    %reduce_max3A_679 = arith.constant dense<0xFF800000> : vector<256xf32>
    %reduce_max3A_680 = vector.multi_reduction <maximumf>, %select_n3A_678, %reduce_max3A_679 [0] : vector<512x256xf32> to vector<256xf32>
    %broadcast_in_dim3A_681 = vector.shape_cast %reduce_max3A_680 : vector<256xf32> to vector<1x256xf32>
    %slice3A_682 = vector.extract_strided_slice %get3A_27 {offsets = [0, 55], sizes = [512, 1], strides = [1, 1]} : vector<512x64xf32> to vector<512x1xf32>
    %gt3A_683 = arith.constant 0.000000e+00 : f32
    %gt3A_684 = vector.broadcast %gt3A_683 : f32 to vector<512x1xf32>
    %gt3A_685 = arith.cmpf ogt, %slice3A_682, %gt3A_684 : vector<512x1xf32>
    %jit3A_686 = arith.constant 0xFF800000 : f32
    %broadcast_in_dim3A_687 = vector.shape_cast %gt3A_685 : vector<512x1xi1> to vector<512x1xi1>
    %broadcast_in_dim3A_688 = vector.broadcast %broadcast_in_dim3A_687 : vector<512x1xi1> to vector<512x256xi1>
    %broadcast_in_dim3A_689 = vector.broadcast %jit3A_686 : f32 to vector<512x256xf32>
    %select_n3A_690 = arith.select %broadcast_in_dim3A_688, %add3A_24, %broadcast_in_dim3A_689 : vector<512x256xi1>, vector<512x256xf32>
    %reduce_max3A_691 = arith.constant dense<0xFF800000> : vector<256xf32>
    %reduce_max3A_692 = vector.multi_reduction <maximumf>, %select_n3A_690, %reduce_max3A_691 [0] : vector<512x256xf32> to vector<256xf32>
    %broadcast_in_dim3A_693 = vector.shape_cast %reduce_max3A_692 : vector<256xf32> to vector<1x256xf32>
    %slice3A_694 = vector.extract_strided_slice %get3A_27 {offsets = [0, 56], sizes = [512, 1], strides = [1, 1]} : vector<512x64xf32> to vector<512x1xf32>
    %gt3A_695 = arith.constant 0.000000e+00 : f32
    %gt3A_696 = vector.broadcast %gt3A_695 : f32 to vector<512x1xf32>
    %gt3A_697 = arith.cmpf ogt, %slice3A_694, %gt3A_696 : vector<512x1xf32>
    %jit3A_698 = arith.constant 0xFF800000 : f32
    %broadcast_in_dim3A_699 = vector.shape_cast %gt3A_697 : vector<512x1xi1> to vector<512x1xi1>
    %broadcast_in_dim3A_700 = vector.broadcast %broadcast_in_dim3A_699 : vector<512x1xi1> to vector<512x256xi1>
    %broadcast_in_dim3A_701 = vector.broadcast %jit3A_698 : f32 to vector<512x256xf32>
    %select_n3A_702 = arith.select %broadcast_in_dim3A_700, %add3A_24, %broadcast_in_dim3A_701 : vector<512x256xi1>, vector<512x256xf32>
    %reduce_max3A_703 = arith.constant dense<0xFF800000> : vector<256xf32>
    %reduce_max3A_704 = vector.multi_reduction <maximumf>, %select_n3A_702, %reduce_max3A_703 [0] : vector<512x256xf32> to vector<256xf32>
    %broadcast_in_dim3A_705 = vector.shape_cast %reduce_max3A_704 : vector<256xf32> to vector<1x256xf32>
    %slice3A_706 = vector.extract_strided_slice %get3A_27 {offsets = [0, 57], sizes = [512, 1], strides = [1, 1]} : vector<512x64xf32> to vector<512x1xf32>
    %gt3A_707 = arith.constant 0.000000e+00 : f32
    %gt3A_708 = vector.broadcast %gt3A_707 : f32 to vector<512x1xf32>
    %gt3A_709 = arith.cmpf ogt, %slice3A_706, %gt3A_708 : vector<512x1xf32>
    %jit3A_710 = arith.constant 0xFF800000 : f32
    %broadcast_in_dim3A_711 = vector.shape_cast %gt3A_709 : vector<512x1xi1> to vector<512x1xi1>
    %broadcast_in_dim3A_712 = vector.broadcast %broadcast_in_dim3A_711 : vector<512x1xi1> to vector<512x256xi1>
    %broadcast_in_dim3A_713 = vector.broadcast %jit3A_710 : f32 to vector<512x256xf32>
    %select_n3A_714 = arith.select %broadcast_in_dim3A_712, %add3A_24, %broadcast_in_dim3A_713 : vector<512x256xi1>, vector<512x256xf32>
    %reduce_max3A_715 = arith.constant dense<0xFF800000> : vector<256xf32>
    %reduce_max3A_716 = vector.multi_reduction <maximumf>, %select_n3A_714, %reduce_max3A_715 [0] : vector<512x256xf32> to vector<256xf32>
    %broadcast_in_dim3A_717 = vector.shape_cast %reduce_max3A_716 : vector<256xf32> to vector<1x256xf32>
    %slice3A_718 = vector.extract_strided_slice %get3A_27 {offsets = [0, 58], sizes = [512, 1], strides = [1, 1]} : vector<512x64xf32> to vector<512x1xf32>
    %gt3A_719 = arith.constant 0.000000e+00 : f32
    %gt3A_720 = vector.broadcast %gt3A_719 : f32 to vector<512x1xf32>
    %gt3A_721 = arith.cmpf ogt, %slice3A_718, %gt3A_720 : vector<512x1xf32>
    %jit3A_722 = arith.constant 0xFF800000 : f32
    %broadcast_in_dim3A_723 = vector.shape_cast %gt3A_721 : vector<512x1xi1> to vector<512x1xi1>
    %broadcast_in_dim3A_724 = vector.broadcast %broadcast_in_dim3A_723 : vector<512x1xi1> to vector<512x256xi1>
    %broadcast_in_dim3A_725 = vector.broadcast %jit3A_722 : f32 to vector<512x256xf32>
    %select_n3A_726 = arith.select %broadcast_in_dim3A_724, %add3A_24, %broadcast_in_dim3A_725 : vector<512x256xi1>, vector<512x256xf32>
    %reduce_max3A_727 = arith.constant dense<0xFF800000> : vector<256xf32>
    %reduce_max3A_728 = vector.multi_reduction <maximumf>, %select_n3A_726, %reduce_max3A_727 [0] : vector<512x256xf32> to vector<256xf32>
    %broadcast_in_dim3A_729 = vector.shape_cast %reduce_max3A_728 : vector<256xf32> to vector<1x256xf32>
    %slice3A_730 = vector.extract_strided_slice %get3A_27 {offsets = [0, 59], sizes = [512, 1], strides = [1, 1]} : vector<512x64xf32> to vector<512x1xf32>
    %gt3A_731 = arith.constant 0.000000e+00 : f32
    %gt3A_732 = vector.broadcast %gt3A_731 : f32 to vector<512x1xf32>
    %gt3A_733 = arith.cmpf ogt, %slice3A_730, %gt3A_732 : vector<512x1xf32>
    %jit3A_734 = arith.constant 0xFF800000 : f32
    %broadcast_in_dim3A_735 = vector.shape_cast %gt3A_733 : vector<512x1xi1> to vector<512x1xi1>
    %broadcast_in_dim3A_736 = vector.broadcast %broadcast_in_dim3A_735 : vector<512x1xi1> to vector<512x256xi1>
    %broadcast_in_dim3A_737 = vector.broadcast %jit3A_734 : f32 to vector<512x256xf32>
    %select_n3A_738 = arith.select %broadcast_in_dim3A_736, %add3A_24, %broadcast_in_dim3A_737 : vector<512x256xi1>, vector<512x256xf32>
    %reduce_max3A_739 = arith.constant dense<0xFF800000> : vector<256xf32>
    %reduce_max3A_740 = vector.multi_reduction <maximumf>, %select_n3A_738, %reduce_max3A_739 [0] : vector<512x256xf32> to vector<256xf32>
    %broadcast_in_dim3A_741 = vector.shape_cast %reduce_max3A_740 : vector<256xf32> to vector<1x256xf32>
    %slice3A_742 = vector.extract_strided_slice %get3A_27 {offsets = [0, 60], sizes = [512, 1], strides = [1, 1]} : vector<512x64xf32> to vector<512x1xf32>
    %gt3A_743 = arith.constant 0.000000e+00 : f32
    %gt3A_744 = vector.broadcast %gt3A_743 : f32 to vector<512x1xf32>
    %gt3A_745 = arith.cmpf ogt, %slice3A_742, %gt3A_744 : vector<512x1xf32>
    %jit3A_746 = arith.constant 0xFF800000 : f32
    %broadcast_in_dim3A_747 = vector.shape_cast %gt3A_745 : vector<512x1xi1> to vector<512x1xi1>
    %broadcast_in_dim3A_748 = vector.broadcast %broadcast_in_dim3A_747 : vector<512x1xi1> to vector<512x256xi1>
    %broadcast_in_dim3A_749 = vector.broadcast %jit3A_746 : f32 to vector<512x256xf32>
    %select_n3A_750 = arith.select %broadcast_in_dim3A_748, %add3A_24, %broadcast_in_dim3A_749 : vector<512x256xi1>, vector<512x256xf32>
    %reduce_max3A_751 = arith.constant dense<0xFF800000> : vector<256xf32>
    %reduce_max3A_752 = vector.multi_reduction <maximumf>, %select_n3A_750, %reduce_max3A_751 [0] : vector<512x256xf32> to vector<256xf32>
    %broadcast_in_dim3A_753 = vector.shape_cast %reduce_max3A_752 : vector<256xf32> to vector<1x256xf32>
    %slice3A_754 = vector.extract_strided_slice %get3A_27 {offsets = [0, 61], sizes = [512, 1], strides = [1, 1]} : vector<512x64xf32> to vector<512x1xf32>
    %gt3A_755 = arith.constant 0.000000e+00 : f32
    %gt3A_756 = vector.broadcast %gt3A_755 : f32 to vector<512x1xf32>
    %gt3A_757 = arith.cmpf ogt, %slice3A_754, %gt3A_756 : vector<512x1xf32>
    %jit3A_758 = arith.constant 0xFF800000 : f32
    %broadcast_in_dim3A_759 = vector.shape_cast %gt3A_757 : vector<512x1xi1> to vector<512x1xi1>
    %broadcast_in_dim3A_760 = vector.broadcast %broadcast_in_dim3A_759 : vector<512x1xi1> to vector<512x256xi1>
    %broadcast_in_dim3A_761 = vector.broadcast %jit3A_758 : f32 to vector<512x256xf32>
    %select_n3A_762 = arith.select %broadcast_in_dim3A_760, %add3A_24, %broadcast_in_dim3A_761 : vector<512x256xi1>, vector<512x256xf32>
    %reduce_max3A_763 = arith.constant dense<0xFF800000> : vector<256xf32>
    %reduce_max3A_764 = vector.multi_reduction <maximumf>, %select_n3A_762, %reduce_max3A_763 [0] : vector<512x256xf32> to vector<256xf32>
    %broadcast_in_dim3A_765 = vector.shape_cast %reduce_max3A_764 : vector<256xf32> to vector<1x256xf32>
    %slice3A_766 = vector.extract_strided_slice %get3A_27 {offsets = [0, 62], sizes = [512, 1], strides = [1, 1]} : vector<512x64xf32> to vector<512x1xf32>
    %gt3A_767 = arith.constant 0.000000e+00 : f32
    %gt3A_768 = vector.broadcast %gt3A_767 : f32 to vector<512x1xf32>
    %gt3A_769 = arith.cmpf ogt, %slice3A_766, %gt3A_768 : vector<512x1xf32>
    %jit3A_770 = arith.constant 0xFF800000 : f32
    %broadcast_in_dim3A_771 = vector.shape_cast %gt3A_769 : vector<512x1xi1> to vector<512x1xi1>
    %broadcast_in_dim3A_772 = vector.broadcast %broadcast_in_dim3A_771 : vector<512x1xi1> to vector<512x256xi1>
    %broadcast_in_dim3A_773 = vector.broadcast %jit3A_770 : f32 to vector<512x256xf32>
    %select_n3A_774 = arith.select %broadcast_in_dim3A_772, %add3A_24, %broadcast_in_dim3A_773 : vector<512x256xi1>, vector<512x256xf32>
    %reduce_max3A_775 = arith.constant dense<0xFF800000> : vector<256xf32>
    %reduce_max3A_776 = vector.multi_reduction <maximumf>, %select_n3A_774, %reduce_max3A_775 [0] : vector<512x256xf32> to vector<256xf32>
    %broadcast_in_dim3A_777 = vector.shape_cast %reduce_max3A_776 : vector<256xf32> to vector<1x256xf32>
    %slice3A_778 = vector.extract_strided_slice %get3A_27 {offsets = [0, 63], sizes = [512, 1], strides = [1, 1]} : vector<512x64xf32> to vector<512x1xf32>
    %gt3A_779 = arith.constant 0.000000e+00 : f32
    %gt3A_780 = vector.broadcast %gt3A_779 : f32 to vector<512x1xf32>
    %gt3A_781 = arith.cmpf ogt, %slice3A_778, %gt3A_780 : vector<512x1xf32>
    %jit3A_782 = arith.constant 0xFF800000 : f32
    %broadcast_in_dim3A_783 = vector.shape_cast %gt3A_781 : vector<512x1xi1> to vector<512x1xi1>
    %broadcast_in_dim3A_784 = vector.broadcast %broadcast_in_dim3A_783 : vector<512x1xi1> to vector<512x256xi1>
    %broadcast_in_dim3A_785 = vector.broadcast %jit3A_782 : f32 to vector<512x256xf32>
    %select_n3A_786 = arith.select %broadcast_in_dim3A_784, %add3A_24, %broadcast_in_dim3A_785 : vector<512x256xi1>, vector<512x256xf32>
    %reduce_max3A_787 = arith.constant dense<0xFF800000> : vector<256xf32>
    %reduce_max3A_788 = vector.multi_reduction <maximumf>, %select_n3A_786, %reduce_max3A_787 [0] : vector<512x256xf32> to vector<256xf32>
    %broadcast_in_dim3A_789 = vector.shape_cast %reduce_max3A_788 : vector<256xf32> to vector<1x256xf32>
    %concatenate3A = tpu.concatenate %broadcast_in_dim3A_33, %broadcast_in_dim3A_45, %broadcast_in_dim3A_57, %broadcast_in_dim3A_69, %broadcast_in_dim3A_81, %broadcast_in_dim3A_93, %broadcast_in_dim3A_105, %broadcast_in_dim3A_117, %broadcast_in_dim3A_129, %broadcast_in_dim3A_141, %broadcast_in_dim3A_153, %broadcast_in_dim3A_165, %broadcast_in_dim3A_177, %broadcast_in_dim3A_189, %broadcast_in_dim3A_201, %broadcast_in_dim3A_213, %broadcast_in_dim3A_225, %broadcast_in_dim3A_237, %broadcast_in_dim3A_249, %broadcast_in_dim3A_261, %broadcast_in_dim3A_273, %broadcast_in_dim3A_285, %broadcast_in_dim3A_297, %broadcast_in_dim3A_309, %broadcast_in_dim3A_321, %broadcast_in_dim3A_333, %broadcast_in_dim3A_345, %broadcast_in_dim3A_357, %broadcast_in_dim3A_369, %broadcast_in_dim3A_381, %broadcast_in_dim3A_393, %broadcast_in_dim3A_405, %broadcast_in_dim3A_417, %broadcast_in_dim3A_429, %broadcast_in_dim3A_441, %broadcast_in_dim3A_453, %broadcast_in_dim3A_465, %broadcast_in_dim3A_477, %broadcast_in_dim3A_489, %broadcast_in_dim3A_501, %broadcast_in_dim3A_513, %broadcast_in_dim3A_525, %broadcast_in_dim3A_537, %broadcast_in_dim3A_549, %broadcast_in_dim3A_561, %broadcast_in_dim3A_573, %broadcast_in_dim3A_585, %broadcast_in_dim3A_597, %broadcast_in_dim3A_609, %broadcast_in_dim3A_621, %broadcast_in_dim3A_633, %broadcast_in_dim3A_645, %broadcast_in_dim3A_657, %broadcast_in_dim3A_669, %broadcast_in_dim3A_681, %broadcast_in_dim3A_693, %broadcast_in_dim3A_705, %broadcast_in_dim3A_717, %broadcast_in_dim3A_729, %broadcast_in_dim3A_741, %broadcast_in_dim3A_753, %broadcast_in_dim3A_765, %broadcast_in_dim3A_777, %broadcast_in_dim3A_789 in 0 : vector<1x256xf32>, vector<1x256xf32>, vector<1x256xf32>, vector<1x256xf32>, vector<1x256xf32>, vector<1x256xf32>, vector<1x256xf32>, vector<1x256xf32>, vector<1x256xf32>, vector<1x256xf32>, vector<1x256xf32>, vector<1x256xf32>, vector<1x256xf32>, vector<1x256xf32>, vector<1x256xf32>, vector<1x256xf32>, vector<1x256xf32>, vector<1x256xf32>, vector<1x256xf32>, vector<1x256xf32>, vector<1x256xf32>, vector<1x256xf32>, vector<1x256xf32>, vector<1x256xf32>, vector<1x256xf32>, vector<1x256xf32>, vector<1x256xf32>, vector<1x256xf32>, vector<1x256xf32>, vector<1x256xf32>, vector<1x256xf32>, vector<1x256xf32>, vector<1x256xf32>, vector<1x256xf32>, vector<1x256xf32>, vector<1x256xf32>, vector<1x256xf32>, vector<1x256xf32>, vector<1x256xf32>, vector<1x256xf32>, vector<1x256xf32>, vector<1x256xf32>, vector<1x256xf32>, vector<1x256xf32>, vector<1x256xf32>, vector<1x256xf32>, vector<1x256xf32>, vector<1x256xf32>, vector<1x256xf32>, vector<1x256xf32>, vector<1x256xf32>, vector<1x256xf32>, vector<1x256xf32>, vector<1x256xf32>, vector<1x256xf32>, vector<1x256xf32>, vector<1x256xf32>, vector<1x256xf32>, vector<1x256xf32>, vector<1x256xf32>, vector<1x256xf32>, vector<1x256xf32>, vector<1x256xf32>, vector<1x256xf32> -> vector<64x256xf32>
    %get3A_790 = arith.constant 0 : index
    %get3A_791 = arith.constant 0 : index
    %get3A_792 = vector.load %arg14[%get3A_790, %get3A_791] : memref<64x256xf32, #tpu.memory_space<vmem>>, vector<64x256xf32>
    %max3A = arith.maximumf %get3A_792, %concatenate3A : vector<64x256xf32>
    %swap3A = arith.constant 0 : index
    %swap3A_793 = arith.constant 0 : index
    %swap3A_794 = vector.load %arg14[%swap3A, %swap3A_793] : memref<64x256xf32, #tpu.memory_space<vmem>>, vector<64x256xf32>
    tpu.vector_store %arg14[%swap3A, %swap3A_793], %max3A {strides = array<i32>} : memref<64x256xf32, #tpu.memory_space<vmem>>, vector<64x256xf32>,
    %eq3A_795 = arith.constant 19 : i32
    %eq3A_796 = arith.cmpi eq, %arg0, %eq3A_795 : i32
    %convert_element_type3A_797 = arith.extui %eq3A_796 : i1 to i32
    %cond3A_798 = arith.constant 0 : i32
    %cond3A_799 = arith.cmpi ne, %convert_element_type3A_797, %cond3A_798 : i32
    scf.if %cond3A_799 {
      %get3A_800 = arith.constant 0 : index
      %get3A_801 = arith.constant 0 : index
      %get3A_802 = vector.load %arg14[%get3A_800, %get3A_801] : memref<64x256xf32, #tpu.memory_space<vmem>>, vector<64x256xf32>
      %get3A_803 = arith.constant 0 : index
      %get3A_804 = arith.constant 0 : index
      %get3A_805 = vector.load %arg8[%get3A_803, %get3A_804] : memref<1x256xf32, #tpu.memory_space<vmem>>, vector<1x256xf32>
      %add3A_806 = vector.broadcast %get3A_805 : vector<1x256xf32> to vector<64x256xf32>
      %add3A_807 = arith.addf %get3A_802, %add3A_806 : vector<64x256xf32>
      %get3A_808 = arith.constant 0 : index
      %get3A_809 = arith.constant 0 : index
      %get3A_810 = vector.load %arg9[%get3A_808, %get3A_809] : memref<256x128xf32, #tpu.memory_space<vmem>>, vector<256x128xf32>
      %dot_general3A_811 = arith.constant dense<0.000000e+00> : vector<64x128xf32>
      %dot_general3A_812 = tpu.matmul %add3A_807, %get3A_810, %dot_general3A_811 {dimension_numbers = #tpu.dot_dimension_numbers<[1], [0], [0], [1], [0, 0, 1, 1], [], []>, transpose_lhs_hint = false} : vector<64x256xf32>, vector<256x128xf32>, vector<64x128xf32> -> vector<64x128xf32>
      %get3A_813 = arith.constant 0 : index
      %get3A_814 = arith.constant 0 : index
      %get3A_815 = vector.load %arg10[%get3A_813, %get3A_814] : memref<1x128xf32, #tpu.memory_space<vmem>>, vector<1x128xf32>
      %add3A_816 = vector.broadcast %get3A_815 : vector<1x128xf32> to vector<64x128xf32>
      %add3A_817 = arith.addf %dot_general3A_812, %add3A_816 : vector<64x128xf32>
      %max3A_818 = arith.constant 0.000000e+00 : f32
      %max3A_819 = vector.broadcast %max3A_818 : f32 to vector<64x128xf32>
      %max3A_820 = arith.maximumf %add3A_817, %max3A_819 : vector<64x128xf32>
      %get3A_821 = arith.constant 0 : index
      %get3A_822 = arith.constant 0 : index
      %get3A_823 = vector.load %arg11[%get3A_821, %get3A_822] : memref<128x16xf32, #tpu.memory_space<vmem>>, vector<128x16xf32>
      %dot_general3A_824 = arith.constant dense<0.000000e+00> : vector<64x16xf32>
      %dot_general3A_825 = tpu.matmul %max3A_820, %get3A_823, %dot_general3A_824 {dimension_numbers = #tpu.dot_dimension_numbers<[1], [0], [0], [1], [0, 0, 1, 1], [], []>, transpose_lhs_hint = false} : vector<64x128xf32>, vector<128x16xf32>, vector<64x16xf32> -> vector<64x16xf32>
      %get3A_826 = arith.constant 0 : index
      %get3A_827 = arith.constant 0 : index
      %get3A_828 = vector.load %arg12[%get3A_826, %get3A_827] : memref<1x16xf32, #tpu.memory_space<vmem>>, vector<1x16xf32>
      %add3A_829 = vector.broadcast %get3A_828 : vector<1x16xf32> to vector<64x16xf32>
      %add3A_830 = arith.addf %dot_general3A_825, %add3A_829 : vector<64x16xf32>
      %swap3A_831 = arith.constant 0 : index
      %swap3A_832 = arith.constant 0 : index
      %swap3A_833 = vector.load %arg13[%swap3A_831, %swap3A_832] : memref<64x16xf32, #tpu.memory_space<vmem>>, vector<64x16xf32>
      tpu.vector_store %arg13[%swap3A_831, %swap3A_832], %add3A_830 {strides = array<i32>} : memref<64x16xf32, #tpu.memory_space<vmem>>, vector<64x16xf32>,
    } else {
    }
    return
  }
  func.func @transform_0(%arg0: i32) -> (i32, i32) {
    %c0_i32 = arith.constant 0 : i32
    %c0_i32_0 = arith.constant 0 : i32
    return %arg0, %c0_i32 : i32, i32
  }
  func.func @transform_1(%arg0: i32) -> (i32, i32) {
    %c0_i32 = arith.constant 0 : i32
    %c0_i32_0 = arith.constant 0 : i32
    return %arg0, %c0_i32 : i32, i32
  }
  func.func @transform_2(%arg0: i32) -> (i32, i32) {
    %c0_i32 = arith.constant 0 : i32
    %c0_i32_0 = arith.constant 0 : i32
    return %arg0, %c0_i32 : i32, i32
  }
  func.func @transform_3(%arg0: i32) -> (i32, i32) {
    %c0_i32 = arith.constant 0 : i32
    %c0_i32_0 = arith.constant 0 : i32
    return %arg0, %c0_i32 : i32, i32
  }
  func.func @transform_4(%arg0: i32) -> (i32, i32) {
    %c0_i32 = arith.constant 0 : i32
    %c0_i32_0 = arith.constant 0 : i32
    %c0_i32_1 = arith.constant 0 : i32
    return %c0_i32, %c0_i32_0 : i32, i32
  }
  func.func @transform_5(%arg0: i32) -> (i32, i32) {
    %c0_i32 = arith.constant 0 : i32
    %c0_i32_0 = arith.constant 0 : i32
    %c0_i32_1 = arith.constant 0 : i32
    return %c0_i32, %c0_i32_0 : i32, i32
  }
  func.func @transform_6(%arg0: i32) -> (i32, i32) {
    %c0_i32 = arith.constant 0 : i32
    %c0_i32_0 = arith.constant 0 : i32
    %c0_i32_1 = arith.constant 0 : i32
    return %c0_i32, %c0_i32_0 : i32, i32
  }
  func.func @transform_7(%arg0: i32) -> (i32, i32) {
    %c0_i32 = arith.constant 0 : i32
    %c0_i32_0 = arith.constant 0 : i32
    %c0_i32_1 = arith.constant 0 : i32
    return %c0_i32, %c0_i32_0 : i32, i32
  }
  func.func @transform_8(%arg0: i32) -> (i32, i32) {
    %c0_i32 = arith.constant 0 : i32
    %c0_i32_0 = arith.constant 0 : i32
    %c0_i32_1 = arith.constant 0 : i32
    return %c0_i32, %c0_i32_0 : i32, i32
  }
  func.func @transform_9(%arg0: i32) -> (i32, i32) {
    %c0_i32 = arith.constant 0 : i32
    %c0_i32_0 = arith.constant 0 : i32
    %c0_i32_1 = arith.constant 0 : i32
    return %c0_i32, %c0_i32_0 : i32, i32
  }
  func.func @transform_10(%arg0: i32) -> (i32, i32) {
    %c0_i32 = arith.constant 0 : i32
    %c0_i32_0 = arith.constant 0 : i32
    %c0_i32_1 = arith.constant 0 : i32
    return %c0_i32, %c0_i32_0 : i32, i32
  }
  func.func @transform_11(%arg0: i32) -> (i32, i32) {
    %c0_i32 = arith.constant 0 : i32
    %c0_i32_0 = arith.constant 0 : i32
    %c0_i32_1 = arith.constant 0 : i32
    return %c0_i32, %c0_i32_0 : i32, i32
  }
  func.func @transform_12(%arg0: i32) -> (i32, i32) {
    %c0_i32 = arith.constant 0 : i32
    %c0_i32_0 = arith.constant 0 : i32
    %c0_i32_1 = arith.constant 0 : i32
    return %c0_i32, %c0_i32_0 : i32, i32
  }
}

</mosaic_0001>

<sc_bundles>
// kernel: kernel.20.cloned.1.call-start
scs
__scs_entry_jumppad:
0x0: {  	(pc) =	sbr.rel $0x88, $3  }
0x1: {  	(tag) =	ssettag $0x0;
	lr =	simm.s32 $0x1  }
0x2: {  	[smem:$0x3F87] =	sst lr;
	_ =	strace $0xD0000000  }
0x3: {  	_ = 	snop  }
0x4: {  	_ = 	snop  }
0x5: {  	_ = 	snop  }
0x6: {  	_ = 	snop  }
0x7: {  	_ = 	snop  }
__scs_overlays_trampoline_lowered:
0x8: {  	[smem:$0x3F96] =	sst s0  }
0x9: {  	[smem:$0x3F97] =	sst s1  }
0xa: {  	[smem:$0x3F98] =	sst s2  }
0xb: {  	[smem:$0x3F99] =	sst s3  }
0xc: {  	[smem:$0x3F9A] =	sst s4  }
0xd: {  	[smem:$0x3F9B] =	sst s5  }
0xe: {  	[smem:$0x3F9C] =	sst s6  }
0xf: {  	[smem:$0x3F9D] =	sst s7  }
0x10: {  	[smem:$0x3F9E] =	sst s8  }
0x11: {  	[smem:$0x3F9F] =	sst s9;
	s0 =	simm.s32 @!p0 $0x0  }
0x12: {  	s1 =	sld [smem:$0x3F85];
	s0 =	simm.s32 @p0 $0x1  }
0x13: {  	[smem:$0x3FA0] =	sst s0;
	s0 =	simm.s32 @!p1 $0x0  }
0x14: {  	s2 =	sld [smem:$0x3F84];
	s0 =	simm.s32 @p1 $0x1  }
0x15: {  	[smem:$0x3FA1] =	sst s0;
	s0 =	simm.s32 @!p2 $0x0  }
0x16: {  	s3 =	sld [smem:$0x3FDB];
	s0 =	simm.s32 @p2 $0x1  }
0x17: {  	s4 =	simm.s32 $0x1BF5;
	[smem:$0x3FA3] =	sst s0  }
0x18: {  	s0 =	sld [smem:$0x3F86];
	_ =	swait.ge [sflag:s4], $0x0  }
0x19: {  	s7 =	sld [smem:$0x3F87]  }
0x1a: {  	s8 =	sadd.s32 $0xFFFFE003, lr  }
0x1b: {  	s9 =	sadd.s32 $0xFFFFFEF7, lr;
	s5 =	simm.s32 $0xFFFFFFFF;
	p2 =	slt.u32 s8, $0xFFFFF086  }
0x1c: {  	p1 =	slt.u32 s9, $0xF7A;
	s5 =	simm.s32 @!p2 $0x0  }
0x1d: {  	s5 =	simm.s32 @p1 $0x1;
	p0 =	seq.s32 s7, s2  }
0x1e: {  	s7 =	smul.u32 @!p0 $0xF7A, s2;
	p2 =	seq.s32 @!p0 s5, $0x0  }
0x1f: {  	s9 =	smul.u32 $0xF7A, s1;
	s8 =	simm.s32 @!p0 $0x1BF5;
	p2 =	por !p2, p0  }
0x20: {  	[sflag:s8] =	ssyncset.s32 @!p0 $0xFFFFF086;
	s6 =	sadd.s32 @!p0 s3, s7;
	s7 =	simm.s32 @!p0 $0x108  }
0x21: {  	s3 =	sadd.s32 s3, s9;
	s6 =	sadd.s32 @!p0 $0x88, s6;
	s7 =	simm.s32 @p2 $0x1082  }
0x22: {  	[simem:s7], [sflag:s8] =	dma.local @!p0 [hbm:s6], $0xF7A  }
0x23: {  	s9 =	sor.u32 $0xD0000000, s2;
	s6 =	simm.s32 $0x108;
	_ =	swait.ge @!p0 [sflag:s8], $0x0  }
0x24: {  	s3 =	sadd.s32 $0x88, s3;
	s6 =	simm.s32 @!p1 $0x1082;
	[sflag:s4] =	ssyncset.s32 $0xFFFFF086  }
0x25: {  	[simem:s6], [sflag:s4] =	dma.local [hbm:s3], $0xF7A  }
0x26: {  	[smem:$0x3F87] =	sst s1;
	(tag) =	ssettag s2;
	_ =	strace s9  }
0x27: {  	s1 =	sld [smem:$0x3F97]  }
0x28: {  	s2 =	sld [smem:$0x3F98]  }
0x29: {  	s4 =	sld [smem:$0x3F9A]  }
0x2a: {  	p0 =	seq.s32 s5, $0x0;
	s5 =	sld [smem:$0x3F9B]  }
0x2b: {  	s6 =	sld [smem:$0x3F9C]  }
0x2c: {  	s7 =	sld [smem:$0x3F9D]  }
0x2d: {  	s3 =	simm.s32 $0x108;
	s8 =	sld [smem:$0x3F9E]  }
0x2e: {  	s3 =	simm.s32 @!p0 $0x1082;
	s9 =	sld [smem:$0x3F9F]  }
0x2f: {  	lr =	sadd.s32 s0, s3;
	s0 =	sld [smem:$0x3F96]  }
0x30: {  	s3 =	sld [smem:$0x3F99]  }
0x31: {  	[smem:$0x3FA2] =	sst s10  }
0x32: {  	s10 =	sld [smem:$0x3FA0];
	_ =	sdelay $0x3  }
0x33: {  	p0 =	seq.s32 s10, $0x1;
	s10 =	sld [smem:$0x3FA2];
	_ =	sdelay $0x3  }
0x34: {  	[smem:$0x3FA2] =	sst s10  }
0x35: {  	s10 =	sld [smem:$0x3FA1];
	_ =	sdelay $0x3  }
0x36: {  	p1 =	seq.s32 s10, $0x1;
	s10 =	sld [smem:$0x3FA2];
	_ =	sdelay $0x3  }
0x37: {  	[smem:$0x3FA2] =	sst s10  }
0x38: {  	s10 =	sld [smem:$0x3FA3]  }
0x39: {  	_ = 	snop;
	(pc) =	sbr.ind lr, $3  }
0x3a: {  	_ = 	snop  }
0x3b: {  	_ = 	snop  }
0x3c: {  	p2 =	seq.s32 s10, $0x1;
	s10 =	sld [smem:$0x3FA2]  }
0x3d: {  	_ =	shalt  }
0x3e: {  	_ =	shalt  }
0x3f: {  	_ =	shalt  }
0x40: {  	_ =	shalt  }
0x41: {  	_ =	shalt  }
0x42: {  	_ =	shalt  }
0x43: {  	_ =	shalt  }
0x44: {  	_ =	shalt  }
0x45: {  	_ =	shalt  }
0x46: {  	_ =	shalt  }
0x47: {  	_ =	shalt  }
0x48: {  	_ =	shalt  }
0x49: {  	_ =	shalt  }
0x4a: {  	_ =	shalt  }
0x4b: {  	_ =	shalt  }
0x4c: {  	_ =	shalt  }
0x4d: {  	_ =	shalt  }
0x4e: {  	_ =	shalt  }
0x4f: {  	_ =	shalt  }
0x50: {  	_ =	shalt  }
0x51: {  	_ =	shalt  }
0x52: {  	_ =	shalt  }
0x53: {  	_ =	shalt  }
0x54: {  	_ =	shalt  }
0x55: {  	_ =	shalt  }
0x56: {  	_ =	shalt  }
0x57: {  	_ =	shalt  }
0x58: {  	_ =	shalt  }
0x59: {  	_ =	shalt  }
0x5a: {  	_ =	shalt  }
0x5b: {  	_ =	shalt  }
0x5c: {  	_ =	shalt  }
0x5d: {  	_ =	shalt  }
0x5e: {  	_ =	shalt  }
0x5f: {  	_ =	shalt  }
0x60: {  	_ =	shalt  }
0x61: {  	_ =	shalt  }
0x62: {  	_ =	shalt  }
0x63: {  	_ =	shalt  }
0x64: {  	_ =	shalt  }
0x65: {  	_ =	shalt  }
0x66: {  	_ =	shalt  }
0x67: {  	_ =	shalt  }
0x68: {  	_ =	shalt  }
0x69: {  	_ =	shalt  }
0x6a: {  	_ =	shalt  }
0x6b: {  	_ =	shalt  }
0x6c: {  	_ =	shalt  }
0x6d: {  	_ =	shalt  }
0x6e: {  	_ =	shalt  }
0x6f: {  	_ =	shalt  }
0x70: {  	_ =	shalt  }
0x71: {  	_ =	shalt  }
0x72: {  	_ =	shalt  }
0x73: {  	_ =	shalt  }
0x74: {  	_ =	shalt  }
0x75: {  	_ =	shalt  }
0x76: {  	_ =	shalt  }
0x77: {  	_ =	shalt  }
0x78: {  	_ =	shalt  }
0x79: {  	_ =	shalt  }
0x7a: {  	_ =	shalt  }
0x7b: {  	_ =	shalt  }
0x7c: {  	_ =	shalt  }
0x7d: {  	_ =	shalt  }
0x7e: {  	_ =	shalt  }
0x7f: {  	_ =	shalt  }
0x80: {  	_ =	shalt  }
0x81: {  	_ =	shalt  }
0x82: {  	_ =	shalt  }
0x83: {  	_ =	shalt  }
0x84: {  	_ =	shalt  }
0x85: {  	_ =	shalt  }
0x86: {  	_ =	shalt  }
0x87: {  	_ =	shalt  }
.Lfunc_end0:
.L_simem_size_0:
called_computation_lowered:
.L_overlay_start_0:
0x88: {  	s2 =	sld [smem:$0x3FD9]  }
0x89: {  	s3 =	sld [smem:$0x3FFE];
	_ =	sdelay $0x1  }
0x8a: {  	s1 =	srdreg.scid  }
0x8b: {  	s0 =	sand.u32 $0x1, s1  }
0x8c: {  	s16 =	sshll.u32 s0, $0xA;
	s2 =	sadd.s32 s3, s2  }
0x8d: {  	s2 =	sadd.s32 s2, s16  }
0x8e: {  	[smem:$0x3FAE] =	sst s2  }
0x8f: {  	_ = 	snop  }
0x90: {  	(tm) =	ssettm $0x1  }
0x91: {  	s17 =	sld [smem:$0x3FFB];
	_ =	sdelay $0x3  }
0x92: {  	_ =	strace s17  }
0x93: {  	s2 =	sld [smem:$0x3FFC];
	_ =	sdelay $0x3  }
0x94: {  	_ =	strace s2  }
0x95: {  	s2 =	sld [smem:$0x3FFD];
	_ =	sdelay $0x3  }
0x96: {  	_ =	strace s2  }
0x97: {  	_ =	strace $0x8FFFFFFF  }
0x98: {  	s18 =	sld [smem:$0x3FDB];
	_ =	sdelay $0x1  }
0x99: {  	s19 =	simm.s32 $_scs_section_size  }
0x9a: {  	s4 =	simm.s32 $_size__tile_overlayer_lowered;
	s5 =	simm.s32 $_tile_overlayer_lowered  }
0x9b: {  	s22 =	simm.s32 $0x1BFF;
	s21 =	sshll.u32 s5, $0x1;
	s2 =	sadd.s32 s19, s18  }
0x9c: {  	s6 =	simm.s32 $0x0;
	s20 =	sshll.u32 s4, $0x1;
	s4 =	sadd.s32 s21, s2  }
0x9d: {  	[timem:s6], [sflag:s22] =	dma.local [hbm:s4], s20  }
0x9e: {  	_ =	swait.ge [sflag:s22], s20  }
0x9f: {  	s3 =	ssub.s32 $0x0, s20;
	[sflag:s22] =	ssyncset.done $0x0  }
0xa0: {  	[sflag:s22] =	ssyncadd.s32 s3;
	_ =	sdelay $0x1  }
0xa1: {  	s23 =	simm.s32 $0x1B8B  }
0xa2: {  	_ =	swait.ge [sflag:s23], $0x1  }
0xa3: {  	[sflag:s23] =	ssyncset.done $0x0  }
0xa4: {  	s25 =	simm.s32 $0x1B8E;
	s24 =	sld [smem:$0x3FFE];
	[sflag:s23] =	ssyncadd.s32 $0xFFFFFFFF  }
0xa5: {  	s26 =	simm.s32 $execute0_lowered;
	[smem:$0x3FD2] =	sst s25  }
0xa6: {  	s4 =	sshll.u32 s26, $0x1;
	_ =	strace $0x80000046;
	[dreg:$0x1] =	wrdreg $0xFFFFFFFF  }
0xa7: {  	s28 =	simm.s32 $_size_execute0_lowered;
	s2 =	sadd.s32 s2, s4;
	[dreg:$0x0] =	wrdreg $0x0  }
0xa8: {  	s4 =	sshll.u32 s28, $0x1;
	[dreg:$0x2] =	wrdreg s2  }
0xa9: {  	[dreg:$0x3] =	wrdreg s4  }
0xaa: {  	[dreg:$0x4] =	wrdreg $0xC0  }
0xab: {  	_ =	task [dreg:s6], $0x5FFFF  }
0xac: {  	[dreg:$0x1] =	wrdreg $0xFFFFFFFF  }
0xad: {  	[dreg:$0x0] =	wrdreg $0x60  }
0xae: {  	[dreg:$0x2] =	wrdreg s24  }
0xaf: {  	[dreg:$0x3] =	wrdreg $0x65000  }
0xb0: {  	[dreg:$0x4] =	wrdreg $0x9  }
0xb1: {  	_ =	task.clear_ibuf [dreg:s6], $0x5FFFF;
	_ =	strace $0x90000046  }
0xb2: {  	s29 =	simm.s32 $0x9;
	_ =	strace $0x80000048  }
0xb3: {  	_ =	swait.ge [sflag:s29], $0x1  }
0xb4: {  	[sflag:s29] =	ssyncadd.s32 $0xFFFFFFFF  }
0xb5: {  	_ =	strace $0x90000048  }
0xb6: {  	_ =	sfence  }
0xb7: {  	s30 =	sld [smem:$0x0];
	_ =	sdelay $0x2  }
0xb8: {  	s31 =	sshll.u32 s1, $0xD;
	s1 =	sshrl.u32 s1, $0x2  }
0xb9: {  	s3 =	sand.u32 $0x4000, s31;
	s1 =	sadd.s32 s1, s30  }
0xba: {  	s0 =	sor.u32 s3, s0;
	s1 =	sshll.u32 s1, $0x11  }
0xbb: {  	s0 =	sor.u32 s1, s0  }
0xbc: {  	s0 =	sadd.s32 $0x8F2B, s0  }
0xbd: {  	[sflag:s0] =	ssyncadd.remote.s32 $0x1  }
0xbe: {  	_ =	sfence.sel $0xFFFF  }
0xbf: {  	[dreg:$0x0] =	wrdreg $0xFFFFFFFF;
	(pc) =	sbr.abs _section_cstart, $3  }
0xc0: {  	[dreg:$0x1] =	wrdreg $0xFFFFFFFF  }
0xc1: {  	_ =	task.clear_ibuf [dreg:s6], $0x2FFFF;
	_ =	strace $0x9FFFFFFF  }
0xc2: {  	(tm) =	ssettm $0x7FFFFFFF  }
0xc3: {  	_ =	shalt  }
tec
execute0_lowered:
.L_overlay_start_1:
0x0: {  	(tag) =	ssettag $0x1  }
0x1: {  	s4 =	rddreg [dreg:$0x0];
	s1 =	srdreg.scid  }
0x2: {  	s0 =	stileid.u32;
	s2 =	rddreg [dreg:$0x1]  }
0x3: {  	s3 =	simm.s32 $0x0;
	s13 =	simm.s32 $0xC8;
	s6 =	smul.u32 $0x4E20, s0  }
0x4: {  	s5 =	sand.u32 $0x1, s1;
	s1 =	rddreg [dreg:$0x2];
	s26 =	smul.u32 $0x2800, s0  }
0x5: {  	s14 =	simm.s32 $0x0;
	[smem:$0x7FF] =	sst s3;
	s9 =	smul.u32 $0x50000, s0  }
0x6: {  	s31 =	sshll.u32 s0, $0x6;
	s7 =	smul.u32 $0x2710, s5;
	_ =	strace $0x80000047  }
0x7: {  	s8 =	ssub.s32 $0x2, s5;
	p0 =	seq.s32 s5, $0x1;
	s11 =	sadd.s32 s26, s4  }
0x8: {  	s28 =	sshrl.u32 s8, $0x1;
	s30 =	sshrl.u32 s9, $0x2;
	s6 =	sadd.s32 s7, s6  }
0x9: {  	s29 =	ssub.s32 s8, s28;
	s12 =	sadd.s32 s30, s2;
	s8 =	simm.s32 $0x98E00  }
0xa: {  	s5 =	sadd.s32 $0x48000, s11;
	s6 =	sshrl.u32 s6, $0x3;
	s8 =	simm.s32 @!p0 $0x70E00  }
0xb: {  	s7 =	smax.u32 s29, $0x1;
	s10 =	sadd.s32 s6, s4;
	s4 =	sadd.s32 $0x70000, s4  }
0xc: {  	s6 =	sor.u32 $0x1C01, s31;
	s8 =	sadd.s32 s8, s11;
	s11 =	simm.s32 $0x1  }
0xd: {  	s9 =	sadd.s32 $0xC400, s10;
	s10 =	sshrl.u32 s12, $0x3;
	s12 =	simm.s32 $0x100  }
.LBB2_1:
0xe: {  	[spmem:s10], [sflag:s6] =	dma.local [hbm:s5], $0x2800  }
0xf: {  	_ =	swait.ge [sflag:s11], $0x2800  }
0x10: {  	[sflag:s11] =	ssyncset.done $0x0  }
0x11: {  	[sflag:s11] =	ssyncadd.s32 $0xFFFFD800  }
0x12: {  	[tilespmem:s12], [sflag:$0x1] =	stream.linear.gather [hbm4b:s4+s3], $0x6400, $0x38;
	[tilespmem:$0x1A500] =	vst v63  }
0x13: {  	_ =	swait.ge [sflag:s11], $0x6400  }
0x14: {  	[sflag:s11] =	ssyncset.done $0x0  }
0x15: {  	[sflag:s11] =	ssyncadd.s32 $0xFFFF9C00  }
0x16: {  	s15 =	sadd.s32 $0x0, s9;
	[bflag:$0x0] =	sbarrier.arrive $0xFFFF  }
0x17: {  	[tilespmem:s3], [sflag:$0x1] =	stream.linear.gather [hbm4b:s15+s3], $0xC8, $0x38;
	[tilespmem:$0x1A500] =	vst v63  }
0x18: {  	_ =	swait.ge [sflag:s11], $0xC8  }
0x19: {  	[sflag:s11] =	ssyncset.done $0x0  }
0x1a: {  	[sflag:s11] =	ssyncadd.s32 $0xFFFFFF38  }
0x1b: {  	[spmem:s2] =	stream.indirect.scatter.add.f32 [tilespmem:s12], [sflag:$0x1], $0x80, s3, s13, $0xb8;
	[tilespmem:$0x1A500] =	vst v63  }
0x1c: {  	_ =	swait.ge [sflag:s11], $0x6400  }
0x1d: {  	s16 =	simm.s32 $0x32;
	s15 =	simm.s32 $0x19;
	[sflag:s11] =	ssyncset.done $0x0  }
.LBB2_2:
0x1e: {  	s17 =	sadd.s32 s15, s9  }
0x1f: {  	[sflag:s11] =	ssyncadd.s32 $0xFFFF9C00;
	s15 =	smov.u32 s16;
	s18 =	sadd.s32 $0x19, s16  }
0x20: {  	[tilespmem:s3], [sflag:$0x1] =	stream.linear.gather [hbm4b:s17+s3], $0xC8, $0x38;
	[tilespmem:$0x1A500] =	vst v63  }
0x21: {  	p0 =	sne.s32 s16, $0x4C9;
	_ =	swait.ge [sflag:s11], $0xC8  }
.Ltmp0:
0x22: {  	[sflag:s11] =	ssyncset.done $0x0;
	(pc) =	sbr.rel @p0 .LBB2_2-.Ltmp0, $4  }
0x23: {  	[sflag:s11] =	ssyncadd.s32 $0xFFFFFF38  }
0x24: {  	[spmem:s2] =	stream.indirect.scatter.add.f32 [tilespmem:s12], [sflag:$0x1], $0x80, s3, s13, $0xb8;
	[tilespmem:$0x1A500] =	vst v63  }
0x25: {  	_ =	swait.ge [sflag:s11], $0x6400  }
0x26: {  	s16 =	smov.u32 s18;
	[sflag:s11] =	ssyncset.done $0x0  }
0x27: {  	s15 =	sadd.s32 s15, s9;
	[sflag:s11] =	ssyncadd.s32 $0xFFFF9C00  }
0x28: {  	[tilespmem:s3], [sflag:$0x1] =	stream.linear.gather [hbm4b:s15+s3], $0xC8, $0x38;
	[tilespmem:$0x1A500] =	vst v63  }
0x29: {  	_ =	swait.ge [sflag:s11], $0xC8  }
0x2a: {  	[sflag:s11] =	ssyncset.done $0x0  }
0x2b: {  	[sflag:s11] =	ssyncadd.s32 $0xFFFFFF38  }
0x2c: {  	[spmem:s2] =	stream.indirect.scatter.add.f32 [tilespmem:s12], [sflag:$0x1], $0x80, s3, s13, $0xb8;
	[tilespmem:$0x1A500] =	vst v63  }
0x2d: {  	_ =	swait.ge [sflag:s11], $0x6400  }
0x2e: {  	s14 =	sadd.s32 $0x1, s14;
	[sflag:s11] =	ssyncset.done $0x0  }
0x2f: {  	p0 =	sne.s32 s14, s7;
	[sflag:s11] =	ssyncadd.s32 $0xFFFF9C00  }
.Ltmp1:
0x30: {  	[bflag:$0x0] =	sbarrier.arrive $0xFFFF;
	(pc) =	sbr.rel @p0 .LBB2_1-.Ltmp1, $4  }
0x31: {  	[hbm:s8], [sflag:s6] =	dma.local [spmem:s10], $0x2800  }
0x32: {  	_ =	swait.ge [sflag:s11], $0x2800  }
0x33: {  	[sflag:s11] =	ssyncset.done $0x0  }
0x34: {  	[sflag:s11] =	ssyncadd.s32 $0xFFFFD800  }
0x35: {  	_ =	sfence.sel $0x180000  }
0x36: {  	[bflag:$0x0] =	sbarrier.arrive $0xFFFF  }
0x37: {  	p0 =	sne.s32 s0, $0x0;
	_ =	strace $0x90000047  }
0x38: {  	s0 =	sadd.s32 @!p0 $0x100000, s1;
	[bflag:$0x2] =	sbarrier.arrive $0xFFFF  }
0x39: {  	[sflag:s0] =	ssyncadd.tile.s32 @!p0 $0x1;
	_ =	shalt  }
.Lfunc_end2:
_tile_overlayer_lowered:
.L_overlay_start_2:
0x3a: {  	(tag) =	ssettag $0x2  }
0x3b: {  	s0 =	rddreg [dreg:$0x0];
	s2 =	stileid.u32  }
0x3c: {  	s1 =	rddreg [dreg:$0x1];
	p0 =	sne.s32 s2, $0x0  }
0x3d: {  	s3 =	rddreg [dreg:$0x2];
	[bflag:$0x3] =	sbarrier.arrive $0xFFFF;
	s2 =	simm.s32 @!p0 $0x1C01  }
0x3e: {  	[timem:s3], [sflag:s2] =	dma.local @!p0 [hbm:s0], s1  }
0x3f: {  	s0 =	simm.s32 @!p0 $0x1  }
0x40: {  	_ =	swait.ge @!p0 [sflag:s0], s1  }
0x41: {  	s1 =	ssub.s32 @!p0 $0x0, s1;
	[sflag:s0] =	ssyncset.done @!p0 $0x0  }
0x42: {  	[sflag:s0] =	ssyncadd.s32 @!p0 s1  }
0x43: {  	[bflag:$0x3] =	sbarrier.arrive $0xFFFF  }
0x44: {  	_ =	shalt  }

// kernel: kernel.23.cloned.1.call-start
scs
__scs_entry_jumppad:
0x0: {  	(pc) =	sbr.rel $0x88, $3  }
0x1: {  	(tag) =	ssettag $0x0;
	lr =	simm.s32 $0x1  }
0x2: {  	[smem:$0x3F87] =	sst lr;
	_ =	strace $0xD0000000  }
0x3: {  	_ = 	snop  }
0x4: {  	_ = 	snop  }
0x5: {  	_ = 	snop  }
0x6: {  	_ = 	snop  }
0x7: {  	_ = 	snop  }
__scs_overlays_trampoline_lowered:
0x8: {  	[smem:$0x3F96] =	sst s0  }
0x9: {  	[smem:$0x3F97] =	sst s1  }
0xa: {  	[smem:$0x3F98] =	sst s2  }
0xb: {  	[smem:$0x3F99] =	sst s3  }
0xc: {  	[smem:$0x3F9A] =	sst s4  }
0xd: {  	[smem:$0x3F9B] =	sst s5  }
0xe: {  	[smem:$0x3F9C] =	sst s6  }
0xf: {  	[smem:$0x3F9D] =	sst s7  }
0x10: {  	[smem:$0x3F9E] =	sst s8  }
0x11: {  	[smem:$0x3F9F] =	sst s9;
	s0 =	simm.s32 @!p0 $0x0  }
0x12: {  	s1 =	sld [smem:$0x3F85];
	s0 =	simm.s32 @p0 $0x1  }
0x13: {  	[smem:$0x3FA0] =	sst s0;
	s0 =	simm.s32 @!p1 $0x0  }
0x14: {  	s2 =	sld [smem:$0x3F84];
	s0 =	simm.s32 @p1 $0x1  }
0x15: {  	[smem:$0x3FA1] =	sst s0;
	s0 =	simm.s32 @!p2 $0x0  }
0x16: {  	s3 =	sld [smem:$0x3FDB];
	s0 =	simm.s32 @p2 $0x1  }
0x17: {  	s4 =	simm.s32 $0x1BF5;
	[smem:$0x3FA3] =	sst s0  }
0x18: {  	s0 =	sld [smem:$0x3F86];
	_ =	swait.ge [sflag:s4], $0x0  }
0x19: {  	s7 =	sld [smem:$0x3F87]  }
0x1a: {  	s8 =	sadd.s32 $0xFFFFE003, lr  }
0x1b: {  	s9 =	sadd.s32 $0xFFFFFEF7, lr;
	s5 =	simm.s32 $0xFFFFFFFF;
	p2 =	slt.u32 s8, $0xFFFFF086  }
0x1c: {  	p1 =	slt.u32 s9, $0xF7A;
	s5 =	simm.s32 @!p2 $0x0  }
0x1d: {  	s5 =	simm.s32 @p1 $0x1;
	p0 =	seq.s32 s7, s2  }
0x1e: {  	s7 =	smul.u32 @!p0 $0xF7A, s2;
	p2 =	seq.s32 @!p0 s5, $0x0  }
0x1f: {  	s9 =	smul.u32 $0xF7A, s1;
	s8 =	simm.s32 @!p0 $0x1BF5;
	p2 =	por !p2, p0  }
0x20: {  	[sflag:s8] =	ssyncset.s32 @!p0 $0xFFFFF086;
	s6 =	sadd.s32 @!p0 s3, s7;
	s7 =	simm.s32 @!p0 $0x108  }
0x21: {  	s3 =	sadd.s32 s3, s9;
	s6 =	sadd.s32 @!p0 $0x88, s6;
	s7 =	simm.s32 @p2 $0x1082  }
0x22: {  	[simem:s7], [sflag:s8] =	dma.local @!p0 [hbm:s6], $0xF7A  }
0x23: {  	s9 =	sor.u32 $0xD0000000, s2;
	s6 =	simm.s32 $0x108;
	_ =	swait.ge @!p0 [sflag:s8], $0x0  }
0x24: {  	s3 =	sadd.s32 $0x88, s3;
	s6 =	simm.s32 @!p1 $0x1082;
	[sflag:s4] =	ssyncset.s32 $0xFFFFF086  }
0x25: {  	[simem:s6], [sflag:s4] =	dma.local [hbm:s3], $0xF7A  }
0x26: {  	[smem:$0x3F87] =	sst s1;
	(tag) =	ssettag s2;
	_ =	strace s9  }
0x27: {  	s1 =	sld [smem:$0x3F97]  }
0x28: {  	s2 =	sld [smem:$0x3F98]  }
0x29: {  	s4 =	sld [smem:$0x3F9A]  }
0x2a: {  	p0 =	seq.s32 s5, $0x0;
	s5 =	sld [smem:$0x3F9B]  }
0x2b: {  	s6 =	sld [smem:$0x3F9C]  }
0x2c: {  	s7 =	sld [smem:$0x3F9D]  }
0x2d: {  	s3 =	simm.s32 $0x108;
	s8 =	sld [smem:$0x3F9E]  }
0x2e: {  	s3 =	simm.s32 @!p0 $0x1082;
	s9 =	sld [smem:$0x3F9F]  }
0x2f: {  	lr =	sadd.s32 s0, s3;
	s0 =	sld [smem:$0x3F96]  }
0x30: {  	s3 =	sld [smem:$0x3F99]  }
0x31: {  	[smem:$0x3FA2] =	sst s10  }
0x32: {  	s10 =	sld [smem:$0x3FA0];
	_ =	sdelay $0x3  }
0x33: {  	p0 =	seq.s32 s10, $0x1;
	s10 =	sld [smem:$0x3FA2];
	_ =	sdelay $0x3  }
0x34: {  	[smem:$0x3FA2] =	sst s10  }
0x35: {  	s10 =	sld [smem:$0x3FA1];
	_ =	sdelay $0x3  }
0x36: {  	p1 =	seq.s32 s10, $0x1;
	s10 =	sld [smem:$0x3FA2];
	_ =	sdelay $0x3  }
0x37: {  	[smem:$0x3FA2] =	sst s10  }
0x38: {  	s10 =	sld [smem:$0x3FA3]  }
0x39: {  	_ = 	snop;
	(pc) =	sbr.ind lr, $3  }
0x3a: {  	_ = 	snop  }
0x3b: {  	_ = 	snop  }
0x3c: {  	p2 =	seq.s32 s10, $0x1;
	s10 =	sld [smem:$0x3FA2]  }
0x3d: {  	_ =	shalt  }
0x3e: {  	_ =	shalt  }
0x3f: {  	_ =	shalt  }
0x40: {  	_ =	shalt  }
0x41: {  	_ =	shalt  }
0x42: {  	_ =	shalt  }
0x43: {  	_ =	shalt  }
0x44: {  	_ =	shalt  }
0x45: {  	_ =	shalt  }
0x46: {  	_ =	shalt  }
0x47: {  	_ =	shalt  }
0x48: {  	_ =	shalt  }
0x49: {  	_ =	shalt  }
0x4a: {  	_ =	shalt  }
0x4b: {  	_ =	shalt  }
0x4c: {  	_ =	shalt  }
0x4d: {  	_ =	shalt  }
0x4e: {  	_ =	shalt  }
0x4f: {  	_ =	shalt  }
0x50: {  	_ =	shalt  }
0x51: {  	_ =	shalt  }
0x52: {  	_ =	shalt  }
0x53: {  	_ =	shalt  }
0x54: {  	_ =	shalt  }
0x55: {  	_ =	shalt  }
0x56: {  	_ =	shalt  }
0x57: {  	_ =	shalt  }
0x58: {  	_ =	shalt  }
0x59: {  	_ =	shalt  }
0x5a: {  	_ =	shalt  }
0x5b: {  	_ =	shalt  }
0x5c: {  	_ =	shalt  }
0x5d: {  	_ =	shalt  }
0x5e: {  	_ =	shalt  }
0x5f: {  	_ =	shalt  }
0x60: {  	_ =	shalt  }
0x61: {  	_ =	shalt  }
0x62: {  	_ =	shalt  }
0x63: {  	_ =	shalt  }
0x64: {  	_ =	shalt  }
0x65: {  	_ =	shalt  }
0x66: {  	_ =	shalt  }
0x67: {  	_ =	shalt  }
0x68: {  	_ =	shalt  }
0x69: {  	_ =	shalt  }
0x6a: {  	_ =	shalt  }
0x6b: {  	_ =	shalt  }
0x6c: {  	_ =	shalt  }
0x6d: {  	_ =	shalt  }
0x6e: {  	_ =	shalt  }
0x6f: {  	_ =	shalt  }
0x70: {  	_ =	shalt  }
0x71: {  	_ =	shalt  }
0x72: {  	_ =	shalt  }
0x73: {  	_ =	shalt  }
0x74: {  	_ =	shalt  }
0x75: {  	_ =	shalt  }
0x76: {  	_ =	shalt  }
0x77: {  	_ =	shalt  }
0x78: {  	_ =	shalt  }
0x79: {  	_ =	shalt  }
0x7a: {  	_ =	shalt  }
0x7b: {  	_ =	shalt  }
0x7c: {  	_ =	shalt  }
0x7d: {  	_ =	shalt  }
0x7e: {  	_ =	shalt  }
0x7f: {  	_ =	shalt  }
0x80: {  	_ =	shalt  }
0x81: {  	_ =	shalt  }
0x82: {  	_ =	shalt  }
0x83: {  	_ =	shalt  }
0x84: {  	_ =	shalt  }
0x85: {  	_ =	shalt  }
0x86: {  	_ =	shalt  }
0x87: {  	_ =	shalt  }
.Lfunc_end0:
.L_simem_size_0:
called_computation.1_lowered:
.L_overlay_start_0:
0x88: {  	s2 =	sld [smem:$0x3FD9]  }
0x89: {  	s3 =	sld [smem:$0x3FFE];
	_ =	sdelay $0x1  }
0x8a: {  	s1 =	srdreg.scid  }
0x8b: {  	s0 =	sand.u32 $0x1, s1  }
0x8c: {  	s17 =	sshll.u32 s0, $0xA;
	s2 =	sadd.s32 s3, s2  }
0x8d: {  	s2 =	sadd.s32 s2, s17  }
0x8e: {  	[smem:$0x3FAE] =	sst s2  }
0x8f: {  	_ = 	snop  }
0x90: {  	(tm) =	ssettm $0x1  }
0x91: {  	s18 =	sld [smem:$0x3FFB];
	_ =	sdelay $0x3  }
0x92: {  	_ =	strace s18  }
0x93: {  	s2 =	sld [smem:$0x3FFC];
	_ =	sdelay $0x3  }
0x94: {  	_ =	strace s2  }
0x95: {  	s2 =	sld [smem:$0x3FFD];
	_ =	sdelay $0x3  }
0x96: {  	_ =	strace s2  }
0x97: {  	_ =	strace $0x8FFFFFFF  }
0x98: {  	s19 =	sld [smem:$0x3FDB];
	_ =	sdelay $0x1  }
0x99: {  	s20 =	simm.s32 $_scs_section_size  }
0x9a: {  	s4 =	simm.s32 $_size__tile_overlayer_lowered;
	s5 =	simm.s32 $_tile_overlayer_lowered  }
0x9b: {  	s6 =	simm.s32 $0x1BFF;
	s21 =	sshll.u32 s5, $0x1;
	s3 =	sadd.s32 s20, s19  }
0x9c: {  	s22 =	simm.s32 $0x0;
	s4 =	sshll.u32 s4, $0x1;
	s5 =	sadd.s32 s21, s3  }
0x9d: {  	[timem:s22], [sflag:s6] =	dma.local [hbm:s5], s4  }
0x9e: {  	_ =	swait.ge [sflag:s6], s4  }
0x9f: {  	s4 =	ssub.s32 $0x0, s4;
	[sflag:s6] =	ssyncset.done $0x0  }
0xa0: {  	[sflag:s6] =	ssyncadd.s32 s4;
	_ =	sdelay $0x1  }
0xa1: {  	s23 =	simm.s32 $0x1B8B  }
0xa2: {  	_ =	swait.ge [sflag:s23], $0x1  }
0xa3: {  	[sflag:s23] =	ssyncset.done $0x0  }
0xa4: {  	[sflag:s23] =	ssyncadd.s32 $0xFFFFFFFF  }
0xa5: {  	s4 =	sld [smem:$0x0]  }
0xa6: {  	s5 =	sand.u32 $0xFFFFFFFE, s1  }
0xa7: {  	p0 =	sne.s32 s1, s5  }
0xa8: {  	s5 =	sshll.u32 @p0 s5, $0xE  }
0xa9: {  	s5 =	sadd.s32 @p0 $0x11B8D, s5;
	s6 =	sshll.u32 @p0 s4, $0x11  }
0xaa: {  	s5 =	sor.u32 @p0 s6, s5  }
0xab: {  	[sflag:s5] =	ssyncadd.remote.s32 @p0 $0x1;
	_ =	sdelay $0x1  }
0xac: {  	s5 =	simm.s32 @p0 $0x1B8D  }
0xad: {  	_ =	swait.eq @p0 [sflag:s5], $0x1  }
0xae: {  	[sflag:s5] =	ssyncadd.s32 @p0 $0xFFFFFFFF  }
0xaf: {  	s6 =	sshll.u32 @!p0 s1, $0xE  }
0xb0: {  	s6 =	sor.u32 @!p0 $0x4000, s6;
	s5 =	simm.s32 @!p0 $0x1B8D  }
0xb1: {  	s4 =	sshll.u32 @!p0 s4, $0x11;
	s6 =	sadd.s32 @!p0 $0x11B8D, s6;
	_ =	swait.eq @!p0 [sflag:s5], $0x1  }
0xb2: {  	s4 =	sor.u32 @!p0 s4, s6;
	[sflag:s5] =	ssyncadd.s32 @!p0 $0xFFFFFFFF  }
0xb3: {  	s25 =	simm.s32 $0x1B8E;
	s24 =	sld [smem:$0x3FFE];
	[sflag:s4] =	ssyncadd.remote.s32 @!p0 $0x1  }
0xb4: {  	s26 =	simm.s32 $execute0_lowered;
	[smem:$0x3FD2] =	sst s25  }
0xb5: {  	s5 =	sshll.u32 s26, $0x1;
	_ =	strace $0x80000049;
	[dreg:$0x1] =	wrdreg $0xFFFFFFFF  }
0xb6: {  	s28 =	simm.s32 $_size_execute0_lowered;
	s3 =	sadd.s32 s3, s5;
	[dreg:$0x0] =	wrdreg $0x0  }
0xb7: {  	s5 =	sshll.u32 s28, $0x1;
	[dreg:$0x2] =	wrdreg s3  }
0xb8: {  	[dreg:$0x3] =	wrdreg s5  }
0xb9: {  	[dreg:$0x4] =	wrdreg $0xC0  }
0xba: {  	_ =	task [dreg:s22], $0x5FFFF  }
0xbb: {  	[dreg:$0x1] =	wrdreg $0xFFFFFFFF  }
0xbc: {  	[dreg:$0x0] =	wrdreg $0x60  }
0xbd: {  	[dreg:$0x2] =	wrdreg s24  }
0xbe: {  	[dreg:$0x3] =	wrdreg $0x66000  }
0xbf: {  	[dreg:$0x4] =	wrdreg $0xA  }
0xc0: {  	_ =	task.clear_ibuf [dreg:s22], $0x5FFFF;
	_ =	strace $0x90000049  }
0xc1: {  	s29 =	simm.s32 $0xA;
	_ =	strace $0x8000004B  }
0xc2: {  	_ =	swait.ge [sflag:s29], $0x1  }
0xc3: {  	[sflag:s29] =	ssyncadd.s32 $0xFFFFFFFF  }
0xc4: {  	_ =	strace $0x9000004B  }
0xc5: {  	_ =	sfence  }
0xc6: {  	s30 =	sld [smem:$0x0];
	_ =	sdelay $0x2  }
0xc7: {  	s31 =	sshll.u32 s1, $0xD;
	s1 =	sshrl.u32 s1, $0x2  }
0xc8: {  	s4 =	sand.u32 $0x4000, s31;
	s1 =	sadd.s32 s1, s30  }
0xc9: {  	s0 =	sor.u32 s4, s0;
	s1 =	sshll.u32 s1, $0x11  }
0xca: {  	s0 =	sor.u32 s1, s0  }
0xcb: {  	s0 =	sadd.s32 $0x8F2B, s0  }
0xcc: {  	[sflag:s0] =	ssyncadd.remote.s32 $0x1  }
0xcd: {  	_ =	sfence.sel $0xFFFF  }
0xce: {  	[dreg:$0x0] =	wrdreg $0xFFFFFFFF;
	(pc) =	sbr.abs _section_cstart, $3  }
0xcf: {  	[dreg:$0x1] =	wrdreg $0xFFFFFFFF  }
0xd0: {  	_ =	task.clear_ibuf [dreg:s22], $0x2FFFF;
	_ =	strace $0x9FFFFFFF  }
0xd1: {  	(tm) =	ssettm $0x7FFFFFFF  }
tec
execute0_lowered:
.L_overlay_start_1:
0x0: {  	(tag) =	ssettag $0x1  }
0x1: {  	s5 =	rddreg [dreg:$0x0];
	s1 =	srdreg.scid  }
0x2: {  	s0 =	stileid.u32;
	s2 =	rddreg [dreg:$0x1]  }
0x3: {  	s3 =	simm.s32 $0x0;
	s14 =	simm.s32 $0xC8;
	s15 =	simm.s32 $0x200  }
0x4: {  	s16 =	simm.s32 $0x1;
	s17 =	simm.s32 $0x0;
	s4 =	smul.u32 $0x4E20, s0  }
0x5: {  	s6 =	sand.u32 $0x1, s1;
	s1 =	rddreg [dreg:$0x2];
	s26 =	smul.u32 $0x2800, s0  }
0x6: {  	[smem:$0x7FF] =	sst s3;
	s10 =	smul.u32 $0x50000, s0;
	s31 =	sshll.u32 s0, $0x6  }
0x7: {  	s7 =	smul.u32 $0x2710, s6;
	_ =	strace $0x8000004A;
	s9 =	ssub.s32 $0x2, s6  }
0x8: {  	p0 =	seq.s32 s6, $0x1;
	s6 =	sor.u32 $0x1C02, s31;
	s28 =	sshrl.u32 s9, $0x1  }
0x9: {  	s12 =	sadd.s32 s26, s5;
	s30 =	sshrl.u32 s10, $0x2;
	s4 =	sadd.s32 s7, s4  }
0xa: {  	s29 =	ssub.s32 s9, s28;
	s13 =	sadd.s32 s30, s2;
	s8 =	sshrl.u32 s4, $0x3  }
0xb: {  	s4 =	sadd.s32 $0x20000, s5;
	s11 =	sadd.s32 s8, s5;
	s8 =	simm.s32 $0xE8E00  }
0xc: {  	s7 =	smax.u32 s29, $0x1;
	s5 =	sadd.s32 $0x48000, s12;
	s8 =	simm.s32 @!p0 $0xC0E00  }
0xd: {  	s9 =	sadd.s32 $0x16200, s11;
	s10 =	sadd.s32 $0xC400, s11;
	s11 =	sshrl.u32 s13, $0x3  }
0xe: {  	s13 =	simm.s32 $0x100;
	s8 =	sadd.s32 s8, s12;
	s12 =	simm.s32 $0x2  }
.LBB2_1:
0xf: {  	[spmem:s11], [sflag:s6] =	dma.local [hbm:s5], $0x2800  }
0x10: {  	_ =	swait.ge [sflag:s12], $0x2800  }
0x11: {  	[sflag:s12] =	ssyncset.done $0x0  }
0x12: {  	[sflag:s12] =	ssyncadd.s32 $0xFFFFD800  }
0x13: {  	s18 =	sadd.s32 $0x0, s10;
	[bflag:$0x0] =	sbarrier.arrive $0xFFFF  }
0x14: {  	[tilespmem:s13], [sflag:$0x2] =	stream.linear.gather [hbm4b:s18+s3], $0xC8, $0x38;
	[tilespmem:$0x1A600] =	vst v63  }
0x15: {  	_ =	swait.ge [sflag:s12], $0xC8  }
0x16: {  	[sflag:s12] =	ssyncset.done $0x0  }
0x17: {  	s31 =	sadd.s32 $0x0, s9;
	[sflag:s12] =	ssyncadd.s32 $0xFFFFFF38  }
0x18: {  	[tilespmem:s3], [sflag:$0x2] =	stream.linear.gather [hbm4b:s31+s3], $0xC8, $0x38;
	[tilespmem:$0x1A600] =	vst v63  }
0x19: {  	_ =	swait.ge [sflag:s12], $0xC8  }
0x1a: {  	[sflag:s12] =	ssyncset.done $0x0  }
0x1b: {  	[sflag:s12] =	ssyncadd.s32 $0xFFFFFF38  }
0x1c: {  	[tilespmem:s15], [sflag:$0x1] =	stream.indirect.gather [hbm4b:s4+s14], $0x80, s3, s14, $0xb8;
	[tilespmem:$0x1A600] =	vst v63  }
0x1d: {  	_ =	swait.ge [sflag:s16], $0x6400  }
0x1e: {  	[sflag:s16] =	ssyncset.done $0x0  }
0x1f: {  	[sflag:s16] =	ssyncadd.s32 $0xFFFF9C00  }
0x20: {  	[spmem:s2] =	stream.indirect.scatter.add.f32 [tilespmem:s15], [sflag:$0x2], $0x80, s13, s14, $0xb8;
	[tilespmem:$0x1A600] =	vst v63  }
0x21: {  	_ =	swait.ge [sflag:s12], $0x6400  }
0x22: {  	s19 =	simm.s32 $0x32;
	s18 =	simm.s32 $0x19;
	[sflag:s12] =	ssyncset.done $0x0  }
.LBB2_2:
0x23: {  	s20 =	sadd.s32 s18, s10  }
0x24: {  	[sflag:s12] =	ssyncadd.s32 $0xFFFF9C00;
	s21 =	smov.u32 s19;
	s22 =	sadd.s32 $0x19, s19  }
0x25: {  	[tilespmem:s13], [sflag:$0x2] =	stream.linear.gather [hbm4b:s20+s3], $0xC8, $0x38;
	[tilespmem:$0x1A600] =	vst v63  }
0x26: {  	p0 =	sne.s32 s19, $0x4C9;
	_ =	swait.ge [sflag:s12], $0xC8  }
0x27: {  	[sflag:s12] =	ssyncset.done $0x0  }
0x28: {  	s19 =	sadd.s32 s18, s9;
	s18 =	smov.u32 s21;
	[sflag:s12] =	ssyncadd.s32 $0xFFFFFF38  }
0x29: {  	[tilespmem:s3], [sflag:$0x2] =	stream.linear.gather [hbm4b:s19+s3], $0xC8, $0x38;
	[tilespmem:$0x1A600] =	vst v63  }
0x2a: {  	_ =	swait.ge [sflag:s12], $0xC8  }
0x2b: {  	[sflag:s12] =	ssyncset.done $0x0  }
0x2c: {  	[sflag:s12] =	ssyncadd.s32 $0xFFFFFF38  }
0x2d: {  	[tilespmem:s15], [sflag:$0x1] =	stream.indirect.gather [hbm4b:s4+s14], $0x80, s3, s14, $0xb8;
	[tilespmem:$0x1A600] =	vst v63  }
0x2e: {  	_ =	swait.ge [sflag:s16], $0x6400  }
.Ltmp0:
0x2f: {  	[sflag:s16] =	ssyncset.done $0x0;
	(pc) =	sbr.rel @p0 .LBB2_2-.Ltmp0, $4  }
0x30: {  	[sflag:s16] =	ssyncadd.s32 $0xFFFF9C00  }
0x31: {  	[spmem:s2] =	stream.indirect.scatter.add.f32 [tilespmem:s15], [sflag:$0x2], $0x80, s13, s14, $0xb8;
	[tilespmem:$0x1A600] =	vst v63  }
0x32: {  	_ =	swait.ge [sflag:s12], $0x6400  }
0x33: {  	s19 =	smov.u32 s22;
	[sflag:s12] =	ssyncset.done $0x0  }
0x34: {  	s19 =	sadd.s32 s18, s10;
	[sflag:s12] =	ssyncadd.s32 $0xFFFF9C00  }
0x35: {  	[tilespmem:s13], [sflag:$0x2] =	stream.linear.gather [hbm4b:s19+s3], $0xC8, $0x38;
	[tilespmem:$0x1A600] =	vst v63  }
0x36: {  	_ =	swait.ge [sflag:s12], $0xC8  }
0x37: {  	[sflag:s12] =	ssyncset.done $0x0  }
0x38: {  	s31 =	sadd.s32 s18, s9;
	[sflag:s12] =	ssyncadd.s32 $0xFFFFFF38  }
0x39: {  	[tilespmem:s3], [sflag:$0x2] =	stream.linear.gather [hbm4b:s31+s3], $0xC8, $0x38;
	[tilespmem:$0x1A600] =	vst v63  }
0x3a: {  	_ =	swait.ge [sflag:s12], $0xC8  }
0x3b: {  	[sflag:s12] =	ssyncset.done $0x0  }
0x3c: {  	[sflag:s12] =	ssyncadd.s32 $0xFFFFFF38  }
0x3d: {  	[tilespmem:s15], [sflag:$0x1] =	stream.indirect.gather [hbm4b:s4+s14], $0x80, s3, s14, $0xb8;
	[tilespmem:$0x1A600] =	vst v63  }
0x3e: {  	_ =	swait.ge [sflag:s16], $0x6400  }
0x3f: {  	[sflag:s16] =	ssyncset.done $0x0  }
0x40: {  	[sflag:s16] =	ssyncadd.s32 $0xFFFF9C00  }
0x41: {  	[spmem:s2] =	stream.indirect.scatter.add.f32 [tilespmem:s15], [sflag:$0x2], $0x80, s13, s14, $0xb8;
	[tilespmem:$0x1A600] =	vst v63  }
0x42: {  	_ =	swait.ge [sflag:s12], $0x6400  }
0x43: {  	s17 =	sadd.s32 $0x1, s17;
	[sflag:s12] =	ssyncset.done $0x0  }
0x44: {  	p0 =	sne.s32 s17, s7;
	[sflag:s12] =	ssyncadd.s32 $0xFFFF9C00  }
.Ltmp1:
0x45: {  	[bflag:$0x0] =	sbarrier.arrive $0xFFFF;
	(pc) =	sbr.rel @p0 .LBB2_1-.Ltmp1, $4  }
0x46: {  	[hbm:s8], [sflag:s6] =	dma.local [spmem:s11], $0x2800  }
0x47: {  	_ =	swait.ge [sflag:s12], $0x2800  }
0x48: {  	[sflag:s12] =	ssyncset.done $0x0  }
0x49: {  	[sflag:s12] =	ssyncadd.s32 $0xFFFFD800  }
0x4a: {  	_ =	sfence.sel $0x180000  }
0x4b: {  	[bflag:$0x0] =	sbarrier.arrive $0xFFFF  }
0x4c: {  	p0 =	sne.s32 s0, $0x0;
	_ =	strace $0x9000004A  }
0x4d: {  	s0 =	sadd.s32 @!p0 $0x100000, s1;
	[bflag:$0x2] =	sbarrier.arrive $0xFFFF  }
0x4e: {  	[sflag:s0] =	ssyncadd.tile.s32 @!p0 $0x1;
	_ =	shalt  }
.Lfunc_end2:
_tile_overlayer_lowered:
.L_overlay_start_2:
0x4f: {  	(tag) =	ssettag $0x2  }
0x50: {  	s0 =	rddreg [dreg:$0x0];
	s2 =	stileid.u32  }
0x51: {  	s1 =	rddreg [dreg:$0x1];
	p0 =	sne.s32 s2, $0x0  }
0x52: {  	s3 =	rddreg [dreg:$0x2];
	[bflag:$0x3] =	sbarrier.arrive $0xFFFF;
	s2 =	simm.s32 @!p0 $0x1C02  }
0x53: {  	[timem:s3], [sflag:s2] =	dma.local @!p0 [hbm:s0], s1  }
0x54: {  	s0 =	simm.s32 @!p0 $0x2  }
0x55: {  	_ =	swait.ge @!p0 [sflag:s0], s1  }
0x56: {  	s1 =	ssub.s32 @!p0 $0x0, s1;
	[sflag:s0] =	ssyncset.done @!p0 $0x0  }
0x57: {  	[sflag:s0] =	ssyncadd.s32 @!p0 s1  }
0x58: {  	[bflag:$0x3] =	sbarrier.arrive $0xFFFF  }
0x59: {  	_ =	shalt  }

// kernel: kernel.26.cloned.1.call-start
scs
__scs_entry_jumppad:
0x0: {  	(pc) =	sbr.rel $0x88, $3  }
0x1: {  	(tag) =	ssettag $0x0;
	lr =	simm.s32 $0x1  }
0x2: {  	[smem:$0x3F87] =	sst lr;
	_ =	strace $0xD0000000  }
0x3: {  	_ = 	snop  }
0x4: {  	_ = 	snop  }
0x5: {  	_ = 	snop  }
0x6: {  	_ = 	snop  }
0x7: {  	_ = 	snop  }
__scs_overlays_trampoline_lowered:
0x8: {  	[smem:$0x3F96] =	sst s0  }
0x9: {  	[smem:$0x3F97] =	sst s1  }
0xa: {  	[smem:$0x3F98] =	sst s2  }
0xb: {  	[smem:$0x3F99] =	sst s3  }
0xc: {  	[smem:$0x3F9A] =	sst s4  }
0xd: {  	[smem:$0x3F9B] =	sst s5  }
0xe: {  	[smem:$0x3F9C] =	sst s6  }
0xf: {  	[smem:$0x3F9D] =	sst s7  }
0x10: {  	[smem:$0x3F9E] =	sst s8  }
0x11: {  	[smem:$0x3F9F] =	sst s9;
	s0 =	simm.s32 @!p0 $0x0  }
0x12: {  	s1 =	sld [smem:$0x3F85];
	s0 =	simm.s32 @p0 $0x1  }
0x13: {  	[smem:$0x3FA0] =	sst s0;
	s0 =	simm.s32 @!p1 $0x0  }
0x14: {  	s2 =	sld [smem:$0x3F84];
	s0 =	simm.s32 @p1 $0x1  }
0x15: {  	[smem:$0x3FA1] =	sst s0;
	s0 =	simm.s32 @!p2 $0x0  }
0x16: {  	s3 =	sld [smem:$0x3FDB];
	s0 =	simm.s32 @p2 $0x1  }
0x17: {  	s4 =	simm.s32 $0x1BF5;
	[smem:$0x3FA3] =	sst s0  }
0x18: {  	s0 =	sld [smem:$0x3F86];
	_ =	swait.ge [sflag:s4], $0x0  }
0x19: {  	s7 =	sld [smem:$0x3F87]  }
0x1a: {  	s8 =	sadd.s32 $0xFFFFE003, lr  }
0x1b: {  	s9 =	sadd.s32 $0xFFFFFEF7, lr;
	s5 =	simm.s32 $0xFFFFFFFF;
	p2 =	slt.u32 s8, $0xFFFFF086  }
0x1c: {  	p1 =	slt.u32 s9, $0xF7A;
	s5 =	simm.s32 @!p2 $0x0  }
0x1d: {  	s5 =	simm.s32 @p1 $0x1;
	p0 =	seq.s32 s7, s2  }
0x1e: {  	s7 =	smul.u32 @!p0 $0xF7A, s2;
	p2 =	seq.s32 @!p0 s5, $0x0  }
0x1f: {  	s9 =	smul.u32 $0xF7A, s1;
	s8 =	simm.s32 @!p0 $0x1BF5;
	p2 =	por !p2, p0  }
0x20: {  	[sflag:s8] =	ssyncset.s32 @!p0 $0xFFFFF086;
	s6 =	sadd.s32 @!p0 s3, s7;
	s7 =	simm.s32 @!p0 $0x108  }
0x21: {  	s3 =	sadd.s32 s3, s9;
	s6 =	sadd.s32 @!p0 $0x88, s6;
	s7 =	simm.s32 @p2 $0x1082  }
0x22: {  	[simem:s7], [sflag:s8] =	dma.local @!p0 [hbm:s6], $0xF7A  }
0x23: {  	s9 =	sor.u32 $0xD0000000, s2;
	s6 =	simm.s32 $0x108;
	_ =	swait.ge @!p0 [sflag:s8], $0x0  }
0x24: {  	s3 =	sadd.s32 $0x88, s3;
	s6 =	simm.s32 @!p1 $0x1082;
	[sflag:s4] =	ssyncset.s32 $0xFFFFF086  }
0x25: {  	[simem:s6], [sflag:s4] =	dma.local [hbm:s3], $0xF7A  }
0x26: {  	[smem:$0x3F87] =	sst s1;
	(tag) =	ssettag s2;
	_ =	strace s9  }
0x27: {  	s1 =	sld [smem:$0x3F97]  }
0x28: {  	s2 =	sld [smem:$0x3F98]  }
0x29: {  	s4 =	sld [smem:$0x3F9A]  }
0x2a: {  	p0 =	seq.s32 s5, $0x0;
	s5 =	sld [smem:$0x3F9B]  }
0x2b: {  	s6 =	sld [smem:$0x3F9C]  }
0x2c: {  	s7 =	sld [smem:$0x3F9D]  }
0x2d: {  	s3 =	simm.s32 $0x108;
	s8 =	sld [smem:$0x3F9E]  }
0x2e: {  	s3 =	simm.s32 @!p0 $0x1082;
	s9 =	sld [smem:$0x3F9F]  }
0x2f: {  	lr =	sadd.s32 s0, s3;
	s0 =	sld [smem:$0x3F96]  }
0x30: {  	s3 =	sld [smem:$0x3F99]  }
0x31: {  	[smem:$0x3FA2] =	sst s10  }
0x32: {  	s10 =	sld [smem:$0x3FA0];
	_ =	sdelay $0x3  }
0x33: {  	p0 =	seq.s32 s10, $0x1;
	s10 =	sld [smem:$0x3FA2];
	_ =	sdelay $0x3  }
0x34: {  	[smem:$0x3FA2] =	sst s10  }
0x35: {  	s10 =	sld [smem:$0x3FA1];
	_ =	sdelay $0x3  }
0x36: {  	p1 =	seq.s32 s10, $0x1;
	s10 =	sld [smem:$0x3FA2];
	_ =	sdelay $0x3  }
0x37: {  	[smem:$0x3FA2] =	sst s10  }
0x38: {  	s10 =	sld [smem:$0x3FA3]  }
0x39: {  	_ = 	snop;
	(pc) =	sbr.ind lr, $3  }
0x3a: {  	_ = 	snop  }
0x3b: {  	_ = 	snop  }
0x3c: {  	p2 =	seq.s32 s10, $0x1;
	s10 =	sld [smem:$0x3FA2]  }
0x3d: {  	_ =	shalt  }
0x3e: {  	_ =	shalt  }
0x3f: {  	_ =	shalt  }
0x40: {  	_ =	shalt  }
0x41: {  	_ =	shalt  }
0x42: {  	_ =	shalt  }
0x43: {  	_ =	shalt  }
0x44: {  	_ =	shalt  }
0x45: {  	_ =	shalt  }
0x46: {  	_ =	shalt  }
0x47: {  	_ =	shalt  }
0x48: {  	_ =	shalt  }
0x49: {  	_ =	shalt  }
0x4a: {  	_ =	shalt  }
0x4b: {  	_ =	shalt  }
0x4c: {  	_ =	shalt  }
0x4d: {  	_ =	shalt  }
0x4e: {  	_ =	shalt  }
0x4f: {  	_ =	shalt  }
0x50: {  	_ =	shalt  }
0x51: {  	_ =	shalt  }
0x52: {  	_ =	shalt  }
0x53: {  	_ =	shalt  }
0x54: {  	_ =	shalt  }
0x55: {  	_ =	shalt  }
0x56: {  	_ =	shalt  }
0x57: {  	_ =	shalt  }
0x58: {  	_ =	shalt  }
0x59: {  	_ =	shalt  }
0x5a: {  	_ =	shalt  }
0x5b: {  	_ =	shalt  }
0x5c: {  	_ =	shalt  }
0x5d: {  	_ =	shalt  }
0x5e: {  	_ =	shalt  }
0x5f: {  	_ =	shalt  }
0x60: {  	_ =	shalt  }
0x61: {  	_ =	shalt  }
0x62: {  	_ =	shalt  }
0x63: {  	_ =	shalt  }
0x64: {  	_ =	shalt  }
0x65: {  	_ =	shalt  }
0x66: {  	_ =	shalt  }
0x67: {  	_ =	shalt  }
0x68: {  	_ =	shalt  }
0x69: {  	_ =	shalt  }
0x6a: {  	_ =	shalt  }
0x6b: {  	_ =	shalt  }
0x6c: {  	_ =	shalt  }
0x6d: {  	_ =	shalt  }
0x6e: {  	_ =	shalt  }
0x6f: {  	_ =	shalt  }
0x70: {  	_ =	shalt  }
0x71: {  	_ =	shalt  }
0x72: {  	_ =	shalt  }
0x73: {  	_ =	shalt  }
0x74: {  	_ =	shalt  }
0x75: {  	_ =	shalt  }
0x76: {  	_ =	shalt  }
0x77: {  	_ =	shalt  }
0x78: {  	_ =	shalt  }
0x79: {  	_ =	shalt  }
0x7a: {  	_ =	shalt  }
0x7b: {  	_ =	shalt  }
0x7c: {  	_ =	shalt  }
0x7d: {  	_ =	shalt  }
0x7e: {  	_ =	shalt  }
0x7f: {  	_ =	shalt  }
0x80: {  	_ =	shalt  }
0x81: {  	_ =	shalt  }
0x82: {  	_ =	shalt  }
0x83: {  	_ =	shalt  }
0x84: {  	_ =	shalt  }
0x85: {  	_ =	shalt  }
0x86: {  	_ =	shalt  }
0x87: {  	_ =	shalt  }
.Lfunc_end0:
.L_simem_size_0:
called_computation.2_lowered:
.L_overlay_start_0:
0x88: {  	s2 =	sld [smem:$0x3FD9]  }
0x89: {  	s3 =	sld [smem:$0x3FFE];
	_ =	sdelay $0x1  }
0x8a: {  	s1 =	srdreg.scid  }
0x8b: {  	s0 =	sand.u32 $0x1, s1  }
0x8c: {  	s16 =	sshll.u32 s0, $0xA;
	s2 =	sadd.s32 s3, s2  }
0x8d: {  	s2 =	sadd.s32 s2, s16  }
0x8e: {  	[smem:$0x3FAE] =	sst s2  }
0x8f: {  	_ = 	snop  }
0x90: {  	(tm) =	ssettm $0x1  }
0x91: {  	s17 =	sld [smem:$0x3FFB];
	_ =	sdelay $0x3  }
0x92: {  	_ =	strace s17  }
0x93: {  	s2 =	sld [smem:$0x3FFC];
	_ =	sdelay $0x3  }
0x94: {  	_ =	strace s2  }
0x95: {  	s2 =	sld [smem:$0x3FFD];
	_ =	sdelay $0x3  }
0x96: {  	_ =	strace s2  }
0x97: {  	_ =	strace $0x8FFFFFFF  }
0x98: {  	s18 =	sld [smem:$0x3FDB];
	_ =	sdelay $0x1  }
0x99: {  	s19 =	simm.s32 $_scs_section_size  }
0x9a: {  	s4 =	simm.s32 $_size__tile_overlayer_lowered;
	s5 =	simm.s32 $_tile_overlayer_lowered  }
0x9b: {  	s22 =	simm.s32 $0x1BFF;
	s21 =	sshll.u32 s5, $0x1;
	s2 =	sadd.s32 s19, s18  }
0x9c: {  	s6 =	simm.s32 $0x0;
	s20 =	sshll.u32 s4, $0x1;
	s4 =	sadd.s32 s21, s2  }
0x9d: {  	[timem:s6], [sflag:s22] =	dma.local [hbm:s4], s20  }
0x9e: {  	_ =	swait.ge [sflag:s22], s20  }
0x9f: {  	s3 =	ssub.s32 $0x0, s20;
	[sflag:s22] =	ssyncset.done $0x0  }
0xa0: {  	[sflag:s22] =	ssyncadd.s32 s3;
	_ =	sdelay $0x1  }
0xa1: {  	s23 =	simm.s32 $0x1B8B  }
0xa2: {  	_ =	swait.ge [sflag:s23], $0x1  }
0xa3: {  	[sflag:s23] =	ssyncset.done $0x0  }
0xa4: {  	s25 =	simm.s32 $0x1B8E;
	s24 =	sld [smem:$0x3FFE];
	[sflag:s23] =	ssyncadd.s32 $0xFFFFFFFF  }
0xa5: {  	s26 =	simm.s32 $execute0_lowered;
	[smem:$0x3FD2] =	sst s25  }
0xa6: {  	s4 =	sshll.u32 s26, $0x1;
	_ =	strace $0x8000004C;
	[dreg:$0x1] =	wrdreg $0xFFFFFFFF  }
0xa7: {  	s28 =	simm.s32 $_size_execute0_lowered;
	s2 =	sadd.s32 s2, s4;
	[dreg:$0x0] =	wrdreg $0x0  }
0xa8: {  	s4 =	sshll.u32 s28, $0x1;
	[dreg:$0x2] =	wrdreg s2  }
0xa9: {  	[dreg:$0x3] =	wrdreg s4  }
0xaa: {  	[dreg:$0x4] =	wrdreg $0xC0  }
0xab: {  	_ =	task [dreg:s6], $0x5FFFF  }
0xac: {  	[dreg:$0x1] =	wrdreg $0xFFFFFFFF  }
0xad: {  	[dreg:$0x0] =	wrdreg $0x60  }
0xae: {  	[dreg:$0x2] =	wrdreg s24  }
0xaf: {  	[dreg:$0x3] =	wrdreg $0x66000  }
0xb0: {  	[dreg:$0x4] =	wrdreg $0x9  }
0xb1: {  	_ =	task.clear_ibuf [dreg:s6], $0x5FFFF;
	_ =	strace $0x9000004C  }
0xb2: {  	s29 =	simm.s32 $0x9;
	_ =	strace $0x8000004E  }
0xb3: {  	_ =	swait.ge [sflag:s29], $0x1  }
0xb4: {  	[sflag:s29] =	ssyncadd.s32 $0xFFFFFFFF  }
0xb5: {  	_ =	strace $0x9000004E  }
0xb6: {  	_ =	sfence  }
0xb7: {  	s30 =	sld [smem:$0x0];
	_ =	sdelay $0x2  }
0xb8: {  	s31 =	sshll.u32 s1, $0xD;
	s1 =	sshrl.u32 s1, $0x2  }
0xb9: {  	s3 =	sand.u32 $0x4000, s31;
	s1 =	sadd.s32 s1, s30  }
0xba: {  	s0 =	sor.u32 s3, s0;
	s1 =	sshll.u32 s1, $0x11  }
0xbb: {  	s0 =	sor.u32 s1, s0  }
0xbc: {  	s0 =	sadd.s32 $0x8F2B, s0  }
0xbd: {  	[sflag:s0] =	ssyncadd.remote.s32 $0x1  }
0xbe: {  	_ =	sfence.sel $0xFFFF  }
0xbf: {  	[dreg:$0x0] =	wrdreg $0xFFFFFFFF;
	(pc) =	sbr.abs _section_cstart, $3  }
0xc0: {  	[dreg:$0x1] =	wrdreg $0xFFFFFFFF  }
0xc1: {  	_ =	task.clear_ibuf [dreg:s6], $0x2FFFF;
	_ =	strace $0x9FFFFFFF  }
0xc2: {  	(tm) =	ssettm $0x7FFFFFFF  }
0xc3: {  	_ =	shalt  }
tec
execute0_lowered:
.L_overlay_start_1:
0x0: {  	(tag) =	ssettag $0x1  }
0x1: {  	s5 =	rddreg [dreg:$0x0];
	s1 =	srdreg.scid  }
0x2: {  	s0 =	stileid.u32;
	s2 =	rddreg [dreg:$0x1]  }
0x3: {  	s3 =	simm.s32 $0x0;
	s14 =	simm.s32 $0xC8;
	s15 =	simm.s32 $0x200  }
0x4: {  	s16 =	simm.s32 $0x1;
	s17 =	simm.s32 $0x0;
	s4 =	smul.u32 $0x4E20, s0  }
0x5: {  	s6 =	sand.u32 $0x1, s1;
	s1 =	rddreg [dreg:$0x2];
	s26 =	smul.u32 $0x2800, s0  }
0x6: {  	[smem:$0x7FF] =	sst s3;
	s10 =	smul.u32 $0x50000, s0;
	s31 =	sshll.u32 s0, $0x6  }
0x7: {  	s7 =	smul.u32 $0x2710, s6;
	_ =	strace $0x8000004D;
	s9 =	ssub.s32 $0x2, s6  }
0x8: {  	p0 =	seq.s32 s6, $0x1;
	s6 =	sor.u32 $0x1C02, s31;
	s28 =	sshrl.u32 s9, $0x1  }
0x9: {  	s12 =	sadd.s32 s26, s5;
	s30 =	sshrl.u32 s10, $0x2;
	s4 =	sadd.s32 s7, s4  }
0xa: {  	s29 =	ssub.s32 s9, s28;
	s13 =	sadd.s32 s30, s2;
	s8 =	sshrl.u32 s4, $0x3  }
0xb: {  	s4 =	sadd.s32 $0x70E00, s5;
	s11 =	sadd.s32 s8, s5;
	s8 =	simm.s32 $0xE8E00  }
0xc: {  	s7 =	smax.u32 s29, $0x1;
	s5 =	sadd.s32 $0x48000, s12;
	s8 =	simm.s32 @!p0 $0xC0E00  }
0xd: {  	s9 =	sadd.s32 $0x16200, s11;
	s10 =	sadd.s32 $0xC400, s11;
	s11 =	sshrl.u32 s13, $0x3  }
0xe: {  	s13 =	simm.s32 $0x100;
	s8 =	sadd.s32 s8, s12;
	s12 =	simm.s32 $0x2  }
.LBB2_1:
0xf: {  	[spmem:s11], [sflag:s6] =	dma.local [hbm:s5], $0x2800  }
0x10: {  	_ =	swait.ge [sflag:s12], $0x2800  }
0x11: {  	[sflag:s12] =	ssyncset.done $0x0  }
0x12: {  	[sflag:s12] =	ssyncadd.s32 $0xFFFFD800  }
0x13: {  	s18 =	sadd.s32 $0x0, s10;
	[bflag:$0x0] =	sbarrier.arrive $0xFFFF  }
0x14: {  	[tilespmem:s13], [sflag:$0x2] =	stream.linear.gather [hbm4b:s18+s3], $0xC8, $0x38;
	[tilespmem:$0x1A600] =	vst v63  }
0x15: {  	_ =	swait.ge [sflag:s12], $0xC8  }
0x16: {  	[sflag:s12] =	ssyncset.done $0x0  }
0x17: {  	s31 =	sadd.s32 $0x0, s9;
	[sflag:s12] =	ssyncadd.s32 $0xFFFFFF38  }
0x18: {  	[tilespmem:s3], [sflag:$0x2] =	stream.linear.gather [hbm4b:s31+s3], $0xC8, $0x38;
	[tilespmem:$0x1A600] =	vst v63  }
0x19: {  	_ =	swait.ge [sflag:s12], $0xC8  }
0x1a: {  	[sflag:s12] =	ssyncset.done $0x0  }
0x1b: {  	[sflag:s12] =	ssyncadd.s32 $0xFFFFFF38  }
0x1c: {  	[tilespmem:s15], [sflag:$0x1] =	stream.indirect.gather [hbm4b:s4+s14], $0x80, s3, s14, $0xb8;
	[tilespmem:$0x1A600] =	vst v63  }
0x1d: {  	_ =	swait.ge [sflag:s16], $0x6400  }
0x1e: {  	[sflag:s16] =	ssyncset.done $0x0  }
0x1f: {  	[sflag:s16] =	ssyncadd.s32 $0xFFFF9C00  }
0x20: {  	[spmem:s2] =	stream.indirect.scatter.add.f32 [tilespmem:s15], [sflag:$0x2], $0x80, s13, s14, $0xb8;
	[tilespmem:$0x1A600] =	vst v63  }
0x21: {  	_ =	swait.ge [sflag:s12], $0x6400  }
0x22: {  	s19 =	simm.s32 $0x32;
	s18 =	simm.s32 $0x19;
	[sflag:s12] =	ssyncset.done $0x0  }
.LBB2_2:
0x23: {  	s20 =	sadd.s32 s18, s10  }
0x24: {  	[sflag:s12] =	ssyncadd.s32 $0xFFFF9C00;
	s21 =	smov.u32 s19;
	s22 =	sadd.s32 $0x19, s19  }
0x25: {  	[tilespmem:s13], [sflag:$0x2] =	stream.linear.gather [hbm4b:s20+s3], $0xC8, $0x38;
	[tilespmem:$0x1A600] =	vst v63  }
0x26: {  	p0 =	sne.s32 s19, $0x4C9;
	_ =	swait.ge [sflag:s12], $0xC8  }
0x27: {  	[sflag:s12] =	ssyncset.done $0x0  }
0x28: {  	s19 =	sadd.s32 s18, s9;
	s18 =	smov.u32 s21;
	[sflag:s12] =	ssyncadd.s32 $0xFFFFFF38  }
0x29: {  	[tilespmem:s3], [sflag:$0x2] =	stream.linear.gather [hbm4b:s19+s3], $0xC8, $0x38;
	[tilespmem:$0x1A600] =	vst v63  }
0x2a: {  	_ =	swait.ge [sflag:s12], $0xC8  }
0x2b: {  	[sflag:s12] =	ssyncset.done $0x0  }
0x2c: {  	[sflag:s12] =	ssyncadd.s32 $0xFFFFFF38  }
0x2d: {  	[tilespmem:s15], [sflag:$0x1] =	stream.indirect.gather [hbm4b:s4+s14], $0x80, s3, s14, $0xb8;
	[tilespmem:$0x1A600] =	vst v63  }
0x2e: {  	_ =	swait.ge [sflag:s16], $0x6400  }
.Ltmp0:
0x2f: {  	[sflag:s16] =	ssyncset.done $0x0;
	(pc) =	sbr.rel @p0 .LBB2_2-.Ltmp0, $4  }
0x30: {  	[sflag:s16] =	ssyncadd.s32 $0xFFFF9C00  }
0x31: {  	[spmem:s2] =	stream.indirect.scatter.add.f32 [tilespmem:s15], [sflag:$0x2], $0x80, s13, s14, $0xb8;
	[tilespmem:$0x1A600] =	vst v63  }
0x32: {  	_ =	swait.ge [sflag:s12], $0x6400  }
0x33: {  	s19 =	smov.u32 s22;
	[sflag:s12] =	ssyncset.done $0x0  }
0x34: {  	s19 =	sadd.s32 s18, s10;
	[sflag:s12] =	ssyncadd.s32 $0xFFFF9C00  }
0x35: {  	[tilespmem:s13], [sflag:$0x2] =	stream.linear.gather [hbm4b:s19+s3], $0xC8, $0x38;
	[tilespmem:$0x1A600] =	vst v63  }
0x36: {  	_ =	swait.ge [sflag:s12], $0xC8  }
0x37: {  	[sflag:s12] =	ssyncset.done $0x0  }
0x38: {  	s31 =	sadd.s32 s18, s9;
	[sflag:s12] =	ssyncadd.s32 $0xFFFFFF38  }
0x39: {  	[tilespmem:s3], [sflag:$0x2] =	stream.linear.gather [hbm4b:s31+s3], $0xC8, $0x38;
	[tilespmem:$0x1A600] =	vst v63  }
0x3a: {  	_ =	swait.ge [sflag:s12], $0xC8  }
0x3b: {  	[sflag:s12] =	ssyncset.done $0x0  }
0x3c: {  	[sflag:s12] =	ssyncadd.s32 $0xFFFFFF38  }
0x3d: {  	[tilespmem:s15], [sflag:$0x1] =	stream.indirect.gather [hbm4b:s4+s14], $0x80, s3, s14, $0xb8;
	[tilespmem:$0x1A600] =	vst v63  }
0x3e: {  	_ =	swait.ge [sflag:s16], $0x6400  }
0x3f: {  	[sflag:s16] =	ssyncset.done $0x0  }
0x40: {  	[sflag:s16] =	ssyncadd.s32 $0xFFFF9C00  }
0x41: {  	[spmem:s2] =	stream.indirect.scatter.add.f32 [tilespmem:s15], [sflag:$0x2], $0x80, s13, s14, $0xb8;
	[tilespmem:$0x1A600] =	vst v63  }
0x42: {  	_ =	swait.ge [sflag:s12], $0x6400  }
0x43: {  	s17 =	sadd.s32 $0x1, s17;
	[sflag:s12] =	ssyncset.done $0x0  }
0x44: {  	p0 =	sne.s32 s17, s7;
	[sflag:s12] =	ssyncadd.s32 $0xFFFF9C00  }
.Ltmp1:
0x45: {  	[bflag:$0x0] =	sbarrier.arrive $0xFFFF;
	(pc) =	sbr.rel @p0 .LBB2_1-.Ltmp1, $4  }
0x46: {  	[hbm:s8], [sflag:s6] =	dma.local [spmem:s11], $0x2800  }
0x47: {  	_ =	swait.ge [sflag:s12], $0x2800  }
0x48: {  	[sflag:s12] =	ssyncset.done $0x0  }
0x49: {  	[sflag:s12] =	ssyncadd.s32 $0xFFFFD800  }
0x4a: {  	_ =	sfence.sel $0x180000  }
0x4b: {  	[bflag:$0x0] =	sbarrier.arrive $0xFFFF  }
0x4c: {  	p0 =	sne.s32 s0, $0x0;
	_ =	strace $0x9000004D  }
0x4d: {  	s0 =	sadd.s32 @!p0 $0x100000, s1;
	[bflag:$0x2] =	sbarrier.arrive $0xFFFF  }
0x4e: {  	[sflag:s0] =	ssyncadd.tile.s32 @!p0 $0x1;
	_ =	shalt  }
.Lfunc_end2:
_tile_overlayer_lowered:
.L_overlay_start_2:
0x4f: {  	(tag) =	ssettag $0x2  }
0x50: {  	s0 =	rddreg [dreg:$0x0];
	s2 =	stileid.u32  }
0x51: {  	s1 =	rddreg [dreg:$0x1];
	p0 =	sne.s32 s2, $0x0  }
0x52: {  	s3 =	rddreg [dreg:$0x2];
	[bflag:$0x3] =	sbarrier.arrive $0xFFFF;
	s2 =	simm.s32 @!p0 $0x1C02  }
0x53: {  	[timem:s3], [sflag:s2] =	dma.local @!p0 [hbm:s0], s1  }
0x54: {  	s0 =	simm.s32 @!p0 $0x2  }
0x55: {  	_ =	swait.ge @!p0 [sflag:s0], s1  }
0x56: {  	s1 =	ssub.s32 @!p0 $0x0, s1;
	[sflag:s0] =	ssyncset.done @!p0 $0x0  }
0x57: {  	[sflag:s0] =	ssyncadd.s32 @!p0 s1  }
0x58: {  	[bflag:$0x3] =	sbarrier.arrive $0xFFFF  }
0x59: {  	_ =	shalt  }

// kernel: kernel.29.cloned.1.call-start
scs
__scs_entry_jumppad:
0x0: {  	(pc) =	sbr.rel $0x88, $3  }
0x1: {  	(tag) =	ssettag $0x0;
	lr =	simm.s32 $0x1  }
0x2: {  	[smem:$0x3F87] =	sst lr;
	_ =	strace $0xD0000000  }
0x3: {  	_ = 	snop  }
0x4: {  	_ = 	snop  }
0x5: {  	_ = 	snop  }
0x6: {  	_ = 	snop  }
0x7: {  	_ = 	snop  }
__scs_overlays_trampoline_lowered:
0x8: {  	[smem:$0x3F96] =	sst s0  }
0x9: {  	[smem:$0x3F97] =	sst s1  }
0xa: {  	[smem:$0x3F98] =	sst s2  }
0xb: {  	[smem:$0x3F99] =	sst s3  }
0xc: {  	[smem:$0x3F9A] =	sst s4  }
0xd: {  	[smem:$0x3F9B] =	sst s5  }
0xe: {  	[smem:$0x3F9C] =	sst s6  }
0xf: {  	[smem:$0x3F9D] =	sst s7  }
0x10: {  	[smem:$0x3F9E] =	sst s8  }
0x11: {  	[smem:$0x3F9F] =	sst s9;
	s0 =	simm.s32 @!p0 $0x0  }
0x12: {  	s1 =	sld [smem:$0x3F85];
	s0 =	simm.s32 @p0 $0x1  }
0x13: {  	[smem:$0x3FA0] =	sst s0;
	s0 =	simm.s32 @!p1 $0x0  }
0x14: {  	s2 =	sld [smem:$0x3F84];
	s0 =	simm.s32 @p1 $0x1  }
0x15: {  	[smem:$0x3FA1] =	sst s0;
	s0 =	simm.s32 @!p2 $0x0  }
0x16: {  	s3 =	sld [smem:$0x3FDB];
	s0 =	simm.s32 @p2 $0x1  }
0x17: {  	s4 =	simm.s32 $0x1BF5;
	[smem:$0x3FA3] =	sst s0  }
0x18: {  	s0 =	sld [smem:$0x3F86];
	_ =	swait.ge [sflag:s4], $0x0  }
0x19: {  	s7 =	sld [smem:$0x3F87]  }
0x1a: {  	s8 =	sadd.s32 $0xFFFFE003, lr  }
0x1b: {  	s9 =	sadd.s32 $0xFFFFFEF7, lr;
	s5 =	simm.s32 $0xFFFFFFFF;
	p2 =	slt.u32 s8, $0xFFFFF086  }
0x1c: {  	p1 =	slt.u32 s9, $0xF7A;
	s5 =	simm.s32 @!p2 $0x0  }
0x1d: {  	s5 =	simm.s32 @p1 $0x1;
	p0 =	seq.s32 s7, s2  }
0x1e: {  	s7 =	smul.u32 @!p0 $0xF7A, s2;
	p2 =	seq.s32 @!p0 s5, $0x0  }
0x1f: {  	s9 =	smul.u32 $0xF7A, s1;
	s8 =	simm.s32 @!p0 $0x1BF5;
	p2 =	por !p2, p0  }
0x20: {  	[sflag:s8] =	ssyncset.s32 @!p0 $0xFFFFF086;
	s6 =	sadd.s32 @!p0 s3, s7;
	s7 =	simm.s32 @!p0 $0x108  }
0x21: {  	s3 =	sadd.s32 s3, s9;
	s6 =	sadd.s32 @!p0 $0x88, s6;
	s7 =	simm.s32 @p2 $0x1082  }
0x22: {  	[simem:s7], [sflag:s8] =	dma.local @!p0 [hbm:s6], $0xF7A  }
0x23: {  	s9 =	sor.u32 $0xD0000000, s2;
	s6 =	simm.s32 $0x108;
	_ =	swait.ge @!p0 [sflag:s8], $0x0  }
0x24: {  	s3 =	sadd.s32 $0x88, s3;
	s6 =	simm.s32 @!p1 $0x1082;
	[sflag:s4] =	ssyncset.s32 $0xFFFFF086  }
0x25: {  	[simem:s6], [sflag:s4] =	dma.local [hbm:s3], $0xF7A  }
0x26: {  	[smem:$0x3F87] =	sst s1;
	(tag) =	ssettag s2;
	_ =	strace s9  }
0x27: {  	s1 =	sld [smem:$0x3F97]  }
0x28: {  	s2 =	sld [smem:$0x3F98]  }
0x29: {  	s4 =	sld [smem:$0x3F9A]  }
0x2a: {  	p0 =	seq.s32 s5, $0x0;
	s5 =	sld [smem:$0x3F9B]  }
0x2b: {  	s6 =	sld [smem:$0x3F9C]  }
0x2c: {  	s7 =	sld [smem:$0x3F9D]  }
0x2d: {  	s3 =	simm.s32 $0x108;
	s8 =	sld [smem:$0x3F9E]  }
0x2e: {  	s3 =	simm.s32 @!p0 $0x1082;
	s9 =	sld [smem:$0x3F9F]  }
0x2f: {  	lr =	sadd.s32 s0, s3;
	s0 =	sld [smem:$0x3F96]  }
0x30: {  	s3 =	sld [smem:$0x3F99]  }
0x31: {  	[smem:$0x3FA2] =	sst s10  }
0x32: {  	s10 =	sld [smem:$0x3FA0];
	_ =	sdelay $0x3  }
0x33: {  	p0 =	seq.s32 s10, $0x1;
	s10 =	sld [smem:$0x3FA2];
	_ =	sdelay $0x3  }
0x34: {  	[smem:$0x3FA2] =	sst s10  }
0x35: {  	s10 =	sld [smem:$0x3FA1];
	_ =	sdelay $0x3  }
0x36: {  	p1 =	seq.s32 s10, $0x1;
	s10 =	sld [smem:$0x3FA2];
	_ =	sdelay $0x3  }
0x37: {  	[smem:$0x3FA2] =	sst s10  }
0x38: {  	s10 =	sld [smem:$0x3FA3]  }
0x39: {  	_ = 	snop;
	(pc) =	sbr.ind lr, $3  }
0x3a: {  	_ = 	snop  }
0x3b: {  	_ = 	snop  }
0x3c: {  	p2 =	seq.s32 s10, $0x1;
	s10 =	sld [smem:$0x3FA2]  }
0x3d: {  	_ =	shalt  }
0x3e: {  	_ =	shalt  }
0x3f: {  	_ =	shalt  }
0x40: {  	_ =	shalt  }
0x41: {  	_ =	shalt  }
0x42: {  	_ =	shalt  }
0x43: {  	_ =	shalt  }
0x44: {  	_ =	shalt  }
0x45: {  	_ =	shalt  }
0x46: {  	_ =	shalt  }
0x47: {  	_ =	shalt  }
0x48: {  	_ =	shalt  }
0x49: {  	_ =	shalt  }
0x4a: {  	_ =	shalt  }
0x4b: {  	_ =	shalt  }
0x4c: {  	_ =	shalt  }
0x4d: {  	_ =	shalt  }
0x4e: {  	_ =	shalt  }
0x4f: {  	_ =	shalt  }
0x50: {  	_ =	shalt  }
0x51: {  	_ =	shalt  }
0x52: {  	_ =	shalt  }
0x53: {  	_ =	shalt  }
0x54: {  	_ =	shalt  }
0x55: {  	_ =	shalt  }
0x56: {  	_ =	shalt  }
0x57: {  	_ =	shalt  }
0x58: {  	_ =	shalt  }
0x59: {  	_ =	shalt  }
0x5a: {  	_ =	shalt  }
0x5b: {  	_ =	shalt  }
0x5c: {  	_ =	shalt  }
0x5d: {  	_ =	shalt  }
0x5e: {  	_ =	shalt  }
0x5f: {  	_ =	shalt  }
0x60: {  	_ =	shalt  }
0x61: {  	_ =	shalt  }
0x62: {  	_ =	shalt  }
0x63: {  	_ =	shalt  }
0x64: {  	_ =	shalt  }
0x65: {  	_ =	shalt  }
0x66: {  	_ =	shalt  }
0x67: {  	_ =	shalt  }
0x68: {  	_ =	shalt  }
0x69: {  	_ =	shalt  }
0x6a: {  	_ =	shalt  }
0x6b: {  	_ =	shalt  }
0x6c: {  	_ =	shalt  }
0x6d: {  	_ =	shalt  }
0x6e: {  	_ =	shalt  }
0x6f: {  	_ =	shalt  }
0x70: {  	_ =	shalt  }
0x71: {  	_ =	shalt  }
0x72: {  	_ =	shalt  }
0x73: {  	_ =	shalt  }
0x74: {  	_ =	shalt  }
0x75: {  	_ =	shalt  }
0x76: {  	_ =	shalt  }
0x77: {  	_ =	shalt  }
0x78: {  	_ =	shalt  }
0x79: {  	_ =	shalt  }
0x7a: {  	_ =	shalt  }
0x7b: {  	_ =	shalt  }
0x7c: {  	_ =	shalt  }
0x7d: {  	_ =	shalt  }
0x7e: {  	_ =	shalt  }
0x7f: {  	_ =	shalt  }
0x80: {  	_ =	shalt  }
0x81: {  	_ =	shalt  }
0x82: {  	_ =	shalt  }
0x83: {  	_ =	shalt  }
0x84: {  	_ =	shalt  }
0x85: {  	_ =	shalt  }
0x86: {  	_ =	shalt  }
0x87: {  	_ =	shalt  }
.Lfunc_end0:
.L_simem_size_0:
called_computation.3_lowered:
.L_overlay_start_0:
0x88: {  	s2 =	sld [smem:$0x3FD9]  }
0x89: {  	s3 =	sld [smem:$0x3FFE];
	_ =	sdelay $0x1  }
0x8a: {  	s1 =	srdreg.scid  }
0x8b: {  	s0 =	sand.u32 $0x1, s1  }
0x8c: {  	s16 =	sshll.u32 s0, $0xA;
	s2 =	sadd.s32 s3, s2  }
0x8d: {  	s2 =	sadd.s32 s2, s16  }
0x8e: {  	[smem:$0x3FAE] =	sst s2  }
0x8f: {  	_ = 	snop  }
0x90: {  	(tm) =	ssettm $0x1  }
0x91: {  	s17 =	sld [smem:$0x3FFB];
	_ =	sdelay $0x3  }
0x92: {  	_ =	strace s17  }
0x93: {  	s2 =	sld [smem:$0x3FFC];
	_ =	sdelay $0x3  }
0x94: {  	_ =	strace s2  }
0x95: {  	s2 =	sld [smem:$0x3FFD];
	_ =	sdelay $0x3  }
0x96: {  	_ =	strace s2  }
0x97: {  	_ =	strace $0x8FFFFFFF  }
0x98: {  	s18 =	sld [smem:$0x3FDB];
	_ =	sdelay $0x1  }
0x99: {  	s19 =	simm.s32 $_scs_section_size  }
0x9a: {  	s4 =	simm.s32 $_size__tile_overlayer_lowered;
	s5 =	simm.s32 $_tile_overlayer_lowered  }
0x9b: {  	s22 =	simm.s32 $0x1BFF;
	s21 =	sshll.u32 s5, $0x1;
	s2 =	sadd.s32 s19, s18  }
0x9c: {  	s6 =	simm.s32 $0x0;
	s20 =	sshll.u32 s4, $0x1;
	s4 =	sadd.s32 s21, s2  }
0x9d: {  	[timem:s6], [sflag:s22] =	dma.local [hbm:s4], s20  }
0x9e: {  	_ =	swait.ge [sflag:s22], s20  }
0x9f: {  	s3 =	ssub.s32 $0x0, s20;
	[sflag:s22] =	ssyncset.done $0x0  }
0xa0: {  	[sflag:s22] =	ssyncadd.s32 s3;
	_ =	sdelay $0x1  }
0xa1: {  	s23 =	simm.s32 $0x1B8B  }
0xa2: {  	_ =	swait.ge [sflag:s23], $0x1  }
0xa3: {  	[sflag:s23] =	ssyncset.done $0x0  }
0xa4: {  	s25 =	simm.s32 $0x1B8E;
	s24 =	sld [smem:$0x3FFE];
	[sflag:s23] =	ssyncadd.s32 $0xFFFFFFFF  }
0xa5: {  	s26 =	simm.s32 $execute0_lowered;
	[smem:$0x3FD2] =	sst s25  }
0xa6: {  	s4 =	sshll.u32 s26, $0x1;
	_ =	strace $0x8000004F;
	[dreg:$0x1] =	wrdreg $0xFFFFFFFF  }
0xa7: {  	s28 =	simm.s32 $_size_execute0_lowered;
	s2 =	sadd.s32 s2, s4;
	[dreg:$0x0] =	wrdreg $0x0  }
0xa8: {  	s4 =	sshll.u32 s28, $0x1;
	[dreg:$0x2] =	wrdreg s2  }
0xa9: {  	[dreg:$0x3] =	wrdreg s4  }
0xaa: {  	[dreg:$0x4] =	wrdreg $0xC0  }
0xab: {  	_ =	task [dreg:s6], $0x5FFFF  }
0xac: {  	[dreg:$0x1] =	wrdreg $0xFFFFFFFF  }
0xad: {  	[dreg:$0x0] =	wrdreg $0x60  }
0xae: {  	[dreg:$0x2] =	wrdreg s24  }
0xaf: {  	[dreg:$0x3] =	wrdreg $0x66000  }
0xb0: {  	[dreg:$0x4] =	wrdreg $0x9  }
0xb1: {  	_ =	task.clear_ibuf [dreg:s6], $0x5FFFF;
	_ =	strace $0x9000004F  }
0xb2: {  	s29 =	simm.s32 $0x9;
	_ =	strace $0x80000051  }
0xb3: {  	_ =	swait.ge [sflag:s29], $0x1  }
0xb4: {  	[sflag:s29] =	ssyncadd.s32 $0xFFFFFFFF  }
0xb5: {  	_ =	strace $0x90000051  }
0xb6: {  	_ =	sfence  }
0xb7: {  	s30 =	sld [smem:$0x0];
	_ =	sdelay $0x2  }
0xb8: {  	s31 =	sshll.u32 s1, $0xD;
	s1 =	sshrl.u32 s1, $0x2  }
0xb9: {  	s3 =	sand.u32 $0x4000, s31;
	s1 =	sadd.s32 s1, s30  }
0xba: {  	s0 =	sor.u32 s3, s0;
	s1 =	sshll.u32 s1, $0x11  }
0xbb: {  	s0 =	sor.u32 s1, s0  }
0xbc: {  	s0 =	sadd.s32 $0x8F2B, s0  }
0xbd: {  	[sflag:s0] =	ssyncadd.remote.s32 $0x1  }
0xbe: {  	_ =	sfence.sel $0xFFFF  }
0xbf: {  	[dreg:$0x0] =	wrdreg $0xFFFFFFFF;
	(pc) =	sbr.abs _section_cstart, $3  }
0xc0: {  	[dreg:$0x1] =	wrdreg $0xFFFFFFFF  }
0xc1: {  	_ =	task.clear_ibuf [dreg:s6], $0x2FFFF;
	_ =	strace $0x9FFFFFFF  }
0xc2: {  	(tm) =	ssettm $0x7FFFFFFF  }
0xc3: {  	_ =	shalt  }
tec
execute0_lowered:
.L_overlay_start_1:
0x0: {  	(tag) =	ssettag $0x1  }
0x1: {  	s5 =	rddreg [dreg:$0x0];
	s1 =	srdreg.scid  }
0x2: {  	s0 =	stileid.u32;
	s2 =	rddreg [dreg:$0x1]  }
0x3: {  	s3 =	simm.s32 $0x0;
	s14 =	simm.s32 $0xC8;
	s15 =	simm.s32 $0x200  }
0x4: {  	s16 =	simm.s32 $0x1;
	s17 =	simm.s32 $0x0;
	s4 =	smul.u32 $0x4E20, s0  }
0x5: {  	s6 =	sand.u32 $0x1, s1;
	s1 =	rddreg [dreg:$0x2];
	s26 =	smul.u32 $0x2800, s0  }
0x6: {  	[smem:$0x7FF] =	sst s3;
	s10 =	smul.u32 $0x50000, s0;
	s31 =	sshll.u32 s0, $0x6  }
0x7: {  	s7 =	smul.u32 $0x2710, s6;
	_ =	strace $0x80000050;
	s9 =	ssub.s32 $0x2, s6  }
0x8: {  	p0 =	seq.s32 s6, $0x1;
	s6 =	sor.u32 $0x1C02, s31;
	s28 =	sshrl.u32 s9, $0x1  }
0x9: {  	s12 =	sadd.s32 s26, s5;
	s30 =	sshrl.u32 s10, $0x2;
	s4 =	sadd.s32 s7, s4  }
0xa: {  	s29 =	ssub.s32 s9, s28;
	s13 =	sadd.s32 s30, s2;
	s8 =	sshrl.u32 s4, $0x3  }
0xb: {  	s4 =	sadd.s32 $0x20000, s5;
	s11 =	sadd.s32 s8, s5;
	s8 =	simm.s32 $0xC0E00  }
0xc: {  	s7 =	smax.u32 s29, $0x1;
	s5 =	sadd.s32 $0x48000, s12;
	s8 =	simm.s32 @!p0 $0x70E00  }
0xd: {  	s9 =	sadd.s32 $0x16200, s11;
	s10 =	sadd.s32 $0xC400, s11;
	s11 =	sshrl.u32 s13, $0x3  }
0xe: {  	s13 =	simm.s32 $0x100;
	s8 =	sadd.s32 s8, s12;
	s12 =	simm.s32 $0x2  }
.LBB2_1:
0xf: {  	[spmem:s11], [sflag:s6] =	dma.local [hbm:s5], $0x2800  }
0x10: {  	_ =	swait.ge [sflag:s12], $0x2800  }
0x11: {  	[sflag:s12] =	ssyncset.done $0x0  }
0x12: {  	[sflag:s12] =	ssyncadd.s32 $0xFFFFD800  }
0x13: {  	s18 =	sadd.s32 $0x0, s10;
	[bflag:$0x0] =	sbarrier.arrive $0xFFFF  }
0x14: {  	[tilespmem:s13], [sflag:$0x2] =	stream.linear.gather [hbm4b:s18+s3], $0xC8, $0x38;
	[tilespmem:$0x1A600] =	vst v63  }
0x15: {  	_ =	swait.ge [sflag:s12], $0xC8  }
0x16: {  	[sflag:s12] =	ssyncset.done $0x0  }
0x17: {  	s31 =	sadd.s32 $0x0, s9;
	[sflag:s12] =	ssyncadd.s32 $0xFFFFFF38  }
0x18: {  	[tilespmem:s3], [sflag:$0x2] =	stream.linear.gather [hbm4b:s31+s3], $0xC8, $0x38;
	[tilespmem:$0x1A600] =	vst v63  }
0x19: {  	_ =	swait.ge [sflag:s12], $0xC8  }
0x1a: {  	[sflag:s12] =	ssyncset.done $0x0  }
0x1b: {  	[sflag:s12] =	ssyncadd.s32 $0xFFFFFF38  }
0x1c: {  	[tilespmem:s15], [sflag:$0x1] =	stream.indirect.gather [hbm4b:s4+s14], $0x80, s3, s14, $0xb8;
	[tilespmem:$0x1A600] =	vst v63  }
0x1d: {  	_ =	swait.ge [sflag:s16], $0x6400  }
0x1e: {  	[sflag:s16] =	ssyncset.done $0x0  }
0x1f: {  	[sflag:s16] =	ssyncadd.s32 $0xFFFF9C00  }
0x20: {  	[spmem:s2] =	stream.indirect.scatter.add.f32 [tilespmem:s15], [sflag:$0x2], $0x80, s13, s14, $0xb8;
	[tilespmem:$0x1A600] =	vst v63  }
0x21: {  	_ =	swait.ge [sflag:s12], $0x6400  }
0x22: {  	s19 =	simm.s32 $0x32;
	s18 =	simm.s32 $0x19;
	[sflag:s12] =	ssyncset.done $0x0  }
.LBB2_2:
0x23: {  	s20 =	sadd.s32 s18, s10  }
0x24: {  	[sflag:s12] =	ssyncadd.s32 $0xFFFF9C00;
	s21 =	smov.u32 s19;
	s22 =	sadd.s32 $0x19, s19  }
0x25: {  	[tilespmem:s13], [sflag:$0x2] =	stream.linear.gather [hbm4b:s20+s3], $0xC8, $0x38;
	[tilespmem:$0x1A600] =	vst v63  }
0x26: {  	p0 =	sne.s32 s19, $0x4C9;
	_ =	swait.ge [sflag:s12], $0xC8  }
0x27: {  	[sflag:s12] =	ssyncset.done $0x0  }
0x28: {  	s19 =	sadd.s32 s18, s9;
	s18 =	smov.u32 s21;
	[sflag:s12] =	ssyncadd.s32 $0xFFFFFF38  }
0x29: {  	[tilespmem:s3], [sflag:$0x2] =	stream.linear.gather [hbm4b:s19+s3], $0xC8, $0x38;
	[tilespmem:$0x1A600] =	vst v63  }
0x2a: {  	_ =	swait.ge [sflag:s12], $0xC8  }
0x2b: {  	[sflag:s12] =	ssyncset.done $0x0  }
0x2c: {  	[sflag:s12] =	ssyncadd.s32 $0xFFFFFF38  }
0x2d: {  	[tilespmem:s15], [sflag:$0x1] =	stream.indirect.gather [hbm4b:s4+s14], $0x80, s3, s14, $0xb8;
	[tilespmem:$0x1A600] =	vst v63  }
0x2e: {  	_ =	swait.ge [sflag:s16], $0x6400  }
.Ltmp0:
0x2f: {  	[sflag:s16] =	ssyncset.done $0x0;
	(pc) =	sbr.rel @p0 .LBB2_2-.Ltmp0, $4  }
0x30: {  	[sflag:s16] =	ssyncadd.s32 $0xFFFF9C00  }
0x31: {  	[spmem:s2] =	stream.indirect.scatter.add.f32 [tilespmem:s15], [sflag:$0x2], $0x80, s13, s14, $0xb8;
	[tilespmem:$0x1A600] =	vst v63  }
0x32: {  	_ =	swait.ge [sflag:s12], $0x6400  }
0x33: {  	s19 =	smov.u32 s22;
	[sflag:s12] =	ssyncset.done $0x0  }
0x34: {  	s19 =	sadd.s32 s18, s10;
	[sflag:s12] =	ssyncadd.s32 $0xFFFF9C00  }
0x35: {  	[tilespmem:s13], [sflag:$0x2] =	stream.linear.gather [hbm4b:s19+s3], $0xC8, $0x38;
	[tilespmem:$0x1A600] =	vst v63  }
0x36: {  	_ =	swait.ge [sflag:s12], $0xC8  }
0x37: {  	[sflag:s12] =	ssyncset.done $0x0  }
0x38: {  	s31 =	sadd.s32 s18, s9;
	[sflag:s12] =	ssyncadd.s32 $0xFFFFFF38  }
0x39: {  	[tilespmem:s3], [sflag:$0x2] =	stream.linear.gather [hbm4b:s31+s3], $0xC8, $0x38;
	[tilespmem:$0x1A600] =	vst v63  }
0x3a: {  	_ =	swait.ge [sflag:s12], $0xC8  }
0x3b: {  	[sflag:s12] =	ssyncset.done $0x0  }
0x3c: {  	[sflag:s12] =	ssyncadd.s32 $0xFFFFFF38  }
0x3d: {  	[tilespmem:s15], [sflag:$0x1] =	stream.indirect.gather [hbm4b:s4+s14], $0x80, s3, s14, $0xb8;
	[tilespmem:$0x1A600] =	vst v63  }
0x3e: {  	_ =	swait.ge [sflag:s16], $0x6400  }
0x3f: {  	[sflag:s16] =	ssyncset.done $0x0  }
0x40: {  	[sflag:s16] =	ssyncadd.s32 $0xFFFF9C00  }
0x41: {  	[spmem:s2] =	stream.indirect.scatter.add.f32 [tilespmem:s15], [sflag:$0x2], $0x80, s13, s14, $0xb8;
	[tilespmem:$0x1A600] =	vst v63  }
0x42: {  	_ =	swait.ge [sflag:s12], $0x6400  }
0x43: {  	s17 =	sadd.s32 $0x1, s17;
	[sflag:s12] =	ssyncset.done $0x0  }
0x44: {  	p0 =	sne.s32 s17, s7;
	[sflag:s12] =	ssyncadd.s32 $0xFFFF9C00  }
.Ltmp1:
0x45: {  	[bflag:$0x0] =	sbarrier.arrive $0xFFFF;
	(pc) =	sbr.rel @p0 .LBB2_1-.Ltmp1, $4  }
0x46: {  	[hbm:s8], [sflag:s6] =	dma.local [spmem:s11], $0x2800  }
0x47: {  	_ =	swait.ge [sflag:s12], $0x2800  }
0x48: {  	[sflag:s12] =	ssyncset.done $0x0  }
0x49: {  	[sflag:s12] =	ssyncadd.s32 $0xFFFFD800  }
0x4a: {  	_ =	sfence.sel $0x180000  }
0x4b: {  	[bflag:$0x0] =	sbarrier.arrive $0xFFFF  }
0x4c: {  	p0 =	sne.s32 s0, $0x0;
	_ =	strace $0x90000050  }
0x4d: {  	s0 =	sadd.s32 @!p0 $0x100000, s1;
	[bflag:$0x2] =	sbarrier.arrive $0xFFFF  }
0x4e: {  	[sflag:s0] =	ssyncadd.tile.s32 @!p0 $0x1;
	_ =	shalt  }
.Lfunc_end2:
_tile_overlayer_lowered:
.L_overlay_start_2:
0x4f: {  	(tag) =	ssettag $0x2  }
0x50: {  	s0 =	rddreg [dreg:$0x0];
	s2 =	stileid.u32  }
0x51: {  	s1 =	rddreg [dreg:$0x1];
	p0 =	sne.s32 s2, $0x0  }
0x52: {  	s3 =	rddreg [dreg:$0x2];
	[bflag:$0x3] =	sbarrier.arrive $0xFFFF;
	s2 =	simm.s32 @!p0 $0x1C02  }
0x53: {  	[timem:s3], [sflag:s2] =	dma.local @!p0 [hbm:s0], s1  }
0x54: {  	s0 =	simm.s32 @!p0 $0x2  }
0x55: {  	_ =	swait.ge @!p0 [sflag:s0], s1  }
0x56: {  	s1 =	ssub.s32 @!p0 $0x0, s1;
	[sflag:s0] =	ssyncset.done @!p0 $0x0  }
0x57: {  	[sflag:s0] =	ssyncadd.s32 @!p0 s1  }
0x58: {  	[bflag:$0x3] =	sbarrier.arrive $0xFFFF  }
0x59: {  	_ =	shalt  }

// kernel: kernel.32.cloned.1.call-start
scs
__scs_entry_jumppad:
0x0: {  	(pc) =	sbr.rel $0x88, $3  }
0x1: {  	(tag) =	ssettag $0x0;
	lr =	simm.s32 $0x1  }
0x2: {  	[smem:$0x3F87] =	sst lr;
	_ =	strace $0xD0000000  }
0x3: {  	_ = 	snop  }
0x4: {  	_ = 	snop  }
0x5: {  	_ = 	snop  }
0x6: {  	_ = 	snop  }
0x7: {  	_ = 	snop  }
__scs_overlays_trampoline_lowered:
0x8: {  	[smem:$0x3F96] =	sst s0  }
0x9: {  	[smem:$0x3F97] =	sst s1  }
0xa: {  	[smem:$0x3F98] =	sst s2  }
0xb: {  	[smem:$0x3F99] =	sst s3  }
0xc: {  	[smem:$0x3F9A] =	sst s4  }
0xd: {  	[smem:$0x3F9B] =	sst s5  }
0xe: {  	[smem:$0x3F9C] =	sst s6  }
0xf: {  	[smem:$0x3F9D] =	sst s7  }
0x10: {  	[smem:$0x3F9E] =	sst s8  }
0x11: {  	[smem:$0x3F9F] =	sst s9;
	s0 =	simm.s32 @!p0 $0x0  }
0x12: {  	s1 =	sld [smem:$0x3F85];
	s0 =	simm.s32 @p0 $0x1  }
0x13: {  	[smem:$0x3FA0] =	sst s0;
	s0 =	simm.s32 @!p1 $0x0  }
0x14: {  	s2 =	sld [smem:$0x3F84];
	s0 =	simm.s32 @p1 $0x1  }
0x15: {  	[smem:$0x3FA1] =	sst s0;
	s0 =	simm.s32 @!p2 $0x0  }
0x16: {  	s3 =	sld [smem:$0x3FDB];
	s0 =	simm.s32 @p2 $0x1  }
0x17: {  	s4 =	simm.s32 $0x1BF5;
	[smem:$0x3FA3] =	sst s0  }
0x18: {  	s0 =	sld [smem:$0x3F86];
	_ =	swait.ge [sflag:s4], $0x0  }
0x19: {  	s7 =	sld [smem:$0x3F87]  }
0x1a: {  	s8 =	sadd.s32 $0xFFFFE003, lr  }
0x1b: {  	s9 =	sadd.s32 $0xFFFFFEF7, lr;
	s5 =	simm.s32 $0xFFFFFFFF;
	p2 =	slt.u32 s8, $0xFFFFF086  }
0x1c: {  	p1 =	slt.u32 s9, $0xF7A;
	s5 =	simm.s32 @!p2 $0x0  }
0x1d: {  	s5 =	simm.s32 @p1 $0x1;
	p0 =	seq.s32 s7, s2  }
0x1e: {  	s7 =	smul.u32 @!p0 $0xF7A, s2;
	p2 =	seq.s32 @!p0 s5, $0x0  }
0x1f: {  	s9 =	smul.u32 $0xF7A, s1;
	s8 =	simm.s32 @!p0 $0x1BF5;
	p2 =	por !p2, p0  }
0x20: {  	[sflag:s8] =	ssyncset.s32 @!p0 $0xFFFFF086;
	s6 =	sadd.s32 @!p0 s3, s7;
	s7 =	simm.s32 @!p0 $0x108  }
0x21: {  	s3 =	sadd.s32 s3, s9;
	s6 =	sadd.s32 @!p0 $0x88, s6;
	s7 =	simm.s32 @p2 $0x1082  }
0x22: {  	[simem:s7], [sflag:s8] =	dma.local @!p0 [hbm:s6], $0xF7A  }
0x23: {  	s9 =	sor.u32 $0xD0000000, s2;
	s6 =	simm.s32 $0x108;
	_ =	swait.ge @!p0 [sflag:s8], $0x0  }
0x24: {  	s3 =	sadd.s32 $0x88, s3;
	s6 =	simm.s32 @!p1 $0x1082;
	[sflag:s4] =	ssyncset.s32 $0xFFFFF086  }
0x25: {  	[simem:s6], [sflag:s4] =	dma.local [hbm:s3], $0xF7A  }
0x26: {  	[smem:$0x3F87] =	sst s1;
	(tag) =	ssettag s2;
	_ =	strace s9  }
0x27: {  	s1 =	sld [smem:$0x3F97]  }
0x28: {  	s2 =	sld [smem:$0x3F98]  }
0x29: {  	s4 =	sld [smem:$0x3F9A]  }
0x2a: {  	p0 =	seq.s32 s5, $0x0;
	s5 =	sld [smem:$0x3F9B]  }
0x2b: {  	s6 =	sld [smem:$0x3F9C]  }
0x2c: {  	s7 =	sld [smem:$0x3F9D]  }
0x2d: {  	s3 =	simm.s32 $0x108;
	s8 =	sld [smem:$0x3F9E]  }
0x2e: {  	s3 =	simm.s32 @!p0 $0x1082;
	s9 =	sld [smem:$0x3F9F]  }
0x2f: {  	lr =	sadd.s32 s0, s3;
	s0 =	sld [smem:$0x3F96]  }
0x30: {  	s3 =	sld [smem:$0x3F99]  }
0x31: {  	[smem:$0x3FA2] =	sst s10  }
0x32: {  	s10 =	sld [smem:$0x3FA0];
	_ =	sdelay $0x3  }
0x33: {  	p0 =	seq.s32 s10, $0x1;
	s10 =	sld [smem:$0x3FA2];
	_ =	sdelay $0x3  }
0x34: {  	[smem:$0x3FA2] =	sst s10  }
0x35: {  	s10 =	sld [smem:$0x3FA1];
	_ =	sdelay $0x3  }
0x36: {  	p1 =	seq.s32 s10, $0x1;
	s10 =	sld [smem:$0x3FA2];
	_ =	sdelay $0x3  }
0x37: {  	[smem:$0x3FA2] =	sst s10  }
0x38: {  	s10 =	sld [smem:$0x3FA3]  }
0x39: {  	_ = 	snop;
	(pc) =	sbr.ind lr, $3  }
0x3a: {  	_ = 	snop  }
0x3b: {  	_ = 	snop  }
0x3c: {  	p2 =	seq.s32 s10, $0x1;
	s10 =	sld [smem:$0x3FA2]  }
0x3d: {  	_ =	shalt  }
0x3e: {  	_ =	shalt  }
0x3f: {  	_ =	shalt  }
0x40: {  	_ =	shalt  }
0x41: {  	_ =	shalt  }
0x42: {  	_ =	shalt  }
0x43: {  	_ =	shalt  }
0x44: {  	_ =	shalt  }
0x45: {  	_ =	shalt  }
0x46: {  	_ =	shalt  }
0x47: {  	_ =	shalt  }
0x48: {  	_ =	shalt  }
0x49: {  	_ =	shalt  }
0x4a: {  	_ =	shalt  }
0x4b: {  	_ =	shalt  }
0x4c: {  	_ =	shalt  }
0x4d: {  	_ =	shalt  }
0x4e: {  	_ =	shalt  }
0x4f: {  	_ =	shalt  }
0x50: {  	_ =	shalt  }
0x51: {  	_ =	shalt  }
0x52: {  	_ =	shalt  }
0x53: {  	_ =	shalt  }
0x54: {  	_ =	shalt  }
0x55: {  	_ =	shalt  }
0x56: {  	_ =	shalt  }
0x57: {  	_ =	shalt  }
0x58: {  	_ =	shalt  }
0x59: {  	_ =	shalt  }
0x5a: {  	_ =	shalt  }
0x5b: {  	_ =	shalt  }
0x5c: {  	_ =	shalt  }
0x5d: {  	_ =	shalt  }
0x5e: {  	_ =	shalt  }
0x5f: {  	_ =	shalt  }
0x60: {  	_ =	shalt  }
0x61: {  	_ =	shalt  }
0x62: {  	_ =	shalt  }
0x63: {  	_ =	shalt  }
0x64: {  	_ =	shalt  }
0x65: {  	_ =	shalt  }
0x66: {  	_ =	shalt  }
0x67: {  	_ =	shalt  }
0x68: {  	_ =	shalt  }
0x69: {  	_ =	shalt  }
0x6a: {  	_ =	shalt  }
0x6b: {  	_ =	shalt  }
0x6c: {  	_ =	shalt  }
0x6d: {  	_ =	shalt  }
0x6e: {  	_ =	shalt  }
0x6f: {  	_ =	shalt  }
0x70: {  	_ =	shalt  }
0x71: {  	_ =	shalt  }
0x72: {  	_ =	shalt  }
0x73: {  	_ =	shalt  }
0x74: {  	_ =	shalt  }
0x75: {  	_ =	shalt  }
0x76: {  	_ =	shalt  }
0x77: {  	_ =	shalt  }
0x78: {  	_ =	shalt  }
0x79: {  	_ =	shalt  }
0x7a: {  	_ =	shalt  }
0x7b: {  	_ =	shalt  }
0x7c: {  	_ =	shalt  }
0x7d: {  	_ =	shalt  }
0x7e: {  	_ =	shalt  }
0x7f: {  	_ =	shalt  }
0x80: {  	_ =	shalt  }
0x81: {  	_ =	shalt  }
0x82: {  	_ =	shalt  }
0x83: {  	_ =	shalt  }
0x84: {  	_ =	shalt  }
0x85: {  	_ =	shalt  }
0x86: {  	_ =	shalt  }
0x87: {  	_ =	shalt  }
.Lfunc_end0:
.L_simem_size_0:
called_computation.4_lowered:
.L_overlay_start_0:
0x88: {  	s2 =	sld [smem:$0x3FD9]  }
0x89: {  	s3 =	sld [smem:$0x3FFE];
	_ =	sdelay $0x1  }
0x8a: {  	s1 =	srdreg.scid  }
0x8b: {  	s0 =	sand.u32 $0x1, s1  }
0x8c: {  	s16 =	sshll.u32 s0, $0xA;
	s2 =	sadd.s32 s3, s2  }
0x8d: {  	s2 =	sadd.s32 s2, s16  }
0x8e: {  	[smem:$0x3FAE] =	sst s2  }
0x8f: {  	_ = 	snop  }
0x90: {  	(tm) =	ssettm $0x1  }
0x91: {  	s17 =	sld [smem:$0x3FFB];
	_ =	sdelay $0x3  }
0x92: {  	_ =	strace s17  }
0x93: {  	s2 =	sld [smem:$0x3FFC];
	_ =	sdelay $0x3  }
0x94: {  	_ =	strace s2  }
0x95: {  	s2 =	sld [smem:$0x3FFD];
	_ =	sdelay $0x3  }
0x96: {  	_ =	strace s2  }
0x97: {  	_ =	strace $0x8FFFFFFF  }
0x98: {  	s18 =	sld [smem:$0x3FDB];
	_ =	sdelay $0x1  }
0x99: {  	s19 =	simm.s32 $_scs_section_size  }
0x9a: {  	s4 =	simm.s32 $_size__tile_overlayer_lowered;
	s5 =	simm.s32 $_tile_overlayer_lowered  }
0x9b: {  	s22 =	simm.s32 $0x1BFF;
	s21 =	sshll.u32 s5, $0x1;
	s2 =	sadd.s32 s19, s18  }
0x9c: {  	s6 =	simm.s32 $0x0;
	s20 =	sshll.u32 s4, $0x1;
	s4 =	sadd.s32 s21, s2  }
0x9d: {  	[timem:s6], [sflag:s22] =	dma.local [hbm:s4], s20  }
0x9e: {  	_ =	swait.ge [sflag:s22], s20  }
0x9f: {  	s3 =	ssub.s32 $0x0, s20;
	[sflag:s22] =	ssyncset.done $0x0  }
0xa0: {  	[sflag:s22] =	ssyncadd.s32 s3;
	_ =	sdelay $0x1  }
0xa1: {  	s23 =	simm.s32 $0x1B8B  }
0xa2: {  	_ =	swait.ge [sflag:s23], $0x1  }
0xa3: {  	[sflag:s23] =	ssyncset.done $0x0  }
0xa4: {  	s25 =	simm.s32 $0x1B8E;
	s24 =	sld [smem:$0x3FFE];
	[sflag:s23] =	ssyncadd.s32 $0xFFFFFFFF  }
0xa5: {  	s26 =	simm.s32 $execute0_lowered;
	[smem:$0x3FD2] =	sst s25  }
0xa6: {  	s4 =	sshll.u32 s26, $0x1;
	_ =	strace $0x80000052;
	[dreg:$0x1] =	wrdreg $0xFFFFFFFF  }
0xa7: {  	s28 =	simm.s32 $_size_execute0_lowered;
	s2 =	sadd.s32 s2, s4;
	[dreg:$0x0] =	wrdreg $0x0  }
0xa8: {  	s4 =	sshll.u32 s28, $0x1;
	[dreg:$0x2] =	wrdreg s2  }
0xa9: {  	[dreg:$0x3] =	wrdreg s4  }
0xaa: {  	[dreg:$0x4] =	wrdreg $0xC0  }
0xab: {  	_ =	task [dreg:s6], $0x5FFFF  }
0xac: {  	[dreg:$0x1] =	wrdreg $0xFFFFFFFF  }
0xad: {  	[dreg:$0x0] =	wrdreg $0x60  }
0xae: {  	[dreg:$0x2] =	wrdreg s24  }
0xaf: {  	[dreg:$0x3] =	wrdreg $0x66000  }
0xb0: {  	[dreg:$0x4] =	wrdreg $0x9  }
0xb1: {  	_ =	task.clear_ibuf [dreg:s6], $0x5FFFF;
	_ =	strace $0x90000052  }
0xb2: {  	s29 =	simm.s32 $0x9;
	_ =	strace $0x80000054  }
0xb3: {  	_ =	swait.ge [sflag:s29], $0x1  }
0xb4: {  	[sflag:s29] =	ssyncadd.s32 $0xFFFFFFFF  }
0xb5: {  	_ =	strace $0x90000054  }
0xb6: {  	_ =	sfence  }
0xb7: {  	s30 =	sld [smem:$0x0];
	_ =	sdelay $0x2  }
0xb8: {  	s31 =	sshll.u32 s1, $0xD;
	s1 =	sshrl.u32 s1, $0x2  }
0xb9: {  	s3 =	sand.u32 $0x4000, s31;
	s1 =	sadd.s32 s1, s30  }
0xba: {  	s0 =	sor.u32 s3, s0;
	s1 =	sshll.u32 s1, $0x11  }
0xbb: {  	s0 =	sor.u32 s1, s0  }
0xbc: {  	s0 =	sadd.s32 $0x8F2B, s0  }
0xbd: {  	[sflag:s0] =	ssyncadd.remote.s32 $0x1  }
0xbe: {  	_ =	sfence.sel $0xFFFF  }
0xbf: {  	[dreg:$0x0] =	wrdreg $0xFFFFFFFF;
	(pc) =	sbr.abs _section_cstart, $3  }
0xc0: {  	[dreg:$0x1] =	wrdreg $0xFFFFFFFF  }
0xc1: {  	_ =	task.clear_ibuf [dreg:s6], $0x2FFFF;
	_ =	strace $0x9FFFFFFF  }
0xc2: {  	(tm) =	ssettm $0x7FFFFFFF  }
0xc3: {  	_ =	shalt  }
tec
execute0_lowered:
.L_overlay_start_1:
0x0: {  	(tag) =	ssettag $0x1  }
0x1: {  	s5 =	rddreg [dreg:$0x0];
	s1 =	srdreg.scid  }
0x2: {  	s0 =	stileid.u32;
	s2 =	rddreg [dreg:$0x1]  }
0x3: {  	s3 =	simm.s32 $0x0;
	s14 =	simm.s32 $0xC8;
	s15 =	simm.s32 $0x200  }
0x4: {  	s16 =	simm.s32 $0x1;
	s17 =	simm.s32 $0x0;
	s4 =	smul.u32 $0x4E20, s0  }
0x5: {  	s6 =	sand.u32 $0x1, s1;
	s1 =	rddreg [dreg:$0x2];
	s26 =	smul.u32 $0x2800, s0  }
0x6: {  	[smem:$0x7FF] =	sst s3;
	s10 =	smul.u32 $0x50000, s0;
	s31 =	sshll.u32 s0, $0x6  }
0x7: {  	s7 =	smul.u32 $0x2710, s6;
	_ =	strace $0x80000053;
	s9 =	ssub.s32 $0x2, s6  }
0x8: {  	p0 =	seq.s32 s6, $0x1;
	s6 =	sor.u32 $0x1C02, s31;
	s28 =	sshrl.u32 s9, $0x1  }
0x9: {  	s12 =	sadd.s32 s26, s5;
	s30 =	sshrl.u32 s10, $0x2;
	s4 =	sadd.s32 s7, s4  }
0xa: {  	s29 =	ssub.s32 s9, s28;
	s13 =	sadd.s32 s30, s2;
	s8 =	sshrl.u32 s4, $0x3  }
0xb: {  	s4 =	sadd.s32 $0x70E00, s5;
	s11 =	sadd.s32 s8, s5;
	s8 =	simm.s32 $0xE8E00  }
0xc: {  	s7 =	smax.u32 s29, $0x1;
	s5 =	sadd.s32 $0x48000, s12;
	s8 =	simm.s32 @!p0 $0xC0E00  }
0xd: {  	s9 =	sadd.s32 $0x16200, s11;
	s10 =	sadd.s32 $0xC400, s11;
	s11 =	sshrl.u32 s13, $0x3  }
0xe: {  	s13 =	simm.s32 $0x100;
	s8 =	sadd.s32 s8, s12;
	s12 =	simm.s32 $0x2  }
.LBB2_1:
0xf: {  	[spmem:s11], [sflag:s6] =	dma.local [hbm:s5], $0x2800  }
0x10: {  	_ =	swait.ge [sflag:s12], $0x2800  }
0x11: {  	[sflag:s12] =	ssyncset.done $0x0  }
0x12: {  	[sflag:s12] =	ssyncadd.s32 $0xFFFFD800  }
0x13: {  	s18 =	sadd.s32 $0x0, s10;
	[bflag:$0x0] =	sbarrier.arrive $0xFFFF  }
0x14: {  	[tilespmem:s13], [sflag:$0x2] =	stream.linear.gather [hbm4b:s18+s3], $0xC8, $0x38;
	[tilespmem:$0x1A600] =	vst v63  }
0x15: {  	_ =	swait.ge [sflag:s12], $0xC8  }
0x16: {  	[sflag:s12] =	ssyncset.done $0x0  }
0x17: {  	s31 =	sadd.s32 $0x0, s9;
	[sflag:s12] =	ssyncadd.s32 $0xFFFFFF38  }
0x18: {  	[tilespmem:s3], [sflag:$0x2] =	stream.linear.gather [hbm4b:s31+s3], $0xC8, $0x38;
	[tilespmem:$0x1A600] =	vst v63  }
0x19: {  	_ =	swait.ge [sflag:s12], $0xC8  }
0x1a: {  	[sflag:s12] =	ssyncset.done $0x0  }
0x1b: {  	[sflag:s12] =	ssyncadd.s32 $0xFFFFFF38  }
0x1c: {  	[tilespmem:s15], [sflag:$0x1] =	stream.indirect.gather [hbm4b:s4+s14], $0x80, s3, s14, $0xb8;
	[tilespmem:$0x1A600] =	vst v63  }
0x1d: {  	_ =	swait.ge [sflag:s16], $0x6400  }
0x1e: {  	[sflag:s16] =	ssyncset.done $0x0  }
0x1f: {  	[sflag:s16] =	ssyncadd.s32 $0xFFFF9C00  }
0x20: {  	[spmem:s2] =	stream.indirect.scatter.add.f32 [tilespmem:s15], [sflag:$0x2], $0x80, s13, s14, $0xb8;
	[tilespmem:$0x1A600] =	vst v63  }
0x21: {  	_ =	swait.ge [sflag:s12], $0x6400  }
0x22: {  	s19 =	simm.s32 $0x32;
	s18 =	simm.s32 $0x19;
	[sflag:s12] =	ssyncset.done $0x0  }
.LBB2_2:
0x23: {  	s20 =	sadd.s32 s18, s10  }
0x24: {  	[sflag:s12] =	ssyncadd.s32 $0xFFFF9C00;
	s21 =	smov.u32 s19;
	s22 =	sadd.s32 $0x19, s19  }
0x25: {  	[tilespmem:s13], [sflag:$0x2] =	stream.linear.gather [hbm4b:s20+s3], $0xC8, $0x38;
	[tilespmem:$0x1A600] =	vst v63  }
0x26: {  	p0 =	sne.s32 s19, $0x4C9;
	_ =	swait.ge [sflag:s12], $0xC8  }
0x27: {  	[sflag:s12] =	ssyncset.done $0x0  }
0x28: {  	s19 =	sadd.s32 s18, s9;
	s18 =	smov.u32 s21;
	[sflag:s12] =	ssyncadd.s32 $0xFFFFFF38  }
0x29: {  	[tilespmem:s3], [sflag:$0x2] =	stream.linear.gather [hbm4b:s19+s3], $0xC8, $0x38;
	[tilespmem:$0x1A600] =	vst v63  }
0x2a: {  	_ =	swait.ge [sflag:s12], $0xC8  }
0x2b: {  	[sflag:s12] =	ssyncset.done $0x0  }
0x2c: {  	[sflag:s12] =	ssyncadd.s32 $0xFFFFFF38  }
0x2d: {  	[tilespmem:s15], [sflag:$0x1] =	stream.indirect.gather [hbm4b:s4+s14], $0x80, s3, s14, $0xb8;
	[tilespmem:$0x1A600] =	vst v63  }
0x2e: {  	_ =	swait.ge [sflag:s16], $0x6400  }
.Ltmp0:
0x2f: {  	[sflag:s16] =	ssyncset.done $0x0;
	(pc) =	sbr.rel @p0 .LBB2_2-.Ltmp0, $4  }
0x30: {  	[sflag:s16] =	ssyncadd.s32 $0xFFFF9C00  }
0x31: {  	[spmem:s2] =	stream.indirect.scatter.add.f32 [tilespmem:s15], [sflag:$0x2], $0x80, s13, s14, $0xb8;
	[tilespmem:$0x1A600] =	vst v63  }
0x32: {  	_ =	swait.ge [sflag:s12], $0x6400  }
0x33: {  	s19 =	smov.u32 s22;
	[sflag:s12] =	ssyncset.done $0x0  }
0x34: {  	s19 =	sadd.s32 s18, s10;
	[sflag:s12] =	ssyncadd.s32 $0xFFFF9C00  }
0x35: {  	[tilespmem:s13], [sflag:$0x2] =	stream.linear.gather [hbm4b:s19+s3], $0xC8, $0x38;
	[tilespmem:$0x1A600] =	vst v63  }
0x36: {  	_ =	swait.ge [sflag:s12], $0xC8  }
0x37: {  	[sflag:s12] =	ssyncset.done $0x0  }
0x38: {  	s31 =	sadd.s32 s18, s9;
	[sflag:s12] =	ssyncadd.s32 $0xFFFFFF38  }
0x39: {  	[tilespmem:s3], [sflag:$0x2] =	stream.linear.gather [hbm4b:s31+s3], $0xC8, $0x38;
	[tilespmem:$0x1A600] =	vst v63  }
0x3a: {  	_ =	swait.ge [sflag:s12], $0xC8  }
0x3b: {  	[sflag:s12] =	ssyncset.done $0x0  }
0x3c: {  	[sflag:s12] =	ssyncadd.s32 $0xFFFFFF38  }
0x3d: {  	[tilespmem:s15], [sflag:$0x1] =	stream.indirect.gather [hbm4b:s4+s14], $0x80, s3, s14, $0xb8;
	[tilespmem:$0x1A600] =	vst v63  }
0x3e: {  	_ =	swait.ge [sflag:s16], $0x6400  }
0x3f: {  	[sflag:s16] =	ssyncset.done $0x0  }
0x40: {  	[sflag:s16] =	ssyncadd.s32 $0xFFFF9C00  }
0x41: {  	[spmem:s2] =	stream.indirect.scatter.add.f32 [tilespmem:s15], [sflag:$0x2], $0x80, s13, s14, $0xb8;
	[tilespmem:$0x1A600] =	vst v63  }
0x42: {  	_ =	swait.ge [sflag:s12], $0x6400  }
0x43: {  	s17 =	sadd.s32 $0x1, s17;
	[sflag:s12] =	ssyncset.done $0x0  }
0x44: {  	p0 =	sne.s32 s17, s7;
	[sflag:s12] =	ssyncadd.s32 $0xFFFF9C00  }
.Ltmp1:
0x45: {  	[bflag:$0x0] =	sbarrier.arrive $0xFFFF;
	(pc) =	sbr.rel @p0 .LBB2_1-.Ltmp1, $4  }
0x46: {  	[hbm:s8], [sflag:s6] =	dma.local [spmem:s11], $0x2800  }
0x47: {  	_ =	swait.ge [sflag:s12], $0x2800  }
0x48: {  	[sflag:s12] =	ssyncset.done $0x0  }
0x49: {  	[sflag:s12] =	ssyncadd.s32 $0xFFFFD800  }
0x4a: {  	_ =	sfence.sel $0x180000  }
0x4b: {  	[bflag:$0x0] =	sbarrier.arrive $0xFFFF  }
0x4c: {  	p0 =	sne.s32 s0, $0x0;
	_ =	strace $0x90000053  }
0x4d: {  	s0 =	sadd.s32 @!p0 $0x100000, s1;
	[bflag:$0x2] =	sbarrier.arrive $0xFFFF  }
0x4e: {  	[sflag:s0] =	ssyncadd.tile.s32 @!p0 $0x1;
	_ =	shalt  }
.Lfunc_end2:
_tile_overlayer_lowered:
.L_overlay_start_2:
0x4f: {  	(tag) =	ssettag $0x2  }
0x50: {  	s0 =	rddreg [dreg:$0x0];
	s2 =	stileid.u32  }
0x51: {  	s1 =	rddreg [dreg:$0x1];
	p0 =	sne.s32 s2, $0x0  }
0x52: {  	s3 =	rddreg [dreg:$0x2];
	[bflag:$0x3] =	sbarrier.arrive $0xFFFF;
	s2 =	simm.s32 @!p0 $0x1C02  }
0x53: {  	[timem:s3], [sflag:s2] =	dma.local @!p0 [hbm:s0], s1  }
0x54: {  	s0 =	simm.s32 @!p0 $0x2  }
0x55: {  	_ =	swait.ge @!p0 [sflag:s0], s1  }
0x56: {  	s1 =	ssub.s32 @!p0 $0x0, s1;
	[sflag:s0] =	ssyncset.done @!p0 $0x0  }
0x57: {  	[sflag:s0] =	ssyncadd.s32 @!p0 s1  }
0x58: {  	[bflag:$0x3] =	sbarrier.arrive $0xFFFF  }
0x59: {  	_ =	shalt  }

// kernel: kernel.35.cloned.1.call-start
scs
__scs_entry_jumppad:
0x0: {  	(pc) =	sbr.rel $0x88, $3  }
0x1: {  	(tag) =	ssettag $0x0;
	lr =	simm.s32 $0x1  }
0x2: {  	[smem:$0x3F87] =	sst lr;
	_ =	strace $0xD0000000  }
0x3: {  	_ = 	snop  }
0x4: {  	_ = 	snop  }
0x5: {  	_ = 	snop  }
0x6: {  	_ = 	snop  }
0x7: {  	_ = 	snop  }
__scs_overlays_trampoline_lowered:
0x8: {  	[smem:$0x3F96] =	sst s0  }
0x9: {  	[smem:$0x3F97] =	sst s1  }
0xa: {  	[smem:$0x3F98] =	sst s2  }
0xb: {  	[smem:$0x3F99] =	sst s3  }
0xc: {  	[smem:$0x3F9A] =	sst s4  }
0xd: {  	[smem:$0x3F9B] =	sst s5  }
0xe: {  	[smem:$0x3F9C] =	sst s6  }
0xf: {  	[smem:$0x3F9D] =	sst s7  }
0x10: {  	[smem:$0x3F9E] =	sst s8  }
0x11: {  	[smem:$0x3F9F] =	sst s9;
	s0 =	simm.s32 @!p0 $0x0  }
0x12: {  	s1 =	sld [smem:$0x3F85];
	s0 =	simm.s32 @p0 $0x1  }
0x13: {  	[smem:$0x3FA0] =	sst s0;
	s0 =	simm.s32 @!p1 $0x0  }
0x14: {  	s2 =	sld [smem:$0x3F84];
	s0 =	simm.s32 @p1 $0x1  }
0x15: {  	[smem:$0x3FA1] =	sst s0;
	s0 =	simm.s32 @!p2 $0x0  }
0x16: {  	s3 =	sld [smem:$0x3FDB];
	s0 =	simm.s32 @p2 $0x1  }
0x17: {  	s4 =	simm.s32 $0x1BF5;
	[smem:$0x3FA3] =	sst s0  }
0x18: {  	s0 =	sld [smem:$0x3F86];
	_ =	swait.ge [sflag:s4], $0x0  }
0x19: {  	s7 =	sld [smem:$0x3F87]  }
0x1a: {  	s8 =	sadd.s32 $0xFFFFE003, lr  }
0x1b: {  	s9 =	sadd.s32 $0xFFFFFEF7, lr;
	s5 =	simm.s32 $0xFFFFFFFF;
	p2 =	slt.u32 s8, $0xFFFFF086  }
0x1c: {  	p1 =	slt.u32 s9, $0xF7A;
	s5 =	simm.s32 @!p2 $0x0  }
0x1d: {  	s5 =	simm.s32 @p1 $0x1;
	p0 =	seq.s32 s7, s2  }
0x1e: {  	s7 =	smul.u32 @!p0 $0xF7A, s2;
	p2 =	seq.s32 @!p0 s5, $0x0  }
0x1f: {  	s9 =	smul.u32 $0xF7A, s1;
	s8 =	simm.s32 @!p0 $0x1BF5;
	p2 =	por !p2, p0  }
0x20: {  	[sflag:s8] =	ssyncset.s32 @!p0 $0xFFFFF086;
	s6 =	sadd.s32 @!p0 s3, s7;
	s7 =	simm.s32 @!p0 $0x108  }
0x21: {  	s3 =	sadd.s32 s3, s9;
	s6 =	sadd.s32 @!p0 $0x88, s6;
	s7 =	simm.s32 @p2 $0x1082  }
0x22: {  	[simem:s7], [sflag:s8] =	dma.local @!p0 [hbm:s6], $0xF7A  }
0x23: {  	s9 =	sor.u32 $0xD0000000, s2;
	s6 =	simm.s32 $0x108;
	_ =	swait.ge @!p0 [sflag:s8], $0x0  }
0x24: {  	s3 =	sadd.s32 $0x88, s3;
	s6 =	simm.s32 @!p1 $0x1082;
	[sflag:s4] =	ssyncset.s32 $0xFFFFF086  }
0x25: {  	[simem:s6], [sflag:s4] =	dma.local [hbm:s3], $0xF7A  }
0x26: {  	[smem:$0x3F87] =	sst s1;
	(tag) =	ssettag s2;
	_ =	strace s9  }
0x27: {  	s1 =	sld [smem:$0x3F97]  }
0x28: {  	s2 =	sld [smem:$0x3F98]  }
0x29: {  	s4 =	sld [smem:$0x3F9A]  }
0x2a: {  	p0 =	seq.s32 s5, $0x0;
	s5 =	sld [smem:$0x3F9B]  }
0x2b: {  	s6 =	sld [smem:$0x3F9C]  }
0x2c: {  	s7 =	sld [smem:$0x3F9D]  }
0x2d: {  	s3 =	simm.s32 $0x108;
	s8 =	sld [smem:$0x3F9E]  }
0x2e: {  	s3 =	simm.s32 @!p0 $0x1082;
	s9 =	sld [smem:$0x3F9F]  }
0x2f: {  	lr =	sadd.s32 s0, s3;
	s0 =	sld [smem:$0x3F96]  }
0x30: {  	s3 =	sld [smem:$0x3F99]  }
0x31: {  	[smem:$0x3FA2] =	sst s10  }
0x32: {  	s10 =	sld [smem:$0x3FA0];
	_ =	sdelay $0x3  }
0x33: {  	p0 =	seq.s32 s10, $0x1;
	s10 =	sld [smem:$0x3FA2];
	_ =	sdelay $0x3  }
0x34: {  	[smem:$0x3FA2] =	sst s10  }
0x35: {  	s10 =	sld [smem:$0x3FA1];
	_ =	sdelay $0x3  }
0x36: {  	p1 =	seq.s32 s10, $0x1;
	s10 =	sld [smem:$0x3FA2];
	_ =	sdelay $0x3  }
0x37: {  	[smem:$0x3FA2] =	sst s10  }
0x38: {  	s10 =	sld [smem:$0x3FA3]  }
0x39: {  	_ = 	snop;
	(pc) =	sbr.ind lr, $3  }
0x3a: {  	_ = 	snop  }
0x3b: {  	_ = 	snop  }
0x3c: {  	p2 =	seq.s32 s10, $0x1;
	s10 =	sld [smem:$0x3FA2]  }
0x3d: {  	_ =	shalt  }
0x3e: {  	_ =	shalt  }
0x3f: {  	_ =	shalt  }
0x40: {  	_ =	shalt  }
0x41: {  	_ =	shalt  }
0x42: {  	_ =	shalt  }
0x43: {  	_ =	shalt  }
0x44: {  	_ =	shalt  }
0x45: {  	_ =	shalt  }
0x46: {  	_ =	shalt  }
0x47: {  	_ =	shalt  }
0x48: {  	_ =	shalt  }
0x49: {  	_ =	shalt  }
0x4a: {  	_ =	shalt  }
0x4b: {  	_ =	shalt  }
0x4c: {  	_ =	shalt  }
0x4d: {  	_ =	shalt  }
0x4e: {  	_ =	shalt  }
0x4f: {  	_ =	shalt  }
0x50: {  	_ =	shalt  }
0x51: {  	_ =	shalt  }
0x52: {  	_ =	shalt  }
0x53: {  	_ =	shalt  }
0x54: {  	_ =	shalt  }
0x55: {  	_ =	shalt  }
0x56: {  	_ =	shalt  }
0x57: {  	_ =	shalt  }
0x58: {  	_ =	shalt  }
0x59: {  	_ =	shalt  }
0x5a: {  	_ =	shalt  }
0x5b: {  	_ =	shalt  }
0x5c: {  	_ =	shalt  }
0x5d: {  	_ =	shalt  }
0x5e: {  	_ =	shalt  }
0x5f: {  	_ =	shalt  }
0x60: {  	_ =	shalt  }
0x61: {  	_ =	shalt  }
0x62: {  	_ =	shalt  }
0x63: {  	_ =	shalt  }
0x64: {  	_ =	shalt  }
0x65: {  	_ =	shalt  }
0x66: {  	_ =	shalt  }
0x67: {  	_ =	shalt  }
0x68: {  	_ =	shalt  }
0x69: {  	_ =	shalt  }
0x6a: {  	_ =	shalt  }
0x6b: {  	_ =	shalt  }
0x6c: {  	_ =	shalt  }
0x6d: {  	_ =	shalt  }
0x6e: {  	_ =	shalt  }
0x6f: {  	_ =	shalt  }
0x70: {  	_ =	shalt  }
0x71: {  	_ =	shalt  }
0x72: {  	_ =	shalt  }
0x73: {  	_ =	shalt  }
0x74: {  	_ =	shalt  }
0x75: {  	_ =	shalt  }
0x76: {  	_ =	shalt  }
0x77: {  	_ =	shalt  }
0x78: {  	_ =	shalt  }
0x79: {  	_ =	shalt  }
0x7a: {  	_ =	shalt  }
0x7b: {  	_ =	shalt  }
0x7c: {  	_ =	shalt  }
0x7d: {  	_ =	shalt  }
0x7e: {  	_ =	shalt  }
0x7f: {  	_ =	shalt  }
0x80: {  	_ =	shalt  }
0x81: {  	_ =	shalt  }
0x82: {  	_ =	shalt  }
0x83: {  	_ =	shalt  }
0x84: {  	_ =	shalt  }
0x85: {  	_ =	shalt  }
0x86: {  	_ =	shalt  }
0x87: {  	_ =	shalt  }
.Lfunc_end0:
.L_simem_size_0:
called_computation.5_lowered:
.L_overlay_start_0:
0x88: {  	s2 =	sld [smem:$0x3FD9]  }
0x89: {  	s3 =	sld [smem:$0x3FFE];
	_ =	sdelay $0x1  }
0x8a: {  	s1 =	srdreg.scid  }
0x8b: {  	s0 =	sand.u32 $0x1, s1  }
0x8c: {  	s16 =	sshll.u32 s0, $0xA;
	s2 =	sadd.s32 s3, s2  }
0x8d: {  	s2 =	sadd.s32 s2, s16  }
0x8e: {  	[smem:$0x3FAE] =	sst s2  }
0x8f: {  	_ = 	snop  }
0x90: {  	(tm) =	ssettm $0x1  }
0x91: {  	s17 =	sld [smem:$0x3FFB];
	_ =	sdelay $0x3  }
0x92: {  	_ =	strace s17  }
0x93: {  	s2 =	sld [smem:$0x3FFC];
	_ =	sdelay $0x3  }
0x94: {  	_ =	strace s2  }
0x95: {  	s2 =	sld [smem:$0x3FFD];
	_ =	sdelay $0x3  }
0x96: {  	_ =	strace s2  }
0x97: {  	_ =	strace $0x8FFFFFFF  }
0x98: {  	s18 =	sld [smem:$0x3FDB];
	_ =	sdelay $0x1  }
0x99: {  	s19 =	simm.s32 $_scs_section_size  }
0x9a: {  	s4 =	simm.s32 $_size__tile_overlayer_lowered;
	s5 =	simm.s32 $_tile_overlayer_lowered  }
0x9b: {  	s22 =	simm.s32 $0x1BFF;
	s21 =	sshll.u32 s5, $0x1;
	s2 =	sadd.s32 s19, s18  }
0x9c: {  	s6 =	simm.s32 $0x0;
	s20 =	sshll.u32 s4, $0x1;
	s4 =	sadd.s32 s21, s2  }
0x9d: {  	[timem:s6], [sflag:s22] =	dma.local [hbm:s4], s20  }
0x9e: {  	_ =	swait.ge [sflag:s22], s20  }
0x9f: {  	s3 =	ssub.s32 $0x0, s20;
	[sflag:s22] =	ssyncset.done $0x0  }
0xa0: {  	[sflag:s22] =	ssyncadd.s32 s3;
	_ =	sdelay $0x1  }
0xa1: {  	s23 =	simm.s32 $0x1B8B  }
0xa2: {  	_ =	swait.ge [sflag:s23], $0x1  }
0xa3: {  	[sflag:s23] =	ssyncset.done $0x0  }
0xa4: {  	s25 =	simm.s32 $0x1B8E;
	s24 =	sld [smem:$0x3FFE];
	[sflag:s23] =	ssyncadd.s32 $0xFFFFFFFF  }
0xa5: {  	s26 =	simm.s32 $execute0_lowered;
	[smem:$0x3FD2] =	sst s25  }
0xa6: {  	s4 =	sshll.u32 s26, $0x1;
	_ =	strace $0x80000055;
	[dreg:$0x1] =	wrdreg $0xFFFFFFFF  }
0xa7: {  	s28 =	simm.s32 $_size_execute0_lowered;
	s2 =	sadd.s32 s2, s4;
	[dreg:$0x0] =	wrdreg $0x0  }
0xa8: {  	s4 =	sshll.u32 s28, $0x1;
	[dreg:$0x2] =	wrdreg s2  }
0xa9: {  	[dreg:$0x3] =	wrdreg s4  }
0xaa: {  	[dreg:$0x4] =	wrdreg $0xC0  }
0xab: {  	_ =	task [dreg:s6], $0x5FFFF  }
0xac: {  	[dreg:$0x1] =	wrdreg $0xFFFFFFFF  }
0xad: {  	[dreg:$0x0] =	wrdreg $0x60  }
0xae: {  	[dreg:$0x2] =	wrdreg s24  }
0xaf: {  	[dreg:$0x3] =	wrdreg $0x66000  }
0xb0: {  	[dreg:$0x4] =	wrdreg $0x9  }
0xb1: {  	_ =	task.clear_ibuf [dreg:s6], $0x5FFFF;
	_ =	strace $0x90000055  }
0xb2: {  	s29 =	simm.s32 $0x9;
	_ =	strace $0x80000057  }
0xb3: {  	_ =	swait.ge [sflag:s29], $0x1  }
0xb4: {  	[sflag:s29] =	ssyncadd.s32 $0xFFFFFFFF  }
0xb5: {  	_ =	strace $0x90000057  }
0xb6: {  	_ =	sfence  }
0xb7: {  	s30 =	sld [smem:$0x0];
	_ =	sdelay $0x2  }
0xb8: {  	s31 =	sshll.u32 s1, $0xD;
	s1 =	sshrl.u32 s1, $0x2  }
0xb9: {  	s3 =	sand.u32 $0x4000, s31;
	s1 =	sadd.s32 s1, s30  }
0xba: {  	s0 =	sor.u32 s3, s0;
	s1 =	sshll.u32 s1, $0x11  }
0xbb: {  	s0 =	sor.u32 s1, s0  }
0xbc: {  	s0 =	sadd.s32 $0x8F2B, s0  }
0xbd: {  	[sflag:s0] =	ssyncadd.remote.s32 $0x1  }
0xbe: {  	_ =	sfence.sel $0xFFFF  }
0xbf: {  	[dreg:$0x0] =	wrdreg $0xFFFFFFFF;
	(pc) =	sbr.abs _section_cstart, $3  }
0xc0: {  	[dreg:$0x1] =	wrdreg $0xFFFFFFFF  }
0xc1: {  	_ =	task.clear_ibuf [dreg:s6], $0x2FFFF;
	_ =	strace $0x9FFFFFFF  }
0xc2: {  	(tm) =	ssettm $0x7FFFFFFF  }
0xc3: {  	_ =	shalt  }
tec
execute0_lowered:
.L_overlay_start_1:
0x0: {  	(tag) =	ssettag $0x1  }
0x1: {  	s5 =	rddreg [dreg:$0x0];
	s1 =	srdreg.scid  }
0x2: {  	s0 =	stileid.u32;
	s2 =	rddreg [dreg:$0x1]  }
0x3: {  	s3 =	simm.s32 $0x0;
	s14 =	simm.s32 $0xC8;
	s15 =	simm.s32 $0x200  }
0x4: {  	s16 =	simm.s32 $0x1;
	s17 =	simm.s32 $0x0;
	s4 =	smul.u32 $0x4E20, s0  }
0x5: {  	s6 =	sand.u32 $0x1, s1;
	s1 =	rddreg [dreg:$0x2];
	s26 =	smul.u32 $0x2800, s0  }
0x6: {  	[smem:$0x7FF] =	sst s3;
	s10 =	smul.u32 $0x50000, s0;
	s31 =	sshll.u32 s0, $0x6  }
0x7: {  	s7 =	smul.u32 $0x2710, s6;
	_ =	strace $0x80000056;
	s9 =	ssub.s32 $0x2, s6  }
0x8: {  	p0 =	seq.s32 s6, $0x1;
	s6 =	sor.u32 $0x1C02, s31;
	s28 =	sshrl.u32 s9, $0x1  }
0x9: {  	s12 =	sadd.s32 s26, s5;
	s30 =	sshrl.u32 s10, $0x2;
	s4 =	sadd.s32 s7, s4  }
0xa: {  	s29 =	ssub.s32 s9, s28;
	s13 =	sadd.s32 s30, s2;
	s8 =	sshrl.u32 s4, $0x3  }
0xb: {  	s4 =	sadd.s32 $0x20000, s5;
	s11 =	sadd.s32 s8, s5;
	s8 =	simm.s32 $0xC0E00  }
0xc: {  	s7 =	smax.u32 s29, $0x1;
	s5 =	sadd.s32 $0x48000, s12;
	s8 =	simm.s32 @!p0 $0x70E00  }
0xd: {  	s9 =	sadd.s32 $0x16200, s11;
	s10 =	sadd.s32 $0xC400, s11;
	s11 =	sshrl.u32 s13, $0x3  }
0xe: {  	s13 =	simm.s32 $0x100;
	s8 =	sadd.s32 s8, s12;
	s12 =	simm.s32 $0x2  }
.LBB2_1:
0xf: {  	[spmem:s11], [sflag:s6] =	dma.local [hbm:s5], $0x2800  }
0x10: {  	_ =	swait.ge [sflag:s12], $0x2800  }
0x11: {  	[sflag:s12] =	ssyncset.done $0x0  }
0x12: {  	[sflag:s12] =	ssyncadd.s32 $0xFFFFD800  }
0x13: {  	s18 =	sadd.s32 $0x0, s10;
	[bflag:$0x0] =	sbarrier.arrive $0xFFFF  }
0x14: {  	[tilespmem:s13], [sflag:$0x2] =	stream.linear.gather [hbm4b:s18+s3], $0xC8, $0x38;
	[tilespmem:$0x1A600] =	vst v63  }
0x15: {  	_ =	swait.ge [sflag:s12], $0xC8  }
0x16: {  	[sflag:s12] =	ssyncset.done $0x0  }
0x17: {  	s31 =	sadd.s32 $0x0, s9;
	[sflag:s12] =	ssyncadd.s32 $0xFFFFFF38  }
0x18: {  	[tilespmem:s3], [sflag:$0x2] =	stream.linear.gather [hbm4b:s31+s3], $0xC8, $0x38;
	[tilespmem:$0x1A600] =	vst v63  }
0x19: {  	_ =	swait.ge [sflag:s12], $0xC8  }
0x1a: {  	[sflag:s12] =	ssyncset.done $0x0  }
0x1b: {  	[sflag:s12] =	ssyncadd.s32 $0xFFFFFF38  }
0x1c: {  	[tilespmem:s15], [sflag:$0x1] =	stream.indirect.gather [hbm4b:s4+s14], $0x80, s3, s14, $0xb8;
	[tilespmem:$0x1A600] =	vst v63  }
0x1d: {  	_ =	swait.ge [sflag:s16], $0x6400  }
0x1e: {  	[sflag:s16] =	ssyncset.done $0x0  }
0x1f: {  	[sflag:s16] =	ssyncadd.s32 $0xFFFF9C00  }
0x20: {  	[spmem:s2] =	stream.indirect.scatter.add.f32 [tilespmem:s15], [sflag:$0x2], $0x80, s13, s14, $0xb8;
	[tilespmem:$0x1A600] =	vst v63  }
0x21: {  	_ =	swait.ge [sflag:s12], $0x6400  }
0x22: {  	s19 =	simm.s32 $0x32;
	s18 =	simm.s32 $0x19;
	[sflag:s12] =	ssyncset.done $0x0  }
.LBB2_2:
0x23: {  	s20 =	sadd.s32 s18, s10  }
0x24: {  	[sflag:s12] =	ssyncadd.s32 $0xFFFF9C00;
	s21 =	smov.u32 s19;
	s22 =	sadd.s32 $0x19, s19  }
0x25: {  	[tilespmem:s13], [sflag:$0x2] =	stream.linear.gather [hbm4b:s20+s3], $0xC8, $0x38;
	[tilespmem:$0x1A600] =	vst v63  }
0x26: {  	p0 =	sne.s32 s19, $0x4C9;
	_ =	swait.ge [sflag:s12], $0xC8  }
0x27: {  	[sflag:s12] =	ssyncset.done $0x0  }
0x28: {  	s19 =	sadd.s32 s18, s9;
	s18 =	smov.u32 s21;
	[sflag:s12] =	ssyncadd.s32 $0xFFFFFF38  }
0x29: {  	[tilespmem:s3], [sflag:$0x2] =	stream.linear.gather [hbm4b:s19+s3], $0xC8, $0x38;
	[tilespmem:$0x1A600] =	vst v63  }
0x2a: {  	_ =	swait.ge [sflag:s12], $0xC8  }
0x2b: {  	[sflag:s12] =	ssyncset.done $0x0  }
0x2c: {  	[sflag:s12] =	ssyncadd.s32 $0xFFFFFF38  }
0x2d: {  	[tilespmem:s15], [sflag:$0x1] =	stream.indirect.gather [hbm4b:s4+s14], $0x80, s3, s14, $0xb8;
	[tilespmem:$0x1A600] =	vst v63  }
0x2e: {  	_ =	swait.ge [sflag:s16], $0x6400  }
.Ltmp0:
0x2f: {  	[sflag:s16] =	ssyncset.done $0x0;
	(pc) =	sbr.rel @p0 .LBB2_2-.Ltmp0, $4  }
0x30: {  	[sflag:s16] =	ssyncadd.s32 $0xFFFF9C00  }
0x31: {  	[spmem:s2] =	stream.indirect.scatter.add.f32 [tilespmem:s15], [sflag:$0x2], $0x80, s13, s14, $0xb8;
	[tilespmem:$0x1A600] =	vst v63  }
0x32: {  	_ =	swait.ge [sflag:s12], $0x6400  }
0x33: {  	s19 =	smov.u32 s22;
	[sflag:s12] =	ssyncset.done $0x0  }
0x34: {  	s19 =	sadd.s32 s18, s10;
	[sflag:s12] =	ssyncadd.s32 $0xFFFF9C00  }
0x35: {  	[tilespmem:s13], [sflag:$0x2] =	stream.linear.gather [hbm4b:s19+s3], $0xC8, $0x38;
	[tilespmem:$0x1A600] =	vst v63  }
0x36: {  	_ =	swait.ge [sflag:s12], $0xC8  }
0x37: {  	[sflag:s12] =	ssyncset.done $0x0  }
0x38: {  	s31 =	sadd.s32 s18, s9;
	[sflag:s12] =	ssyncadd.s32 $0xFFFFFF38  }
0x39: {  	[tilespmem:s3], [sflag:$0x2] =	stream.linear.gather [hbm4b:s31+s3], $0xC8, $0x38;
	[tilespmem:$0x1A600] =	vst v63  }
0x3a: {  	_ =	swait.ge [sflag:s12], $0xC8  }
0x3b: {  	[sflag:s12] =	ssyncset.done $0x0  }
0x3c: {  	[sflag:s12] =	ssyncadd.s32 $0xFFFFFF38  }
0x3d: {  	[tilespmem:s15], [sflag:$0x1] =	stream.indirect.gather [hbm4b:s4+s14], $0x80, s3, s14, $0xb8;
	[tilespmem:$0x1A600] =	vst v63  }
0x3e: {  	_ =	swait.ge [sflag:s16], $0x6400  }
0x3f: {  	[sflag:s16] =	ssyncset.done $0x0  }
0x40: {  	[sflag:s16] =	ssyncadd.s32 $0xFFFF9C00  }
0x41: {  	[spmem:s2] =	stream.indirect.scatter.add.f32 [tilespmem:s15], [sflag:$0x2], $0x80, s13, s14, $0xb8;
	[tilespmem:$0x1A600] =	vst v63  }
0x42: {  	_ =	swait.ge [sflag:s12], $0x6400  }
0x43: {  	s17 =	sadd.s32 $0x1, s17;
	[sflag:s12] =	ssyncset.done $0x0  }
0x44: {  	p0 =	sne.s32 s17, s7;
	[sflag:s12] =	ssyncadd.s32 $0xFFFF9C00  }
.Ltmp1:
0x45: {  	[bflag:$0x0] =	sbarrier.arrive $0xFFFF;
	(pc) =	sbr.rel @p0 .LBB2_1-.Ltmp1, $4  }
0x46: {  	[hbm:s8], [sflag:s6] =	dma.local [spmem:s11], $0x2800  }
0x47: {  	_ =	swait.ge [sflag:s12], $0x2800  }
0x48: {  	[sflag:s12] =	ssyncset.done $0x0  }
0x49: {  	[sflag:s12] =	ssyncadd.s32 $0xFFFFD800  }
0x4a: {  	_ =	sfence.sel $0x180000  }
0x4b: {  	[bflag:$0x0] =	sbarrier.arrive $0xFFFF  }
0x4c: {  	p0 =	sne.s32 s0, $0x0;
	_ =	strace $0x90000056  }
0x4d: {  	s0 =	sadd.s32 @!p0 $0x100000, s1;
	[bflag:$0x2] =	sbarrier.arrive $0xFFFF  }
0x4e: {  	[sflag:s0] =	ssyncadd.tile.s32 @!p0 $0x1;
	_ =	shalt  }
.Lfunc_end2:
_tile_overlayer_lowered:
.L_overlay_start_2:
0x4f: {  	(tag) =	ssettag $0x2  }
0x50: {  	s0 =	rddreg [dreg:$0x0];
	s2 =	stileid.u32  }
0x51: {  	s1 =	rddreg [dreg:$0x1];
	p0 =	sne.s32 s2, $0x0  }
0x52: {  	s3 =	rddreg [dreg:$0x2];
	[bflag:$0x3] =	sbarrier.arrive $0xFFFF;
	s2 =	simm.s32 @!p0 $0x1C02  }
0x53: {  	[timem:s3], [sflag:s2] =	dma.local @!p0 [hbm:s0], s1  }
0x54: {  	s0 =	simm.s32 @!p0 $0x2  }
0x55: {  	_ =	swait.ge @!p0 [sflag:s0], s1  }
0x56: {  	s1 =	ssub.s32 @!p0 $0x0, s1;
	[sflag:s0] =	ssyncset.done @!p0 $0x0  }
0x57: {  	[sflag:s0] =	ssyncadd.s32 @!p0 s1  }
0x58: {  	[bflag:$0x3] =	sbarrier.arrive $0xFFFF  }
0x59: {  	_ =	shalt  }

// kernel: kernel.38.cloned.1.call-start
scs
__scs_entry_jumppad:
0x0: {  	(pc) =	sbr.rel $0x88, $3  }
0x1: {  	(tag) =	ssettag $0x0;
	lr =	simm.s32 $0x1  }
0x2: {  	[smem:$0x3F87] =	sst lr;
	_ =	strace $0xD0000000  }
0x3: {  	_ = 	snop  }
0x4: {  	_ = 	snop  }
0x5: {  	_ = 	snop  }
0x6: {  	_ = 	snop  }
0x7: {  	_ = 	snop  }
__scs_overlays_trampoline_lowered:
0x8: {  	[smem:$0x3F96] =	sst s0  }
0x9: {  	[smem:$0x3F97] =	sst s1  }
0xa: {  	[smem:$0x3F98] =	sst s2  }
0xb: {  	[smem:$0x3F99] =	sst s3  }
0xc: {  	[smem:$0x3F9A] =	sst s4  }
0xd: {  	[smem:$0x3F9B] =	sst s5  }
0xe: {  	[smem:$0x3F9C] =	sst s6  }
0xf: {  	[smem:$0x3F9D] =	sst s7  }
0x10: {  	[smem:$0x3F9E] =	sst s8  }
0x11: {  	[smem:$0x3F9F] =	sst s9;
	s0 =	simm.s32 @!p0 $0x0  }
0x12: {  	s1 =	sld [smem:$0x3F85];
	s0 =	simm.s32 @p0 $0x1  }
0x13: {  	[smem:$0x3FA0] =	sst s0;
	s0 =	simm.s32 @!p1 $0x0  }
0x14: {  	s2 =	sld [smem:$0x3F84];
	s0 =	simm.s32 @p1 $0x1  }
0x15: {  	[smem:$0x3FA1] =	sst s0;
	s0 =	simm.s32 @!p2 $0x0  }
0x16: {  	s3 =	sld [smem:$0x3FDB];
	s0 =	simm.s32 @p2 $0x1  }
0x17: {  	s4 =	simm.s32 $0x1BF5;
	[smem:$0x3FA3] =	sst s0  }
0x18: {  	s0 =	sld [smem:$0x3F86];
	_ =	swait.ge [sflag:s4], $0x0  }
0x19: {  	s7 =	sld [smem:$0x3F87]  }
0x1a: {  	s8 =	sadd.s32 $0xFFFFE003, lr  }
0x1b: {  	s9 =	sadd.s32 $0xFFFFFEF7, lr;
	s5 =	simm.s32 $0xFFFFFFFF;
	p2 =	slt.u32 s8, $0xFFFFF086  }
0x1c: {  	p1 =	slt.u32 s9, $0xF7A;
	s5 =	simm.s32 @!p2 $0x0  }
0x1d: {  	s5 =	simm.s32 @p1 $0x1;
	p0 =	seq.s32 s7, s2  }
0x1e: {  	s7 =	smul.u32 @!p0 $0xF7A, s2;
	p2 =	seq.s32 @!p0 s5, $0x0  }
0x1f: {  	s9 =	smul.u32 $0xF7A, s1;
	s8 =	simm.s32 @!p0 $0x1BF5;
	p2 =	por !p2, p0  }
0x20: {  	[sflag:s8] =	ssyncset.s32 @!p0 $0xFFFFF086;
	s6 =	sadd.s32 @!p0 s3, s7;
	s7 =	simm.s32 @!p0 $0x108  }
0x21: {  	s3 =	sadd.s32 s3, s9;
	s6 =	sadd.s32 @!p0 $0x88, s6;
	s7 =	simm.s32 @p2 $0x1082  }
0x22: {  	[simem:s7], [sflag:s8] =	dma.local @!p0 [hbm:s6], $0xF7A  }
0x23: {  	s9 =	sor.u32 $0xD0000000, s2;
	s6 =	simm.s32 $0x108;
	_ =	swait.ge @!p0 [sflag:s8], $0x0  }
0x24: {  	s3 =	sadd.s32 $0x88, s3;
	s6 =	simm.s32 @!p1 $0x1082;
	[sflag:s4] =	ssyncset.s32 $0xFFFFF086  }
0x25: {  	[simem:s6], [sflag:s4] =	dma.local [hbm:s3], $0xF7A  }
0x26: {  	[smem:$0x3F87] =	sst s1;
	(tag) =	ssettag s2;
	_ =	strace s9  }
0x27: {  	s1 =	sld [smem:$0x3F97]  }
0x28: {  	s2 =	sld [smem:$0x3F98]  }
0x29: {  	s4 =	sld [smem:$0x3F9A]  }
0x2a: {  	p0 =	seq.s32 s5, $0x0;
	s5 =	sld [smem:$0x3F9B]  }
0x2b: {  	s6 =	sld [smem:$0x3F9C]  }
0x2c: {  	s7 =	sld [smem:$0x3F9D]  }
0x2d: {  	s3 =	simm.s32 $0x108;
	s8 =	sld [smem:$0x3F9E]  }
0x2e: {  	s3 =	simm.s32 @!p0 $0x1082;
	s9 =	sld [smem:$0x3F9F]  }
0x2f: {  	lr =	sadd.s32 s0, s3;
	s0 =	sld [smem:$0x3F96]  }
0x30: {  	s3 =	sld [smem:$0x3F99]  }
0x31: {  	[smem:$0x3FA2] =	sst s10  }
0x32: {  	s10 =	sld [smem:$0x3FA0];
	_ =	sdelay $0x3  }
0x33: {  	p0 =	seq.s32 s10, $0x1;
	s10 =	sld [smem:$0x3FA2];
	_ =	sdelay $0x3  }
0x34: {  	[smem:$0x3FA2] =	sst s10  }
0x35: {  	s10 =	sld [smem:$0x3FA1];
	_ =	sdelay $0x3  }
0x36: {  	p1 =	seq.s32 s10, $0x1;
	s10 =	sld [smem:$0x3FA2];
	_ =	sdelay $0x3  }
0x37: {  	[smem:$0x3FA2] =	sst s10  }
0x38: {  	s10 =	sld [smem:$0x3FA3]  }
0x39: {  	_ = 	snop;
	(pc) =	sbr.ind lr, $3  }
0x3a: {  	_ = 	snop  }
0x3b: {  	_ = 	snop  }
0x3c: {  	p2 =	seq.s32 s10, $0x1;
	s10 =	sld [smem:$0x3FA2]  }
0x3d: {  	_ =	shalt  }
0x3e: {  	_ =	shalt  }
0x3f: {  	_ =	shalt  }
0x40: {  	_ =	shalt  }
0x41: {  	_ =	shalt  }
0x42: {  	_ =	shalt  }
0x43: {  	_ =	shalt  }
0x44: {  	_ =	shalt  }
0x45: {  	_ =	shalt  }
0x46: {  	_ =	shalt  }
0x47: {  	_ =	shalt  }
0x48: {  	_ =	shalt  }
0x49: {  	_ =	shalt  }
0x4a: {  	_ =	shalt  }
0x4b: {  	_ =	shalt  }
0x4c: {  	_ =	shalt  }
0x4d: {  	_ =	shalt  }
0x4e: {  	_ =	shalt  }
0x4f: {  	_ =	shalt  }
0x50: {  	_ =	shalt  }
0x51: {  	_ =	shalt  }
0x52: {  	_ =	shalt  }
0x53: {  	_ =	shalt  }
0x54: {  	_ =	shalt  }
0x55: {  	_ =	shalt  }
0x56: {  	_ =	shalt  }
0x57: {  	_ =	shalt  }
0x58: {  	_ =	shalt  }
0x59: {  	_ =	shalt  }
0x5a: {  	_ =	shalt  }
0x5b: {  	_ =	shalt  }
0x5c: {  	_ =	shalt  }
0x5d: {  	_ =	shalt  }
0x5e: {  	_ =	shalt  }
0x5f: {  	_ =	shalt  }
0x60: {  	_ =	shalt  }
0x61: {  	_ =	shalt  }
0x62: {  	_ =	shalt  }
0x63: {  	_ =	shalt  }
0x64: {  	_ =	shalt  }
0x65: {  	_ =	shalt  }
0x66: {  	_ =	shalt  }
0x67: {  	_ =	shalt  }
0x68: {  	_ =	shalt  }
0x69: {  	_ =	shalt  }
0x6a: {  	_ =	shalt  }
0x6b: {  	_ =	shalt  }
0x6c: {  	_ =	shalt  }
0x6d: {  	_ =	shalt  }
0x6e: {  	_ =	shalt  }
0x6f: {  	_ =	shalt  }
0x70: {  	_ =	shalt  }
0x71: {  	_ =	shalt  }
0x72: {  	_ =	shalt  }
0x73: {  	_ =	shalt  }
0x74: {  	_ =	shalt  }
0x75: {  	_ =	shalt  }
0x76: {  	_ =	shalt  }
0x77: {  	_ =	shalt  }
0x78: {  	_ =	shalt  }
0x79: {  	_ =	shalt  }
0x7a: {  	_ =	shalt  }
0x7b: {  	_ =	shalt  }
0x7c: {  	_ =	shalt  }
0x7d: {  	_ =	shalt  }
0x7e: {  	_ =	shalt  }
0x7f: {  	_ =	shalt  }
0x80: {  	_ =	shalt  }
0x81: {  	_ =	shalt  }
0x82: {  	_ =	shalt  }
0x83: {  	_ =	shalt  }
0x84: {  	_ =	shalt  }
0x85: {  	_ =	shalt  }
0x86: {  	_ =	shalt  }
0x87: {  	_ =	shalt  }
.Lfunc_end0:
.L_simem_size_0:
called_computation.6_lowered:
.L_overlay_start_0:
0x88: {  	s2 =	sld [smem:$0x3FD9]  }
0x89: {  	s3 =	sld [smem:$0x3FFE];
	_ =	sdelay $0x1  }
0x8a: {  	s1 =	srdreg.scid  }
0x8b: {  	s0 =	sand.u32 $0x1, s1  }
0x8c: {  	s16 =	sshll.u32 s0, $0xA;
	s2 =	sadd.s32 s3, s2  }
0x8d: {  	s2 =	sadd.s32 s2, s16  }
0x8e: {  	[smem:$0x3FAE] =	sst s2  }
0x8f: {  	_ = 	snop  }
0x90: {  	(tm) =	ssettm $0x1  }
0x91: {  	s17 =	sld [smem:$0x3FFB];
	_ =	sdelay $0x3  }
0x92: {  	_ =	strace s17  }
0x93: {  	s2 =	sld [smem:$0x3FFC];
	_ =	sdelay $0x3  }
0x94: {  	_ =	strace s2  }
0x95: {  	s2 =	sld [smem:$0x3FFD];
	_ =	sdelay $0x3  }
0x96: {  	_ =	strace s2  }
0x97: {  	_ =	strace $0x8FFFFFFF  }
0x98: {  	s18 =	sld [smem:$0x3FDB];
	_ =	sdelay $0x1  }
0x99: {  	s19 =	simm.s32 $_scs_section_size  }
0x9a: {  	s4 =	simm.s32 $_size__tile_overlayer_lowered;
	s5 =	simm.s32 $_tile_overlayer_lowered  }
0x9b: {  	s22 =	simm.s32 $0x1BFF;
	s21 =	sshll.u32 s5, $0x1;
	s2 =	sadd.s32 s19, s18  }
0x9c: {  	s6 =	simm.s32 $0x0;
	s20 =	sshll.u32 s4, $0x1;
	s4 =	sadd.s32 s21, s2  }
0x9d: {  	[timem:s6], [sflag:s22] =	dma.local [hbm:s4], s20  }
0x9e: {  	_ =	swait.ge [sflag:s22], s20  }
0x9f: {  	s3 =	ssub.s32 $0x0, s20;
	[sflag:s22] =	ssyncset.done $0x0  }
0xa0: {  	[sflag:s22] =	ssyncadd.s32 s3;
	_ =	sdelay $0x1  }
0xa1: {  	s23 =	simm.s32 $0x1B8B  }
0xa2: {  	_ =	swait.ge [sflag:s23], $0x1  }
0xa3: {  	[sflag:s23] =	ssyncset.done $0x0  }
0xa4: {  	s25 =	simm.s32 $0x1B8E;
	s24 =	sld [smem:$0x3FFE];
	[sflag:s23] =	ssyncadd.s32 $0xFFFFFFFF  }
0xa5: {  	s26 =	simm.s32 $execute0_lowered;
	[smem:$0x3FD2] =	sst s25  }
0xa6: {  	s4 =	sshll.u32 s26, $0x1;
	_ =	strace $0x80000058;
	[dreg:$0x1] =	wrdreg $0xFFFFFFFF  }
0xa7: {  	s28 =	simm.s32 $_size_execute0_lowered;
	s2 =	sadd.s32 s2, s4;
	[dreg:$0x0] =	wrdreg $0x0  }
0xa8: {  	s4 =	sshll.u32 s28, $0x1;
	[dreg:$0x2] =	wrdreg s2  }
0xa9: {  	[dreg:$0x3] =	wrdreg s4  }
0xaa: {  	[dreg:$0x4] =	wrdreg $0xC0  }
0xab: {  	_ =	task [dreg:s6], $0x5FFFF  }
0xac: {  	[dreg:$0x1] =	wrdreg $0xFFFFFFFF  }
0xad: {  	[dreg:$0x0] =	wrdreg $0x60  }
0xae: {  	[dreg:$0x2] =	wrdreg s24  }
0xaf: {  	[dreg:$0x3] =	wrdreg $0x66000  }
0xb0: {  	[dreg:$0x4] =	wrdreg $0x9  }
0xb1: {  	_ =	task.clear_ibuf [dreg:s6], $0x5FFFF;
	_ =	strace $0x90000058  }
0xb2: {  	s29 =	simm.s32 $0x9;
	_ =	strace $0x8000005A  }
0xb3: {  	_ =	swait.ge [sflag:s29], $0x1  }
0xb4: {  	[sflag:s29] =	ssyncadd.s32 $0xFFFFFFFF  }
0xb5: {  	_ =	strace $0x9000005A  }
0xb6: {  	_ =	sfence  }
0xb7: {  	s30 =	sld [smem:$0x0];
	_ =	sdelay $0x2  }
0xb8: {  	s31 =	sshll.u32 s1, $0xD;
	s1 =	sshrl.u32 s1, $0x2  }
0xb9: {  	s3 =	sand.u32 $0x4000, s31;
	s1 =	sadd.s32 s1, s30  }
0xba: {  	s0 =	sor.u32 s3, s0;
	s1 =	sshll.u32 s1, $0x11  }
0xbb: {  	s0 =	sor.u32 s1, s0  }
0xbc: {  	s0 =	sadd.s32 $0x8F2B, s0  }
0xbd: {  	[sflag:s0] =	ssyncadd.remote.s32 $0x1  }
0xbe: {  	_ =	sfence.sel $0xFFFF  }
0xbf: {  	[dreg:$0x0] =	wrdreg $0xFFFFFFFF;
	(pc) =	sbr.abs _section_cstart, $3  }
0xc0: {  	[dreg:$0x1] =	wrdreg $0xFFFFFFFF  }
0xc1: {  	_ =	task.clear_ibuf [dreg:s6], $0x2FFFF;
	_ =	strace $0x9FFFFFFF  }
0xc2: {  	(tm) =	ssettm $0x7FFFFFFF  }
0xc3: {  	_ =	shalt  }
tec
execute0_lowered:
.L_overlay_start_1:
0x0: {  	(tag) =	ssettag $0x1  }
0x1: {  	s5 =	rddreg [dreg:$0x0]  }
0x2: {  	s1 =	rddreg [dreg:$0x1]  }
0x3: {  	s0 =	rddreg [dreg:$0x2];
	s3 =	simm.s32 $0x0  }
0x4: {  	s2 =	stileid.u32;
	s7 =	srdreg.scid;
	s16 =	simm.s32 $0x1  }
0x5: {  	s17 =	simm.s32 $0x0;
	[smem:$0x7FF] =	sst s3;
	s6 =	smul.u32 $0x9C4, s2  }
0x6: {  	s4 =	sadd.s32 $0x70000, s5;
	s8 =	sadd.s32 $0xC0E00, s5;
	s9 =	smul.u32 $0x2800, s2  }
0x7: {  	s7 =	sand.u32 $0x1, s7;
	s11 =	smul.u32 $0x50000, s2;
	s13 =	sadd.s32 $0xE8E00, s5  }
0x8: {  	s15 =	sadd.s32 $0x110E00, s5;
	s31 =	sshll.u32 s2, $0x6;
	_ =	strace $0x80000059  }
0x9: {  	s29 =	ssub.s32 $0x2, s7;
	p0 =	seq.s32 s7, $0x1;
	s10 =	sadd.s32 s6, s5  }
0xa: {  	s12 =	sadd.s32 s9, s5;
	s14 =	sshrl.u32 s29, $0x1;
	s30 =	sshrl.u32 s11, $0x2  }
0xb: {  	s6 =	sor.u32 $0x1C02, s31;
	s13 =	smov.u32 @p0 s15;
	s4 =	smov.u32 @p0 s8  }
0xc: {  	s15 =	simm.s32 $0x200;
	s14 =	ssub.s32 s29, s14;
	s11 =	sadd.s32 s30, s1  }
0xd: {  	s5 =	sadd.s32 $0x48000, s12;
	s8 =	sadd.s32 s13, s9;
	s9 =	sadd.s32 $0xC400, s10  }
0xe: {  	s10 =	sadd.s32 $0x16200, s10;
	s12 =	simm.s32 $0x2;
	s13 =	simm.s32 $0x100  }
0xf: {  	s7 =	smax.u32 s14, $0x1;
	s11 =	sshrl.u32 s11, $0x3;
	s14 =	simm.s32 $0xC8  }
.LBB2_1:
0x10: {  	[spmem:s11], [sflag:s6] =	dma.local [hbm:s5], $0x2800  }
0x11: {  	_ =	swait.ge [sflag:s12], $0x2800  }
0x12: {  	[sflag:s12] =	ssyncset.done $0x0  }
0x13: {  	[sflag:s12] =	ssyncadd.s32 $0xFFFFD800  }
0x14: {  	s18 =	sadd.s32 $0x0, s10;
	[bflag:$0x0] =	sbarrier.arrive $0xFFFF  }
0x15: {  	[tilespmem:s3], [sflag:$0x2] =	stream.linear.gather [hbm4b:s18+s3], $0xC8, $0x38;
	[tilespmem:$0x1A600] =	vst v63  }
0x16: {  	_ =	swait.ge [sflag:s12], $0xC8  }
0x17: {  	[sflag:s12] =	ssyncset.done $0x0  }
0x18: {  	s31 =	sadd.s32 $0x0, s9;
	[sflag:s12] =	ssyncadd.s32 $0xFFFFFF38  }
0x19: {  	[tilespmem:s13], [sflag:$0x2] =	stream.linear.gather [hbm4b:s31+s3], $0xC8, $0x38;
	[tilespmem:$0x1A600] =	vst v63  }
0x1a: {  	_ =	swait.ge [sflag:s12], $0xC8  }
0x1b: {  	[sflag:s12] =	ssyncset.done $0x0  }
0x1c: {  	[sflag:s12] =	ssyncadd.s32 $0xFFFFFF38  }
0x1d: {  	[tilespmem:s15], [sflag:$0x1] =	stream.indirect.gather [hbm4b:s4+s14], $0x80, s3, s14, $0xb8;
	[tilespmem:$0x1A600] =	vst v63  }
0x1e: {  	_ =	swait.ge [sflag:s16], $0x6400  }
0x1f: {  	[sflag:s16] =	ssyncset.done $0x0  }
0x20: {  	[sflag:s16] =	ssyncadd.s32 $0xFFFF9C00  }
0x21: {  	[spmem:s1] =	stream.indirect.scatter.add.f32 [tilespmem:s15], [sflag:$0x2], $0x80, s13, s14, $0xb8;
	[tilespmem:$0x1A600] =	vst v63  }
0x22: {  	_ =	swait.ge [sflag:s12], $0x6400  }
0x23: {  	s19 =	simm.s32 $0x32;
	s18 =	simm.s32 $0x19;
	[sflag:s12] =	ssyncset.done $0x0  }
.LBB2_2:
0x24: {  	s20 =	sadd.s32 s18, s10  }
0x25: {  	[sflag:s12] =	ssyncadd.s32 $0xFFFF9C00;
	s21 =	smov.u32 s19;
	s22 =	sadd.s32 $0x19, s19  }
0x26: {  	[tilespmem:s3], [sflag:$0x2] =	stream.linear.gather [hbm4b:s20+s3], $0xC8, $0x38;
	[tilespmem:$0x1A600] =	vst v63  }
0x27: {  	p0 =	sne.s32 s19, $0x9AB;
	_ =	swait.ge [sflag:s12], $0xC8  }
0x28: {  	[sflag:s12] =	ssyncset.done $0x0  }
0x29: {  	s19 =	sadd.s32 s18, s9;
	s18 =	smov.u32 s21;
	[sflag:s12] =	ssyncadd.s32 $0xFFFFFF38  }
0x2a: {  	[tilespmem:s13], [sflag:$0x2] =	stream.linear.gather [hbm4b:s19+s3], $0xC8, $0x38;
	[tilespmem:$0x1A600] =	vst v63  }
0x2b: {  	_ =	swait.ge [sflag:s12], $0xC8  }
0x2c: {  	[sflag:s12] =	ssyncset.done $0x0  }
0x2d: {  	[sflag:s12] =	ssyncadd.s32 $0xFFFFFF38  }
0x2e: {  	[tilespmem:s15], [sflag:$0x1] =	stream.indirect.gather [hbm4b:s4+s14], $0x80, s3, s14, $0xb8;
	[tilespmem:$0x1A600] =	vst v63  }
0x2f: {  	_ =	swait.ge [sflag:s16], $0x6400  }
.Ltmp0:
0x30: {  	[sflag:s16] =	ssyncset.done $0x0;
	(pc) =	sbr.rel @p0 .LBB2_2-.Ltmp0, $4  }
0x31: {  	[sflag:s16] =	ssyncadd.s32 $0xFFFF9C00  }
0x32: {  	[spmem:s1] =	stream.indirect.scatter.add.f32 [tilespmem:s15], [sflag:$0x2], $0x80, s13, s14, $0xb8;
	[tilespmem:$0x1A600] =	vst v63  }
0x33: {  	_ =	swait.ge [sflag:s12], $0x6400  }
0x34: {  	s19 =	smov.u32 s22;
	[sflag:s12] =	ssyncset.done $0x0  }
0x35: {  	s19 =	sadd.s32 s18, s10;
	[sflag:s12] =	ssyncadd.s32 $0xFFFF9C00  }
0x36: {  	[tilespmem:s3], [sflag:$0x2] =	stream.linear.gather [hbm4b:s19+s3], $0xC8, $0x38;
	[tilespmem:$0x1A600] =	vst v63  }
0x37: {  	_ =	swait.ge [sflag:s12], $0xC8  }
0x38: {  	[sflag:s12] =	ssyncset.done $0x0  }
0x39: {  	s31 =	sadd.s32 s18, s9;
	[sflag:s12] =	ssyncadd.s32 $0xFFFFFF38  }
0x3a: {  	[tilespmem:s13], [sflag:$0x2] =	stream.linear.gather [hbm4b:s31+s3], $0xC8, $0x38;
	[tilespmem:$0x1A600] =	vst v63  }
0x3b: {  	_ =	swait.ge [sflag:s12], $0xC8  }
0x3c: {  	[sflag:s12] =	ssyncset.done $0x0  }
0x3d: {  	[sflag:s12] =	ssyncadd.s32 $0xFFFFFF38  }
0x3e: {  	[tilespmem:s15], [sflag:$0x1] =	stream.indirect.gather [hbm4b:s4+s14], $0x80, s3, s14, $0xb8;
	[tilespmem:$0x1A600] =	vst v63  }
0x3f: {  	_ =	swait.ge [sflag:s16], $0x6400  }
0x40: {  	[sflag:s16] =	ssyncset.done $0x0  }
0x41: {  	[sflag:s16] =	ssyncadd.s32 $0xFFFF9C00  }
0x42: {  	[spmem:s1] =	stream.indirect.scatter.add.f32 [tilespmem:s15], [sflag:$0x2], $0x80, s13, s14, $0xb8;
	[tilespmem:$0x1A600] =	vst v63  }
0x43: {  	_ =	swait.ge [sflag:s12], $0x6400  }
0x44: {  	s17 =	sadd.s32 $0x1, s17;
	[sflag:s12] =	ssyncset.done $0x0  }
0x45: {  	p0 =	sne.s32 s17, s7;
	[sflag:s12] =	ssyncadd.s32 $0xFFFF9C00  }
.Ltmp1:
0x46: {  	[bflag:$0x0] =	sbarrier.arrive $0xFFFF;
	(pc) =	sbr.rel @p0 .LBB2_1-.Ltmp1, $4  }
0x47: {  	[hbm:s8], [sflag:s6] =	dma.local [spmem:s11], $0x2800  }
0x48: {  	_ =	swait.ge [sflag:s12], $0x2800  }
0x49: {  	[sflag:s12] =	ssyncset.done $0x0  }
0x4a: {  	[sflag:s12] =	ssyncadd.s32 $0xFFFFD800  }
0x4b: {  	_ =	sfence.sel $0x180000  }
0x4c: {  	[bflag:$0x0] =	sbarrier.arrive $0xFFFF  }
0x4d: {  	p0 =	sne.s32 s2, $0x0;
	_ =	strace $0x90000059  }
0x4e: {  	s0 =	sadd.s32 @!p0 $0x100000, s0;
	[bflag:$0x2] =	sbarrier.arrive $0xFFFF  }
0x4f: {  	[sflag:s0] =	ssyncadd.tile.s32 @!p0 $0x1;
	_ =	shalt  }
.Lfunc_end2:
_tile_overlayer_lowered:
.L_overlay_start_2:
0x50: {  	(tag) =	ssettag $0x2  }
0x51: {  	s0 =	rddreg [dreg:$0x0];
	s2 =	stileid.u32  }
0x52: {  	s1 =	rddreg [dreg:$0x1];
	p0 =	sne.s32 s2, $0x0  }
0x53: {  	s3 =	rddreg [dreg:$0x2];
	[bflag:$0x3] =	sbarrier.arrive $0xFFFF;
	s2 =	simm.s32 @!p0 $0x1C02  }
0x54: {  	[timem:s3], [sflag:s2] =	dma.local @!p0 [hbm:s0], s1  }
0x55: {  	s0 =	simm.s32 @!p0 $0x2  }
0x56: {  	_ =	swait.ge @!p0 [sflag:s0], s1  }
0x57: {  	s1 =	ssub.s32 @!p0 $0x0, s1;
	[sflag:s0] =	ssyncset.done @!p0 $0x0  }
0x58: {  	[sflag:s0] =	ssyncadd.s32 @!p0 s1  }
0x59: {  	[bflag:$0x3] =	sbarrier.arrive $0xFFFF  }
0x5a: {  	_ =	shalt  }

// kernel: kernel.41.cloned.1.call-start
scs
__scs_entry_jumppad:
0x0: {  	(pc) =	sbr.rel $0x88, $3  }
0x1: {  	(tag) =	ssettag $0x0;
	lr =	simm.s32 $0x1  }
0x2: {  	[smem:$0x3F87] =	sst lr;
	_ =	strace $0xD0000000  }
0x3: {  	_ = 	snop  }
0x4: {  	_ = 	snop  }
0x5: {  	_ = 	snop  }
0x6: {  	_ = 	snop  }
0x7: {  	_ = 	snop  }
__scs_overlays_trampoline_lowered:
0x8: {  	[smem:$0x3F96] =	sst s0  }
0x9: {  	[smem:$0x3F97] =	sst s1  }
0xa: {  	[smem:$0x3F98] =	sst s2  }
0xb: {  	[smem:$0x3F99] =	sst s3  }
0xc: {  	[smem:$0x3F9A] =	sst s4  }
0xd: {  	[smem:$0x3F9B] =	sst s5  }
0xe: {  	[smem:$0x3F9C] =	sst s6  }
0xf: {  	[smem:$0x3F9D] =	sst s7  }
0x10: {  	[smem:$0x3F9E] =	sst s8  }
0x11: {  	[smem:$0x3F9F] =	sst s9;
	s0 =	simm.s32 @!p0 $0x0  }
0x12: {  	s1 =	sld [smem:$0x3F85];
	s0 =	simm.s32 @p0 $0x1  }
0x13: {  	[smem:$0x3FA0] =	sst s0;
	s0 =	simm.s32 @!p1 $0x0  }
0x14: {  	s2 =	sld [smem:$0x3F84];
	s0 =	simm.s32 @p1 $0x1  }
0x15: {  	[smem:$0x3FA1] =	sst s0;
	s0 =	simm.s32 @!p2 $0x0  }
0x16: {  	s3 =	sld [smem:$0x3FDB];
	s0 =	simm.s32 @p2 $0x1  }
0x17: {  	s4 =	simm.s32 $0x1BF5;
	[smem:$0x3FA3] =	sst s0  }
0x18: {  	s0 =	sld [smem:$0x3F86];
	_ =	swait.ge [sflag:s4], $0x0  }
0x19: {  	s7 =	sld [smem:$0x3F87]  }
0x1a: {  	s8 =	sadd.s32 $0xFFFFE003, lr  }
0x1b: {  	s9 =	sadd.s32 $0xFFFFFEF7, lr;
	s5 =	simm.s32 $0xFFFFFFFF;
	p2 =	slt.u32 s8, $0xFFFFF086  }
0x1c: {  	p1 =	slt.u32 s9, $0xF7A;
	s5 =	simm.s32 @!p2 $0x0  }
0x1d: {  	s5 =	simm.s32 @p1 $0x1;
	p0 =	seq.s32 s7, s2  }
0x1e: {  	s7 =	smul.u32 @!p0 $0xF7A, s2;
	p2 =	seq.s32 @!p0 s5, $0x0  }
0x1f: {  	s9 =	smul.u32 $0xF7A, s1;
	s8 =	simm.s32 @!p0 $0x1BF5;
	p2 =	por !p2, p0  }
0x20: {  	[sflag:s8] =	ssyncset.s32 @!p0 $0xFFFFF086;
	s6 =	sadd.s32 @!p0 s3, s7;
	s7 =	simm.s32 @!p0 $0x108  }
0x21: {  	s3 =	sadd.s32 s3, s9;
	s6 =	sadd.s32 @!p0 $0x88, s6;
	s7 =	simm.s32 @p2 $0x1082  }
0x22: {  	[simem:s7], [sflag:s8] =	dma.local @!p0 [hbm:s6], $0xF7A  }
0x23: {  	s9 =	sor.u32 $0xD0000000, s2;
	s6 =	simm.s32 $0x108;
	_ =	swait.ge @!p0 [sflag:s8], $0x0  }
0x24: {  	s3 =	sadd.s32 $0x88, s3;
	s6 =	simm.s32 @!p1 $0x1082;
	[sflag:s4] =	ssyncset.s32 $0xFFFFF086  }
0x25: {  	[simem:s6], [sflag:s4] =	dma.local [hbm:s3], $0xF7A  }
0x26: {  	[smem:$0x3F87] =	sst s1;
	(tag) =	ssettag s2;
	_ =	strace s9  }
0x27: {  	s1 =	sld [smem:$0x3F97]  }
0x28: {  	s2 =	sld [smem:$0x3F98]  }
0x29: {  	s4 =	sld [smem:$0x3F9A]  }
0x2a: {  	p0 =	seq.s32 s5, $0x0;
	s5 =	sld [smem:$0x3F9B]  }
0x2b: {  	s6 =	sld [smem:$0x3F9C]  }
0x2c: {  	s7 =	sld [smem:$0x3F9D]  }
0x2d: {  	s3 =	simm.s32 $0x108;
	s8 =	sld [smem:$0x3F9E]  }
0x2e: {  	s3 =	simm.s32 @!p0 $0x1082;
	s9 =	sld [smem:$0x3F9F]  }
0x2f: {  	lr =	sadd.s32 s0, s3;
	s0 =	sld [smem:$0x3F96]  }
0x30: {  	s3 =	sld [smem:$0x3F99]  }
0x31: {  	[smem:$0x3FA2] =	sst s10  }
0x32: {  	s10 =	sld [smem:$0x3FA0];
	_ =	sdelay $0x3  }
0x33: {  	p0 =	seq.s32 s10, $0x1;
	s10 =	sld [smem:$0x3FA2];
	_ =	sdelay $0x3  }
0x34: {  	[smem:$0x3FA2] =	sst s10  }
0x35: {  	s10 =	sld [smem:$0x3FA1];
	_ =	sdelay $0x3  }
0x36: {  	p1 =	seq.s32 s10, $0x1;
	s10 =	sld [smem:$0x3FA2];
	_ =	sdelay $0x3  }
0x37: {  	[smem:$0x3FA2] =	sst s10  }
0x38: {  	s10 =	sld [smem:$0x3FA3]  }
0x39: {  	_ = 	snop;
	(pc) =	sbr.ind lr, $3  }
0x3a: {  	_ = 	snop  }
0x3b: {  	_ = 	snop  }
0x3c: {  	p2 =	seq.s32 s10, $0x1;
	s10 =	sld [smem:$0x3FA2]  }
0x3d: {  	_ =	shalt  }
0x3e: {  	_ =	shalt  }
0x3f: {  	_ =	shalt  }
0x40: {  	_ =	shalt  }
0x41: {  	_ =	shalt  }
0x42: {  	_ =	shalt  }
0x43: {  	_ =	shalt  }
0x44: {  	_ =	shalt  }
0x45: {  	_ =	shalt  }
0x46: {  	_ =	shalt  }
0x47: {  	_ =	shalt  }
0x48: {  	_ =	shalt  }
0x49: {  	_ =	shalt  }
0x4a: {  	_ =	shalt  }
0x4b: {  	_ =	shalt  }
0x4c: {  	_ =	shalt  }
0x4d: {  	_ =	shalt  }
0x4e: {  	_ =	shalt  }
0x4f: {  	_ =	shalt  }
0x50: {  	_ =	shalt  }
0x51: {  	_ =	shalt  }
0x52: {  	_ =	shalt  }
0x53: {  	_ =	shalt  }
0x54: {  	_ =	shalt  }
0x55: {  	_ =	shalt  }
0x56: {  	_ =	shalt  }
0x57: {  	_ =	shalt  }
0x58: {  	_ =	shalt  }
0x59: {  	_ =	shalt  }
0x5a: {  	_ =	shalt  }
0x5b: {  	_ =	shalt  }
0x5c: {  	_ =	shalt  }
0x5d: {  	_ =	shalt  }
0x5e: {  	_ =	shalt  }
0x5f: {  	_ =	shalt  }
0x60: {  	_ =	shalt  }
0x61: {  	_ =	shalt  }
0x62: {  	_ =	shalt  }
0x63: {  	_ =	shalt  }
0x64: {  	_ =	shalt  }
0x65: {  	_ =	shalt  }
0x66: {  	_ =	shalt  }
0x67: {  	_ =	shalt  }
0x68: {  	_ =	shalt  }
0x69: {  	_ =	shalt  }
0x6a: {  	_ =	shalt  }
0x6b: {  	_ =	shalt  }
0x6c: {  	_ =	shalt  }
0x6d: {  	_ =	shalt  }
0x6e: {  	_ =	shalt  }
0x6f: {  	_ =	shalt  }
0x70: {  	_ =	shalt  }
0x71: {  	_ =	shalt  }
0x72: {  	_ =	shalt  }
0x73: {  	_ =	shalt  }
0x74: {  	_ =	shalt  }
0x75: {  	_ =	shalt  }
0x76: {  	_ =	shalt  }
0x77: {  	_ =	shalt  }
0x78: {  	_ =	shalt  }
0x79: {  	_ =	shalt  }
0x7a: {  	_ =	shalt  }
0x7b: {  	_ =	shalt  }
0x7c: {  	_ =	shalt  }
0x7d: {  	_ =	shalt  }
0x7e: {  	_ =	shalt  }
0x7f: {  	_ =	shalt  }
0x80: {  	_ =	shalt  }
0x81: {  	_ =	shalt  }
0x82: {  	_ =	shalt  }
0x83: {  	_ =	shalt  }
0x84: {  	_ =	shalt  }
0x85: {  	_ =	shalt  }
0x86: {  	_ =	shalt  }
0x87: {  	_ =	shalt  }
.Lfunc_end0:
.L_simem_size_0:
called_computation.7_lowered:
.L_overlay_start_0:
0x88: {  	s2 =	sld [smem:$0x3FD9]  }
0x89: {  	s3 =	sld [smem:$0x3FFE];
	_ =	sdelay $0x1  }
0x8a: {  	s1 =	srdreg.scid  }
0x8b: {  	s0 =	sand.u32 $0x1, s1  }
0x8c: {  	s16 =	sshll.u32 s0, $0xA;
	s2 =	sadd.s32 s3, s2  }
0x8d: {  	s2 =	sadd.s32 s2, s16  }
0x8e: {  	[smem:$0x3FAE] =	sst s2  }
0x8f: {  	_ = 	snop  }
0x90: {  	(tm) =	ssettm $0x1  }
0x91: {  	s17 =	sld [smem:$0x3FFB];
	_ =	sdelay $0x3  }
0x92: {  	_ =	strace s17  }
0x93: {  	s2 =	sld [smem:$0x3FFC];
	_ =	sdelay $0x3  }
0x94: {  	_ =	strace s2  }
0x95: {  	s2 =	sld [smem:$0x3FFD];
	_ =	sdelay $0x3  }
0x96: {  	_ =	strace s2  }
0x97: {  	_ =	strace $0x8FFFFFFF  }
0x98: {  	s18 =	sld [smem:$0x3FDB];
	_ =	sdelay $0x1  }
0x99: {  	s19 =	simm.s32 $_scs_section_size  }
0x9a: {  	s4 =	simm.s32 $_size__tile_overlayer_lowered;
	s5 =	simm.s32 $_tile_overlayer_lowered  }
0x9b: {  	s22 =	simm.s32 $0x1BFF;
	s21 =	sshll.u32 s5, $0x1;
	s2 =	sadd.s32 s19, s18  }
0x9c: {  	s6 =	simm.s32 $0x0;
	s20 =	sshll.u32 s4, $0x1;
	s4 =	sadd.s32 s21, s2  }
0x9d: {  	[timem:s6], [sflag:s22] =	dma.local [hbm:s4], s20  }
0x9e: {  	_ =	swait.ge [sflag:s22], s20  }
0x9f: {  	s3 =	ssub.s32 $0x0, s20;
	[sflag:s22] =	ssyncset.done $0x0  }
0xa0: {  	[sflag:s22] =	ssyncadd.s32 s3;
	_ =	sdelay $0x1  }
0xa1: {  	s23 =	simm.s32 $0x1B8B  }
0xa2: {  	_ =	swait.ge [sflag:s23], $0x1  }
0xa3: {  	[sflag:s23] =	ssyncset.done $0x0  }
0xa4: {  	s25 =	simm.s32 $0x1B8E;
	s24 =	sld [smem:$0x3FFE];
	[sflag:s23] =	ssyncadd.s32 $0xFFFFFFFF  }
0xa5: {  	s26 =	simm.s32 $execute0_lowered;
	[smem:$0x3FD2] =	sst s25  }
0xa6: {  	s4 =	sshll.u32 s26, $0x1;
	_ =	strace $0x8000005B;
	[dreg:$0x1] =	wrdreg $0xFFFFFFFF  }
0xa7: {  	s28 =	simm.s32 $_size_execute0_lowered;
	s2 =	sadd.s32 s2, s4;
	[dreg:$0x0] =	wrdreg $0x0  }
0xa8: {  	s4 =	sshll.u32 s28, $0x1;
	[dreg:$0x2] =	wrdreg s2  }
0xa9: {  	[dreg:$0x3] =	wrdreg s4  }
0xaa: {  	[dreg:$0x4] =	wrdreg $0xC0  }
0xab: {  	_ =	task [dreg:s6], $0x5FFFF  }
0xac: {  	[dreg:$0x1] =	wrdreg $0xFFFFFFFF  }
0xad: {  	[dreg:$0x0] =	wrdreg $0x60  }
0xae: {  	[dreg:$0x2] =	wrdreg s24  }
0xaf: {  	[dreg:$0x3] =	wrdreg $0x66000  }
0xb0: {  	[dreg:$0x4] =	wrdreg $0x9  }
0xb1: {  	_ =	task.clear_ibuf [dreg:s6], $0x5FFFF;
	_ =	strace $0x9000005B  }
0xb2: {  	s29 =	simm.s32 $0x9;
	_ =	strace $0x8000005D  }
0xb3: {  	_ =	swait.ge [sflag:s29], $0x1  }
0xb4: {  	[sflag:s29] =	ssyncadd.s32 $0xFFFFFFFF  }
0xb5: {  	_ =	strace $0x9000005D  }
0xb6: {  	_ =	sfence  }
0xb7: {  	s30 =	sld [smem:$0x0];
	_ =	sdelay $0x2  }
0xb8: {  	s31 =	sshll.u32 s1, $0xD;
	s1 =	sshrl.u32 s1, $0x2  }
0xb9: {  	s3 =	sand.u32 $0x4000, s31;
	s1 =	sadd.s32 s1, s30  }
0xba: {  	s0 =	sor.u32 s3, s0;
	s1 =	sshll.u32 s1, $0x11  }
0xbb: {  	s0 =	sor.u32 s1, s0  }
0xbc: {  	s0 =	sadd.s32 $0x8F2B, s0  }
0xbd: {  	[sflag:s0] =	ssyncadd.remote.s32 $0x1  }
0xbe: {  	_ =	sfence.sel $0xFFFF  }
0xbf: {  	[dreg:$0x0] =	wrdreg $0xFFFFFFFF;
	(pc) =	sbr.abs _section_cstart, $3  }
0xc0: {  	[dreg:$0x1] =	wrdreg $0xFFFFFFFF  }
0xc1: {  	_ =	task.clear_ibuf [dreg:s6], $0x2FFFF;
	_ =	strace $0x9FFFFFFF  }
0xc2: {  	(tm) =	ssettm $0x7FFFFFFF  }
0xc3: {  	_ =	shalt  }
tec
execute0_lowered:
.L_overlay_start_1:
0x0: {  	(tag) =	ssettag $0x1  }
0x1: {  	s5 =	rddreg [dreg:$0x0]  }
0x2: {  	s1 =	rddreg [dreg:$0x1]  }
0x3: {  	s0 =	rddreg [dreg:$0x2];
	s3 =	simm.s32 $0x0  }
0x4: {  	s2 =	stileid.u32;
	s7 =	srdreg.scid;
	s16 =	simm.s32 $0x1  }
0x5: {  	s17 =	simm.s32 $0x0;
	[smem:$0x7FF] =	sst s3;
	s6 =	smul.u32 $0x9C4, s2  }
0x6: {  	s4 =	sadd.s32 $0x70000, s5;
	s8 =	sadd.s32 $0xC0E00, s5;
	s9 =	smul.u32 $0x2800, s2  }
0x7: {  	s7 =	sand.u32 $0x1, s7;
	s11 =	smul.u32 $0x50000, s2;
	s13 =	sadd.s32 $0xE8E00, s5  }
0x8: {  	s15 =	sadd.s32 $0x110E00, s5;
	s31 =	sshll.u32 s2, $0x6;
	_ =	strace $0x8000005C  }
0x9: {  	s29 =	ssub.s32 $0x2, s7;
	p0 =	seq.s32 s7, $0x1;
	s10 =	sadd.s32 s6, s5  }
0xa: {  	s12 =	sadd.s32 s9, s5;
	s14 =	sshrl.u32 s29, $0x1;
	s30 =	sshrl.u32 s11, $0x2  }
0xb: {  	s6 =	sor.u32 $0x1C02, s31;
	s13 =	smov.u32 @p0 s15;
	s4 =	smov.u32 @p0 s8  }
0xc: {  	s15 =	simm.s32 $0x200;
	s14 =	ssub.s32 s29, s14;
	s11 =	sadd.s32 s30, s1  }
0xd: {  	s5 =	sadd.s32 $0x48000, s12;
	s8 =	sadd.s32 s13, s9;
	s9 =	sadd.s32 $0xC400, s10  }
0xe: {  	s10 =	sadd.s32 $0x16200, s10;
	s12 =	simm.s32 $0x2;
	s13 =	simm.s32 $0x100  }
0xf: {  	s7 =	smax.u32 s14, $0x1;
	s11 =	sshrl.u32 s11, $0x3;
	s14 =	simm.s32 $0xC8  }
.LBB2_1:
0x10: {  	[spmem:s11], [sflag:s6] =	dma.local [hbm:s5], $0x2800  }
0x11: {  	_ =	swait.ge [sflag:s12], $0x2800  }
0x12: {  	[sflag:s12] =	ssyncset.done $0x0  }
0x13: {  	[sflag:s12] =	ssyncadd.s32 $0xFFFFD800  }
0x14: {  	s18 =	sadd.s32 $0x0, s10;
	[bflag:$0x0] =	sbarrier.arrive $0xFFFF  }
0x15: {  	[tilespmem:s3], [sflag:$0x2] =	stream.linear.gather [hbm4b:s18+s3], $0xC8, $0x38;
	[tilespmem:$0x1A600] =	vst v63  }
0x16: {  	_ =	swait.ge [sflag:s12], $0xC8  }
0x17: {  	[sflag:s12] =	ssyncset.done $0x0  }
0x18: {  	s31 =	sadd.s32 $0x0, s9;
	[sflag:s12] =	ssyncadd.s32 $0xFFFFFF38  }
0x19: {  	[tilespmem:s13], [sflag:$0x2] =	stream.linear.gather [hbm4b:s31+s3], $0xC8, $0x38;
	[tilespmem:$0x1A600] =	vst v63  }
0x1a: {  	_ =	swait.ge [sflag:s12], $0xC8  }
0x1b: {  	[sflag:s12] =	ssyncset.done $0x0  }
0x1c: {  	[sflag:s12] =	ssyncadd.s32 $0xFFFFFF38  }
0x1d: {  	[tilespmem:s15], [sflag:$0x1] =	stream.indirect.gather [hbm4b:s4+s14], $0x80, s3, s14, $0xb8;
	[tilespmem:$0x1A600] =	vst v63  }
0x1e: {  	_ =	swait.ge [sflag:s16], $0x6400  }
0x1f: {  	[sflag:s16] =	ssyncset.done $0x0  }
0x20: {  	[sflag:s16] =	ssyncadd.s32 $0xFFFF9C00  }
0x21: {  	[spmem:s1] =	stream.indirect.scatter.add.f32 [tilespmem:s15], [sflag:$0x2], $0x80, s13, s14, $0xb8;
	[tilespmem:$0x1A600] =	vst v63  }
0x22: {  	_ =	swait.ge [sflag:s12], $0x6400  }
0x23: {  	s19 =	simm.s32 $0x32;
	s18 =	simm.s32 $0x19;
	[sflag:s12] =	ssyncset.done $0x0  }
.LBB2_2:
0x24: {  	s20 =	sadd.s32 s18, s10  }
0x25: {  	[sflag:s12] =	ssyncadd.s32 $0xFFFF9C00;
	s21 =	smov.u32 s19;
	s22 =	sadd.s32 $0x19, s19  }
0x26: {  	[tilespmem:s3], [sflag:$0x2] =	stream.linear.gather [hbm4b:s20+s3], $0xC8, $0x38;
	[tilespmem:$0x1A600] =	vst v63  }
0x27: {  	p0 =	sne.s32 s19, $0x9AB;
	_ =	swait.ge [sflag:s12], $0xC8  }
0x28: {  	[sflag:s12] =	ssyncset.done $0x0  }
0x29: {  	s19 =	sadd.s32 s18, s9;
	s18 =	smov.u32 s21;
	[sflag:s12] =	ssyncadd.s32 $0xFFFFFF38  }
0x2a: {  	[tilespmem:s13], [sflag:$0x2] =	stream.linear.gather [hbm4b:s19+s3], $0xC8, $0x38;
	[tilespmem:$0x1A600] =	vst v63  }
0x2b: {  	_ =	swait.ge [sflag:s12], $0xC8  }
0x2c: {  	[sflag:s12] =	ssyncset.done $0x0  }
0x2d: {  	[sflag:s12] =	ssyncadd.s32 $0xFFFFFF38  }
0x2e: {  	[tilespmem:s15], [sflag:$0x1] =	stream.indirect.gather [hbm4b:s4+s14], $0x80, s3, s14, $0xb8;
	[tilespmem:$0x1A600] =	vst v63  }
0x2f: {  	_ =	swait.ge [sflag:s16], $0x6400  }
.Ltmp0:
0x30: {  	[sflag:s16] =	ssyncset.done $0x0;
	(pc) =	sbr.rel @p0 .LBB2_2-.Ltmp0, $4  }
0x31: {  	[sflag:s16] =	ssyncadd.s32 $0xFFFF9C00  }
0x32: {  	[spmem:s1] =	stream.indirect.scatter.add.f32 [tilespmem:s15], [sflag:$0x2], $0x80, s13, s14, $0xb8;
	[tilespmem:$0x1A600] =	vst v63  }
0x33: {  	_ =	swait.ge [sflag:s12], $0x6400  }
0x34: {  	s19 =	smov.u32 s22;
	[sflag:s12] =	ssyncset.done $0x0  }
0x35: {  	s19 =	sadd.s32 s18, s10;
	[sflag:s12] =	ssyncadd.s32 $0xFFFF9C00  }
0x36: {  	[tilespmem:s3], [sflag:$0x2] =	stream.linear.gather [hbm4b:s19+s3], $0xC8, $0x38;
	[tilespmem:$0x1A600] =	vst v63  }
0x37: {  	_ =	swait.ge [sflag:s12], $0xC8  }
0x38: {  	[sflag:s12] =	ssyncset.done $0x0  }
0x39: {  	s31 =	sadd.s32 s18, s9;
	[sflag:s12] =	ssyncadd.s32 $0xFFFFFF38  }
0x3a: {  	[tilespmem:s13], [sflag:$0x2] =	stream.linear.gather [hbm4b:s31+s3], $0xC8, $0x38;
	[tilespmem:$0x1A600] =	vst v63  }
0x3b: {  	_ =	swait.ge [sflag:s12], $0xC8  }
0x3c: {  	[sflag:s12] =	ssyncset.done $0x0  }
0x3d: {  	[sflag:s12] =	ssyncadd.s32 $0xFFFFFF38  }
0x3e: {  	[tilespmem:s15], [sflag:$0x1] =	stream.indirect.gather [hbm4b:s4+s14], $0x80, s3, s14, $0xb8;
	[tilespmem:$0x1A600] =	vst v63  }
0x3f: {  	_ =	swait.ge [sflag:s16], $0x6400  }
0x40: {  	[sflag:s16] =	ssyncset.done $0x0  }
0x41: {  	[sflag:s16] =	ssyncadd.s32 $0xFFFF9C00  }
0x42: {  	[spmem:s1] =	stream.indirect.scatter.add.f32 [tilespmem:s15], [sflag:$0x2], $0x80, s13, s14, $0xb8;
	[tilespmem:$0x1A600] =	vst v63  }
0x43: {  	_ =	swait.ge [sflag:s12], $0x6400  }
0x44: {  	s17 =	sadd.s32 $0x1, s17;
	[sflag:s12] =	ssyncset.done $0x0  }
0x45: {  	p0 =	sne.s32 s17, s7;
	[sflag:s12] =	ssyncadd.s32 $0xFFFF9C00  }
.Ltmp1:
0x46: {  	[bflag:$0x0] =	sbarrier.arrive $0xFFFF;
	(pc) =	sbr.rel @p0 .LBB2_1-.Ltmp1, $4  }
0x47: {  	[hbm:s8], [sflag:s6] =	dma.local [spmem:s11], $0x2800  }
0x48: {  	_ =	swait.ge [sflag:s12], $0x2800  }
0x49: {  	[sflag:s12] =	ssyncset.done $0x0  }
0x4a: {  	[sflag:s12] =	ssyncadd.s32 $0xFFFFD800  }
0x4b: {  	_ =	sfence.sel $0x180000  }
0x4c: {  	[bflag:$0x0] =	sbarrier.arrive $0xFFFF  }
0x4d: {  	p0 =	sne.s32 s2, $0x0;
	_ =	strace $0x9000005C  }
0x4e: {  	s0 =	sadd.s32 @!p0 $0x100000, s0;
	[bflag:$0x2] =	sbarrier.arrive $0xFFFF  }
0x4f: {  	[sflag:s0] =	ssyncadd.tile.s32 @!p0 $0x1;
	_ =	shalt  }
.Lfunc_end2:
_tile_overlayer_lowered:
.L_overlay_start_2:
0x50: {  	(tag) =	ssettag $0x2  }
0x51: {  	s0 =	rddreg [dreg:$0x0];
	s2 =	stileid.u32  }
0x52: {  	s1 =	rddreg [dreg:$0x1];
	p0 =	sne.s32 s2, $0x0  }
0x53: {  	s3 =	rddreg [dreg:$0x2];
	[bflag:$0x3] =	sbarrier.arrive $0xFFFF;
	s2 =	simm.s32 @!p0 $0x1C02  }
0x54: {  	[timem:s3], [sflag:s2] =	dma.local @!p0 [hbm:s0], s1  }
0x55: {  	s0 =	simm.s32 @!p0 $0x2  }
0x56: {  	_ =	swait.ge @!p0 [sflag:s0], s1  }
0x57: {  	s1 =	ssub.s32 @!p0 $0x0, s1;
	[sflag:s0] =	ssyncset.done @!p0 $0x0  }
0x58: {  	[sflag:s0] =	ssyncadd.s32 @!p0 s1  }
0x59: {  	[bflag:$0x3] =	sbarrier.arrive $0xFFFF  }
0x5a: {  	_ =	shalt  }

// kernel: kernel.44.cloned.1.call-start
scs
__scs_entry_jumppad:
0x0: {  	(pc) =	sbr.rel $0x88, $3  }
0x1: {  	(tag) =	ssettag $0x0;
	lr =	simm.s32 $0x1  }
0x2: {  	[smem:$0x3F87] =	sst lr;
	_ =	strace $0xD0000000  }
0x3: {  	_ = 	snop  }
0x4: {  	_ = 	snop  }
0x5: {  	_ = 	snop  }
0x6: {  	_ = 	snop  }
0x7: {  	_ = 	snop  }
__scs_overlays_trampoline_lowered:
0x8: {  	[smem:$0x3F96] =	sst s0  }
0x9: {  	[smem:$0x3F97] =	sst s1  }
0xa: {  	[smem:$0x3F98] =	sst s2  }
0xb: {  	[smem:$0x3F99] =	sst s3  }
0xc: {  	[smem:$0x3F9A] =	sst s4  }
0xd: {  	[smem:$0x3F9B] =	sst s5  }
0xe: {  	[smem:$0x3F9C] =	sst s6  }
0xf: {  	[smem:$0x3F9D] =	sst s7  }
0x10: {  	[smem:$0x3F9E] =	sst s8  }
0x11: {  	[smem:$0x3F9F] =	sst s9;
	s0 =	simm.s32 @!p0 $0x0  }
0x12: {  	s1 =	sld [smem:$0x3F85];
	s0 =	simm.s32 @p0 $0x1  }
0x13: {  	[smem:$0x3FA0] =	sst s0;
	s0 =	simm.s32 @!p1 $0x0  }
0x14: {  	s2 =	sld [smem:$0x3F84];
	s0 =	simm.s32 @p1 $0x1  }
0x15: {  	[smem:$0x3FA1] =	sst s0;
	s0 =	simm.s32 @!p2 $0x0  }
0x16: {  	s3 =	sld [smem:$0x3FDB];
	s0 =	simm.s32 @p2 $0x1  }
0x17: {  	s4 =	simm.s32 $0x1BF5;
	[smem:$0x3FA3] =	sst s0  }
0x18: {  	s0 =	sld [smem:$0x3F86];
	_ =	swait.ge [sflag:s4], $0x0  }
0x19: {  	s7 =	sld [smem:$0x3F87]  }
0x1a: {  	s8 =	sadd.s32 $0xFFFFE003, lr  }
0x1b: {  	s9 =	sadd.s32 $0xFFFFFEF7, lr;
	s5 =	simm.s32 $0xFFFFFFFF;
	p2 =	slt.u32 s8, $0xFFFFF086  }
0x1c: {  	p1 =	slt.u32 s9, $0xF7A;
	s5 =	simm.s32 @!p2 $0x0  }
0x1d: {  	s5 =	simm.s32 @p1 $0x1;
	p0 =	seq.s32 s7, s2  }
0x1e: {  	s7 =	smul.u32 @!p0 $0xF7A, s2;
	p2 =	seq.s32 @!p0 s5, $0x0  }
0x1f: {  	s9 =	smul.u32 $0xF7A, s1;
	s8 =	simm.s32 @!p0 $0x1BF5;
	p2 =	por !p2, p0  }
0x20: {  	[sflag:s8] =	ssyncset.s32 @!p0 $0xFFFFF086;
	s6 =	sadd.s32 @!p0 s3, s7;
	s7 =	simm.s32 @!p0 $0x108  }
0x21: {  	s3 =	sadd.s32 s3, s9;
	s6 =	sadd.s32 @!p0 $0x88, s6;
	s7 =	simm.s32 @p2 $0x1082  }
0x22: {  	[simem:s7], [sflag:s8] =	dma.local @!p0 [hbm:s6], $0xF7A  }
0x23: {  	s9 =	sor.u32 $0xD0000000, s2;
	s6 =	simm.s32 $0x108;
	_ =	swait.ge @!p0 [sflag:s8], $0x0  }
0x24: {  	s3 =	sadd.s32 $0x88, s3;
	s6 =	simm.s32 @!p1 $0x1082;
	[sflag:s4] =	ssyncset.s32 $0xFFFFF086  }
0x25: {  	[simem:s6], [sflag:s4] =	dma.local [hbm:s3], $0xF7A  }
0x26: {  	[smem:$0x3F87] =	sst s1;
	(tag) =	ssettag s2;
	_ =	strace s9  }
0x27: {  	s1 =	sld [smem:$0x3F97]  }
0x28: {  	s2 =	sld [smem:$0x3F98]  }
0x29: {  	s4 =	sld [smem:$0x3F9A]  }
0x2a: {  	p0 =	seq.s32 s5, $0x0;
	s5 =	sld [smem:$0x3F9B]  }
0x2b: {  	s6 =	sld [smem:$0x3F9C]  }
0x2c: {  	s7 =	sld [smem:$0x3F9D]  }
0x2d: {  	s3 =	simm.s32 $0x108;
	s8 =	sld [smem:$0x3F9E]  }
0x2e: {  	s3 =	simm.s32 @!p0 $0x1082;
	s9 =	sld [smem:$0x3F9F]  }
0x2f: {  	lr =	sadd.s32 s0, s3;
	s0 =	sld [smem:$0x3F96]  }
0x30: {  	s3 =	sld [smem:$0x3F99]  }
0x31: {  	[smem:$0x3FA2] =	sst s10  }
0x32: {  	s10 =	sld [smem:$0x3FA0];
	_ =	sdelay $0x3  }
0x33: {  	p0 =	seq.s32 s10, $0x1;
	s10 =	sld [smem:$0x3FA2];
	_ =	sdelay $0x3  }
0x34: {  	[smem:$0x3FA2] =	sst s10  }
0x35: {  	s10 =	sld [smem:$0x3FA1];
	_ =	sdelay $0x3  }
0x36: {  	p1 =	seq.s32 s10, $0x1;
	s10 =	sld [smem:$0x3FA2];
	_ =	sdelay $0x3  }
0x37: {  	[smem:$0x3FA2] =	sst s10  }
0x38: {  	s10 =	sld [smem:$0x3FA3]  }
0x39: {  	_ = 	snop;
	(pc) =	sbr.ind lr, $3  }
0x3a: {  	_ = 	snop  }
0x3b: {  	_ = 	snop  }
0x3c: {  	p2 =	seq.s32 s10, $0x1;
	s10 =	sld [smem:$0x3FA2]  }
0x3d: {  	_ =	shalt  }
0x3e: {  	_ =	shalt  }
0x3f: {  	_ =	shalt  }
0x40: {  	_ =	shalt  }
0x41: {  	_ =	shalt  }
0x42: {  	_ =	shalt  }
0x43: {  	_ =	shalt  }
0x44: {  	_ =	shalt  }
0x45: {  	_ =	shalt  }
0x46: {  	_ =	shalt  }
0x47: {  	_ =	shalt  }
0x48: {  	_ =	shalt  }
0x49: {  	_ =	shalt  }
0x4a: {  	_ =	shalt  }
0x4b: {  	_ =	shalt  }
0x4c: {  	_ =	shalt  }
0x4d: {  	_ =	shalt  }
0x4e: {  	_ =	shalt  }
0x4f: {  	_ =	shalt  }
0x50: {  	_ =	shalt  }
0x51: {  	_ =	shalt  }
0x52: {  	_ =	shalt  }
0x53: {  	_ =	shalt  }
0x54: {  	_ =	shalt  }
0x55: {  	_ =	shalt  }
0x56: {  	_ =	shalt  }
0x57: {  	_ =	shalt  }
0x58: {  	_ =	shalt  }
0x59: {  	_ =	shalt  }
0x5a: {  	_ =	shalt  }
0x5b: {  	_ =	shalt  }
0x5c: {  	_ =	shalt  }
0x5d: {  	_ =	shalt  }
0x5e: {  	_ =	shalt  }
0x5f: {  	_ =	shalt  }
0x60: {  	_ =	shalt  }
0x61: {  	_ =	shalt  }
0x62: {  	_ =	shalt  }
0x63: {  	_ =	shalt  }
0x64: {  	_ =	shalt  }
0x65: {  	_ =	shalt  }
0x66: {  	_ =	shalt  }
0x67: {  	_ =	shalt  }
0x68: {  	_ =	shalt  }
0x69: {  	_ =	shalt  }
0x6a: {  	_ =	shalt  }
0x6b: {  	_ =	shalt  }
0x6c: {  	_ =	shalt  }
0x6d: {  	_ =	shalt  }
0x6e: {  	_ =	shalt  }
0x6f: {  	_ =	shalt  }
0x70: {  	_ =	shalt  }
0x71: {  	_ =	shalt  }
0x72: {  	_ =	shalt  }
0x73: {  	_ =	shalt  }
0x74: {  	_ =	shalt  }
0x75: {  	_ =	shalt  }
0x76: {  	_ =	shalt  }
0x77: {  	_ =	shalt  }
0x78: {  	_ =	shalt  }
0x79: {  	_ =	shalt  }
0x7a: {  	_ =	shalt  }
0x7b: {  	_ =	shalt  }
0x7c: {  	_ =	shalt  }
0x7d: {  	_ =	shalt  }
0x7e: {  	_ =	shalt  }
0x7f: {  	_ =	shalt  }
0x80: {  	_ =	shalt  }
0x81: {  	_ =	shalt  }
0x82: {  	_ =	shalt  }
0x83: {  	_ =	shalt  }
0x84: {  	_ =	shalt  }
0x85: {  	_ =	shalt  }
0x86: {  	_ =	shalt  }
0x87: {  	_ =	shalt  }
.Lfunc_end0:
.L_simem_size_0:
called_computation.8_lowered:
.L_overlay_start_0:
0x88: {  	s2 =	sld [smem:$0x3FD9]  }
0x89: {  	s3 =	sld [smem:$0x3FFE];
	_ =	sdelay $0x1  }
0x8a: {  	s1 =	srdreg.scid  }
0x8b: {  	s0 =	sand.u32 $0x1, s1  }
0x8c: {  	s16 =	sshll.u32 s0, $0xA;
	s2 =	sadd.s32 s3, s2  }
0x8d: {  	s2 =	sadd.s32 s2, s16  }
0x8e: {  	[smem:$0x3FAE] =	sst s2  }
0x8f: {  	_ = 	snop  }
0x90: {  	(tm) =	ssettm $0x1  }
0x91: {  	s17 =	sld [smem:$0x3FFB];
	_ =	sdelay $0x3  }
0x92: {  	_ =	strace s17  }
0x93: {  	s2 =	sld [smem:$0x3FFC];
	_ =	sdelay $0x3  }
0x94: {  	_ =	strace s2  }
0x95: {  	s2 =	sld [smem:$0x3FFD];
	_ =	sdelay $0x3  }
0x96: {  	_ =	strace s2  }
0x97: {  	_ =	strace $0x8FFFFFFF  }
0x98: {  	s18 =	sld [smem:$0x3FDB];
	_ =	sdelay $0x1  }
0x99: {  	s19 =	simm.s32 $_scs_section_size  }
0x9a: {  	s4 =	simm.s32 $_size__tile_overlayer_lowered;
	s5 =	simm.s32 $_tile_overlayer_lowered  }
0x9b: {  	s22 =	simm.s32 $0x1BFF;
	s21 =	sshll.u32 s5, $0x1;
	s2 =	sadd.s32 s19, s18  }
0x9c: {  	s6 =	simm.s32 $0x0;
	s20 =	sshll.u32 s4, $0x1;
	s4 =	sadd.s32 s21, s2  }
0x9d: {  	[timem:s6], [sflag:s22] =	dma.local [hbm:s4], s20  }
0x9e: {  	_ =	swait.ge [sflag:s22], s20  }
0x9f: {  	s3 =	ssub.s32 $0x0, s20;
	[sflag:s22] =	ssyncset.done $0x0  }
0xa0: {  	[sflag:s22] =	ssyncadd.s32 s3;
	_ =	sdelay $0x1  }
0xa1: {  	s23 =	simm.s32 $0x1B8B  }
0xa2: {  	_ =	swait.ge [sflag:s23], $0x1  }
0xa3: {  	[sflag:s23] =	ssyncset.done $0x0  }
0xa4: {  	s25 =	simm.s32 $0x1B8E;
	s24 =	sld [smem:$0x3FFE];
	[sflag:s23] =	ssyncadd.s32 $0xFFFFFFFF  }
0xa5: {  	s26 =	simm.s32 $execute0_lowered;
	[smem:$0x3FD2] =	sst s25  }
0xa6: {  	s4 =	sshll.u32 s26, $0x1;
	_ =	strace $0x8000005E;
	[dreg:$0x1] =	wrdreg $0xFFFFFFFF  }
0xa7: {  	s28 =	simm.s32 $_size_execute0_lowered;
	s2 =	sadd.s32 s2, s4;
	[dreg:$0x0] =	wrdreg $0x0  }
0xa8: {  	s4 =	sshll.u32 s28, $0x1;
	[dreg:$0x2] =	wrdreg s2  }
0xa9: {  	[dreg:$0x3] =	wrdreg s4  }
0xaa: {  	[dreg:$0x4] =	wrdreg $0xC0  }
0xab: {  	_ =	task [dreg:s6], $0x5FFFF  }
0xac: {  	[dreg:$0x1] =	wrdreg $0xFFFFFFFF  }
0xad: {  	[dreg:$0x0] =	wrdreg $0x60  }
0xae: {  	[dreg:$0x2] =	wrdreg s24  }
0xaf: {  	[dreg:$0x3] =	wrdreg $0x66000  }
0xb0: {  	[dreg:$0x4] =	wrdreg $0x9  }
0xb1: {  	_ =	task.clear_ibuf [dreg:s6], $0x5FFFF;
	_ =	strace $0x9000005E  }
0xb2: {  	s29 =	simm.s32 $0x9;
	_ =	strace $0x80000060  }
0xb3: {  	_ =	swait.ge [sflag:s29], $0x1  }
0xb4: {  	[sflag:s29] =	ssyncadd.s32 $0xFFFFFFFF  }
0xb5: {  	_ =	strace $0x90000060  }
0xb6: {  	_ =	sfence  }
0xb7: {  	s30 =	sld [smem:$0x0];
	_ =	sdelay $0x2  }
0xb8: {  	s31 =	sshll.u32 s1, $0xD;
	s1 =	sshrl.u32 s1, $0x2  }
0xb9: {  	s3 =	sand.u32 $0x4000, s31;
	s1 =	sadd.s32 s1, s30  }
0xba: {  	s0 =	sor.u32 s3, s0;
	s1 =	sshll.u32 s1, $0x11  }
0xbb: {  	s0 =	sor.u32 s1, s0  }
0xbc: {  	s0 =	sadd.s32 $0x8F2B, s0  }
0xbd: {  	[sflag:s0] =	ssyncadd.remote.s32 $0x1  }
0xbe: {  	_ =	sfence.sel $0xFFFF  }
0xbf: {  	[dreg:$0x0] =	wrdreg $0xFFFFFFFF;
	(pc) =	sbr.abs _section_cstart, $3  }
0xc0: {  	[dreg:$0x1] =	wrdreg $0xFFFFFFFF  }
0xc1: {  	_ =	task.clear_ibuf [dreg:s6], $0x2FFFF;
	_ =	strace $0x9FFFFFFF  }
0xc2: {  	(tm) =	ssettm $0x7FFFFFFF  }
0xc3: {  	_ =	shalt  }
tec
execute0_lowered:
.L_overlay_start_1:
0x0: {  	(tag) =	ssettag $0x1  }
0x1: {  	s5 =	rddreg [dreg:$0x0]  }
0x2: {  	s1 =	rddreg [dreg:$0x1]  }
0x3: {  	s0 =	rddreg [dreg:$0x2];
	s3 =	simm.s32 $0x0  }
0x4: {  	s2 =	stileid.u32;
	s7 =	srdreg.scid;
	s16 =	simm.s32 $0x1  }
0x5: {  	s17 =	simm.s32 $0x0;
	[smem:$0x7FF] =	sst s3;
	s6 =	smul.u32 $0x9C4, s2  }
0x6: {  	s4 =	sadd.s32 $0xE8E00, s5;
	s8 =	sadd.s32 $0x110E00, s5;
	s9 =	smul.u32 $0x2800, s2  }
0x7: {  	s7 =	sand.u32 $0x1, s7;
	s11 =	smul.u32 $0x50000, s2;
	s13 =	sadd.s32 $0x138E00, s5  }
0x8: {  	s15 =	sadd.s32 $0x160E00, s5;
	s31 =	sshll.u32 s2, $0x6;
	_ =	strace $0x8000005F  }
0x9: {  	s29 =	ssub.s32 $0x2, s7;
	p0 =	seq.s32 s7, $0x1;
	s10 =	sadd.s32 s6, s5  }
0xa: {  	s12 =	sadd.s32 s9, s5;
	s14 =	sshrl.u32 s29, $0x1;
	s30 =	sshrl.u32 s11, $0x2  }
0xb: {  	s6 =	sor.u32 $0x1C02, s31;
	s13 =	smov.u32 @p0 s15;
	s4 =	smov.u32 @p0 s8  }
0xc: {  	s15 =	simm.s32 $0x200;
	s14 =	ssub.s32 s29, s14;
	s11 =	sadd.s32 s30, s1  }
0xd: {  	s5 =	sadd.s32 $0x48000, s12;
	s8 =	sadd.s32 s13, s9;
	s9 =	sadd.s32 $0xC400, s10  }
0xe: {  	s10 =	sadd.s32 $0x16200, s10;
	s12 =	simm.s32 $0x2;
	s13 =	simm.s32 $0x100  }
0xf: {  	s7 =	smax.u32 s14, $0x1;
	s11 =	sshrl.u32 s11, $0x3;
	s14 =	simm.s32 $0xC8  }
.LBB2_1:
0x10: {  	[spmem:s11], [sflag:s6] =	dma.local [hbm:s5], $0x2800  }
0x11: {  	_ =	swait.ge [sflag:s12], $0x2800  }
0x12: {  	[sflag:s12] =	ssyncset.done $0x0  }
0x13: {  	[sflag:s12] =	ssyncadd.s32 $0xFFFFD800  }
0x14: {  	s18 =	sadd.s32 $0x0, s10;
	[bflag:$0x0] =	sbarrier.arrive $0xFFFF  }
0x15: {  	[tilespmem:s3], [sflag:$0x2] =	stream.linear.gather [hbm4b:s18+s3], $0xC8, $0x38;
	[tilespmem:$0x1A600] =	vst v63  }
0x16: {  	_ =	swait.ge [sflag:s12], $0xC8  }
0x17: {  	[sflag:s12] =	ssyncset.done $0x0  }
0x18: {  	s31 =	sadd.s32 $0x0, s9;
	[sflag:s12] =	ssyncadd.s32 $0xFFFFFF38  }
0x19: {  	[tilespmem:s13], [sflag:$0x2] =	stream.linear.gather [hbm4b:s31+s3], $0xC8, $0x38;
	[tilespmem:$0x1A600] =	vst v63  }
0x1a: {  	_ =	swait.ge [sflag:s12], $0xC8  }
0x1b: {  	[sflag:s12] =	ssyncset.done $0x0  }
0x1c: {  	[sflag:s12] =	ssyncadd.s32 $0xFFFFFF38  }
0x1d: {  	[tilespmem:s15], [sflag:$0x1] =	stream.indirect.gather [hbm4b:s4+s14], $0x80, s3, s14, $0xb8;
	[tilespmem:$0x1A600] =	vst v63  }
0x1e: {  	_ =	swait.ge [sflag:s16], $0x6400  }
0x1f: {  	[sflag:s16] =	ssyncset.done $0x0  }
0x20: {  	[sflag:s16] =	ssyncadd.s32 $0xFFFF9C00  }
0x21: {  	[spmem:s1] =	stream.indirect.scatter.add.f32 [tilespmem:s15], [sflag:$0x2], $0x80, s13, s14, $0xb8;
	[tilespmem:$0x1A600] =	vst v63  }
0x22: {  	_ =	swait.ge [sflag:s12], $0x6400  }
0x23: {  	s19 =	simm.s32 $0x32;
	s18 =	simm.s32 $0x19;
	[sflag:s12] =	ssyncset.done $0x0  }
.LBB2_2:
0x24: {  	s20 =	sadd.s32 s18, s10  }
0x25: {  	[sflag:s12] =	ssyncadd.s32 $0xFFFF9C00;
	s21 =	smov.u32 s19;
	s22 =	sadd.s32 $0x19, s19  }
0x26: {  	[tilespmem:s3], [sflag:$0x2] =	stream.linear.gather [hbm4b:s20+s3], $0xC8, $0x38;
	[tilespmem:$0x1A600] =	vst v63  }
0x27: {  	p0 =	sne.s32 s19, $0x9AB;
	_ =	swait.ge [sflag:s12], $0xC8  }
0x28: {  	[sflag:s12] =	ssyncset.done $0x0  }
0x29: {  	s19 =	sadd.s32 s18, s9;
	s18 =	smov.u32 s21;
	[sflag:s12] =	ssyncadd.s32 $0xFFFFFF38  }
0x2a: {  	[tilespmem:s13], [sflag:$0x2] =	stream.linear.gather [hbm4b:s19+s3], $0xC8, $0x38;
	[tilespmem:$0x1A600] =	vst v63  }
0x2b: {  	_ =	swait.ge [sflag:s12], $0xC8  }
0x2c: {  	[sflag:s12] =	ssyncset.done $0x0  }
0x2d: {  	[sflag:s12] =	ssyncadd.s32 $0xFFFFFF38  }
0x2e: {  	[tilespmem:s15], [sflag:$0x1] =	stream.indirect.gather [hbm4b:s4+s14], $0x80, s3, s14, $0xb8;
	[tilespmem:$0x1A600] =	vst v63  }
0x2f: {  	_ =	swait.ge [sflag:s16], $0x6400  }
.Ltmp0:
0x30: {  	[sflag:s16] =	ssyncset.done $0x0;
	(pc) =	sbr.rel @p0 .LBB2_2-.Ltmp0, $4  }
0x31: {  	[sflag:s16] =	ssyncadd.s32 $0xFFFF9C00  }
0x32: {  	[spmem:s1] =	stream.indirect.scatter.add.f32 [tilespmem:s15], [sflag:$0x2], $0x80, s13, s14, $0xb8;
	[tilespmem:$0x1A600] =	vst v63  }
0x33: {  	_ =	swait.ge [sflag:s12], $0x6400  }
0x34: {  	s19 =	smov.u32 s22;
	[sflag:s12] =	ssyncset.done $0x0  }
0x35: {  	s19 =	sadd.s32 s18, s10;
	[sflag:s12] =	ssyncadd.s32 $0xFFFF9C00  }
0x36: {  	[tilespmem:s3], [sflag:$0x2] =	stream.linear.gather [hbm4b:s19+s3], $0xC8, $0x38;
	[tilespmem:$0x1A600] =	vst v63  }
0x37: {  	_ =	swait.ge [sflag:s12], $0xC8  }
0x38: {  	[sflag:s12] =	ssyncset.done $0x0  }
0x39: {  	s31 =	sadd.s32 s18, s9;
	[sflag:s12] =	ssyncadd.s32 $0xFFFFFF38  }
0x3a: {  	[tilespmem:s13], [sflag:$0x2] =	stream.linear.gather [hbm4b:s31+s3], $0xC8, $0x38;
	[tilespmem:$0x1A600] =	vst v63  }
0x3b: {  	_ =	swait.ge [sflag:s12], $0xC8  }
0x3c: {  	[sflag:s12] =	ssyncset.done $0x0  }
0x3d: {  	[sflag:s12] =	ssyncadd.s32 $0xFFFFFF38  }
0x3e: {  	[tilespmem:s15], [sflag:$0x1] =	stream.indirect.gather [hbm4b:s4+s14], $0x80, s3, s14, $0xb8;
	[tilespmem:$0x1A600] =	vst v63  }
0x3f: {  	_ =	swait.ge [sflag:s16], $0x6400  }
0x40: {  	[sflag:s16] =	ssyncset.done $0x0  }
0x41: {  	[sflag:s16] =	ssyncadd.s32 $0xFFFF9C00  }
0x42: {  	[spmem:s1] =	stream.indirect.scatter.add.f32 [tilespmem:s15], [sflag:$0x2], $0x80, s13, s14, $0xb8;
	[tilespmem:$0x1A600] =	vst v63  }
0x43: {  	_ =	swait.ge [sflag:s12], $0x6400  }
0x44: {  	s17 =	sadd.s32 $0x1, s17;
	[sflag:s12] =	ssyncset.done $0x0  }
0x45: {  	p0 =	sne.s32 s17, s7;
	[sflag:s12] =	ssyncadd.s32 $0xFFFF9C00  }
.Ltmp1:
0x46: {  	[bflag:$0x0] =	sbarrier.arrive $0xFFFF;
	(pc) =	sbr.rel @p0 .LBB2_1-.Ltmp1, $4  }
0x47: {  	[hbm:s8], [sflag:s6] =	dma.local [spmem:s11], $0x2800  }
0x48: {  	_ =	swait.ge [sflag:s12], $0x2800  }
0x49: {  	[sflag:s12] =	ssyncset.done $0x0  }
0x4a: {  	[sflag:s12] =	ssyncadd.s32 $0xFFFFD800  }
0x4b: {  	_ =	sfence.sel $0x180000  }
0x4c: {  	[bflag:$0x0] =	sbarrier.arrive $0xFFFF  }
0x4d: {  	p0 =	sne.s32 s2, $0x0;
	_ =	strace $0x9000005F  }
0x4e: {  	s0 =	sadd.s32 @!p0 $0x100000, s0;
	[bflag:$0x2] =	sbarrier.arrive $0xFFFF  }
0x4f: {  	[sflag:s0] =	ssyncadd.tile.s32 @!p0 $0x1;
	_ =	shalt  }
.Lfunc_end2:
_tile_overlayer_lowered:
.L_overlay_start_2:
0x50: {  	(tag) =	ssettag $0x2  }
0x51: {  	s0 =	rddreg [dreg:$0x0];
	s2 =	stileid.u32  }
0x52: {  	s1 =	rddreg [dreg:$0x1];
	p0 =	sne.s32 s2, $0x0  }
0x53: {  	s3 =	rddreg [dreg:$0x2];
	[bflag:$0x3] =	sbarrier.arrive $0xFFFF;
	s2 =	simm.s32 @!p0 $0x1C02  }
0x54: {  	[timem:s3], [sflag:s2] =	dma.local @!p0 [hbm:s0], s1  }
0x55: {  	s0 =	simm.s32 @!p0 $0x2  }
0x56: {  	_ =	swait.ge @!p0 [sflag:s0], s1  }
0x57: {  	s1 =	ssub.s32 @!p0 $0x0, s1;
	[sflag:s0] =	ssyncset.done @!p0 $0x0  }
0x58: {  	[sflag:s0] =	ssyncadd.s32 @!p0 s1  }
0x59: {  	[bflag:$0x3] =	sbarrier.arrive $0xFFFF  }
0x5a: {  	_ =	shalt  }

</sc_bundles>
